<compile_context>
chip_gen: v7x
topology: tpu7x:2x2x1
jax: 0.10.2.dev20260603
libtpu: 0.0.44.dev20260713+nightly
codegen_flags: <defaults>
</compile_context>

<pallas_src>
import functools

import jax
import jax.numpy as jnp
from jax import lax
from jax.experimental import pallas as pl
from jax.experimental.pallas import tpu as pltpu
from jax.experimental.pallas import tpu_sc as plsc

NC = 2
NS = 16
NW = NC * NS
L = 16

B = 8
M = 1024 * 1024
T = 512
F = 2

K = 8192
N = 1024
PER_W = M // NW
CH = 8192
CROWS = CH // N
NCHUNK = PER_W // CH
U = 4
BINS_PAD = T + L
HIST_LEN = 1056
NB_LUT = 8


def _sc_histogram(inp_flat, bins, w_flat):
    mesh = plsc.VectorSubcoreMesh(
        core_axis_name="c", subcore_axis_name="s", num_cores=NC,
        num_subcores=NS)

    @functools.partial(
        pl.kernel,
        out_type=[
            jax.ShapeDtypeStruct((NW, B, HIST_LEN), jnp.float32),
            jax.ShapeDtypeStruct((NW, B, 2 * L), jnp.float32),
        ],
        mesh=mesh,
        compiler_params=pltpu.CompilerParams(needs_layout_passes=False),
        scratch_types=[
            pltpu.VMEM((CROWS, N), jnp.float32),
            pltpu.VMEM((CROWS, N), jnp.float32),
            pltpu.VMEM((CROWS, N * F), jnp.float32),
            pltpu.VMEM((CROWS, N * F), jnp.float32),
            pltpu.VMEM((BINS_PAD,), jnp.float32),
            pltpu.VMEM((K,), jnp.float32),
            pltpu.VMEM((K,), jnp.int32),
            pltpu.VMEM((HIST_LEN,), jnp.float32),
            pltpu.VMEM((2 * L,), jnp.float32),
            pltpu.VMEM_SHARED((B, K), jnp.int32),
            pltpu.SemaphoreType.DMA,
            pltpu.SemaphoreType.DMA,
            pltpu.SemaphoreType.DMA,
            pltpu.SemaphoreType.DMA,
        ],
    )
    def k(inp4_hbm, bins_hbm, w4_hbm, out_hist, out_min,
          vbuf0, vbuf1, wbuf0, wbuf1, binspad, bcnt, bcum, hist, minbuf,
          lut_shared, sv0, sv1, sw0, sw1):
        cid = lax.axis_index("c")
        sid = lax.axis_index("s")
        wid = sid * NC + cid
        wbase = wid * PER_W
        lanes = lax.iota(jnp.int32, L)
        zf16 = jnp.zeros((L,), jnp.float32)
        ones_f = jnp.ones((L,), jnp.float32)
        one_i = jnp.ones((L,), jnp.int32)
        zero_i = jnp.zeros((L,), jnp.int32)
        vbufs = (vbuf0, vbuf1)
        wbufs = (wbuf0, wbuf1)
        svs = (sv0, sv1)
        sws = (sw0, sw1)

        @pl.when(sid < NB_LUT)
        def _build():
            def zero_lut(i, _):
                bcnt[pl.ds(i * L, L)] = zf16
                return 0
            lax.fori_loop(0, K // L, zero_lut, 0)

            pltpu.sync_copy(bins_hbm.at[sid], binspad.at[pl.ds(0, T)])
            binspad[pl.ds(T, L)] = jnp.full((L,), 2.0, jnp.float32)

            def bin_cells(i, _):
                bv = binspad[pl.ds(i * L, L)]
                cb = jnp.minimum((bv * K).astype(jnp.int32), K - 1)
                plsc.addupdate_scatter(bcnt, [cb], ones_f)
                return 0
            lax.fori_loop(0, T // L, bin_cells, 0)

            def prefix(i, tot):
                vec = bcnt[pl.ds(i * L, L)]
                cs = jnp.cumsum(vec)
                excl = (cs - vec + tot).astype(jnp.int32)
                flag = jnp.where(vec >= 2.0, one_i, zero_i)
                bcum[pl.ds(i * L, L)] = excl * 2 + flag
                return tot + jnp.sum(vec)
            lax.fori_loop(0, K // L, prefix, jnp.float32(0))

            pltpu.sync_copy(bcum, lut_shared.at[sid])
        plsc.subcore_barrier()

        def batch_body(b, _):
            pltpu.sync_copy(lut_shared.at[b], bcum)
            pltpu.sync_copy(bins_hbm.at[b], binspad.at[pl.ds(0, T)])
            binspad[pl.ds(T, L)] = jnp.full((L,), 2.0, jnp.float32)

            def zero_hist(i, _):
                hist[pl.ds(i * L, L)] = zf16
                return 0
            lax.fori_loop(0, HIST_LEN // L, zero_hist, 0)

            wrow = wid * (PER_W // N)

            def start(s):
                slot = s % 2
                r0 = wrow + s * CROWS
                hv = pltpu.async_copy(
                    inp4_hbm.at[b, pl.ds(r0, CROWS)], vbufs[slot], svs[slot])
                hw = pltpu.async_copy(
                    w4_hbm.at[pl.ds(b * N + r0, CROWS)], wbufs[slot],
                    sws[slot])
                return hv, hw

            minvs = [jnp.full((L,), 2.0, jnp.float32) for _ in range(U)]
            idxvs = [jnp.zeros((L,), jnp.float32) for _ in range(U)]
            pend = start(0)
            for s in range(NCHUNK):
                slot = s % 2
                nxt = start(s + 1) if s + 1 < NCHUNK else None
                pend[0].wait()
                pend[1].wait()
                pend = nxt
                vb = vbufs[slot]
                wb = wbufs[slot]
                cbase = ((wrow + s * CROWS) * N).astype(jnp.float32)

                def body(kk, carry):
                    mvs = list(carry[:U])
                    ivs = list(carry[U:])
                    r = kk // (N // (L * U))
                    c0 = (kk % (N // (L * U))) * (L * U)
                    rvec = jnp.full((L,), 0, jnp.int32) + r
                    vs, ts = [], []
                    flags = None
                    for u in range(U):
                        v = vb[r, pl.ds(c0 + u * L, L)]
                        c = jnp.minimum((v * K).astype(jnp.int32), K - 1)
                        raw = plsc.load_gather(bcum, [c])
                        t = lax.shift_right_logical(raw, 1)
                        fl = lax.bitwise_and(raw, one_i)
                        g = plsc.load_gather(binspad, [t])
                        t = t + jnp.where(g <= v, one_i, zero_i)
                        vs.append(v)
                        ts.append(t)
                        flags = fl if flags is None else flags | fl
                    need_more = jnp.any(flags > 0)

                    def slow(tts):
                        def wcond(tts):
                            m = None
                            for u in range(U):
                                mu = (plsc.load_gather(binspad, [tts[u]])
                                      <= vs[u])
                                m = mu if m is None else m | mu
                            return jnp.any(m)

                        def wbody(tts):
                            return tuple(
                                tts[u] + jnp.where(
                                    plsc.load_gather(binspad, [tts[u]])
                                    <= vs[u], one_i, zero_i)
                                for u in range(U))
                        return lax.while_loop(wcond, wbody, tts)

                    ts = list(lax.cond(
                        need_more, slow, lambda tts: tts, tuple(ts)))

                    for u in range(U):
                        cvec = c0 + u * L + lanes
                        li = r * N + cvec
                        cw = cvec * F
                        wf0 = plsc.load_gather(wb, [rvec, cw])
                        wf1 = plsc.load_gather(wb, [rvec, cw + 1])
                        t2 = ts[u] * 2
                        plsc.addupdate_scatter(hist, [t2], wf0)
                        plsc.addupdate_scatter(hist, [t2 + 1], wf1)
                        m = vs[u] < mvs[u]
                        gidx = cbase + li.astype(jnp.float32)
                        mvs[u] = jnp.where(m, vs[u], mvs[u])
                        ivs[u] = jnp.where(m, gidx, ivs[u])
                    return tuple(mvs) + tuple(ivs)

                carry = plsc.parallel_loop(
                    0, CH // (L * U), 1, unroll=4,
                    carry=tuple(minvs) + tuple(idxvs))(body)
                minvs = list(carry[:U])
                idxvs = list(carry[U:])

            minv, idxv = minvs[0], idxvs[0]
            for u in range(1, U):
                better = (minvs[u] < minv) | (
                    (minvs[u] == minv) & (idxvs[u] < idxv))
                minv = jnp.where(better, minvs[u], minv)
                idxv = jnp.where(better, idxvs[u], idxv)

            minbuf[pl.ds(0, L)] = minv
            minbuf[pl.ds(L, L)] = idxv
            pltpu.sync_copy(hist, out_hist.at[wid, b])
            pltpu.sync_copy(minbuf, out_min.at[wid, b])
            return 0

        lax.fori_loop(0, B, batch_body, 0)

    return k(inp_flat, bins, w_flat)


def kernel(input, bins, weights):
    hist_parts, min_parts = _sc_histogram(
        input, bins, weights.reshape(B * N, N * F))

    hist = hist_parts.reshape(NW, B, HIST_LEN // F, F).sum(axis=0)
    hist = hist[:, : T + 1, :]

    vals = min_parts[:, :, :L]
    idxs = min_parts[:, :, L:]
    minval = vals.min(axis=(0, 2))
    cand = jnp.where(vals == minval[None, :, None], idxs, jnp.inf)
    minidx = cand.min(axis=(0, 2)).astype(jnp.int32)
    barange = jnp.arange(B)
    wmin = weights[barange, minidx // 1024, minidx % 1024, :]
    bkt_min = jax.vmap(
        lambda bb, mv: jnp.searchsorted(bb, mv, side="right"))(bins, minval)

    hist = hist.at[barange, bkt_min, :].add(-wmin)
    hist = hist.at[:, 0, :].add(wmin)
    return hist[:, :T, :]

# --- scband reference (transcript-rebuilt; emitter-appended) ---
"""Pipeline reference for scband-generate-tfmodule-55284819034743 (READ-ONLY COPY).

The authoritative reference and input builder live on the scoring server;
editing this copy changes nothing except your own understanding.
"""

import jax, jax.numpy as jnp
import numpy as np


def setup_inputs(seed: int = 0) -> dict:
    key = jax.random.key(seed)
    k1, k2, k3 = jax.random.split(key, 3)
    B, N, T, F = 8, 1024, 512, 2
    inp = jax.random.uniform(k1, (B, N, N), dtype=jnp.float32)
    # bins must be monotonically increasing per batch for histogram semantics
    bins = jnp.sort(jax.random.uniform(k2, (B, T), dtype=jnp.float32), axis=-1)
    weights = jax.random.uniform(k3, (B, N, N, F), dtype=jnp.float32)
    return {"input": inp, "bins": bins, "weights": weights}


def reference(input, bins, weights):
    # Faithful JAX translation of batch_histogram(input, bins, weights)
    # input:   [B, N, N] float
    # bins:    [B, T] float (increasing)
    # weights: [B, N, N, F] float
    B, N, _ = input.shape
    T = bins.shape[1]
    F = weights.shape[-1]
    input_flat = input.reshape(B, -1)                      # [B, N*N]
    sorted_idx = jnp.argsort(input_flat, axis=-1)          # [B, N*N]
    sorted_vals = jnp.take_along_axis(input_flat, sorted_idx, axis=-1)
    # torch.searchsorted(sorted_vals, bins, right=False) -> side='left', batched
    counts = jax.vmap(lambda sv, b: jnp.searchsorted(sv, b, side='left'))(sorted_vals, bins)  # [B, T]
    weights_flat = weights.reshape(B, N * N, F)
    sorted_w = jnp.take_along_axis(weights_flat, sorted_idx[:, :, None], axis=1)  # [B, N*N, F]
    cumsum_w = jnp.cumsum(sorted_w, axis=1)
    idx = jnp.broadcast_to(jnp.clip(counts - 1, 0, None)[:, :, None], (B, T, F))
    bin_cumsum = jnp.take_along_axis(cumsum_w, idx, axis=1)                       # [B, T, F]
    padded = jnp.concatenate([jnp.zeros((B, 1, F), dtype=input.dtype), bin_cumsum], axis=1)
    weighted_hist = jnp.diff(padded, axis=1)               # [B, T, F]
    return weighted_hist


if False:  # reference __main__ guard neutralized (emitter)
    out = reference(**setup_inputs())
    print(out.shape)

if __name__ == "__main__":
    import jax
    _d = setup_inputs()
    print(jax.jit(kernel)(*tuple(_d.values())))

</pallas_src>

<mosaic_0001>
#map = affine_map<(d0, d1) -> (0, 0, 0)>
#map1 = affine_map<(d0, d1) -> (0, 0)>
module attributes {stable_mosaic.version = 14 : i64} {
  func.func @k(%arg0: i32, %arg1: i32, %arg2: memref<8x1024x1024xf32, #tpu.memory_space<hbm>>, %arg3: memref<8x512xf32, #tpu.memory_space<hbm>>, %arg4: memref<8192x2048xf32, #tpu.memory_space<hbm>>, %arg5: memref<32x8x1056xf32, #tpu.memory_space<hbm>>, %arg6: memref<32x8x32xf32, #tpu.memory_space<hbm>>, %arg7: memref<8x1024xf32, #tpu.memory_space<vmem>>, %arg8: memref<8x1024xf32, #tpu.memory_space<vmem>>, %arg9: memref<8x2048xf32, #tpu.memory_space<vmem>>, %arg10: memref<8x2048xf32, #tpu.memory_space<vmem>>, %arg11: memref<528xf32, #tpu.memory_space<vmem>>, %arg12: memref<8192xf32, #tpu.memory_space<vmem>>, %arg13: memref<8192xi32, #tpu.memory_space<vmem>>, %arg14: memref<1056xf32, #tpu.memory_space<vmem>>, %arg15: memref<32xf32, #tpu.memory_space<vmem>>, %arg16: memref<8x8192xi32, #tpu.memory_space<vmem_shared>>, %arg17: memref<!tpu.dma_semaphore, #tpu.memory_space<semaphore_mem>>, %arg18: memref<!tpu.dma_semaphore, #tpu.memory_space<semaphore_mem>>, %arg19: memref<!tpu.dma_semaphore, #tpu.memory_space<semaphore_mem>>, %arg20: memref<!tpu.dma_semaphore, #tpu.memory_space<semaphore_mem>>) attributes {dimension_semantics = [#tpu.dimension_semantics<core_parallel>, #tpu.dimension_semantics<subcore_parallel>], iteration_bounds = array<i64: 2, 16>, scalar_prefetch = 0 : i64, scratch_operands = 14 : i64, tpu.core_type = #tpu.core_type<sc_vector_subcore>, window_params = [{transform_indices = #map}, {transform_indices = #map1}, {transform_indices = #map1}, {transform_indices = #map}, {transform_indices = #map}]} {
    %mul3A = arith.constant 2 : i32
    %mul3A_0 = arith.muli %arg1, %mul3A : i32
    %add3A = arith.addi %mul3A_0, %arg0 : i32
    %mul3A_1 = arith.constant 32768 : i32
    %mul3A_2 = arith.muli %add3A, %mul3A_1 : i32
    %iota3A = tpu.iota {dimensions = array<i32: 0>} : vector<16xi32>
    %broadcast_in_dim3A = arith.constant 0.000000e+00 : f32
    %broadcast_in_dim3A_3 = vector.broadcast %broadcast_in_dim3A : f32 to vector<16xf32>
    %broadcast_in_dim3A_4 = arith.constant 1.000000e+00 : f32
    %broadcast_in_dim3A_5 = vector.broadcast %broadcast_in_dim3A_4 : f32 to vector<16xf32>
    %broadcast_in_dim3A_6 = arith.constant 1 : i32
    %broadcast_in_dim3A_7 = vector.broadcast %broadcast_in_dim3A_6 : i32 to vector<16xi32>
    %broadcast_in_dim3A_8 = arith.constant 0 : i32
    %broadcast_in_dim3A_9 = vector.broadcast %broadcast_in_dim3A_8 : i32 to vector<16xi32>
    %lt3A = arith.constant 8 : i32
    %lt3A_10 = arith.cmpi slt, %arg1, %lt3A : i32
    %convert_element_type3A = arith.extui %lt3A_10 : i1 to i32
    %cond3A = arith.constant 0 : i32
    %cond3A_11 = arith.cmpi ne, %convert_element_type3A, %cond3A : i32
    scf.if %cond3A_11 {
      %scan3A_18 = arith.constant 0 : i32
      %scan3A_19 = arith.constant 0 : i32
      %scan3A_20 = arith.constant 512 : i32
      %scan3A_21 = arith.addi %scan3A_19, %scan3A_20 : i32
      %scan3A_22 = arith.constant 1 : i32
      %scan3A_23 = scf.for %scan3A_42 = %scan3A_19 to %scan3A_21 step %scan3A_22 iter_args(%scan3A_43 = %scan3A_18) -> (i32)  : i32 {
        %mul3A_44 = arith.constant 16 : i32
        %mul3A_45 = arith.muli %scan3A_42, %mul3A_44 : i32
        %swap3A_46 = arith.index_cast %mul3A_45 : i32 to index
        %swap3A_47 = tpu.vector_load %arg12[%swap3A_46] {strides = array<i32>} : memref<8192xf32, #tpu.memory_space<vmem>>, vector<16xf32>,
        tpu.vector_store %arg12[%swap3A_46], %broadcast_in_dim3A_3 {strides = array<i32>} : memref<8192xf32, #tpu.memory_space<vmem>>, vector<16xf32>,
        %scan3A_48 = arith.constant 0 : i32
        scf.yield %scan3A_48 : i32
      }
      %scan3A_24 = arith.constant 512 : i32
      "tpu.region"() ({
        %run_scoped3A = tpu.sem_alloc : memref<!tpu.dma_semaphore, #tpu.memory_space<semaphore_mem>>
        %dma_start3A = arith.constant 0 : i32
        %dma_start3A_42 = tpu.memref_slice %arg11[%dma_start3A] : memref<528xf32, #tpu.memory_space<vmem>> -> memref<512xf32, #tpu.memory_space<vmem>>
        %dma_start3A_43 = arith.constant 0 : i32
        %dma_start3A_44 = tpu.memref_slice %arg3[%arg1, %dma_start3A_43] : memref<8x512xf32, #tpu.memory_space<hbm>> -> memref<1x512xf32, #tpu.memory_space<hbm>>
        %dma_start3A_45 = tpu.memref_squeeze %dma_start3A_44 : memref<1x512xf32, #tpu.memory_space<hbm>> -> memref<512xf32, #tpu.memory_space<hbm>>
        %dma_start3A_46 = arith.constant 0 : i32
        %dma_start3A_47 = tpu.memref_slice %arg11[%dma_start3A_46] : memref<528xf32, #tpu.memory_space<vmem>> -> memref<512xf32, #tpu.memory_space<vmem>>
        %dma_start3A_48 = arith.constant 0 : i32
        %dma_start3A_49 = tpu.memref_slice %arg3[%arg1, %dma_start3A_48] : memref<8x512xf32, #tpu.memory_space<hbm>> -> memref<1x512xf32, #tpu.memory_space<hbm>>
        %dma_start3A_50 = tpu.memref_squeeze %dma_start3A_49 : memref<1x512xf32, #tpu.memory_space<hbm>> -> memref<512xf32, #tpu.memory_space<hbm>>
        tpu.enqueue_dma source(%dma_start3A_50 : memref<512xf32, #tpu.memory_space<hbm>>) target(%dma_start3A_47 : memref<512xf32, #tpu.memory_space<vmem>>) target_semaphore(%run_scoped3A : memref<!tpu.dma_semaphore, #tpu.memory_space<semaphore_mem>>)
        %dma_wait3A = arith.constant 0 : i32
        %dma_wait3A_51 = tpu.memref_slice %arg11[%dma_wait3A] : memref<528xf32, #tpu.memory_space<vmem>> -> memref<512xf32, #tpu.memory_space<vmem>>
        %dma_wait3A_52 = arith.constant 0 : i32
        %dma_wait3A_53 = tpu.memref_slice %arg3[%arg1, %dma_wait3A_52] : memref<8x512xf32, #tpu.memory_space<hbm>> -> memref<1x512xf32, #tpu.memory_space<hbm>>
        %dma_wait3A_54 = tpu.memref_squeeze %dma_wait3A_53 : memref<1x512xf32, #tpu.memory_space<hbm>> -> memref<512xf32, #tpu.memory_space<hbm>>
        %dma_wait3A_55 = arith.constant 0 : i32
        %dma_wait3A_56 = tpu.memref_slice %arg11[%dma_wait3A_55] : memref<528xf32, #tpu.memory_space<vmem>> -> memref<512xf32, #tpu.memory_space<vmem>>
        %dma_wait3A_57 = arith.constant 0 : i32
        %dma_wait3A_58 = tpu.memref_slice %arg3[%arg1, %dma_wait3A_57] : memref<8x512xf32, #tpu.memory_space<hbm>> -> memref<1x512xf32, #tpu.memory_space<hbm>>
        %dma_wait3A_59 = tpu.memref_squeeze %dma_wait3A_58 : memref<1x512xf32, #tpu.memory_space<hbm>> -> memref<512xf32, #tpu.memory_space<hbm>>
        tpu.wait_dma2 semaphore(%run_scoped3A : memref<!tpu.dma_semaphore, #tpu.memory_space<semaphore_mem>>) src(%dma_wait3A_59 : memref<512xf32, #tpu.memory_space<hbm>>) dst(%dma_wait3A_56 : memref<512xf32, #tpu.memory_space<vmem>>)
        tpu.yield
      }) : () -> ()
      %broadcast_in_dim3A_25 = arith.constant 2.000000e+00 : f32
      %broadcast_in_dim3A_26 = vector.broadcast %broadcast_in_dim3A_25 : f32 to vector<16xf32>
      %swap3A = arith.constant 512 : index
      %swap3A_27 = tpu.vector_load %arg11[%swap3A] {strides = array<i32>} : memref<528xf32, #tpu.memory_space<vmem>>, vector<16xf32>,
      tpu.vector_store %arg11[%swap3A], %broadcast_in_dim3A_26 {strides = array<i32>} : memref<528xf32, #tpu.memory_space<vmem>>, vector<16xf32>,
      %scan3A_28 = arith.constant 0 : i32
      %scan3A_29 = arith.constant 0 : i32
      %scan3A_30 = arith.constant 32 : i32
      %scan3A_31 = arith.addi %scan3A_29, %scan3A_30 : i32
      %scan3A_32 = arith.constant 1 : i32
      %scan3A_33 = scf.for %scan3A_42 = %scan3A_29 to %scan3A_31 step %scan3A_32 iter_args(%scan3A_43 = %scan3A_28) -> (i32)  : i32 {
        %mul3A_44 = arith.constant 16 : i32
        %mul3A_45 = arith.muli %scan3A_42, %mul3A_44 : i32
        %get3A = arith.index_cast %mul3A_45 : i32 to index
        %get3A_46 = tpu.vector_load %arg11[%get3A] {strides = array<i32>} : memref<528xf32, #tpu.memory_space<vmem>>, vector<16xf32>,
        %mul3A_47 = arith.constant 8.192000e+03 : f32
        %mul3A_48 = vector.broadcast %mul3A_47 : f32 to vector<16xf32>
        %mul3A_49 = arith.mulf %get3A_46, %mul3A_48 : vector<16xf32>
        %convert_element_type3A_50 = arith.fptosi %mul3A_49 : vector<16xf32> to vector<16xi32>
        %min3A = arith.constant 8191 : i32
        %min3A_51 = vector.broadcast %min3A : i32 to vector<16xi32>
        %min3A_52 = arith.minsi %convert_element_type3A_50, %min3A_51 : vector<16xi32>
        tpu.vector_store_idx %arg12[%min3A_52], %broadcast_in_dim3A_5 {add = true} : memref<8192xf32, #tpu.memory_space<vmem>>[vector<16xi32>], vector<16xf32>,
        %scan3A_53 = arith.constant 0 : i32
        scf.yield %scan3A_53 : i32
      }
      %scan3A_34 = arith.constant 32 : i32
      %scan3A_35 = arith.constant 0.000000e+00 : f32
      %scan3A_36 = arith.constant 0 : i32
      %scan3A_37 = arith.constant 512 : i32
      %scan3A_38 = arith.addi %scan3A_36, %scan3A_37 : i32
      %scan3A_39 = arith.constant 1 : i32
      %scan3A_40 = scf.for %scan3A_42 = %scan3A_36 to %scan3A_38 step %scan3A_39 iter_args(%scan3A_43 = %scan3A_35) -> (f32)  : i32 {
        %mul3A_44 = arith.constant 16 : i32
        %mul3A_45 = arith.muli %scan3A_42, %mul3A_44 : i32
        %get3A = arith.index_cast %mul3A_45 : i32 to index
        %get3A_46 = tpu.vector_load %arg12[%get3A] {strides = array<i32>} : memref<8192xf32, #tpu.memory_space<vmem>>, vector<16xf32>,
        %cumsum3A = arith.constant true
        %cumsum3A_47 = vector.broadcast %cumsum3A : i1 to vector<16xi1>
        %cumsum3A_48 = tpu.scan <sum>, %get3A_46 masked %cumsum3A_47 : vector<16xf32>, vector<16xi1> -> vector<16xf32>
        %sub3A = arith.subf %cumsum3A_48, %get3A_46 : vector<16xf32>
        %add3A_49 = vector.broadcast %scan3A_43 : f32 to vector<16xf32>
        %add3A_50 = arith.addf %sub3A, %add3A_49 : vector<16xf32>
        %convert_element_type3A_51 = arith.fptosi %add3A_50 : vector<16xf32> to vector<16xi32>
        %ge3A = arith.constant 2.000000e+00 : f32
        %ge3A_52 = vector.broadcast %ge3A : f32 to vector<16xf32>
        %ge3A_53 = arith.cmpf oge, %get3A_46, %ge3A_52 : vector<16xf32>
        %select_n3A = arith.select %ge3A_53, %broadcast_in_dim3A_7, %broadcast_in_dim3A_9 : vector<16xi1>, vector<16xi32>
        %mul3A_54 = arith.constant 2 : i32
        %mul3A_55 = vector.broadcast %mul3A_54 : i32 to vector<16xi32>
        %mul3A_56 = arith.muli %convert_element_type3A_51, %mul3A_55 : vector<16xi32>
        %add3A_57 = arith.addi %mul3A_56, %select_n3A : vector<16xi32>
        %mul3A_58 = arith.constant 16 : i32
        %mul3A_59 = arith.muli %scan3A_42, %mul3A_58 : i32
        %swap3A_60 = arith.index_cast %mul3A_59 : i32 to index
        %swap3A_61 = tpu.vector_load %arg13[%swap3A_60] {strides = array<i32>} : memref<8192xi32, #tpu.memory_space<vmem>>, vector<16xi32>,
        tpu.vector_store %arg13[%swap3A_60], %add3A_57 {strides = array<i32>} : memref<8192xi32, #tpu.memory_space<vmem>>, vector<16xi32>,
        %reduce_sum3A = arith.constant true
        %reduce_sum3A_62 = vector.broadcast %reduce_sum3A : i1 to vector<16xi1>
        %reduce_sum3A_63 = tpu.scan <sum>, %get3A_46 masked %reduce_sum3A_62 : vector<16xf32>, vector<16xi1> -> vector<16xf32>
        %reduce_sum3A_64 = vector.extract %reduce_sum3A_63[15] : f32 from vector<16xf32>
        %add3A_65 = arith.addf %scan3A_43, %reduce_sum3A_64 : f32
        scf.yield %add3A_65 : f32
      }
      %scan3A_41 = arith.constant 512 : i32
      "tpu.region"() ({
        %run_scoped3A = tpu.sem_alloc : memref<!tpu.dma_semaphore, #tpu.memory_space<semaphore_mem>>
        %dma_start3A = arith.constant 0 : i32
        %dma_start3A_42 = tpu.memref_slice %arg16[%arg1, %dma_start3A] : memref<8x8192xi32, #tpu.memory_space<vmem_shared>> -> memref<1x8192xi32, #tpu.memory_space<vmem_shared>>
        %dma_start3A_43 = tpu.memref_squeeze %dma_start3A_42 : memref<1x8192xi32, #tpu.memory_space<vmem_shared>> -> memref<8192xi32, #tpu.memory_space<vmem_shared>>
        %dma_start3A_44 = arith.constant 0 : i32
        %dma_start3A_45 = tpu.memref_slice %arg16[%arg1, %dma_start3A_44] : memref<8x8192xi32, #tpu.memory_space<vmem_shared>> -> memref<1x8192xi32, #tpu.memory_space<vmem_shared>>
        %dma_start3A_46 = tpu.memref_squeeze %dma_start3A_45 : memref<1x8192xi32, #tpu.memory_space<vmem_shared>> -> memref<8192xi32, #tpu.memory_space<vmem_shared>>
        tpu.enqueue_dma source(%arg13 : memref<8192xi32, #tpu.memory_space<vmem>>) target(%dma_start3A_46 : memref<8192xi32, #tpu.memory_space<vmem_shared>>) target_semaphore(%run_scoped3A : memref<!tpu.dma_semaphore, #tpu.memory_space<semaphore_mem>>)
        %dma_wait3A = arith.constant 0 : i32
        %dma_wait3A_47 = tpu.memref_slice %arg16[%arg1, %dma_wait3A] : memref<8x8192xi32, #tpu.memory_space<vmem_shared>> -> memref<1x8192xi32, #tpu.memory_space<vmem_shared>>
        %dma_wait3A_48 = tpu.memref_squeeze %dma_wait3A_47 : memref<1x8192xi32, #tpu.memory_space<vmem_shared>> -> memref<8192xi32, #tpu.memory_space<vmem_shared>>
        %dma_wait3A_49 = arith.constant 0 : i32
        %dma_wait3A_50 = tpu.memref_slice %arg16[%arg1, %dma_wait3A_49] : memref<8x8192xi32, #tpu.memory_space<vmem_shared>> -> memref<1x8192xi32, #tpu.memory_space<vmem_shared>>
        %dma_wait3A_51 = tpu.memref_squeeze %dma_wait3A_50 : memref<1x8192xi32, #tpu.memory_space<vmem_shared>> -> memref<8192xi32, #tpu.memory_space<vmem_shared>>
        tpu.wait_dma2 semaphore(%run_scoped3A : memref<!tpu.dma_semaphore, #tpu.memory_space<semaphore_mem>>) src(%arg13 : memref<8192xi32, #tpu.memory_space<vmem>>) dst(%dma_wait3A_51 : memref<8192xi32, #tpu.memory_space<vmem_shared>>)
        tpu.yield
      }) : () -> ()
    } else {
    }
    %barrier3A = arith.constant 0 : index
    tpu.barrier barrier_id(%barrier3A)
    %scan3A = arith.constant 0 : i32
    %scan3A_12 = arith.constant 0 : i32
    %scan3A_13 = arith.constant 8 : i32
    %scan3A_14 = arith.addi %scan3A_12, %scan3A_13 : i32
    %scan3A_15 = arith.constant 1 : i32
    %scan3A_16 = scf.for %scan3A_18 = %scan3A_12 to %scan3A_14 step %scan3A_15 iter_args(%scan3A_19 = %scan3A) -> (i32)  : i32 {
      "tpu.region"() ({
        %run_scoped3A = tpu.sem_alloc : memref<!tpu.dma_semaphore, #tpu.memory_space<semaphore_mem>>
        %dma_start3A_203 = arith.constant 0 : i32
        %dma_start3A_204 = tpu.memref_slice %arg16[%scan3A_18, %dma_start3A_203] : memref<8x8192xi32, #tpu.memory_space<vmem_shared>> -> memref<1x8192xi32, #tpu.memory_space<vmem_shared>>
        %dma_start3A_205 = tpu.memref_squeeze %dma_start3A_204 : memref<1x8192xi32, #tpu.memory_space<vmem_shared>> -> memref<8192xi32, #tpu.memory_space<vmem_shared>>
        %dma_start3A_206 = arith.constant 0 : i32
        %dma_start3A_207 = tpu.memref_slice %arg16[%scan3A_18, %dma_start3A_206] : memref<8x8192xi32, #tpu.memory_space<vmem_shared>> -> memref<1x8192xi32, #tpu.memory_space<vmem_shared>>
        %dma_start3A_208 = tpu.memref_squeeze %dma_start3A_207 : memref<1x8192xi32, #tpu.memory_space<vmem_shared>> -> memref<8192xi32, #tpu.memory_space<vmem_shared>>
        tpu.enqueue_dma source(%dma_start3A_208 : memref<8192xi32, #tpu.memory_space<vmem_shared>>) target(%arg13 : memref<8192xi32, #tpu.memory_space<vmem>>) target_semaphore(%run_scoped3A : memref<!tpu.dma_semaphore, #tpu.memory_space<semaphore_mem>>)
        %dma_wait3A_209 = arith.constant 0 : i32
        %dma_wait3A_210 = tpu.memref_slice %arg16[%scan3A_18, %dma_wait3A_209] : memref<8x8192xi32, #tpu.memory_space<vmem_shared>> -> memref<1x8192xi32, #tpu.memory_space<vmem_shared>>
        %dma_wait3A_211 = tpu.memref_squeeze %dma_wait3A_210 : memref<1x8192xi32, #tpu.memory_space<vmem_shared>> -> memref<8192xi32, #tpu.memory_space<vmem_shared>>
        %dma_wait3A_212 = arith.constant 0 : i32
        %dma_wait3A_213 = tpu.memref_slice %arg16[%scan3A_18, %dma_wait3A_212] : memref<8x8192xi32, #tpu.memory_space<vmem_shared>> -> memref<1x8192xi32, #tpu.memory_space<vmem_shared>>
        %dma_wait3A_214 = tpu.memref_squeeze %dma_wait3A_213 : memref<1x8192xi32, #tpu.memory_space<vmem_shared>> -> memref<8192xi32, #tpu.memory_space<vmem_shared>>
        tpu.wait_dma2 semaphore(%run_scoped3A : memref<!tpu.dma_semaphore, #tpu.memory_space<semaphore_mem>>) src(%dma_wait3A_214 : memref<8192xi32, #tpu.memory_space<vmem_shared>>) dst(%arg13 : memref<8192xi32, #tpu.memory_space<vmem>>)
        tpu.yield
      }) : () -> ()
      "tpu.region"() ({
        %run_scoped3A = tpu.sem_alloc : memref<!tpu.dma_semaphore, #tpu.memory_space<semaphore_mem>>
        %dma_start3A_203 = arith.constant 0 : i32
        %dma_start3A_204 = tpu.memref_slice %arg11[%dma_start3A_203] : memref<528xf32, #tpu.memory_space<vmem>> -> memref<512xf32, #tpu.memory_space<vmem>>
        %dma_start3A_205 = arith.constant 0 : i32
        %dma_start3A_206 = tpu.memref_slice %arg3[%scan3A_18, %dma_start3A_205] : memref<8x512xf32, #tpu.memory_space<hbm>> -> memref<1x512xf32, #tpu.memory_space<hbm>>
        %dma_start3A_207 = tpu.memref_squeeze %dma_start3A_206 : memref<1x512xf32, #tpu.memory_space<hbm>> -> memref<512xf32, #tpu.memory_space<hbm>>
        %dma_start3A_208 = arith.constant 0 : i32
        %dma_start3A_209 = tpu.memref_slice %arg11[%dma_start3A_208] : memref<528xf32, #tpu.memory_space<vmem>> -> memref<512xf32, #tpu.memory_space<vmem>>
        %dma_start3A_210 = arith.constant 0 : i32
        %dma_start3A_211 = tpu.memref_slice %arg3[%scan3A_18, %dma_start3A_210] : memref<8x512xf32, #tpu.memory_space<hbm>> -> memref<1x512xf32, #tpu.memory_space<hbm>>
        %dma_start3A_212 = tpu.memref_squeeze %dma_start3A_211 : memref<1x512xf32, #tpu.memory_space<hbm>> -> memref<512xf32, #tpu.memory_space<hbm>>
        tpu.enqueue_dma source(%dma_start3A_212 : memref<512xf32, #tpu.memory_space<hbm>>) target(%dma_start3A_209 : memref<512xf32, #tpu.memory_space<vmem>>) target_semaphore(%run_scoped3A : memref<!tpu.dma_semaphore, #tpu.memory_space<semaphore_mem>>)
        %dma_wait3A_213 = arith.constant 0 : i32
        %dma_wait3A_214 = tpu.memref_slice %arg11[%dma_wait3A_213] : memref<528xf32, #tpu.memory_space<vmem>> -> memref<512xf32, #tpu.memory_space<vmem>>
        %dma_wait3A_215 = arith.constant 0 : i32
        %dma_wait3A_216 = tpu.memref_slice %arg3[%scan3A_18, %dma_wait3A_215] : memref<8x512xf32, #tpu.memory_space<hbm>> -> memref<1x512xf32, #tpu.memory_space<hbm>>
        %dma_wait3A_217 = tpu.memref_squeeze %dma_wait3A_216 : memref<1x512xf32, #tpu.memory_space<hbm>> -> memref<512xf32, #tpu.memory_space<hbm>>
        %dma_wait3A_218 = arith.constant 0 : i32
        %dma_wait3A_219 = tpu.memref_slice %arg11[%dma_wait3A_218] : memref<528xf32, #tpu.memory_space<vmem>> -> memref<512xf32, #tpu.memory_space<vmem>>
        %dma_wait3A_220 = arith.constant 0 : i32
        %dma_wait3A_221 = tpu.memref_slice %arg3[%scan3A_18, %dma_wait3A_220] : memref<8x512xf32, #tpu.memory_space<hbm>> -> memref<1x512xf32, #tpu.memory_space<hbm>>
        %dma_wait3A_222 = tpu.memref_squeeze %dma_wait3A_221 : memref<1x512xf32, #tpu.memory_space<hbm>> -> memref<512xf32, #tpu.memory_space<hbm>>
        tpu.wait_dma2 semaphore(%run_scoped3A : memref<!tpu.dma_semaphore, #tpu.memory_space<semaphore_mem>>) src(%dma_wait3A_222 : memref<512xf32, #tpu.memory_space<hbm>>) dst(%dma_wait3A_219 : memref<512xf32, #tpu.memory_space<vmem>>)
        tpu.yield
      }) : () -> ()
      %broadcast_in_dim3A_20 = arith.constant 2.000000e+00 : f32
      %broadcast_in_dim3A_21 = vector.broadcast %broadcast_in_dim3A_20 : f32 to vector<16xf32>
      %swap3A = arith.constant 512 : index
      %swap3A_22 = tpu.vector_load %arg11[%swap3A] {strides = array<i32>} : memref<528xf32, #tpu.memory_space<vmem>>, vector<16xf32>,
      tpu.vector_store %arg11[%swap3A], %broadcast_in_dim3A_21 {strides = array<i32>} : memref<528xf32, #tpu.memory_space<vmem>>, vector<16xf32>,
      %scan3A_23 = arith.constant 0 : i32
      %scan3A_24 = arith.constant 0 : i32
      %scan3A_25 = arith.constant 66 : i32
      %scan3A_26 = arith.addi %scan3A_24, %scan3A_25 : i32
      %scan3A_27 = arith.constant 1 : i32
      %scan3A_28 = scf.for %scan3A_203 = %scan3A_24 to %scan3A_26 step %scan3A_27 iter_args(%scan3A_204 = %scan3A_23) -> (i32)  : i32 {
        %mul3A_205 = arith.constant 16 : i32
        %mul3A_206 = arith.muli %scan3A_203, %mul3A_205 : i32
        %swap3A_207 = arith.index_cast %mul3A_206 : i32 to index
        %swap3A_208 = tpu.vector_load %arg14[%swap3A_207] {strides = array<i32>} : memref<1056xf32, #tpu.memory_space<vmem>>, vector<16xf32>,
        tpu.vector_store %arg14[%swap3A_207], %broadcast_in_dim3A_3 {strides = array<i32>} : memref<1056xf32, #tpu.memory_space<vmem>>, vector<16xf32>,
        %scan3A_209 = arith.constant 0 : i32
        scf.yield %scan3A_209 : i32
      }
      %scan3A_29 = arith.constant 66 : i32
      %mul3A_30 = arith.constant 32 : i32
      %mul3A_31 = arith.muli %add3A, %mul3A_30 : i32
      %broadcast_in_dim3A_32 = arith.constant 2.000000e+00 : f32
      %broadcast_in_dim3A_33 = vector.broadcast %broadcast_in_dim3A_32 : f32 to vector<16xf32>
      %broadcast_in_dim3A_34 = arith.constant 2.000000e+00 : f32
      %broadcast_in_dim3A_35 = vector.broadcast %broadcast_in_dim3A_34 : f32 to vector<16xf32>
      %broadcast_in_dim3A_36 = arith.constant 2.000000e+00 : f32
      %broadcast_in_dim3A_37 = vector.broadcast %broadcast_in_dim3A_36 : f32 to vector<16xf32>
      %broadcast_in_dim3A_38 = arith.constant 2.000000e+00 : f32
      %broadcast_in_dim3A_39 = vector.broadcast %broadcast_in_dim3A_38 : f32 to vector<16xf32>
      %broadcast_in_dim3A_40 = arith.constant 0.000000e+00 : f32
      %broadcast_in_dim3A_41 = vector.broadcast %broadcast_in_dim3A_40 : f32 to vector<16xf32>
      %broadcast_in_dim3A_42 = arith.constant 0.000000e+00 : f32
      %broadcast_in_dim3A_43 = vector.broadcast %broadcast_in_dim3A_42 : f32 to vector<16xf32>
      %broadcast_in_dim3A_44 = arith.constant 0.000000e+00 : f32
      %broadcast_in_dim3A_45 = vector.broadcast %broadcast_in_dim3A_44 : f32 to vector<16xf32>
      %broadcast_in_dim3A_46 = arith.constant 0.000000e+00 : f32
      %broadcast_in_dim3A_47 = vector.broadcast %broadcast_in_dim3A_46 : f32 to vector<16xf32>
      %add3A_48 = arith.constant 0 : i32
      %add3A_49 = arith.addi %mul3A_31, %add3A_48 : i32
      %dma_start3A = arith.constant 0 : i32
      %dma_start3A_50 = tpu.memref_slice %arg2[%scan3A_18, %add3A_49, %dma_start3A] : memref<8x1024x1024xf32, #tpu.memory_space<hbm>> -> memref<1x8x1024xf32, #tpu.memory_space<hbm>>
      %dma_start3A_51 = tpu.memref_squeeze %dma_start3A_50 : memref<1x8x1024xf32, #tpu.memory_space<hbm>> -> memref<8x1024xf32, #tpu.memory_space<hbm>>
      %dma_start3A_52 = arith.constant 0 : i32
      %dma_start3A_53 = tpu.memref_slice %arg2[%scan3A_18, %add3A_49, %dma_start3A_52] : memref<8x1024x1024xf32, #tpu.memory_space<hbm>> -> memref<1x8x1024xf32, #tpu.memory_space<hbm>>
      %dma_start3A_54 = tpu.memref_squeeze %dma_start3A_53 : memref<1x8x1024xf32, #tpu.memory_space<hbm>> -> memref<8x1024xf32, #tpu.memory_space<hbm>>
      tpu.enqueue_dma source(%dma_start3A_54 : memref<8x1024xf32, #tpu.memory_space<hbm>>) target(%arg7 : memref<8x1024xf32, #tpu.memory_space<vmem>>) target_semaphore(%arg17 : memref<!tpu.dma_semaphore, #tpu.memory_space<semaphore_mem>>)
      %mul3A_55 = arith.constant 1024 : i32
      %mul3A_56 = arith.muli %scan3A_18, %mul3A_55 : i32
      %add3A_57 = arith.addi %mul3A_56, %add3A_49 : i32
      %dma_start3A_58 = arith.constant 0 : i32
      %dma_start3A_59 = tpu.memref_slice %arg4[%add3A_57, %dma_start3A_58] : memref<8192x2048xf32, #tpu.memory_space<hbm>> -> memref<8x2048xf32, #tpu.memory_space<hbm>>
      %dma_start3A_60 = arith.constant 0 : i32
      %dma_start3A_61 = tpu.memref_slice %arg4[%add3A_57, %dma_start3A_60] : memref<8192x2048xf32, #tpu.memory_space<hbm>> -> memref<8x2048xf32, #tpu.memory_space<hbm>>
      tpu.enqueue_dma source(%dma_start3A_61 : memref<8x2048xf32, #tpu.memory_space<hbm>>) target(%arg9 : memref<8x2048xf32, #tpu.memory_space<vmem>>) target_semaphore(%arg19 : memref<!tpu.dma_semaphore, #tpu.memory_space<semaphore_mem>>)
      %add3A_62 = arith.constant 8 : i32
      %add3A_63 = arith.addi %mul3A_31, %add3A_62 : i32
      %dma_start3A_64 = arith.constant 0 : i32
      %dma_start3A_65 = tpu.memref_slice %arg2[%scan3A_18, %add3A_63, %dma_start3A_64] : memref<8x1024x1024xf32, #tpu.memory_space<hbm>> -> memref<1x8x1024xf32, #tpu.memory_space<hbm>>
      %dma_start3A_66 = tpu.memref_squeeze %dma_start3A_65 : memref<1x8x1024xf32, #tpu.memory_space<hbm>> -> memref<8x1024xf32, #tpu.memory_space<hbm>>
      %dma_start3A_67 = arith.constant 0 : i32
      %dma_start3A_68 = tpu.memref_slice %arg2[%scan3A_18, %add3A_63, %dma_start3A_67] : memref<8x1024x1024xf32, #tpu.memory_space<hbm>> -> memref<1x8x1024xf32, #tpu.memory_space<hbm>>
      %dma_start3A_69 = tpu.memref_squeeze %dma_start3A_68 : memref<1x8x1024xf32, #tpu.memory_space<hbm>> -> memref<8x1024xf32, #tpu.memory_space<hbm>>
      tpu.enqueue_dma source(%dma_start3A_69 : memref<8x1024xf32, #tpu.memory_space<hbm>>) target(%arg8 : memref<8x1024xf32, #tpu.memory_space<vmem>>) target_semaphore(%arg18 : memref<!tpu.dma_semaphore, #tpu.memory_space<semaphore_mem>>)
      %mul3A_70 = arith.constant 1024 : i32
      %mul3A_71 = arith.muli %scan3A_18, %mul3A_70 : i32
      %add3A_72 = arith.addi %mul3A_71, %add3A_63 : i32
      %dma_start3A_73 = arith.constant 0 : i32
      %dma_start3A_74 = tpu.memref_slice %arg4[%add3A_72, %dma_start3A_73] : memref<8192x2048xf32, #tpu.memory_space<hbm>> -> memref<8x2048xf32, #tpu.memory_space<hbm>>
      %dma_start3A_75 = arith.constant 0 : i32
      %dma_start3A_76 = tpu.memref_slice %arg4[%add3A_72, %dma_start3A_75] : memref<8192x2048xf32, #tpu.memory_space<hbm>> -> memref<8x2048xf32, #tpu.memory_space<hbm>>
      tpu.enqueue_dma source(%dma_start3A_76 : memref<8x2048xf32, #tpu.memory_space<hbm>>) target(%arg10 : memref<8x2048xf32, #tpu.memory_space<vmem>>) target_semaphore(%arg20 : memref<!tpu.dma_semaphore, #tpu.memory_space<semaphore_mem>>)
      %dma_wait3A = arith.constant 0 : i32
      %dma_wait3A_77 = tpu.memref_slice %arg2[%scan3A_18, %add3A_49, %dma_wait3A] : memref<8x1024x1024xf32, #tpu.memory_space<hbm>> -> memref<1x8x1024xf32, #tpu.memory_space<hbm>>
      %dma_wait3A_78 = tpu.memref_squeeze %dma_wait3A_77 : memref<1x8x1024xf32, #tpu.memory_space<hbm>> -> memref<8x1024xf32, #tpu.memory_space<hbm>>
      %dma_wait3A_79 = arith.constant 0 : i32
      %dma_wait3A_80 = tpu.memref_slice %arg2[%scan3A_18, %add3A_49, %dma_wait3A_79] : memref<8x1024x1024xf32, #tpu.memory_space<hbm>> -> memref<1x8x1024xf32, #tpu.memory_space<hbm>>
      %dma_wait3A_81 = tpu.memref_squeeze %dma_wait3A_80 : memref<1x8x1024xf32, #tpu.memory_space<hbm>> -> memref<8x1024xf32, #tpu.memory_space<hbm>>
      tpu.wait_dma2 semaphore(%arg17 : memref<!tpu.dma_semaphore, #tpu.memory_space<semaphore_mem>>) src(%dma_wait3A_81 : memref<8x1024xf32, #tpu.memory_space<hbm>>) dst(%arg7 : memref<8x1024xf32, #tpu.memory_space<vmem>>)
      %dma_wait3A_82 = arith.constant 0 : i32
      %dma_wait3A_83 = tpu.memref_slice %arg4[%add3A_57, %dma_wait3A_82] : memref<8192x2048xf32, #tpu.memory_space<hbm>> -> memref<8x2048xf32, #tpu.memory_space<hbm>>
      %dma_wait3A_84 = arith.constant 0 : i32
      %dma_wait3A_85 = tpu.memref_slice %arg4[%add3A_57, %dma_wait3A_84] : memref<8192x2048xf32, #tpu.memory_space<hbm>> -> memref<8x2048xf32, #tpu.memory_space<hbm>>
      tpu.wait_dma2 semaphore(%arg19 : memref<!tpu.dma_semaphore, #tpu.memory_space<semaphore_mem>>) src(%dma_wait3A_85 : memref<8x2048xf32, #tpu.memory_space<hbm>>) dst(%arg9 : memref<8x2048xf32, #tpu.memory_space<vmem>>)
      %add3A_86 = arith.constant 0 : i32
      %add3A_87 = arith.addi %mul3A_31, %add3A_86 : i32
      %mul3A_88 = arith.constant 1024 : i32
      %mul3A_89 = arith.muli %add3A_87, %mul3A_88 : i32
      %convert_element_type3A_90 = arith.sitofp %mul3A_89 : i32 to f32
      %parallel_loop3A = arith.constant 0 : i32
      %parallel_loop3A_91 = arith.constant 128 : i32
      %parallel_loop3A_92 = arith.constant 1 : i32
      %parallel_loop3A_93:8 = scf.for %parallel_loop3A_203 = %parallel_loop3A to %parallel_loop3A_91 step %parallel_loop3A_92 iter_args(%parallel_loop3A_204 = %broadcast_in_dim3A_33, %parallel_loop3A_205 = %broadcast_in_dim3A_35, %parallel_loop3A_206 = %broadcast_in_dim3A_37, %parallel_loop3A_207 = %broadcast_in_dim3A_39, %parallel_loop3A_208 = %broadcast_in_dim3A_41, %parallel_loop3A_209 = %broadcast_in_dim3A_43, %parallel_loop3A_210 = %broadcast_in_dim3A_45, %parallel_loop3A_211 = %broadcast_in_dim3A_47) -> (vector<16xf32>, vector<16xf32>, vector<16xf32>, vector<16xf32>, vector<16xf32>, vector<16xf32>, vector<16xf32>, vector<16xf32>)  : i32 {
        %parallel_loop3A_212 = arith.constant 16 : i32
        %parallel_loop3A_213 = arith.divsi %parallel_loop3A_203, %parallel_loop3A_212 : i32
        %parallel_loop3A_214 = arith.constant 0 : i32
        %parallel_loop3A_215 = arith.cmpi sgt, %parallel_loop3A_203, %parallel_loop3A_214 : i32
        %parallel_loop3A_216 = arith.extui %parallel_loop3A_215 : i1 to i32
        %parallel_loop3A_217 = arith.constant 0 : i32
        %parallel_loop3A_218 = arith.cmpi slt, %parallel_loop3A_203, %parallel_loop3A_217 : i32
        %parallel_loop3A_219 = arith.extui %parallel_loop3A_218 : i1 to i32
        %parallel_loop3A_220 = arith.subi %parallel_loop3A_216, %parallel_loop3A_219 : i32
        %parallel_loop3A_221 = arith.constant 0 : i32
        %parallel_loop3A_222 = arith.cmpi sgt, %parallel_loop3A_212, %parallel_loop3A_221 : i32
        %parallel_loop3A_223 = arith.extui %parallel_loop3A_222 : i1 to i32
        %parallel_loop3A_224 = arith.constant 0 : i32
        %parallel_loop3A_225 = arith.cmpi slt, %parallel_loop3A_212, %parallel_loop3A_224 : i32
        %parallel_loop3A_226 = arith.extui %parallel_loop3A_225 : i1 to i32
        %parallel_loop3A_227 = arith.subi %parallel_loop3A_223, %parallel_loop3A_226 : i32
        %parallel_loop3A_228 = arith.cmpi ne, %parallel_loop3A_220, %parallel_loop3A_227 : i32
        %parallel_loop3A_229 = arith.remsi %parallel_loop3A_203, %parallel_loop3A_212 : i32
        %parallel_loop3A_230 = arith.constant 0 : i32
        %parallel_loop3A_231 = arith.cmpi ne, %parallel_loop3A_229, %parallel_loop3A_230 : i32
        %parallel_loop3A_232 = arith.andi %parallel_loop3A_228, %parallel_loop3A_231 : i1
        %parallel_loop3A_233 = arith.constant 1 : i32
        %parallel_loop3A_234 = arith.subi %parallel_loop3A_213, %parallel_loop3A_233 : i32
        %parallel_loop3A_235 = arith.select %parallel_loop3A_232, %parallel_loop3A_234, %parallel_loop3A_213 : i32
        %parallel_loop3A_236 = arith.constant 16 : i32
        %parallel_loop3A_237 = arith.constant 0 : i32
        %parallel_loop3A_238 = arith.cmpi eq, %parallel_loop3A_236, %parallel_loop3A_237 : i32
        %parallel_loop3A_239 = arith.constant 1 : i32
        %parallel_loop3A_240 = arith.select %parallel_loop3A_238, %parallel_loop3A_239, %parallel_loop3A_236 : i32
        %parallel_loop3A_241 = arith.remsi %parallel_loop3A_203, %parallel_loop3A_240 : i32
        %parallel_loop3A_242 = arith.constant 0 : i32
        %parallel_loop3A_243 = arith.cmpi ne, %parallel_loop3A_241, %parallel_loop3A_242 : i32
        %parallel_loop3A_244 = arith.constant 0 : i32
        %parallel_loop3A_245 = arith.cmpi slt, %parallel_loop3A_241, %parallel_loop3A_244 : i32
        %parallel_loop3A_246 = arith.constant 0 : i32
        %parallel_loop3A_247 = arith.cmpi slt, %parallel_loop3A_240, %parallel_loop3A_246 : i32
        %parallel_loop3A_248 = arith.xori %parallel_loop3A_245, %parallel_loop3A_247 : i1
        %parallel_loop3A_249 = arith.andi %parallel_loop3A_248, %parallel_loop3A_243 : i1
        %parallel_loop3A_250 = arith.addi %parallel_loop3A_241, %parallel_loop3A_240 : i32
        %parallel_loop3A_251 = arith.select %parallel_loop3A_249, %parallel_loop3A_250, %parallel_loop3A_241 : i32
        %parallel_loop3A_252 = arith.constant 64 : i32
        %parallel_loop3A_253 = arith.muli %parallel_loop3A_251, %parallel_loop3A_252 : i32
        %parallel_loop3A_254 = arith.constant 0 : i32
        %parallel_loop3A_255 = vector.broadcast %parallel_loop3A_254 : i32 to vector<16xi32>
        %parallel_loop3A_256 = vector.broadcast %parallel_loop3A_235 : i32 to vector<16xi32>
        %parallel_loop3A_257 = arith.addi %parallel_loop3A_255, %parallel_loop3A_256 : vector<16xi32>
        %parallel_loop3A_258 = arith.constant 0 : i32
        %parallel_loop3A_259 = arith.addi %parallel_loop3A_253, %parallel_loop3A_258 : i32
        %parallel_loop3A_260 = arith.index_cast %parallel_loop3A_235 : i32 to index
        %parallel_loop3A_261 = arith.index_cast %parallel_loop3A_259 : i32 to index
        %parallel_loop3A_262 = tpu.vector_load %arg7[%parallel_loop3A_260, %parallel_loop3A_261] {strides = array<i32>} : memref<8x1024xf32, #tpu.memory_space<vmem>>, vector<16xf32>,
        %parallel_loop3A_263 = arith.constant 8.192000e+03 : f32
        %parallel_loop3A_264 = vector.broadcast %parallel_loop3A_263 : f32 to vector<16xf32>
        %parallel_loop3A_265 = arith.mulf %parallel_loop3A_262, %parallel_loop3A_264 : vector<16xf32>
        %parallel_loop3A_266 = arith.fptosi %parallel_loop3A_265 : vector<16xf32> to vector<16xi32>
        %parallel_loop3A_267 = arith.constant 8191 : i32
        %parallel_loop3A_268 = vector.broadcast %parallel_loop3A_267 : i32 to vector<16xi32>
        %parallel_loop3A_269 = arith.minsi %parallel_loop3A_266, %parallel_loop3A_268 : vector<16xi32>
        %parallel_loop3A_270 = tpu.vector_load_idx %arg13[%parallel_loop3A_269] : memref<8192xi32, #tpu.memory_space<vmem>>[vector<16xi32>], vector<16xi32>,
        %parallel_loop3A_271 = arith.constant 1 : i32
        %parallel_loop3A_272 = vector.broadcast %parallel_loop3A_271 : i32 to vector<16xi32>
        %parallel_loop3A_273 = arith.shrui %parallel_loop3A_270, %parallel_loop3A_272 : vector<16xi32>
        %parallel_loop3A_274 = arith.andi %parallel_loop3A_270, %broadcast_in_dim3A_7 : vector<16xi32>
        %parallel_loop3A_275 = tpu.vector_load_idx %arg11[%parallel_loop3A_273] : memref<528xf32, #tpu.memory_space<vmem>>[vector<16xi32>], vector<16xf32>,
        %parallel_loop3A_276 = arith.cmpf ole, %parallel_loop3A_275, %parallel_loop3A_262 : vector<16xf32>
        %parallel_loop3A_277 = arith.select %parallel_loop3A_276, %broadcast_in_dim3A_7, %broadcast_in_dim3A_9 : vector<16xi1>, vector<16xi32>
        %parallel_loop3A_278 = arith.addi %parallel_loop3A_273, %parallel_loop3A_277 : vector<16xi32>
        %parallel_loop3A_279 = arith.constant 16 : i32
        %parallel_loop3A_280 = arith.addi %parallel_loop3A_253, %parallel_loop3A_279 : i32
        %parallel_loop3A_281 = arith.index_cast %parallel_loop3A_235 : i32 to index
        %parallel_loop3A_282 = arith.index_cast %parallel_loop3A_280 : i32 to index
        %parallel_loop3A_283 = tpu.vector_load %arg7[%parallel_loop3A_281, %parallel_loop3A_282] {strides = array<i32>} : memref<8x1024xf32, #tpu.memory_space<vmem>>, vector<16xf32>,
        %parallel_loop3A_284 = arith.constant 8.192000e+03 : f32
        %parallel_loop3A_285 = vector.broadcast %parallel_loop3A_284 : f32 to vector<16xf32>
        %parallel_loop3A_286 = arith.mulf %parallel_loop3A_283, %parallel_loop3A_285 : vector<16xf32>
        %parallel_loop3A_287 = arith.fptosi %parallel_loop3A_286 : vector<16xf32> to vector<16xi32>
        %parallel_loop3A_288 = arith.constant 8191 : i32
        %parallel_loop3A_289 = vector.broadcast %parallel_loop3A_288 : i32 to vector<16xi32>
        %parallel_loop3A_290 = arith.minsi %parallel_loop3A_287, %parallel_loop3A_289 : vector<16xi32>
        %parallel_loop3A_291 = tpu.vector_load_idx %arg13[%parallel_loop3A_290] : memref<8192xi32, #tpu.memory_space<vmem>>[vector<16xi32>], vector<16xi32>,
        %parallel_loop3A_292 = arith.constant 1 : i32
        %parallel_loop3A_293 = vector.broadcast %parallel_loop3A_292 : i32 to vector<16xi32>
        %parallel_loop3A_294 = arith.shrui %parallel_loop3A_291, %parallel_loop3A_293 : vector<16xi32>
        %parallel_loop3A_295 = arith.andi %parallel_loop3A_291, %broadcast_in_dim3A_7 : vector<16xi32>
        %parallel_loop3A_296 = tpu.vector_load_idx %arg11[%parallel_loop3A_294] : memref<528xf32, #tpu.memory_space<vmem>>[vector<16xi32>], vector<16xf32>,
        %parallel_loop3A_297 = arith.cmpf ole, %parallel_loop3A_296, %parallel_loop3A_283 : vector<16xf32>
        %parallel_loop3A_298 = arith.select %parallel_loop3A_297, %broadcast_in_dim3A_7, %broadcast_in_dim3A_9 : vector<16xi1>, vector<16xi32>
        %parallel_loop3A_299 = arith.addi %parallel_loop3A_294, %parallel_loop3A_298 : vector<16xi32>
        %parallel_loop3A_300 = arith.ori %parallel_loop3A_274, %parallel_loop3A_295 : vector<16xi32>
        %parallel_loop3A_301 = arith.constant 32 : i32
        %parallel_loop3A_302 = arith.addi %parallel_loop3A_253, %parallel_loop3A_301 : i32
        %parallel_loop3A_303 = arith.index_cast %parallel_loop3A_235 : i32 to index
        %parallel_loop3A_304 = arith.index_cast %parallel_loop3A_302 : i32 to index
        %parallel_loop3A_305 = tpu.vector_load %arg7[%parallel_loop3A_303, %parallel_loop3A_304] {strides = array<i32>} : memref<8x1024xf32, #tpu.memory_space<vmem>>, vector<16xf32>,
        %parallel_loop3A_306 = arith.constant 8.192000e+03 : f32
        %parallel_loop3A_307 = vector.broadcast %parallel_loop3A_306 : f32 to vector<16xf32>
        %parallel_loop3A_308 = arith.mulf %parallel_loop3A_305, %parallel_loop3A_307 : vector<16xf32>
        %parallel_loop3A_309 = arith.fptosi %parallel_loop3A_308 : vector<16xf32> to vector<16xi32>
        %parallel_loop3A_310 = arith.constant 8191 : i32
        %parallel_loop3A_311 = vector.broadcast %parallel_loop3A_310 : i32 to vector<16xi32>
        %parallel_loop3A_312 = arith.minsi %parallel_loop3A_309, %parallel_loop3A_311 : vector<16xi32>
        %parallel_loop3A_313 = tpu.vector_load_idx %arg13[%parallel_loop3A_312] : memref<8192xi32, #tpu.memory_space<vmem>>[vector<16xi32>], vector<16xi32>,
        %parallel_loop3A_314 = arith.constant 1 : i32
        %parallel_loop3A_315 = vector.broadcast %parallel_loop3A_314 : i32 to vector<16xi32>
        %parallel_loop3A_316 = arith.shrui %parallel_loop3A_313, %parallel_loop3A_315 : vector<16xi32>
        %parallel_loop3A_317 = arith.andi %parallel_loop3A_313, %broadcast_in_dim3A_7 : vector<16xi32>
        %parallel_loop3A_318 = tpu.vector_load_idx %arg11[%parallel_loop3A_316] : memref<528xf32, #tpu.memory_space<vmem>>[vector<16xi32>], vector<16xf32>,
        %parallel_loop3A_319 = arith.cmpf ole, %parallel_loop3A_318, %parallel_loop3A_305 : vector<16xf32>
        %parallel_loop3A_320 = arith.select %parallel_loop3A_319, %broadcast_in_dim3A_7, %broadcast_in_dim3A_9 : vector<16xi1>, vector<16xi32>
        %parallel_loop3A_321 = arith.addi %parallel_loop3A_316, %parallel_loop3A_320 : vector<16xi32>
        %parallel_loop3A_322 = arith.ori %parallel_loop3A_300, %parallel_loop3A_317 : vector<16xi32>
        %parallel_loop3A_323 = arith.constant 48 : i32
        %parallel_loop3A_324 = arith.addi %parallel_loop3A_253, %parallel_loop3A_323 : i32
        %parallel_loop3A_325 = arith.index_cast %parallel_loop3A_235 : i32 to index
        %parallel_loop3A_326 = arith.index_cast %parallel_loop3A_324 : i32 to index
        %parallel_loop3A_327 = tpu.vector_load %arg7[%parallel_loop3A_325, %parallel_loop3A_326] {strides = array<i32>} : memref<8x1024xf32, #tpu.memory_space<vmem>>, vector<16xf32>,
        %parallel_loop3A_328 = arith.constant 8.192000e+03 : f32
        %parallel_loop3A_329 = vector.broadcast %parallel_loop3A_328 : f32 to vector<16xf32>
        %parallel_loop3A_330 = arith.mulf %parallel_loop3A_327, %parallel_loop3A_329 : vector<16xf32>
        %parallel_loop3A_331 = arith.fptosi %parallel_loop3A_330 : vector<16xf32> to vector<16xi32>
        %parallel_loop3A_332 = arith.constant 8191 : i32
        %parallel_loop3A_333 = vector.broadcast %parallel_loop3A_332 : i32 to vector<16xi32>
        %parallel_loop3A_334 = arith.minsi %parallel_loop3A_331, %parallel_loop3A_333 : vector<16xi32>
        %parallel_loop3A_335 = tpu.vector_load_idx %arg13[%parallel_loop3A_334] : memref<8192xi32, #tpu.memory_space<vmem>>[vector<16xi32>], vector<16xi32>,
        %parallel_loop3A_336 = arith.constant 1 : i32
        %parallel_loop3A_337 = vector.broadcast %parallel_loop3A_336 : i32 to vector<16xi32>
        %parallel_loop3A_338 = arith.shrui %parallel_loop3A_335, %parallel_loop3A_337 : vector<16xi32>
        %parallel_loop3A_339 = arith.andi %parallel_loop3A_335, %broadcast_in_dim3A_7 : vector<16xi32>
        %parallel_loop3A_340 = tpu.vector_load_idx %arg11[%parallel_loop3A_338] : memref<528xf32, #tpu.memory_space<vmem>>[vector<16xi32>], vector<16xf32>,
        %parallel_loop3A_341 = arith.cmpf ole, %parallel_loop3A_340, %parallel_loop3A_327 : vector<16xf32>
        %parallel_loop3A_342 = arith.select %parallel_loop3A_341, %broadcast_in_dim3A_7, %broadcast_in_dim3A_9 : vector<16xi1>, vector<16xi32>
        %parallel_loop3A_343 = arith.addi %parallel_loop3A_338, %parallel_loop3A_342 : vector<16xi32>
        %parallel_loop3A_344 = arith.ori %parallel_loop3A_322, %parallel_loop3A_339 : vector<16xi32>
        %parallel_loop3A_345 = arith.constant 0 : i32
        %parallel_loop3A_346 = vector.broadcast %parallel_loop3A_345 : i32 to vector<16xi32>
        %parallel_loop3A_347 = arith.cmpi sgt, %parallel_loop3A_344, %parallel_loop3A_346 : vector<16xi32>
        %parallel_loop3A_348 = arith.constant 1.000000e+00 : f32
        %parallel_loop3A_349 = arith.constant 0.000000e+00 : f32
        %parallel_loop3A_350 = vector.broadcast %parallel_loop3A_348 : f32 to vector<16xf32>
        %parallel_loop3A_351 = vector.broadcast %parallel_loop3A_349 : f32 to vector<16xf32>
        %parallel_loop3A_352 = arith.select %parallel_loop3A_347, %parallel_loop3A_350, %parallel_loop3A_351 : vector<16xi1>, vector<16xf32>
        %parallel_loop3A_353 = arith.constant true
        %parallel_loop3A_354 = vector.broadcast %parallel_loop3A_353 : i1 to vector<16xi1>
        %parallel_loop3A_355 = tpu.scan <max>, %parallel_loop3A_352 masked %parallel_loop3A_354 : vector<16xf32>, vector<16xi1> -> vector<16xf32>
        %parallel_loop3A_356 = vector.extract %parallel_loop3A_355[15] : f32 from vector<16xf32>
        %parallel_loop3A_357 = arith.constant 0.000000e+00 : f32
        %parallel_loop3A_358 = arith.cmpf ogt, %parallel_loop3A_356, %parallel_loop3A_357 : f32
        %parallel_loop3A_359 = arith.extui %parallel_loop3A_358 : i1 to i32
        %parallel_loop3A_360 = arith.constant 0 : i32
        %parallel_loop3A_361 = arith.cmpi ne, %parallel_loop3A_359, %parallel_loop3A_360 : i32
        %parallel_loop3A_362:4 = scf.if %parallel_loop3A_361 -> (vector<16xi32>, vector<16xi32>, vector<16xi32>, vector<16xi32>) {
          %parallel_loop3A_475:4 = scf.while (%while3A = %parallel_loop3A_278, %while3A_476 = %parallel_loop3A_299, %while3A_477 = %parallel_loop3A_321, %while3A_478 = %parallel_loop3A_343) : (vector<16xi32>, vector<16xi32>, vector<16xi32>, vector<16xi32>) -> (vector<16xi32>, vector<16xi32>, vector<16xi32>, vector<16xi32>) {
            %parallel_loop3A_479 = tpu.vector_load_idx %arg11[%while3A] : memref<528xf32, #tpu.memory_space<vmem>>[vector<16xi32>], vector<16xf32>,
            %parallel_loop3A_480 = arith.cmpf ole, %parallel_loop3A_479, %parallel_loop3A_262 : vector<16xf32>
            %parallel_loop3A_481 = tpu.vector_load_idx %arg11[%while3A_476] : memref<528xf32, #tpu.memory_space<vmem>>[vector<16xi32>], vector<16xf32>,
            %parallel_loop3A_482 = arith.cmpf ole, %parallel_loop3A_481, %parallel_loop3A_283 : vector<16xf32>
            %parallel_loop3A_483 = arith.ori %parallel_loop3A_480, %parallel_loop3A_482 : vector<16xi1>
            %parallel_loop3A_484 = tpu.vector_load_idx %arg11[%while3A_477] : memref<528xf32, #tpu.memory_space<vmem>>[vector<16xi32>], vector<16xf32>,
            %parallel_loop3A_485 = arith.cmpf ole, %parallel_loop3A_484, %parallel_loop3A_305 : vector<16xf32>
            %parallel_loop3A_486 = arith.ori %parallel_loop3A_483, %parallel_loop3A_485 : vector<16xi1>
            %parallel_loop3A_487 = tpu.vector_load_idx %arg11[%while3A_478] : memref<528xf32, #tpu.memory_space<vmem>>[vector<16xi32>], vector<16xf32>,
            %parallel_loop3A_488 = arith.cmpf ole, %parallel_loop3A_487, %parallel_loop3A_327 : vector<16xf32>
            %parallel_loop3A_489 = arith.ori %parallel_loop3A_486, %parallel_loop3A_488 : vector<16xi1>
            %parallel_loop3A_490 = arith.constant 1.000000e+00 : f32
            %parallel_loop3A_491 = arith.constant 0.000000e+00 : f32
            %parallel_loop3A_492 = vector.broadcast %parallel_loop3A_490 : f32 to vector<16xf32>
            %parallel_loop3A_493 = vector.broadcast %parallel_loop3A_491 : f32 to vector<16xf32>
            %parallel_loop3A_494 = arith.select %parallel_loop3A_489, %parallel_loop3A_492, %parallel_loop3A_493 : vector<16xi1>, vector<16xf32>
            %parallel_loop3A_495 = arith.constant true
            %parallel_loop3A_496 = vector.broadcast %parallel_loop3A_495 : i1 to vector<16xi1>
            %parallel_loop3A_497 = tpu.scan <max>, %parallel_loop3A_494 masked %parallel_loop3A_496 : vector<16xf32>, vector<16xi1> -> vector<16xf32>
            %parallel_loop3A_498 = vector.extract %parallel_loop3A_497[15] : f32 from vector<16xf32>
            %parallel_loop3A_499 = arith.constant 0.000000e+00 : f32
            %parallel_loop3A_500 = arith.cmpf ogt, %parallel_loop3A_498, %parallel_loop3A_499 : f32
            scf.condition(%parallel_loop3A_500) %while3A, %while3A_476, %while3A_477, %while3A_478 : vector<16xi32>, vector<16xi32>, vector<16xi32>, vector<16xi32>
          } do {
          ^bb0(%while3A: vector<16xi32>, %while3A_476: vector<16xi32>, %while3A_477: vector<16xi32>, %while3A_478: vector<16xi32>):
            %parallel_loop3A_479 = tpu.vector_load_idx %arg11[%while3A] : memref<528xf32, #tpu.memory_space<vmem>>[vector<16xi32>], vector<16xf32>,
            %parallel_loop3A_480 = arith.cmpf ole, %parallel_loop3A_479, %parallel_loop3A_262 : vector<16xf32>
            %parallel_loop3A_481 = arith.select %parallel_loop3A_480, %broadcast_in_dim3A_7, %broadcast_in_dim3A_9 : vector<16xi1>, vector<16xi32>
            %parallel_loop3A_482 = arith.addi %while3A, %parallel_loop3A_481 : vector<16xi32>
            %parallel_loop3A_483 = tpu.vector_load_idx %arg11[%while3A_476] : memref<528xf32, #tpu.memory_space<vmem>>[vector<16xi32>], vector<16xf32>,
            %parallel_loop3A_484 = arith.cmpf ole, %parallel_loop3A_483, %parallel_loop3A_283 : vector<16xf32>
            %parallel_loop3A_485 = arith.select %parallel_loop3A_484, %broadcast_in_dim3A_7, %broadcast_in_dim3A_9 : vector<16xi1>, vector<16xi32>
            %parallel_loop3A_486 = arith.addi %while3A_476, %parallel_loop3A_485 : vector<16xi32>
            %parallel_loop3A_487 = tpu.vector_load_idx %arg11[%while3A_477] : memref<528xf32, #tpu.memory_space<vmem>>[vector<16xi32>], vector<16xf32>,
            %parallel_loop3A_488 = arith.cmpf ole, %parallel_loop3A_487, %parallel_loop3A_305 : vector<16xf32>
            %parallel_loop3A_489 = arith.select %parallel_loop3A_488, %broadcast_in_dim3A_7, %broadcast_in_dim3A_9 : vector<16xi1>, vector<16xi32>
            %parallel_loop3A_490 = arith.addi %while3A_477, %parallel_loop3A_489 : vector<16xi32>
            %parallel_loop3A_491 = tpu.vector_load_idx %arg11[%while3A_478] : memref<528xf32, #tpu.memory_space<vmem>>[vector<16xi32>], vector<16xf32>,
            %parallel_loop3A_492 = arith.cmpf ole, %parallel_loop3A_491, %parallel_loop3A_327 : vector<16xf32>
            %parallel_loop3A_493 = arith.select %parallel_loop3A_492, %broadcast_in_dim3A_7, %broadcast_in_dim3A_9 : vector<16xi1>, vector<16xi32>
            %parallel_loop3A_494 = arith.addi %while3A_478, %parallel_loop3A_493 : vector<16xi32>
            scf.yield %parallel_loop3A_482, %parallel_loop3A_486, %parallel_loop3A_490, %parallel_loop3A_494 : vector<16xi32>, vector<16xi32>, vector<16xi32>, vector<16xi32>
          }
          scf.yield %parallel_loop3A_475#0, %parallel_loop3A_475#1, %parallel_loop3A_475#2, %parallel_loop3A_475#3 : vector<16xi32>, vector<16xi32>, vector<16xi32>, vector<16xi32>
        } else {
          scf.yield %parallel_loop3A_278, %parallel_loop3A_299, %parallel_loop3A_321, %parallel_loop3A_343 : vector<16xi32>, vector<16xi32>, vector<16xi32>, vector<16xi32>
        }
        %parallel_loop3A_363 = arith.constant 0 : i32
        %parallel_loop3A_364 = arith.addi %parallel_loop3A_253, %parallel_loop3A_363 : i32
        %parallel_loop3A_365 = vector.broadcast %parallel_loop3A_364 : i32 to vector<16xi32>
        %parallel_loop3A_366 = arith.addi %parallel_loop3A_365, %iota3A : vector<16xi32>
        %parallel_loop3A_367 = arith.constant 1024 : i32
        %parallel_loop3A_368 = arith.muli %parallel_loop3A_235, %parallel_loop3A_367 : i32
        %parallel_loop3A_369 = vector.broadcast %parallel_loop3A_368 : i32 to vector<16xi32>
        %parallel_loop3A_370 = arith.addi %parallel_loop3A_369, %parallel_loop3A_366 : vector<16xi32>
        %parallel_loop3A_371 = arith.constant 2 : i32
        %parallel_loop3A_372 = vector.broadcast %parallel_loop3A_371 : i32 to vector<16xi32>
        %parallel_loop3A_373 = arith.muli %parallel_loop3A_366, %parallel_loop3A_372 : vector<16xi32>
        %parallel_loop3A_374 = tpu.vector_load_idx %arg9[%parallel_loop3A_257, %parallel_loop3A_373] : memref<8x2048xf32, #tpu.memory_space<vmem>>[vector<16xi32>, vector<16xi32>], vector<16xf32>,
        %parallel_loop3A_375 = arith.constant 1 : i32
        %parallel_loop3A_376 = vector.broadcast %parallel_loop3A_375 : i32 to vector<16xi32>
        %parallel_loop3A_377 = arith.addi %parallel_loop3A_373, %parallel_loop3A_376 : vector<16xi32>
        %parallel_loop3A_378 = tpu.vector_load_idx %arg9[%parallel_loop3A_257, %parallel_loop3A_377] : memref<8x2048xf32, #tpu.memory_space<vmem>>[vector<16xi32>, vector<16xi32>], vector<16xf32>,
        %parallel_loop3A_379 = arith.constant 2 : i32
        %parallel_loop3A_380 = vector.broadcast %parallel_loop3A_379 : i32 to vector<16xi32>
        %parallel_loop3A_381 = arith.muli %parallel_loop3A_362#0, %parallel_loop3A_380 : vector<16xi32>
        tpu.vector_store_idx %arg14[%parallel_loop3A_381], %parallel_loop3A_374 {add = true} : memref<1056xf32, #tpu.memory_space<vmem>>[vector<16xi32>], vector<16xf32>,
        %parallel_loop3A_382 = arith.constant 1 : i32
        %parallel_loop3A_383 = vector.broadcast %parallel_loop3A_382 : i32 to vector<16xi32>
        %parallel_loop3A_384 = arith.addi %parallel_loop3A_381, %parallel_loop3A_383 : vector<16xi32>
        tpu.vector_store_idx %arg14[%parallel_loop3A_384], %parallel_loop3A_378 {add = true} : memref<1056xf32, #tpu.memory_space<vmem>>[vector<16xi32>], vector<16xf32>,
        %parallel_loop3A_385 = arith.cmpf olt, %parallel_loop3A_262, %parallel_loop3A_204 : vector<16xf32>
        %parallel_loop3A_386 = arith.sitofp %parallel_loop3A_370 : vector<16xi32> to vector<16xf32>
        %parallel_loop3A_387 = vector.broadcast %convert_element_type3A_90 : f32 to vector<16xf32>
        %parallel_loop3A_388 = arith.addf %parallel_loop3A_387, %parallel_loop3A_386 : vector<16xf32>
        %parallel_loop3A_389 = arith.select %parallel_loop3A_385, %parallel_loop3A_262, %parallel_loop3A_204 : vector<16xi1>, vector<16xf32>
        %parallel_loop3A_390 = arith.select %parallel_loop3A_385, %parallel_loop3A_388, %parallel_loop3A_208 : vector<16xi1>, vector<16xf32>
        %parallel_loop3A_391 = arith.constant 16 : i32
        %parallel_loop3A_392 = arith.addi %parallel_loop3A_253, %parallel_loop3A_391 : i32
        %parallel_loop3A_393 = vector.broadcast %parallel_loop3A_392 : i32 to vector<16xi32>
        %parallel_loop3A_394 = arith.addi %parallel_loop3A_393, %iota3A : vector<16xi32>
        %parallel_loop3A_395 = arith.constant 1024 : i32
        %parallel_loop3A_396 = arith.muli %parallel_loop3A_235, %parallel_loop3A_395 : i32
        %parallel_loop3A_397 = vector.broadcast %parallel_loop3A_396 : i32 to vector<16xi32>
        %parallel_loop3A_398 = arith.addi %parallel_loop3A_397, %parallel_loop3A_394 : vector<16xi32>
        %parallel_loop3A_399 = arith.constant 2 : i32
        %parallel_loop3A_400 = vector.broadcast %parallel_loop3A_399 : i32 to vector<16xi32>
        %parallel_loop3A_401 = arith.muli %parallel_loop3A_394, %parallel_loop3A_400 : vector<16xi32>
        %parallel_loop3A_402 = tpu.vector_load_idx %arg9[%parallel_loop3A_257, %parallel_loop3A_401] : memref<8x2048xf32, #tpu.memory_space<vmem>>[vector<16xi32>, vector<16xi32>], vector<16xf32>,
        %parallel_loop3A_403 = arith.constant 1 : i32
        %parallel_loop3A_404 = vector.broadcast %parallel_loop3A_403 : i32 to vector<16xi32>
        %parallel_loop3A_405 = arith.addi %parallel_loop3A_401, %parallel_loop3A_404 : vector<16xi32>
        %parallel_loop3A_406 = tpu.vector_load_idx %arg9[%parallel_loop3A_257, %parallel_loop3A_405] : memref<8x2048xf32, #tpu.memory_space<vmem>>[vector<16xi32>, vector<16xi32>], vector<16xf32>,
        %parallel_loop3A_407 = arith.constant 2 : i32
        %parallel_loop3A_408 = vector.broadcast %parallel_loop3A_407 : i32 to vector<16xi32>
        %parallel_loop3A_409 = arith.muli %parallel_loop3A_362#1, %parallel_loop3A_408 : vector<16xi32>
        tpu.vector_store_idx %arg14[%parallel_loop3A_409], %parallel_loop3A_402 {add = true} : memref<1056xf32, #tpu.memory_space<vmem>>[vector<16xi32>], vector<16xf32>,
        %parallel_loop3A_410 = arith.constant 1 : i32
        %parallel_loop3A_411 = vector.broadcast %parallel_loop3A_410 : i32 to vector<16xi32>
        %parallel_loop3A_412 = arith.addi %parallel_loop3A_409, %parallel_loop3A_411 : vector<16xi32>
        tpu.vector_store_idx %arg14[%parallel_loop3A_412], %parallel_loop3A_406 {add = true} : memref<1056xf32, #tpu.memory_space<vmem>>[vector<16xi32>], vector<16xf32>,
        %parallel_loop3A_413 = arith.cmpf olt, %parallel_loop3A_283, %parallel_loop3A_205 : vector<16xf32>
        %parallel_loop3A_414 = arith.sitofp %parallel_loop3A_398 : vector<16xi32> to vector<16xf32>
        %parallel_loop3A_415 = vector.broadcast %convert_element_type3A_90 : f32 to vector<16xf32>
        %parallel_loop3A_416 = arith.addf %parallel_loop3A_415, %parallel_loop3A_414 : vector<16xf32>
        %parallel_loop3A_417 = arith.select %parallel_loop3A_413, %parallel_loop3A_283, %parallel_loop3A_205 : vector<16xi1>, vector<16xf32>
        %parallel_loop3A_418 = arith.select %parallel_loop3A_413, %parallel_loop3A_416, %parallel_loop3A_209 : vector<16xi1>, vector<16xf32>
        %parallel_loop3A_419 = arith.constant 32 : i32
        %parallel_loop3A_420 = arith.addi %parallel_loop3A_253, %parallel_loop3A_419 : i32
        %parallel_loop3A_421 = vector.broadcast %parallel_loop3A_420 : i32 to vector<16xi32>
        %parallel_loop3A_422 = arith.addi %parallel_loop3A_421, %iota3A : vector<16xi32>
        %parallel_loop3A_423 = arith.constant 1024 : i32
        %parallel_loop3A_424 = arith.muli %parallel_loop3A_235, %parallel_loop3A_423 : i32
        %parallel_loop3A_425 = vector.broadcast %parallel_loop3A_424 : i32 to vector<16xi32>
        %parallel_loop3A_426 = arith.addi %parallel_loop3A_425, %parallel_loop3A_422 : vector<16xi32>
        %parallel_loop3A_427 = arith.constant 2 : i32
        %parallel_loop3A_428 = vector.broadcast %parallel_loop3A_427 : i32 to vector<16xi32>
        %parallel_loop3A_429 = arith.muli %parallel_loop3A_422, %parallel_loop3A_428 : vector<16xi32>
        %parallel_loop3A_430 = tpu.vector_load_idx %arg9[%parallel_loop3A_257, %parallel_loop3A_429] : memref<8x2048xf32, #tpu.memory_space<vmem>>[vector<16xi32>, vector<16xi32>], vector<16xf32>,
        %parallel_loop3A_431 = arith.constant 1 : i32
        %parallel_loop3A_432 = vector.broadcast %parallel_loop3A_431 : i32 to vector<16xi32>
        %parallel_loop3A_433 = arith.addi %parallel_loop3A_429, %parallel_loop3A_432 : vector<16xi32>
        %parallel_loop3A_434 = tpu.vector_load_idx %arg9[%parallel_loop3A_257, %parallel_loop3A_433] : memref<8x2048xf32, #tpu.memory_space<vmem>>[vector<16xi32>, vector<16xi32>], vector<16xf32>,
        %parallel_loop3A_435 = arith.constant 2 : i32
        %parallel_loop3A_436 = vector.broadcast %parallel_loop3A_435 : i32 to vector<16xi32>
        %parallel_loop3A_437 = arith.muli %parallel_loop3A_362#2, %parallel_loop3A_436 : vector<16xi32>
        tpu.vector_store_idx %arg14[%parallel_loop3A_437], %parallel_loop3A_430 {add = true} : memref<1056xf32, #tpu.memory_space<vmem>>[vector<16xi32>], vector<16xf32>,
        %parallel_loop3A_438 = arith.constant 1 : i32
        %parallel_loop3A_439 = vector.broadcast %parallel_loop3A_438 : i32 to vector<16xi32>
        %parallel_loop3A_440 = arith.addi %parallel_loop3A_437, %parallel_loop3A_439 : vector<16xi32>
        tpu.vector_store_idx %arg14[%parallel_loop3A_440], %parallel_loop3A_434 {add = true} : memref<1056xf32, #tpu.memory_space<vmem>>[vector<16xi32>], vector<16xf32>,
        %parallel_loop3A_441 = arith.cmpf olt, %parallel_loop3A_305, %parallel_loop3A_206 : vector<16xf32>
        %parallel_loop3A_442 = arith.sitofp %parallel_loop3A_426 : vector<16xi32> to vector<16xf32>
        %parallel_loop3A_443 = vector.broadcast %convert_element_type3A_90 : f32 to vector<16xf32>
        %parallel_loop3A_444 = arith.addf %parallel_loop3A_443, %parallel_loop3A_442 : vector<16xf32>
        %parallel_loop3A_445 = arith.select %parallel_loop3A_441, %parallel_loop3A_305, %parallel_loop3A_206 : vector<16xi1>, vector<16xf32>
        %parallel_loop3A_446 = arith.select %parallel_loop3A_441, %parallel_loop3A_444, %parallel_loop3A_210 : vector<16xi1>, vector<16xf32>
        %parallel_loop3A_447 = arith.constant 48 : i32
        %parallel_loop3A_448 = arith.addi %parallel_loop3A_253, %parallel_loop3A_447 : i32
        %parallel_loop3A_449 = vector.broadcast %parallel_loop3A_448 : i32 to vector<16xi32>
        %parallel_loop3A_450 = arith.addi %parallel_loop3A_449, %iota3A : vector<16xi32>
        %parallel_loop3A_451 = arith.constant 1024 : i32
        %parallel_loop3A_452 = arith.muli %parallel_loop3A_235, %parallel_loop3A_451 : i32
        %parallel_loop3A_453 = vector.broadcast %parallel_loop3A_452 : i32 to vector<16xi32>
        %parallel_loop3A_454 = arith.addi %parallel_loop3A_453, %parallel_loop3A_450 : vector<16xi32>
        %parallel_loop3A_455 = arith.constant 2 : i32
        %parallel_loop3A_456 = vector.broadcast %parallel_loop3A_455 : i32 to vector<16xi32>
        %parallel_loop3A_457 = arith.muli %parallel_loop3A_450, %parallel_loop3A_456 : vector<16xi32>
        %parallel_loop3A_458 = tpu.vector_load_idx %arg9[%parallel_loop3A_257, %parallel_loop3A_457] : memref<8x2048xf32, #tpu.memory_space<vmem>>[vector<16xi32>, vector<16xi32>], vector<16xf32>,
        %parallel_loop3A_459 = arith.constant 1 : i32
        %parallel_loop3A_460 = vector.broadcast %parallel_loop3A_459 : i32 to vector<16xi32>
        %parallel_loop3A_461 = arith.addi %parallel_loop3A_457, %parallel_loop3A_460 : vector<16xi32>
        %parallel_loop3A_462 = tpu.vector_load_idx %arg9[%parallel_loop3A_257, %parallel_loop3A_461] : memref<8x2048xf32, #tpu.memory_space<vmem>>[vector<16xi32>, vector<16xi32>], vector<16xf32>,
        %parallel_loop3A_463 = arith.constant 2 : i32
        %parallel_loop3A_464 = vector.broadcast %parallel_loop3A_463 : i32 to vector<16xi32>
        %parallel_loop3A_465 = arith.muli %parallel_loop3A_362#3, %parallel_loop3A_464 : vector<16xi32>
        tpu.vector_store_idx %arg14[%parallel_loop3A_465], %parallel_loop3A_458 {add = true} : memref<1056xf32, #tpu.memory_space<vmem>>[vector<16xi32>], vector<16xf32>,
        %parallel_loop3A_466 = arith.constant 1 : i32
        %parallel_loop3A_467 = vector.broadcast %parallel_loop3A_466 : i32 to vector<16xi32>
        %parallel_loop3A_468 = arith.addi %parallel_loop3A_465, %parallel_loop3A_467 : vector<16xi32>
        tpu.vector_store_idx %arg14[%parallel_loop3A_468], %parallel_loop3A_462 {add = true} : memref<1056xf32, #tpu.memory_space<vmem>>[vector<16xi32>], vector<16xf32>,
        %parallel_loop3A_469 = arith.cmpf olt, %parallel_loop3A_327, %parallel_loop3A_207 : vector<16xf32>
        %parallel_loop3A_470 = arith.sitofp %parallel_loop3A_454 : vector<16xi32> to vector<16xf32>
        %parallel_loop3A_471 = vector.broadcast %convert_element_type3A_90 : f32 to vector<16xf32>
        %parallel_loop3A_472 = arith.addf %parallel_loop3A_471, %parallel_loop3A_470 : vector<16xf32>
        %parallel_loop3A_473 = arith.select %parallel_loop3A_469, %parallel_loop3A_327, %parallel_loop3A_207 : vector<16xi1>, vector<16xf32>
        %parallel_loop3A_474 = arith.select %parallel_loop3A_469, %parallel_loop3A_472, %parallel_loop3A_211 : vector<16xi1>, vector<16xf32>
        scf.yield %parallel_loop3A_389, %parallel_loop3A_417, %parallel_loop3A_445, %parallel_loop3A_473, %parallel_loop3A_390, %parallel_loop3A_418, %parallel_loop3A_446, %parallel_loop3A_474 : vector<16xf32>, vector<16xf32>, vector<16xf32>, vector<16xf32>, vector<16xf32>, vector<16xf32>, vector<16xf32>, vector<16xf32>
      } {sc.loop_unroll_factor = 4 : i64, sc.parallel_access}
      %add3A_94 = arith.constant 16 : i32
      %add3A_95 = arith.addi %mul3A_31, %add3A_94 : i32
      %dma_start3A_96 = arith.constant 0 : i32
      %dma_start3A_97 = tpu.memref_slice %arg2[%scan3A_18, %add3A_95, %dma_start3A_96] : memref<8x1024x1024xf32, #tpu.memory_space<hbm>> -> memref<1x8x1024xf32, #tpu.memory_space<hbm>>
      %dma_start3A_98 = tpu.memref_squeeze %dma_start3A_97 : memref<1x8x1024xf32, #tpu.memory_space<hbm>> -> memref<8x1024xf32, #tpu.memory_space<hbm>>
      %dma_start3A_99 = arith.constant 0 : i32
      %dma_start3A_100 = tpu.memref_slice %arg2[%scan3A_18, %add3A_95, %dma_start3A_99] : memref<8x1024x1024xf32, #tpu.memory_space<hbm>> -> memref<1x8x1024xf32, #tpu.memory_space<hbm>>
      %dma_start3A_101 = tpu.memref_squeeze %dma_start3A_100 : memref<1x8x1024xf32, #tpu.memory_space<hbm>> -> memref<8x1024xf32, #tpu.memory_space<hbm>>
      tpu.enqueue_dma source(%dma_start3A_101 : memref<8x1024xf32, #tpu.memory_space<hbm>>) target(%arg7 : memref<8x1024xf32, #tpu.memory_space<vmem>>) target_semaphore(%arg17 : memref<!tpu.dma_semaphore, #tpu.memory_space<semaphore_mem>>)
      %mul3A_102 = arith.constant 1024 : i32
      %mul3A_103 = arith.muli %scan3A_18, %mul3A_102 : i32
      %add3A_104 = arith.addi %mul3A_103, %add3A_95 : i32
      %dma_start3A_105 = arith.constant 0 : i32
      %dma_start3A_106 = tpu.memref_slice %arg4[%add3A_104, %dma_start3A_105] : memref<8192x2048xf32, #tpu.memory_space<hbm>> -> memref<8x2048xf32, #tpu.memory_space<hbm>>
      %dma_start3A_107 = arith.constant 0 : i32
      %dma_start3A_108 = tpu.memref_slice %arg4[%add3A_104, %dma_start3A_107] : memref<8192x2048xf32, #tpu.memory_space<hbm>> -> memref<8x2048xf32, #tpu.memory_space<hbm>>
      tpu.enqueue_dma source(%dma_start3A_108 : memref<8x2048xf32, #tpu.memory_space<hbm>>) target(%arg9 : memref<8x2048xf32, #tpu.memory_space<vmem>>) target_semaphore(%arg19 : memref<!tpu.dma_semaphore, #tpu.memory_space<semaphore_mem>>)
      %dma_wait3A_109 = arith.constant 0 : i32
      %dma_wait3A_110 = tpu.memref_slice %arg2[%scan3A_18, %add3A_63, %dma_wait3A_109] : memref<8x1024x1024xf32, #tpu.memory_space<hbm>> -> memref<1x8x1024xf32, #tpu.memory_space<hbm>>
      %dma_wait3A_111 = tpu.memref_squeeze %dma_wait3A_110 : memref<1x8x1024xf32, #tpu.memory_space<hbm>> -> memref<8x1024xf32, #tpu.memory_space<hbm>>
      %dma_wait3A_112 = arith.constant 0 : i32
      %dma_wait3A_113 = tpu.memref_slice %arg2[%scan3A_18, %add3A_63, %dma_wait3A_112] : memref<8x1024x1024xf32, #tpu.memory_space<hbm>> -> memref<1x8x1024xf32, #tpu.memory_space<hbm>>
      %dma_wait3A_114 = tpu.memref_squeeze %dma_wait3A_113 : memref<1x8x1024xf32, #tpu.memory_space<hbm>> -> memref<8x1024xf32, #tpu.memory_space<hbm>>
      tpu.wait_dma2 semaphore(%arg18 : memref<!tpu.dma_semaphore, #tpu.memory_space<semaphore_mem>>) src(%dma_wait3A_114 : memref<8x1024xf32, #tpu.memory_space<hbm>>) dst(%arg8 : memref<8x1024xf32, #tpu.memory_space<vmem>>)
      %dma_wait3A_115 = arith.constant 0 : i32
      %dma_wait3A_116 = tpu.memref_slice %arg4[%add3A_72, %dma_wait3A_115] : memref<8192x2048xf32, #tpu.memory_space<hbm>> -> memref<8x2048xf32, #tpu.memory_space<hbm>>
      %dma_wait3A_117 = arith.constant 0 : i32
      %dma_wait3A_118 = tpu.memref_slice %arg4[%add3A_72, %dma_wait3A_117] : memref<8192x2048xf32, #tpu.memory_space<hbm>> -> memref<8x2048xf32, #tpu.memory_space<hbm>>
      tpu.wait_dma2 semaphore(%arg20 : memref<!tpu.dma_semaphore, #tpu.memory_space<semaphore_mem>>) src(%dma_wait3A_118 : memref<8x2048xf32, #tpu.memory_space<hbm>>) dst(%arg10 : memref<8x2048xf32, #tpu.memory_space<vmem>>)
      %add3A_119 = arith.constant 8 : i32
      %add3A_120 = arith.addi %mul3A_31, %add3A_119 : i32
      %mul3A_121 = arith.constant 1024 : i32
      %mul3A_122 = arith.muli %add3A_120, %mul3A_121 : i32
      %convert_element_type3A_123 = arith.sitofp %mul3A_122 : i32 to f32
      %parallel_loop3A_124 = arith.constant 0 : i32
      %parallel_loop3A_125 = arith.constant 128 : i32
      %parallel_loop3A_126 = arith.constant 1 : i32
      %parallel_loop3A_127:8 = scf.for %parallel_loop3A_203 = %parallel_loop3A_124 to %parallel_loop3A_125 step %parallel_loop3A_126 iter_args(%parallel_loop3A_204 = %parallel_loop3A_93#0, %parallel_loop3A_205 = %parallel_loop3A_93#1, %parallel_loop3A_206 = %parallel_loop3A_93#2, %parallel_loop3A_207 = %parallel_loop3A_93#3, %parallel_loop3A_208 = %parallel_loop3A_93#4, %parallel_loop3A_209 = %parallel_loop3A_93#5, %parallel_loop3A_210 = %parallel_loop3A_93#6, %parallel_loop3A_211 = %parallel_loop3A_93#7) -> (vector<16xf32>, vector<16xf32>, vector<16xf32>, vector<16xf32>, vector<16xf32>, vector<16xf32>, vector<16xf32>, vector<16xf32>)  : i32 {
        %parallel_loop3A_212 = arith.constant 16 : i32
        %parallel_loop3A_213 = arith.divsi %parallel_loop3A_203, %parallel_loop3A_212 : i32
        %parallel_loop3A_214 = arith.constant 0 : i32
        %parallel_loop3A_215 = arith.cmpi sgt, %parallel_loop3A_203, %parallel_loop3A_214 : i32
        %parallel_loop3A_216 = arith.extui %parallel_loop3A_215 : i1 to i32
        %parallel_loop3A_217 = arith.constant 0 : i32
        %parallel_loop3A_218 = arith.cmpi slt, %parallel_loop3A_203, %parallel_loop3A_217 : i32
        %parallel_loop3A_219 = arith.extui %parallel_loop3A_218 : i1 to i32
        %parallel_loop3A_220 = arith.subi %parallel_loop3A_216, %parallel_loop3A_219 : i32
        %parallel_loop3A_221 = arith.constant 0 : i32
        %parallel_loop3A_222 = arith.cmpi sgt, %parallel_loop3A_212, %parallel_loop3A_221 : i32
        %parallel_loop3A_223 = arith.extui %parallel_loop3A_222 : i1 to i32
        %parallel_loop3A_224 = arith.constant 0 : i32
        %parallel_loop3A_225 = arith.cmpi slt, %parallel_loop3A_212, %parallel_loop3A_224 : i32
        %parallel_loop3A_226 = arith.extui %parallel_loop3A_225 : i1 to i32
        %parallel_loop3A_227 = arith.subi %parallel_loop3A_223, %parallel_loop3A_226 : i32
        %parallel_loop3A_228 = arith.cmpi ne, %parallel_loop3A_220, %parallel_loop3A_227 : i32
        %parallel_loop3A_229 = arith.remsi %parallel_loop3A_203, %parallel_loop3A_212 : i32
        %parallel_loop3A_230 = arith.constant 0 : i32
        %parallel_loop3A_231 = arith.cmpi ne, %parallel_loop3A_229, %parallel_loop3A_230 : i32
        %parallel_loop3A_232 = arith.andi %parallel_loop3A_228, %parallel_loop3A_231 : i1
        %parallel_loop3A_233 = arith.constant 1 : i32
        %parallel_loop3A_234 = arith.subi %parallel_loop3A_213, %parallel_loop3A_233 : i32
        %parallel_loop3A_235 = arith.select %parallel_loop3A_232, %parallel_loop3A_234, %parallel_loop3A_213 : i32
        %parallel_loop3A_236 = arith.constant 16 : i32
        %parallel_loop3A_237 = arith.constant 0 : i32
        %parallel_loop3A_238 = arith.cmpi eq, %parallel_loop3A_236, %parallel_loop3A_237 : i32
        %parallel_loop3A_239 = arith.constant 1 : i32
        %parallel_loop3A_240 = arith.select %parallel_loop3A_238, %parallel_loop3A_239, %parallel_loop3A_236 : i32
        %parallel_loop3A_241 = arith.remsi %parallel_loop3A_203, %parallel_loop3A_240 : i32
        %parallel_loop3A_242 = arith.constant 0 : i32
        %parallel_loop3A_243 = arith.cmpi ne, %parallel_loop3A_241, %parallel_loop3A_242 : i32
        %parallel_loop3A_244 = arith.constant 0 : i32
        %parallel_loop3A_245 = arith.cmpi slt, %parallel_loop3A_241, %parallel_loop3A_244 : i32
        %parallel_loop3A_246 = arith.constant 0 : i32
        %parallel_loop3A_247 = arith.cmpi slt, %parallel_loop3A_240, %parallel_loop3A_246 : i32
        %parallel_loop3A_248 = arith.xori %parallel_loop3A_245, %parallel_loop3A_247 : i1
        %parallel_loop3A_249 = arith.andi %parallel_loop3A_248, %parallel_loop3A_243 : i1
        %parallel_loop3A_250 = arith.addi %parallel_loop3A_241, %parallel_loop3A_240 : i32
        %parallel_loop3A_251 = arith.select %parallel_loop3A_249, %parallel_loop3A_250, %parallel_loop3A_241 : i32
        %parallel_loop3A_252 = arith.constant 64 : i32
        %parallel_loop3A_253 = arith.muli %parallel_loop3A_251, %parallel_loop3A_252 : i32
        %parallel_loop3A_254 = arith.constant 0 : i32
        %parallel_loop3A_255 = vector.broadcast %parallel_loop3A_254 : i32 to vector<16xi32>
        %parallel_loop3A_256 = vector.broadcast %parallel_loop3A_235 : i32 to vector<16xi32>
        %parallel_loop3A_257 = arith.addi %parallel_loop3A_255, %parallel_loop3A_256 : vector<16xi32>
        %parallel_loop3A_258 = arith.constant 0 : i32
        %parallel_loop3A_259 = arith.addi %parallel_loop3A_253, %parallel_loop3A_258 : i32
        %parallel_loop3A_260 = arith.index_cast %parallel_loop3A_235 : i32 to index
        %parallel_loop3A_261 = arith.index_cast %parallel_loop3A_259 : i32 to index
        %parallel_loop3A_262 = tpu.vector_load %arg8[%parallel_loop3A_260, %parallel_loop3A_261] {strides = array<i32>} : memref<8x1024xf32, #tpu.memory_space<vmem>>, vector<16xf32>,
        %parallel_loop3A_263 = arith.constant 8.192000e+03 : f32
        %parallel_loop3A_264 = vector.broadcast %parallel_loop3A_263 : f32 to vector<16xf32>
        %parallel_loop3A_265 = arith.mulf %parallel_loop3A_262, %parallel_loop3A_264 : vector<16xf32>
        %parallel_loop3A_266 = arith.fptosi %parallel_loop3A_265 : vector<16xf32> to vector<16xi32>
        %parallel_loop3A_267 = arith.constant 8191 : i32
        %parallel_loop3A_268 = vector.broadcast %parallel_loop3A_267 : i32 to vector<16xi32>
        %parallel_loop3A_269 = arith.minsi %parallel_loop3A_266, %parallel_loop3A_268 : vector<16xi32>
        %parallel_loop3A_270 = tpu.vector_load_idx %arg13[%parallel_loop3A_269] : memref<8192xi32, #tpu.memory_space<vmem>>[vector<16xi32>], vector<16xi32>,
        %parallel_loop3A_271 = arith.constant 1 : i32
        %parallel_loop3A_272 = vector.broadcast %parallel_loop3A_271 : i32 to vector<16xi32>
        %parallel_loop3A_273 = arith.shrui %parallel_loop3A_270, %parallel_loop3A_272 : vector<16xi32>
        %parallel_loop3A_274 = arith.andi %parallel_loop3A_270, %broadcast_in_dim3A_7 : vector<16xi32>
        %parallel_loop3A_275 = tpu.vector_load_idx %arg11[%parallel_loop3A_273] : memref<528xf32, #tpu.memory_space<vmem>>[vector<16xi32>], vector<16xf32>,
        %parallel_loop3A_276 = arith.cmpf ole, %parallel_loop3A_275, %parallel_loop3A_262 : vector<16xf32>
        %parallel_loop3A_277 = arith.select %parallel_loop3A_276, %broadcast_in_dim3A_7, %broadcast_in_dim3A_9 : vector<16xi1>, vector<16xi32>
        %parallel_loop3A_278 = arith.addi %parallel_loop3A_273, %parallel_loop3A_277 : vector<16xi32>
        %parallel_loop3A_279 = arith.constant 16 : i32
        %parallel_loop3A_280 = arith.addi %parallel_loop3A_253, %parallel_loop3A_279 : i32
        %parallel_loop3A_281 = arith.index_cast %parallel_loop3A_235 : i32 to index
        %parallel_loop3A_282 = arith.index_cast %parallel_loop3A_280 : i32 to index
        %parallel_loop3A_283 = tpu.vector_load %arg8[%parallel_loop3A_281, %parallel_loop3A_282] {strides = array<i32>} : memref<8x1024xf32, #tpu.memory_space<vmem>>, vector<16xf32>,
        %parallel_loop3A_284 = arith.constant 8.192000e+03 : f32
        %parallel_loop3A_285 = vector.broadcast %parallel_loop3A_284 : f32 to vector<16xf32>
        %parallel_loop3A_286 = arith.mulf %parallel_loop3A_283, %parallel_loop3A_285 : vector<16xf32>
        %parallel_loop3A_287 = arith.fptosi %parallel_loop3A_286 : vector<16xf32> to vector<16xi32>
        %parallel_loop3A_288 = arith.constant 8191 : i32
        %parallel_loop3A_289 = vector.broadcast %parallel_loop3A_288 : i32 to vector<16xi32>
        %parallel_loop3A_290 = arith.minsi %parallel_loop3A_287, %parallel_loop3A_289 : vector<16xi32>
        %parallel_loop3A_291 = tpu.vector_load_idx %arg13[%parallel_loop3A_290] : memref<8192xi32, #tpu.memory_space<vmem>>[vector<16xi32>], vector<16xi32>,
        %parallel_loop3A_292 = arith.constant 1 : i32
        %parallel_loop3A_293 = vector.broadcast %parallel_loop3A_292 : i32 to vector<16xi32>
        %parallel_loop3A_294 = arith.shrui %parallel_loop3A_291, %parallel_loop3A_293 : vector<16xi32>
        %parallel_loop3A_295 = arith.andi %parallel_loop3A_291, %broadcast_in_dim3A_7 : vector<16xi32>
        %parallel_loop3A_296 = tpu.vector_load_idx %arg11[%parallel_loop3A_294] : memref<528xf32, #tpu.memory_space<vmem>>[vector<16xi32>], vector<16xf32>,
        %parallel_loop3A_297 = arith.cmpf ole, %parallel_loop3A_296, %parallel_loop3A_283 : vector<16xf32>
        %parallel_loop3A_298 = arith.select %parallel_loop3A_297, %broadcast_in_dim3A_7, %broadcast_in_dim3A_9 : vector<16xi1>, vector<16xi32>
        %parallel_loop3A_299 = arith.addi %parallel_loop3A_294, %parallel_loop3A_298 : vector<16xi32>
        %parallel_loop3A_300 = arith.ori %parallel_loop3A_274, %parallel_loop3A_295 : vector<16xi32>
        %parallel_loop3A_301 = arith.constant 32 : i32
        %parallel_loop3A_302 = arith.addi %parallel_loop3A_253, %parallel_loop3A_301 : i32
        %parallel_loop3A_303 = arith.index_cast %parallel_loop3A_235 : i32 to index
        %parallel_loop3A_304 = arith.index_cast %parallel_loop3A_302 : i32 to index
        %parallel_loop3A_305 = tpu.vector_load %arg8[%parallel_loop3A_303, %parallel_loop3A_304] {strides = array<i32>} : memref<8x1024xf32, #tpu.memory_space<vmem>>, vector<16xf32>,
        %parallel_loop3A_306 = arith.constant 8.192000e+03 : f32
        %parallel_loop3A_307 = vector.broadcast %parallel_loop3A_306 : f32 to vector<16xf32>
        %parallel_loop3A_308 = arith.mulf %parallel_loop3A_305, %parallel_loop3A_307 : vector<16xf32>
        %parallel_loop3A_309 = arith.fptosi %parallel_loop3A_308 : vector<16xf32> to vector<16xi32>
        %parallel_loop3A_310 = arith.constant 8191 : i32
        %parallel_loop3A_311 = vector.broadcast %parallel_loop3A_310 : i32 to vector<16xi32>
        %parallel_loop3A_312 = arith.minsi %parallel_loop3A_309, %parallel_loop3A_311 : vector<16xi32>
        %parallel_loop3A_313 = tpu.vector_load_idx %arg13[%parallel_loop3A_312] : memref<8192xi32, #tpu.memory_space<vmem>>[vector<16xi32>], vector<16xi32>,
        %parallel_loop3A_314 = arith.constant 1 : i32
        %parallel_loop3A_315 = vector.broadcast %parallel_loop3A_314 : i32 to vector<16xi32>
        %parallel_loop3A_316 = arith.shrui %parallel_loop3A_313, %parallel_loop3A_315 : vector<16xi32>
        %parallel_loop3A_317 = arith.andi %parallel_loop3A_313, %broadcast_in_dim3A_7 : vector<16xi32>
        %parallel_loop3A_318 = tpu.vector_load_idx %arg11[%parallel_loop3A_316] : memref<528xf32, #tpu.memory_space<vmem>>[vector<16xi32>], vector<16xf32>,
        %parallel_loop3A_319 = arith.cmpf ole, %parallel_loop3A_318, %parallel_loop3A_305 : vector<16xf32>
        %parallel_loop3A_320 = arith.select %parallel_loop3A_319, %broadcast_in_dim3A_7, %broadcast_in_dim3A_9 : vector<16xi1>, vector<16xi32>
        %parallel_loop3A_321 = arith.addi %parallel_loop3A_316, %parallel_loop3A_320 : vector<16xi32>
        %parallel_loop3A_322 = arith.ori %parallel_loop3A_300, %parallel_loop3A_317 : vector<16xi32>
        %parallel_loop3A_323 = arith.constant 48 : i32
        %parallel_loop3A_324 = arith.addi %parallel_loop3A_253, %parallel_loop3A_323 : i32
        %parallel_loop3A_325 = arith.index_cast %parallel_loop3A_235 : i32 to index
        %parallel_loop3A_326 = arith.index_cast %parallel_loop3A_324 : i32 to index
        %parallel_loop3A_327 = tpu.vector_load %arg8[%parallel_loop3A_325, %parallel_loop3A_326] {strides = array<i32>} : memref<8x1024xf32, #tpu.memory_space<vmem>>, vector<16xf32>,
        %parallel_loop3A_328 = arith.constant 8.192000e+03 : f32
        %parallel_loop3A_329 = vector.broadcast %parallel_loop3A_328 : f32 to vector<16xf32>
        %parallel_loop3A_330 = arith.mulf %parallel_loop3A_327, %parallel_loop3A_329 : vector<16xf32>
        %parallel_loop3A_331 = arith.fptosi %parallel_loop3A_330 : vector<16xf32> to vector<16xi32>
        %parallel_loop3A_332 = arith.constant 8191 : i32
        %parallel_loop3A_333 = vector.broadcast %parallel_loop3A_332 : i32 to vector<16xi32>
        %parallel_loop3A_334 = arith.minsi %parallel_loop3A_331, %parallel_loop3A_333 : vector<16xi32>
        %parallel_loop3A_335 = tpu.vector_load_idx %arg13[%parallel_loop3A_334] : memref<8192xi32, #tpu.memory_space<vmem>>[vector<16xi32>], vector<16xi32>,
        %parallel_loop3A_336 = arith.constant 1 : i32
        %parallel_loop3A_337 = vector.broadcast %parallel_loop3A_336 : i32 to vector<16xi32>
        %parallel_loop3A_338 = arith.shrui %parallel_loop3A_335, %parallel_loop3A_337 : vector<16xi32>
        %parallel_loop3A_339 = arith.andi %parallel_loop3A_335, %broadcast_in_dim3A_7 : vector<16xi32>
        %parallel_loop3A_340 = tpu.vector_load_idx %arg11[%parallel_loop3A_338] : memref<528xf32, #tpu.memory_space<vmem>>[vector<16xi32>], vector<16xf32>,
        %parallel_loop3A_341 = arith.cmpf ole, %parallel_loop3A_340, %parallel_loop3A_327 : vector<16xf32>
        %parallel_loop3A_342 = arith.select %parallel_loop3A_341, %broadcast_in_dim3A_7, %broadcast_in_dim3A_9 : vector<16xi1>, vector<16xi32>
        %parallel_loop3A_343 = arith.addi %parallel_loop3A_338, %parallel_loop3A_342 : vector<16xi32>
        %parallel_loop3A_344 = arith.ori %parallel_loop3A_322, %parallel_loop3A_339 : vector<16xi32>
        %parallel_loop3A_345 = arith.constant 0 : i32
        %parallel_loop3A_346 = vector.broadcast %parallel_loop3A_345 : i32 to vector<16xi32>
        %parallel_loop3A_347 = arith.cmpi sgt, %parallel_loop3A_344, %parallel_loop3A_346 : vector<16xi32>
        %parallel_loop3A_348 = arith.constant 1.000000e+00 : f32
        %parallel_loop3A_349 = arith.constant 0.000000e+00 : f32
        %parallel_loop3A_350 = vector.broadcast %parallel_loop3A_348 : f32 to vector<16xf32>
        %parallel_loop3A_351 = vector.broadcast %parallel_loop3A_349 : f32 to vector<16xf32>
        %parallel_loop3A_352 = arith.select %parallel_loop3A_347, %parallel_loop3A_350, %parallel_loop3A_351 : vector<16xi1>, vector<16xf32>
        %parallel_loop3A_353 = arith.constant true
        %parallel_loop3A_354 = vector.broadcast %parallel_loop3A_353 : i1 to vector<16xi1>
        %parallel_loop3A_355 = tpu.scan <max>, %parallel_loop3A_352 masked %parallel_loop3A_354 : vector<16xf32>, vector<16xi1> -> vector<16xf32>
        %parallel_loop3A_356 = vector.extract %parallel_loop3A_355[15] : f32 from vector<16xf32>
        %parallel_loop3A_357 = arith.constant 0.000000e+00 : f32
        %parallel_loop3A_358 = arith.cmpf ogt, %parallel_loop3A_356, %parallel_loop3A_357 : f32
        %parallel_loop3A_359 = arith.extui %parallel_loop3A_358 : i1 to i32
        %parallel_loop3A_360 = arith.constant 0 : i32
        %parallel_loop3A_361 = arith.cmpi ne, %parallel_loop3A_359, %parallel_loop3A_360 : i32
        %parallel_loop3A_362:4 = scf.if %parallel_loop3A_361 -> (vector<16xi32>, vector<16xi32>, vector<16xi32>, vector<16xi32>) {
          %parallel_loop3A_475:4 = scf.while (%while3A = %parallel_loop3A_278, %while3A_476 = %parallel_loop3A_299, %while3A_477 = %parallel_loop3A_321, %while3A_478 = %parallel_loop3A_343) : (vector<16xi32>, vector<16xi32>, vector<16xi32>, vector<16xi32>) -> (vector<16xi32>, vector<16xi32>, vector<16xi32>, vector<16xi32>) {
            %parallel_loop3A_479 = tpu.vector_load_idx %arg11[%while3A] : memref<528xf32, #tpu.memory_space<vmem>>[vector<16xi32>], vector<16xf32>,
            %parallel_loop3A_480 = arith.cmpf ole, %parallel_loop3A_479, %parallel_loop3A_262 : vector<16xf32>
            %parallel_loop3A_481 = tpu.vector_load_idx %arg11[%while3A_476] : memref<528xf32, #tpu.memory_space<vmem>>[vector<16xi32>], vector<16xf32>,
            %parallel_loop3A_482 = arith.cmpf ole, %parallel_loop3A_481, %parallel_loop3A_283 : vector<16xf32>
            %parallel_loop3A_483 = arith.ori %parallel_loop3A_480, %parallel_loop3A_482 : vector<16xi1>
            %parallel_loop3A_484 = tpu.vector_load_idx %arg11[%while3A_477] : memref<528xf32, #tpu.memory_space<vmem>>[vector<16xi32>], vector<16xf32>,
            %parallel_loop3A_485 = arith.cmpf ole, %parallel_loop3A_484, %parallel_loop3A_305 : vector<16xf32>
            %parallel_loop3A_486 = arith.ori %parallel_loop3A_483, %parallel_loop3A_485 : vector<16xi1>
            %parallel_loop3A_487 = tpu.vector_load_idx %arg11[%while3A_478] : memref<528xf32, #tpu.memory_space<vmem>>[vector<16xi32>], vector<16xf32>,
            %parallel_loop3A_488 = arith.cmpf ole, %parallel_loop3A_487, %parallel_loop3A_327 : vector<16xf32>
            %parallel_loop3A_489 = arith.ori %parallel_loop3A_486, %parallel_loop3A_488 : vector<16xi1>
            %parallel_loop3A_490 = arith.constant 1.000000e+00 : f32
            %parallel_loop3A_491 = arith.constant 0.000000e+00 : f32
            %parallel_loop3A_492 = vector.broadcast %parallel_loop3A_490 : f32 to vector<16xf32>
            %parallel_loop3A_493 = vector.broadcast %parallel_loop3A_491 : f32 to vector<16xf32>
            %parallel_loop3A_494 = arith.select %parallel_loop3A_489, %parallel_loop3A_492, %parallel_loop3A_493 : vector<16xi1>, vector<16xf32>
            %parallel_loop3A_495 = arith.constant true
            %parallel_loop3A_496 = vector.broadcast %parallel_loop3A_495 : i1 to vector<16xi1>
            %parallel_loop3A_497 = tpu.scan <max>, %parallel_loop3A_494 masked %parallel_loop3A_496 : vector<16xf32>, vector<16xi1> -> vector<16xf32>
            %parallel_loop3A_498 = vector.extract %parallel_loop3A_497[15] : f32 from vector<16xf32>
            %parallel_loop3A_499 = arith.constant 0.000000e+00 : f32
            %parallel_loop3A_500 = arith.cmpf ogt, %parallel_loop3A_498, %parallel_loop3A_499 : f32
            scf.condition(%parallel_loop3A_500) %while3A, %while3A_476, %while3A_477, %while3A_478 : vector<16xi32>, vector<16xi32>, vector<16xi32>, vector<16xi32>
          } do {
          ^bb0(%while3A: vector<16xi32>, %while3A_476: vector<16xi32>, %while3A_477: vector<16xi32>, %while3A_478: vector<16xi32>):
            %parallel_loop3A_479 = tpu.vector_load_idx %arg11[%while3A] : memref<528xf32, #tpu.memory_space<vmem>>[vector<16xi32>], vector<16xf32>,
            %parallel_loop3A_480 = arith.cmpf ole, %parallel_loop3A_479, %parallel_loop3A_262 : vector<16xf32>
            %parallel_loop3A_481 = arith.select %parallel_loop3A_480, %broadcast_in_dim3A_7, %broadcast_in_dim3A_9 : vector<16xi1>, vector<16xi32>
            %parallel_loop3A_482 = arith.addi %while3A, %parallel_loop3A_481 : vector<16xi32>
            %parallel_loop3A_483 = tpu.vector_load_idx %arg11[%while3A_476] : memref<528xf32, #tpu.memory_space<vmem>>[vector<16xi32>], vector<16xf32>,
            %parallel_loop3A_484 = arith.cmpf ole, %parallel_loop3A_483, %parallel_loop3A_283 : vector<16xf32>
            %parallel_loop3A_485 = arith.select %parallel_loop3A_484, %broadcast_in_dim3A_7, %broadcast_in_dim3A_9 : vector<16xi1>, vector<16xi32>
            %parallel_loop3A_486 = arith.addi %while3A_476, %parallel_loop3A_485 : vector<16xi32>
            %parallel_loop3A_487 = tpu.vector_load_idx %arg11[%while3A_477] : memref<528xf32, #tpu.memory_space<vmem>>[vector<16xi32>], vector<16xf32>,
            %parallel_loop3A_488 = arith.cmpf ole, %parallel_loop3A_487, %parallel_loop3A_305 : vector<16xf32>
            %parallel_loop3A_489 = arith.select %parallel_loop3A_488, %broadcast_in_dim3A_7, %broadcast_in_dim3A_9 : vector<16xi1>, vector<16xi32>
            %parallel_loop3A_490 = arith.addi %while3A_477, %parallel_loop3A_489 : vector<16xi32>
            %parallel_loop3A_491 = tpu.vector_load_idx %arg11[%while3A_478] : memref<528xf32, #tpu.memory_space<vmem>>[vector<16xi32>], vector<16xf32>,
            %parallel_loop3A_492 = arith.cmpf ole, %parallel_loop3A_491, %parallel_loop3A_327 : vector<16xf32>
            %parallel_loop3A_493 = arith.select %parallel_loop3A_492, %broadcast_in_dim3A_7, %broadcast_in_dim3A_9 : vector<16xi1>, vector<16xi32>
            %parallel_loop3A_494 = arith.addi %while3A_478, %parallel_loop3A_493 : vector<16xi32>
            scf.yield %parallel_loop3A_482, %parallel_loop3A_486, %parallel_loop3A_490, %parallel_loop3A_494 : vector<16xi32>, vector<16xi32>, vector<16xi32>, vector<16xi32>
          }
          scf.yield %parallel_loop3A_475#0, %parallel_loop3A_475#1, %parallel_loop3A_475#2, %parallel_loop3A_475#3 : vector<16xi32>, vector<16xi32>, vector<16xi32>, vector<16xi32>
        } else {
          scf.yield %parallel_loop3A_278, %parallel_loop3A_299, %parallel_loop3A_321, %parallel_loop3A_343 : vector<16xi32>, vector<16xi32>, vector<16xi32>, vector<16xi32>
        }
        %parallel_loop3A_363 = arith.constant 0 : i32
        %parallel_loop3A_364 = arith.addi %parallel_loop3A_253, %parallel_loop3A_363 : i32
        %parallel_loop3A_365 = vector.broadcast %parallel_loop3A_364 : i32 to vector<16xi32>
        %parallel_loop3A_366 = arith.addi %parallel_loop3A_365, %iota3A : vector<16xi32>
        %parallel_loop3A_367 = arith.constant 1024 : i32
        %parallel_loop3A_368 = arith.muli %parallel_loop3A_235, %parallel_loop3A_367 : i32
        %parallel_loop3A_369 = vector.broadcast %parallel_loop3A_368 : i32 to vector<16xi32>
        %parallel_loop3A_370 = arith.addi %parallel_loop3A_369, %parallel_loop3A_366 : vector<16xi32>
        %parallel_loop3A_371 = arith.constant 2 : i32
        %parallel_loop3A_372 = vector.broadcast %parallel_loop3A_371 : i32 to vector<16xi32>
        %parallel_loop3A_373 = arith.muli %parallel_loop3A_366, %parallel_loop3A_372 : vector<16xi32>
        %parallel_loop3A_374 = tpu.vector_load_idx %arg10[%parallel_loop3A_257, %parallel_loop3A_373] : memref<8x2048xf32, #tpu.memory_space<vmem>>[vector<16xi32>, vector<16xi32>], vector<16xf32>,
        %parallel_loop3A_375 = arith.constant 1 : i32
        %parallel_loop3A_376 = vector.broadcast %parallel_loop3A_375 : i32 to vector<16xi32>
        %parallel_loop3A_377 = arith.addi %parallel_loop3A_373, %parallel_loop3A_376 : vector<16xi32>
        %parallel_loop3A_378 = tpu.vector_load_idx %arg10[%parallel_loop3A_257, %parallel_loop3A_377] : memref<8x2048xf32, #tpu.memory_space<vmem>>[vector<16xi32>, vector<16xi32>], vector<16xf32>,
        %parallel_loop3A_379 = arith.constant 2 : i32
        %parallel_loop3A_380 = vector.broadcast %parallel_loop3A_379 : i32 to vector<16xi32>
        %parallel_loop3A_381 = arith.muli %parallel_loop3A_362#0, %parallel_loop3A_380 : vector<16xi32>
        tpu.vector_store_idx %arg14[%parallel_loop3A_381], %parallel_loop3A_374 {add = true} : memref<1056xf32, #tpu.memory_space<vmem>>[vector<16xi32>], vector<16xf32>,
        %parallel_loop3A_382 = arith.constant 1 : i32
        %parallel_loop3A_383 = vector.broadcast %parallel_loop3A_382 : i32 to vector<16xi32>
        %parallel_loop3A_384 = arith.addi %parallel_loop3A_381, %parallel_loop3A_383 : vector<16xi32>
        tpu.vector_store_idx %arg14[%parallel_loop3A_384], %parallel_loop3A_378 {add = true} : memref<1056xf32, #tpu.memory_space<vmem>>[vector<16xi32>], vector<16xf32>,
        %parallel_loop3A_385 = arith.cmpf olt, %parallel_loop3A_262, %parallel_loop3A_204 : vector<16xf32>
        %parallel_loop3A_386 = arith.sitofp %parallel_loop3A_370 : vector<16xi32> to vector<16xf32>
        %parallel_loop3A_387 = vector.broadcast %convert_element_type3A_123 : f32 to vector<16xf32>
        %parallel_loop3A_388 = arith.addf %parallel_loop3A_387, %parallel_loop3A_386 : vector<16xf32>
        %parallel_loop3A_389 = arith.select %parallel_loop3A_385, %parallel_loop3A_262, %parallel_loop3A_204 : vector<16xi1>, vector<16xf32>
        %parallel_loop3A_390 = arith.select %parallel_loop3A_385, %parallel_loop3A_388, %parallel_loop3A_208 : vector<16xi1>, vector<16xf32>
        %parallel_loop3A_391 = arith.constant 16 : i32
        %parallel_loop3A_392 = arith.addi %parallel_loop3A_253, %parallel_loop3A_391 : i32
        %parallel_loop3A_393 = vector.broadcast %parallel_loop3A_392 : i32 to vector<16xi32>
        %parallel_loop3A_394 = arith.addi %parallel_loop3A_393, %iota3A : vector<16xi32>
        %parallel_loop3A_395 = arith.constant 1024 : i32
        %parallel_loop3A_396 = arith.muli %parallel_loop3A_235, %parallel_loop3A_395 : i32
        %parallel_loop3A_397 = vector.broadcast %parallel_loop3A_396 : i32 to vector<16xi32>
        %parallel_loop3A_398 = arith.addi %parallel_loop3A_397, %parallel_loop3A_394 : vector<16xi32>
        %parallel_loop3A_399 = arith.constant 2 : i32
        %parallel_loop3A_400 = vector.broadcast %parallel_loop3A_399 : i32 to vector<16xi32>
        %parallel_loop3A_401 = arith.muli %parallel_loop3A_394, %parallel_loop3A_400 : vector<16xi32>
        %parallel_loop3A_402 = tpu.vector_load_idx %arg10[%parallel_loop3A_257, %parallel_loop3A_401] : memref<8x2048xf32, #tpu.memory_space<vmem>>[vector<16xi32>, vector<16xi32>], vector<16xf32>,
        %parallel_loop3A_403 = arith.constant 1 : i32
        %parallel_loop3A_404 = vector.broadcast %parallel_loop3A_403 : i32 to vector<16xi32>
        %parallel_loop3A_405 = arith.addi %parallel_loop3A_401, %parallel_loop3A_404 : vector<16xi32>
        %parallel_loop3A_406 = tpu.vector_load_idx %arg10[%parallel_loop3A_257, %parallel_loop3A_405] : memref<8x2048xf32, #tpu.memory_space<vmem>>[vector<16xi32>, vector<16xi32>], vector<16xf32>,
        %parallel_loop3A_407 = arith.constant 2 : i32
        %parallel_loop3A_408 = vector.broadcast %parallel_loop3A_407 : i32 to vector<16xi32>
        %parallel_loop3A_409 = arith.muli %parallel_loop3A_362#1, %parallel_loop3A_408 : vector<16xi32>
        tpu.vector_store_idx %arg14[%parallel_loop3A_409], %parallel_loop3A_402 {add = true} : memref<1056xf32, #tpu.memory_space<vmem>>[vector<16xi32>], vector<16xf32>,
        %parallel_loop3A_410 = arith.constant 1 : i32
        %parallel_loop3A_411 = vector.broadcast %parallel_loop3A_410 : i32 to vector<16xi32>
        %parallel_loop3A_412 = arith.addi %parallel_loop3A_409, %parallel_loop3A_411 : vector<16xi32>
        tpu.vector_store_idx %arg14[%parallel_loop3A_412], %parallel_loop3A_406 {add = true} : memref<1056xf32, #tpu.memory_space<vmem>>[vector<16xi32>], vector<16xf32>,
        %parallel_loop3A_413 = arith.cmpf olt, %parallel_loop3A_283, %parallel_loop3A_205 : vector<16xf32>
        %parallel_loop3A_414 = arith.sitofp %parallel_loop3A_398 : vector<16xi32> to vector<16xf32>
        %parallel_loop3A_415 = vector.broadcast %convert_element_type3A_123 : f32 to vector<16xf32>
        %parallel_loop3A_416 = arith.addf %parallel_loop3A_415, %parallel_loop3A_414 : vector<16xf32>
        %parallel_loop3A_417 = arith.select %parallel_loop3A_413, %parallel_loop3A_283, %parallel_loop3A_205 : vector<16xi1>, vector<16xf32>
        %parallel_loop3A_418 = arith.select %parallel_loop3A_413, %parallel_loop3A_416, %parallel_loop3A_209 : vector<16xi1>, vector<16xf32>
        %parallel_loop3A_419 = arith.constant 32 : i32
        %parallel_loop3A_420 = arith.addi %parallel_loop3A_253, %parallel_loop3A_419 : i32
        %parallel_loop3A_421 = vector.broadcast %parallel_loop3A_420 : i32 to vector<16xi32>
        %parallel_loop3A_422 = arith.addi %parallel_loop3A_421, %iota3A : vector<16xi32>
        %parallel_loop3A_423 = arith.constant 1024 : i32
        %parallel_loop3A_424 = arith.muli %parallel_loop3A_235, %parallel_loop3A_423 : i32
        %parallel_loop3A_425 = vector.broadcast %parallel_loop3A_424 : i32 to vector<16xi32>
        %parallel_loop3A_426 = arith.addi %parallel_loop3A_425, %parallel_loop3A_422 : vector<16xi32>
        %parallel_loop3A_427 = arith.constant 2 : i32
        %parallel_loop3A_428 = vector.broadcast %parallel_loop3A_427 : i32 to vector<16xi32>
        %parallel_loop3A_429 = arith.muli %parallel_loop3A_422, %parallel_loop3A_428 : vector<16xi32>
        %parallel_loop3A_430 = tpu.vector_load_idx %arg10[%parallel_loop3A_257, %parallel_loop3A_429] : memref<8x2048xf32, #tpu.memory_space<vmem>>[vector<16xi32>, vector<16xi32>], vector<16xf32>,
        %parallel_loop3A_431 = arith.constant 1 : i32
        %parallel_loop3A_432 = vector.broadcast %parallel_loop3A_431 : i32 to vector<16xi32>
        %parallel_loop3A_433 = arith.addi %parallel_loop3A_429, %parallel_loop3A_432 : vector<16xi32>
        %parallel_loop3A_434 = tpu.vector_load_idx %arg10[%parallel_loop3A_257, %parallel_loop3A_433] : memref<8x2048xf32, #tpu.memory_space<vmem>>[vector<16xi32>, vector<16xi32>], vector<16xf32>,
        %parallel_loop3A_435 = arith.constant 2 : i32
        %parallel_loop3A_436 = vector.broadcast %parallel_loop3A_435 : i32 to vector<16xi32>
        %parallel_loop3A_437 = arith.muli %parallel_loop3A_362#2, %parallel_loop3A_436 : vector<16xi32>
        tpu.vector_store_idx %arg14[%parallel_loop3A_437], %parallel_loop3A_430 {add = true} : memref<1056xf32, #tpu.memory_space<vmem>>[vector<16xi32>], vector<16xf32>,
        %parallel_loop3A_438 = arith.constant 1 : i32
        %parallel_loop3A_439 = vector.broadcast %parallel_loop3A_438 : i32 to vector<16xi32>
        %parallel_loop3A_440 = arith.addi %parallel_loop3A_437, %parallel_loop3A_439 : vector<16xi32>
        tpu.vector_store_idx %arg14[%parallel_loop3A_440], %parallel_loop3A_434 {add = true} : memref<1056xf32, #tpu.memory_space<vmem>>[vector<16xi32>], vector<16xf32>,
        %parallel_loop3A_441 = arith.cmpf olt, %parallel_loop3A_305, %parallel_loop3A_206 : vector<16xf32>
        %parallel_loop3A_442 = arith.sitofp %parallel_loop3A_426 : vector<16xi32> to vector<16xf32>
        %parallel_loop3A_443 = vector.broadcast %convert_element_type3A_123 : f32 to vector<16xf32>
        %parallel_loop3A_444 = arith.addf %parallel_loop3A_443, %parallel_loop3A_442 : vector<16xf32>
        %parallel_loop3A_445 = arith.select %parallel_loop3A_441, %parallel_loop3A_305, %parallel_loop3A_206 : vector<16xi1>, vector<16xf32>
        %parallel_loop3A_446 = arith.select %parallel_loop3A_441, %parallel_loop3A_444, %parallel_loop3A_210 : vector<16xi1>, vector<16xf32>
        %parallel_loop3A_447 = arith.constant 48 : i32
        %parallel_loop3A_448 = arith.addi %parallel_loop3A_253, %parallel_loop3A_447 : i32
        %parallel_loop3A_449 = vector.broadcast %parallel_loop3A_448 : i32 to vector<16xi32>
        %parallel_loop3A_450 = arith.addi %parallel_loop3A_449, %iota3A : vector<16xi32>
        %parallel_loop3A_451 = arith.constant 1024 : i32
        %parallel_loop3A_452 = arith.muli %parallel_loop3A_235, %parallel_loop3A_451 : i32
        %parallel_loop3A_453 = vector.broadcast %parallel_loop3A_452 : i32 to vector<16xi32>
        %parallel_loop3A_454 = arith.addi %parallel_loop3A_453, %parallel_loop3A_450 : vector<16xi32>
        %parallel_loop3A_455 = arith.constant 2 : i32
        %parallel_loop3A_456 = vector.broadcast %parallel_loop3A_455 : i32 to vector<16xi32>
        %parallel_loop3A_457 = arith.muli %parallel_loop3A_450, %parallel_loop3A_456 : vector<16xi32>
        %parallel_loop3A_458 = tpu.vector_load_idx %arg10[%parallel_loop3A_257, %parallel_loop3A_457] : memref<8x2048xf32, #tpu.memory_space<vmem>>[vector<16xi32>, vector<16xi32>], vector<16xf32>,
        %parallel_loop3A_459 = arith.constant 1 : i32
        %parallel_loop3A_460 = vector.broadcast %parallel_loop3A_459 : i32 to vector<16xi32>
        %parallel_loop3A_461 = arith.addi %parallel_loop3A_457, %parallel_loop3A_460 : vector<16xi32>
        %parallel_loop3A_462 = tpu.vector_load_idx %arg10[%parallel_loop3A_257, %parallel_loop3A_461] : memref<8x2048xf32, #tpu.memory_space<vmem>>[vector<16xi32>, vector<16xi32>], vector<16xf32>,
        %parallel_loop3A_463 = arith.constant 2 : i32
        %parallel_loop3A_464 = vector.broadcast %parallel_loop3A_463 : i32 to vector<16xi32>
        %parallel_loop3A_465 = arith.muli %parallel_loop3A_362#3, %parallel_loop3A_464 : vector<16xi32>
        tpu.vector_store_idx %arg14[%parallel_loop3A_465], %parallel_loop3A_458 {add = true} : memref<1056xf32, #tpu.memory_space<vmem>>[vector<16xi32>], vector<16xf32>,
        %parallel_loop3A_466 = arith.constant 1 : i32
        %parallel_loop3A_467 = vector.broadcast %parallel_loop3A_466 : i32 to vector<16xi32>
        %parallel_loop3A_468 = arith.addi %parallel_loop3A_465, %parallel_loop3A_467 : vector<16xi32>
        tpu.vector_store_idx %arg14[%parallel_loop3A_468], %parallel_loop3A_462 {add = true} : memref<1056xf32, #tpu.memory_space<vmem>>[vector<16xi32>], vector<16xf32>,
        %parallel_loop3A_469 = arith.cmpf olt, %parallel_loop3A_327, %parallel_loop3A_207 : vector<16xf32>
        %parallel_loop3A_470 = arith.sitofp %parallel_loop3A_454 : vector<16xi32> to vector<16xf32>
        %parallel_loop3A_471 = vector.broadcast %convert_element_type3A_123 : f32 to vector<16xf32>
        %parallel_loop3A_472 = arith.addf %parallel_loop3A_471, %parallel_loop3A_470 : vector<16xf32>
        %parallel_loop3A_473 = arith.select %parallel_loop3A_469, %parallel_loop3A_327, %parallel_loop3A_207 : vector<16xi1>, vector<16xf32>
        %parallel_loop3A_474 = arith.select %parallel_loop3A_469, %parallel_loop3A_472, %parallel_loop3A_211 : vector<16xi1>, vector<16xf32>
        scf.yield %parallel_loop3A_389, %parallel_loop3A_417, %parallel_loop3A_445, %parallel_loop3A_473, %parallel_loop3A_390, %parallel_loop3A_418, %parallel_loop3A_446, %parallel_loop3A_474 : vector<16xf32>, vector<16xf32>, vector<16xf32>, vector<16xf32>, vector<16xf32>, vector<16xf32>, vector<16xf32>, vector<16xf32>
      } {sc.loop_unroll_factor = 4 : i64, sc.parallel_access}
      %add3A_128 = arith.constant 24 : i32
      %add3A_129 = arith.addi %mul3A_31, %add3A_128 : i32
      %dma_start3A_130 = arith.constant 0 : i32
      %dma_start3A_131 = tpu.memref_slice %arg2[%scan3A_18, %add3A_129, %dma_start3A_130] : memref<8x1024x1024xf32, #tpu.memory_space<hbm>> -> memref<1x8x1024xf32, #tpu.memory_space<hbm>>
      %dma_start3A_132 = tpu.memref_squeeze %dma_start3A_131 : memref<1x8x1024xf32, #tpu.memory_space<hbm>> -> memref<8x1024xf32, #tpu.memory_space<hbm>>
      %dma_start3A_133 = arith.constant 0 : i32
      %dma_start3A_134 = tpu.memref_slice %arg2[%scan3A_18, %add3A_129, %dma_start3A_133] : memref<8x1024x1024xf32, #tpu.memory_space<hbm>> -> memref<1x8x1024xf32, #tpu.memory_space<hbm>>
      %dma_start3A_135 = tpu.memref_squeeze %dma_start3A_134 : memref<1x8x1024xf32, #tpu.memory_space<hbm>> -> memref<8x1024xf32, #tpu.memory_space<hbm>>
      tpu.enqueue_dma source(%dma_start3A_135 : memref<8x1024xf32, #tpu.memory_space<hbm>>) target(%arg8 : memref<8x1024xf32, #tpu.memory_space<vmem>>) target_semaphore(%arg18 : memref<!tpu.dma_semaphore, #tpu.memory_space<semaphore_mem>>)
      %mul3A_136 = arith.constant 1024 : i32
      %mul3A_137 = arith.muli %scan3A_18, %mul3A_136 : i32
      %add3A_138 = arith.addi %mul3A_137, %add3A_129 : i32
      %dma_start3A_139 = arith.constant 0 : i32
      %dma_start3A_140 = tpu.memref_slice %arg4[%add3A_138, %dma_start3A_139] : memref<8192x2048xf32, #tpu.memory_space<hbm>> -> memref<8x2048xf32, #tpu.memory_space<hbm>>
      %dma_start3A_141 = arith.constant 0 : i32
      %dma_start3A_142 = tpu.memref_slice %arg4[%add3A_138, %dma_start3A_141] : memref<8192x2048xf32, #tpu.memory_space<hbm>> -> memref<8x2048xf32, #tpu.memory_space<hbm>>
      tpu.enqueue_dma source(%dma_start3A_142 : memref<8x2048xf32, #tpu.memory_space<hbm>>) target(%arg10 : memref<8x2048xf32, #tpu.memory_space<vmem>>) target_semaphore(%arg20 : memref<!tpu.dma_semaphore, #tpu.memory_space<semaphore_mem>>)
      %dma_wait3A_143 = arith.constant 0 : i32
      %dma_wait3A_144 = tpu.memref_slice %arg2[%scan3A_18, %add3A_95, %dma_wait3A_143] : memref<8x1024x1024xf32, #tpu.memory_space<hbm>> -> memref<1x8x1024xf32, #tpu.memory_space<hbm>>
      %dma_wait3A_145 = tpu.memref_squeeze %dma_wait3A_144 : memref<1x8x1024xf32, #tpu.memory_space<hbm>> -> memref<8x1024xf32, #tpu.memory_space<hbm>>
      %dma_wait3A_146 = arith.constant 0 : i32
      %dma_wait3A_147 = tpu.memref_slice %arg2[%scan3A_18, %add3A_95, %dma_wait3A_146] : memref<8x1024x1024xf32, #tpu.memory_space<hbm>> -> memref<1x8x1024xf32, #tpu.memory_space<hbm>>
      %dma_wait3A_148 = tpu.memref_squeeze %dma_wait3A_147 : memref<1x8x1024xf32, #tpu.memory_space<hbm>> -> memref<8x1024xf32, #tpu.memory_space<hbm>>
      tpu.wait_dma2 semaphore(%arg17 : memref<!tpu.dma_semaphore, #tpu.memory_space<semaphore_mem>>) src(%dma_wait3A_148 : memref<8x1024xf32, #tpu.memory_space<hbm>>) dst(%arg7 : memref<8x1024xf32, #tpu.memory_space<vmem>>)
      %dma_wait3A_149 = arith.constant 0 : i32
      %dma_wait3A_150 = tpu.memref_slice %arg4[%add3A_104, %dma_wait3A_149] : memref<8192x2048xf32, #tpu.memory_space<hbm>> -> memref<8x2048xf32, #tpu.memory_space<hbm>>
      %dma_wait3A_151 = arith.constant 0 : i32
      %dma_wait3A_152 = tpu.memref_slice %arg4[%add3A_104, %dma_wait3A_151] : memref<8192x2048xf32, #tpu.memory_space<hbm>> -> memref<8x2048xf32, #tpu.memory_space<hbm>>
      tpu.wait_dma2 semaphore(%arg19 : memref<!tpu.dma_semaphore, #tpu.memory_space<semaphore_mem>>) src(%dma_wait3A_152 : memref<8x2048xf32, #tpu.memory_space<hbm>>) dst(%arg9 : memref<8x2048xf32, #tpu.memory_space<vmem>>)
      %add3A_153 = arith.constant 16 : i32
      %add3A_154 = arith.addi %mul3A_31, %add3A_153 : i32
      %mul3A_155 = arith.constant 1024 : i32
      %mul3A_156 = arith.muli %add3A_154, %mul3A_155 : i32
      %convert_element_type3A_157 = arith.sitofp %mul3A_156 : i32 to f32
      %parallel_loop3A_158 = arith.constant 0 : i32
      %parallel_loop3A_159 = arith.constant 128 : i32
      %parallel_loop3A_160 = arith.constant 1 : i32
      %parallel_loop3A_161:8 = scf.for %parallel_loop3A_203 = %parallel_loop3A_158 to %parallel_loop3A_159 step %parallel_loop3A_160 iter_args(%parallel_loop3A_204 = %parallel_loop3A_127#0, %parallel_loop3A_205 = %parallel_loop3A_127#1, %parallel_loop3A_206 = %parallel_loop3A_127#2, %parallel_loop3A_207 = %parallel_loop3A_127#3, %parallel_loop3A_208 = %parallel_loop3A_127#4, %parallel_loop3A_209 = %parallel_loop3A_127#5, %parallel_loop3A_210 = %parallel_loop3A_127#6, %parallel_loop3A_211 = %parallel_loop3A_127#7) -> (vector<16xf32>, vector<16xf32>, vector<16xf32>, vector<16xf32>, vector<16xf32>, vector<16xf32>, vector<16xf32>, vector<16xf32>)  : i32 {
        %parallel_loop3A_212 = arith.constant 16 : i32
        %parallel_loop3A_213 = arith.divsi %parallel_loop3A_203, %parallel_loop3A_212 : i32
        %parallel_loop3A_214 = arith.constant 0 : i32
        %parallel_loop3A_215 = arith.cmpi sgt, %parallel_loop3A_203, %parallel_loop3A_214 : i32
        %parallel_loop3A_216 = arith.extui %parallel_loop3A_215 : i1 to i32
        %parallel_loop3A_217 = arith.constant 0 : i32
        %parallel_loop3A_218 = arith.cmpi slt, %parallel_loop3A_203, %parallel_loop3A_217 : i32
        %parallel_loop3A_219 = arith.extui %parallel_loop3A_218 : i1 to i32
        %parallel_loop3A_220 = arith.subi %parallel_loop3A_216, %parallel_loop3A_219 : i32
        %parallel_loop3A_221 = arith.constant 0 : i32
        %parallel_loop3A_222 = arith.cmpi sgt, %parallel_loop3A_212, %parallel_loop3A_221 : i32
        %parallel_loop3A_223 = arith.extui %parallel_loop3A_222 : i1 to i32
        %parallel_loop3A_224 = arith.constant 0 : i32
        %parallel_loop3A_225 = arith.cmpi slt, %parallel_loop3A_212, %parallel_loop3A_224 : i32
        %parallel_loop3A_226 = arith.extui %parallel_loop3A_225 : i1 to i32
        %parallel_loop3A_227 = arith.subi %parallel_loop3A_223, %parallel_loop3A_226 : i32
        %parallel_loop3A_228 = arith.cmpi ne, %parallel_loop3A_220, %parallel_loop3A_227 : i32
        %parallel_loop3A_229 = arith.remsi %parallel_loop3A_203, %parallel_loop3A_212 : i32
        %parallel_loop3A_230 = arith.constant 0 : i32
        %parallel_loop3A_231 = arith.cmpi ne, %parallel_loop3A_229, %parallel_loop3A_230 : i32
        %parallel_loop3A_232 = arith.andi %parallel_loop3A_228, %parallel_loop3A_231 : i1
        %parallel_loop3A_233 = arith.constant 1 : i32
        %parallel_loop3A_234 = arith.subi %parallel_loop3A_213, %parallel_loop3A_233 : i32
        %parallel_loop3A_235 = arith.select %parallel_loop3A_232, %parallel_loop3A_234, %parallel_loop3A_213 : i32
        %parallel_loop3A_236 = arith.constant 16 : i32
        %parallel_loop3A_237 = arith.constant 0 : i32
        %parallel_loop3A_238 = arith.cmpi eq, %parallel_loop3A_236, %parallel_loop3A_237 : i32
        %parallel_loop3A_239 = arith.constant 1 : i32
        %parallel_loop3A_240 = arith.select %parallel_loop3A_238, %parallel_loop3A_239, %parallel_loop3A_236 : i32
        %parallel_loop3A_241 = arith.remsi %parallel_loop3A_203, %parallel_loop3A_240 : i32
        %parallel_loop3A_242 = arith.constant 0 : i32
        %parallel_loop3A_243 = arith.cmpi ne, %parallel_loop3A_241, %parallel_loop3A_242 : i32
        %parallel_loop3A_244 = arith.constant 0 : i32
        %parallel_loop3A_245 = arith.cmpi slt, %parallel_loop3A_241, %parallel_loop3A_244 : i32
        %parallel_loop3A_246 = arith.constant 0 : i32
        %parallel_loop3A_247 = arith.cmpi slt, %parallel_loop3A_240, %parallel_loop3A_246 : i32
        %parallel_loop3A_248 = arith.xori %parallel_loop3A_245, %parallel_loop3A_247 : i1
        %parallel_loop3A_249 = arith.andi %parallel_loop3A_248, %parallel_loop3A_243 : i1
        %parallel_loop3A_250 = arith.addi %parallel_loop3A_241, %parallel_loop3A_240 : i32
        %parallel_loop3A_251 = arith.select %parallel_loop3A_249, %parallel_loop3A_250, %parallel_loop3A_241 : i32
        %parallel_loop3A_252 = arith.constant 64 : i32
        %parallel_loop3A_253 = arith.muli %parallel_loop3A_251, %parallel_loop3A_252 : i32
        %parallel_loop3A_254 = arith.constant 0 : i32
        %parallel_loop3A_255 = vector.broadcast %parallel_loop3A_254 : i32 to vector<16xi32>
        %parallel_loop3A_256 = vector.broadcast %parallel_loop3A_235 : i32 to vector<16xi32>
        %parallel_loop3A_257 = arith.addi %parallel_loop3A_255, %parallel_loop3A_256 : vector<16xi32>
        %parallel_loop3A_258 = arith.constant 0 : i32
        %parallel_loop3A_259 = arith.addi %parallel_loop3A_253, %parallel_loop3A_258 : i32
        %parallel_loop3A_260 = arith.index_cast %parallel_loop3A_235 : i32 to index
        %parallel_loop3A_261 = arith.index_cast %parallel_loop3A_259 : i32 to index
        %parallel_loop3A_262 = tpu.vector_load %arg7[%parallel_loop3A_260, %parallel_loop3A_261] {strides = array<i32>} : memref<8x1024xf32, #tpu.memory_space<vmem>>, vector<16xf32>,
        %parallel_loop3A_263 = arith.constant 8.192000e+03 : f32
        %parallel_loop3A_264 = vector.broadcast %parallel_loop3A_263 : f32 to vector<16xf32>
        %parallel_loop3A_265 = arith.mulf %parallel_loop3A_262, %parallel_loop3A_264 : vector<16xf32>
        %parallel_loop3A_266 = arith.fptosi %parallel_loop3A_265 : vector<16xf32> to vector<16xi32>
        %parallel_loop3A_267 = arith.constant 8191 : i32
        %parallel_loop3A_268 = vector.broadcast %parallel_loop3A_267 : i32 to vector<16xi32>
        %parallel_loop3A_269 = arith.minsi %parallel_loop3A_266, %parallel_loop3A_268 : vector<16xi32>
        %parallel_loop3A_270 = tpu.vector_load_idx %arg13[%parallel_loop3A_269] : memref<8192xi32, #tpu.memory_space<vmem>>[vector<16xi32>], vector<16xi32>,
        %parallel_loop3A_271 = arith.constant 1 : i32
        %parallel_loop3A_272 = vector.broadcast %parallel_loop3A_271 : i32 to vector<16xi32>
        %parallel_loop3A_273 = arith.shrui %parallel_loop3A_270, %parallel_loop3A_272 : vector<16xi32>
        %parallel_loop3A_274 = arith.andi %parallel_loop3A_270, %broadcast_in_dim3A_7 : vector<16xi32>
        %parallel_loop3A_275 = tpu.vector_load_idx %arg11[%parallel_loop3A_273] : memref<528xf32, #tpu.memory_space<vmem>>[vector<16xi32>], vector<16xf32>,
        %parallel_loop3A_276 = arith.cmpf ole, %parallel_loop3A_275, %parallel_loop3A_262 : vector<16xf32>
        %parallel_loop3A_277 = arith.select %parallel_loop3A_276, %broadcast_in_dim3A_7, %broadcast_in_dim3A_9 : vector<16xi1>, vector<16xi32>
        %parallel_loop3A_278 = arith.addi %parallel_loop3A_273, %parallel_loop3A_277 : vector<16xi32>
        %parallel_loop3A_279 = arith.constant 16 : i32
        %parallel_loop3A_280 = arith.addi %parallel_loop3A_253, %parallel_loop3A_279 : i32
        %parallel_loop3A_281 = arith.index_cast %parallel_loop3A_235 : i32 to index
        %parallel_loop3A_282 = arith.index_cast %parallel_loop3A_280 : i32 to index
        %parallel_loop3A_283 = tpu.vector_load %arg7[%parallel_loop3A_281, %parallel_loop3A_282] {strides = array<i32>} : memref<8x1024xf32, #tpu.memory_space<vmem>>, vector<16xf32>,
        %parallel_loop3A_284 = arith.constant 8.192000e+03 : f32
        %parallel_loop3A_285 = vector.broadcast %parallel_loop3A_284 : f32 to vector<16xf32>
        %parallel_loop3A_286 = arith.mulf %parallel_loop3A_283, %parallel_loop3A_285 : vector<16xf32>
        %parallel_loop3A_287 = arith.fptosi %parallel_loop3A_286 : vector<16xf32> to vector<16xi32>
        %parallel_loop3A_288 = arith.constant 8191 : i32
        %parallel_loop3A_289 = vector.broadcast %parallel_loop3A_288 : i32 to vector<16xi32>
        %parallel_loop3A_290 = arith.minsi %parallel_loop3A_287, %parallel_loop3A_289 : vector<16xi32>
        %parallel_loop3A_291 = tpu.vector_load_idx %arg13[%parallel_loop3A_290] : memref<8192xi32, #tpu.memory_space<vmem>>[vector<16xi32>], vector<16xi32>,
        %parallel_loop3A_292 = arith.constant 1 : i32
        %parallel_loop3A_293 = vector.broadcast %parallel_loop3A_292 : i32 to vector<16xi32>
        %parallel_loop3A_294 = arith.shrui %parallel_loop3A_291, %parallel_loop3A_293 : vector<16xi32>
        %parallel_loop3A_295 = arith.andi %parallel_loop3A_291, %broadcast_in_dim3A_7 : vector<16xi32>
        %parallel_loop3A_296 = tpu.vector_load_idx %arg11[%parallel_loop3A_294] : memref<528xf32, #tpu.memory_space<vmem>>[vector<16xi32>], vector<16xf32>,
        %parallel_loop3A_297 = arith.cmpf ole, %parallel_loop3A_296, %parallel_loop3A_283 : vector<16xf32>
        %parallel_loop3A_298 = arith.select %parallel_loop3A_297, %broadcast_in_dim3A_7, %broadcast_in_dim3A_9 : vector<16xi1>, vector<16xi32>
        %parallel_loop3A_299 = arith.addi %parallel_loop3A_294, %parallel_loop3A_298 : vector<16xi32>
        %parallel_loop3A_300 = arith.ori %parallel_loop3A_274, %parallel_loop3A_295 : vector<16xi32>
        %parallel_loop3A_301 = arith.constant 32 : i32
        %parallel_loop3A_302 = arith.addi %parallel_loop3A_253, %parallel_loop3A_301 : i32
        %parallel_loop3A_303 = arith.index_cast %parallel_loop3A_235 : i32 to index
        %parallel_loop3A_304 = arith.index_cast %parallel_loop3A_302 : i32 to index
        %parallel_loop3A_305 = tpu.vector_load %arg7[%parallel_loop3A_303, %parallel_loop3A_304] {strides = array<i32>} : memref<8x1024xf32, #tpu.memory_space<vmem>>, vector<16xf32>,
        %parallel_loop3A_306 = arith.constant 8.192000e+03 : f32
        %parallel_loop3A_307 = vector.broadcast %parallel_loop3A_306 : f32 to vector<16xf32>
        %parallel_loop3A_308 = arith.mulf %parallel_loop3A_305, %parallel_loop3A_307 : vector<16xf32>
        %parallel_loop3A_309 = arith.fptosi %parallel_loop3A_308 : vector<16xf32> to vector<16xi32>
        %parallel_loop3A_310 = arith.constant 8191 : i32
        %parallel_loop3A_311 = vector.broadcast %parallel_loop3A_310 : i32 to vector<16xi32>
        %parallel_loop3A_312 = arith.minsi %parallel_loop3A_309, %parallel_loop3A_311 : vector<16xi32>
        %parallel_loop3A_313 = tpu.vector_load_idx %arg13[%parallel_loop3A_312] : memref<8192xi32, #tpu.memory_space<vmem>>[vector<16xi32>], vector<16xi32>,
        %parallel_loop3A_314 = arith.constant 1 : i32
        %parallel_loop3A_315 = vector.broadcast %parallel_loop3A_314 : i32 to vector<16xi32>
        %parallel_loop3A_316 = arith.shrui %parallel_loop3A_313, %parallel_loop3A_315 : vector<16xi32>
        %parallel_loop3A_317 = arith.andi %parallel_loop3A_313, %broadcast_in_dim3A_7 : vector<16xi32>
        %parallel_loop3A_318 = tpu.vector_load_idx %arg11[%parallel_loop3A_316] : memref<528xf32, #tpu.memory_space<vmem>>[vector<16xi32>], vector<16xf32>,
        %parallel_loop3A_319 = arith.cmpf ole, %parallel_loop3A_318, %parallel_loop3A_305 : vector<16xf32>
        %parallel_loop3A_320 = arith.select %parallel_loop3A_319, %broadcast_in_dim3A_7, %broadcast_in_dim3A_9 : vector<16xi1>, vector<16xi32>
        %parallel_loop3A_321 = arith.addi %parallel_loop3A_316, %parallel_loop3A_320 : vector<16xi32>
        %parallel_loop3A_322 = arith.ori %parallel_loop3A_300, %parallel_loop3A_317 : vector<16xi32>
        %parallel_loop3A_323 = arith.constant 48 : i32
        %parallel_loop3A_324 = arith.addi %parallel_loop3A_253, %parallel_loop3A_323 : i32
        %parallel_loop3A_325 = arith.index_cast %parallel_loop3A_235 : i32 to index
        %parallel_loop3A_326 = arith.index_cast %parallel_loop3A_324 : i32 to index
        %parallel_loop3A_327 = tpu.vector_load %arg7[%parallel_loop3A_325, %parallel_loop3A_326] {strides = array<i32>} : memref<8x1024xf32, #tpu.memory_space<vmem>>, vector<16xf32>,
        %parallel_loop3A_328 = arith.constant 8.192000e+03 : f32
        %parallel_loop3A_329 = vector.broadcast %parallel_loop3A_328 : f32 to vector<16xf32>
        %parallel_loop3A_330 = arith.mulf %parallel_loop3A_327, %parallel_loop3A_329 : vector<16xf32>
        %parallel_loop3A_331 = arith.fptosi %parallel_loop3A_330 : vector<16xf32> to vector<16xi32>
        %parallel_loop3A_332 = arith.constant 8191 : i32
        %parallel_loop3A_333 = vector.broadcast %parallel_loop3A_332 : i32 to vector<16xi32>
        %parallel_loop3A_334 = arith.minsi %parallel_loop3A_331, %parallel_loop3A_333 : vector<16xi32>
        %parallel_loop3A_335 = tpu.vector_load_idx %arg13[%parallel_loop3A_334] : memref<8192xi32, #tpu.memory_space<vmem>>[vector<16xi32>], vector<16xi32>,
        %parallel_loop3A_336 = arith.constant 1 : i32
        %parallel_loop3A_337 = vector.broadcast %parallel_loop3A_336 : i32 to vector<16xi32>
        %parallel_loop3A_338 = arith.shrui %parallel_loop3A_335, %parallel_loop3A_337 : vector<16xi32>
        %parallel_loop3A_339 = arith.andi %parallel_loop3A_335, %broadcast_in_dim3A_7 : vector<16xi32>
        %parallel_loop3A_340 = tpu.vector_load_idx %arg11[%parallel_loop3A_338] : memref<528xf32, #tpu.memory_space<vmem>>[vector<16xi32>], vector<16xf32>,
        %parallel_loop3A_341 = arith.cmpf ole, %parallel_loop3A_340, %parallel_loop3A_327 : vector<16xf32>
        %parallel_loop3A_342 = arith.select %parallel_loop3A_341, %broadcast_in_dim3A_7, %broadcast_in_dim3A_9 : vector<16xi1>, vector<16xi32>
        %parallel_loop3A_343 = arith.addi %parallel_loop3A_338, %parallel_loop3A_342 : vector<16xi32>
        %parallel_loop3A_344 = arith.ori %parallel_loop3A_322, %parallel_loop3A_339 : vector<16xi32>
        %parallel_loop3A_345 = arith.constant 0 : i32
        %parallel_loop3A_346 = vector.broadcast %parallel_loop3A_345 : i32 to vector<16xi32>
        %parallel_loop3A_347 = arith.cmpi sgt, %parallel_loop3A_344, %parallel_loop3A_346 : vector<16xi32>
        %parallel_loop3A_348 = arith.constant 1.000000e+00 : f32
        %parallel_loop3A_349 = arith.constant 0.000000e+00 : f32
        %parallel_loop3A_350 = vector.broadcast %parallel_loop3A_348 : f32 to vector<16xf32>
        %parallel_loop3A_351 = vector.broadcast %parallel_loop3A_349 : f32 to vector<16xf32>
        %parallel_loop3A_352 = arith.select %parallel_loop3A_347, %parallel_loop3A_350, %parallel_loop3A_351 : vector<16xi1>, vector<16xf32>
        %parallel_loop3A_353 = arith.constant true
        %parallel_loop3A_354 = vector.broadcast %parallel_loop3A_353 : i1 to vector<16xi1>
        %parallel_loop3A_355 = tpu.scan <max>, %parallel_loop3A_352 masked %parallel_loop3A_354 : vector<16xf32>, vector<16xi1> -> vector<16xf32>
        %parallel_loop3A_356 = vector.extract %parallel_loop3A_355[15] : f32 from vector<16xf32>
        %parallel_loop3A_357 = arith.constant 0.000000e+00 : f32
        %parallel_loop3A_358 = arith.cmpf ogt, %parallel_loop3A_356, %parallel_loop3A_357 : f32
        %parallel_loop3A_359 = arith.extui %parallel_loop3A_358 : i1 to i32
        %parallel_loop3A_360 = arith.constant 0 : i32
        %parallel_loop3A_361 = arith.cmpi ne, %parallel_loop3A_359, %parallel_loop3A_360 : i32
        %parallel_loop3A_362:4 = scf.if %parallel_loop3A_361 -> (vector<16xi32>, vector<16xi32>, vector<16xi32>, vector<16xi32>) {
          %parallel_loop3A_475:4 = scf.while (%while3A = %parallel_loop3A_278, %while3A_476 = %parallel_loop3A_299, %while3A_477 = %parallel_loop3A_321, %while3A_478 = %parallel_loop3A_343) : (vector<16xi32>, vector<16xi32>, vector<16xi32>, vector<16xi32>) -> (vector<16xi32>, vector<16xi32>, vector<16xi32>, vector<16xi32>) {
            %parallel_loop3A_479 = tpu.vector_load_idx %arg11[%while3A] : memref<528xf32, #tpu.memory_space<vmem>>[vector<16xi32>], vector<16xf32>,
            %parallel_loop3A_480 = arith.cmpf ole, %parallel_loop3A_479, %parallel_loop3A_262 : vector<16xf32>
            %parallel_loop3A_481 = tpu.vector_load_idx %arg11[%while3A_476] : memref<528xf32, #tpu.memory_space<vmem>>[vector<16xi32>], vector<16xf32>,
            %parallel_loop3A_482 = arith.cmpf ole, %parallel_loop3A_481, %parallel_loop3A_283 : vector<16xf32>
            %parallel_loop3A_483 = arith.ori %parallel_loop3A_480, %parallel_loop3A_482 : vector<16xi1>
            %parallel_loop3A_484 = tpu.vector_load_idx %arg11[%while3A_477] : memref<528xf32, #tpu.memory_space<vmem>>[vector<16xi32>], vector<16xf32>,
            %parallel_loop3A_485 = arith.cmpf ole, %parallel_loop3A_484, %parallel_loop3A_305 : vector<16xf32>
            %parallel_loop3A_486 = arith.ori %parallel_loop3A_483, %parallel_loop3A_485 : vector<16xi1>
            %parallel_loop3A_487 = tpu.vector_load_idx %arg11[%while3A_478] : memref<528xf32, #tpu.memory_space<vmem>>[vector<16xi32>], vector<16xf32>,
            %parallel_loop3A_488 = arith.cmpf ole, %parallel_loop3A_487, %parallel_loop3A_327 : vector<16xf32>
            %parallel_loop3A_489 = arith.ori %parallel_loop3A_486, %parallel_loop3A_488 : vector<16xi1>
            %parallel_loop3A_490 = arith.constant 1.000000e+00 : f32
            %parallel_loop3A_491 = arith.constant 0.000000e+00 : f32
            %parallel_loop3A_492 = vector.broadcast %parallel_loop3A_490 : f32 to vector<16xf32>
            %parallel_loop3A_493 = vector.broadcast %parallel_loop3A_491 : f32 to vector<16xf32>
            %parallel_loop3A_494 = arith.select %parallel_loop3A_489, %parallel_loop3A_492, %parallel_loop3A_493 : vector<16xi1>, vector<16xf32>
            %parallel_loop3A_495 = arith.constant true
            %parallel_loop3A_496 = vector.broadcast %parallel_loop3A_495 : i1 to vector<16xi1>
            %parallel_loop3A_497 = tpu.scan <max>, %parallel_loop3A_494 masked %parallel_loop3A_496 : vector<16xf32>, vector<16xi1> -> vector<16xf32>
            %parallel_loop3A_498 = vector.extract %parallel_loop3A_497[15] : f32 from vector<16xf32>
            %parallel_loop3A_499 = arith.constant 0.000000e+00 : f32
            %parallel_loop3A_500 = arith.cmpf ogt, %parallel_loop3A_498, %parallel_loop3A_499 : f32
            scf.condition(%parallel_loop3A_500) %while3A, %while3A_476, %while3A_477, %while3A_478 : vector<16xi32>, vector<16xi32>, vector<16xi32>, vector<16xi32>
          } do {
          ^bb0(%while3A: vector<16xi32>, %while3A_476: vector<16xi32>, %while3A_477: vector<16xi32>, %while3A_478: vector<16xi32>):
            %parallel_loop3A_479 = tpu.vector_load_idx %arg11[%while3A] : memref<528xf32, #tpu.memory_space<vmem>>[vector<16xi32>], vector<16xf32>,
            %parallel_loop3A_480 = arith.cmpf ole, %parallel_loop3A_479, %parallel_loop3A_262 : vector<16xf32>
            %parallel_loop3A_481 = arith.select %parallel_loop3A_480, %broadcast_in_dim3A_7, %broadcast_in_dim3A_9 : vector<16xi1>, vector<16xi32>
            %parallel_loop3A_482 = arith.addi %while3A, %parallel_loop3A_481 : vector<16xi32>
            %parallel_loop3A_483 = tpu.vector_load_idx %arg11[%while3A_476] : memref<528xf32, #tpu.memory_space<vmem>>[vector<16xi32>], vector<16xf32>,
            %parallel_loop3A_484 = arith.cmpf ole, %parallel_loop3A_483, %parallel_loop3A_283 : vector<16xf32>
            %parallel_loop3A_485 = arith.select %parallel_loop3A_484, %broadcast_in_dim3A_7, %broadcast_in_dim3A_9 : vector<16xi1>, vector<16xi32>
            %parallel_loop3A_486 = arith.addi %while3A_476, %parallel_loop3A_485 : vector<16xi32>
            %parallel_loop3A_487 = tpu.vector_load_idx %arg11[%while3A_477] : memref<528xf32, #tpu.memory_space<vmem>>[vector<16xi32>], vector<16xf32>,
            %parallel_loop3A_488 = arith.cmpf ole, %parallel_loop3A_487, %parallel_loop3A_305 : vector<16xf32>
            %parallel_loop3A_489 = arith.select %parallel_loop3A_488, %broadcast_in_dim3A_7, %broadcast_in_dim3A_9 : vector<16xi1>, vector<16xi32>
            %parallel_loop3A_490 = arith.addi %while3A_477, %parallel_loop3A_489 : vector<16xi32>
            %parallel_loop3A_491 = tpu.vector_load_idx %arg11[%while3A_478] : memref<528xf32, #tpu.memory_space<vmem>>[vector<16xi32>], vector<16xf32>,
            %parallel_loop3A_492 = arith.cmpf ole, %parallel_loop3A_491, %parallel_loop3A_327 : vector<16xf32>
            %parallel_loop3A_493 = arith.select %parallel_loop3A_492, %broadcast_in_dim3A_7, %broadcast_in_dim3A_9 : vector<16xi1>, vector<16xi32>
            %parallel_loop3A_494 = arith.addi %while3A_478, %parallel_loop3A_493 : vector<16xi32>
            scf.yield %parallel_loop3A_482, %parallel_loop3A_486, %parallel_loop3A_490, %parallel_loop3A_494 : vector<16xi32>, vector<16xi32>, vector<16xi32>, vector<16xi32>
          }
          scf.yield %parallel_loop3A_475#0, %parallel_loop3A_475#1, %parallel_loop3A_475#2, %parallel_loop3A_475#3 : vector<16xi32>, vector<16xi32>, vector<16xi32>, vector<16xi32>
        } else {
          scf.yield %parallel_loop3A_278, %parallel_loop3A_299, %parallel_loop3A_321, %parallel_loop3A_343 : vector<16xi32>, vector<16xi32>, vector<16xi32>, vector<16xi32>
        }
        %parallel_loop3A_363 = arith.constant 0 : i32
        %parallel_loop3A_364 = arith.addi %parallel_loop3A_253, %parallel_loop3A_363 : i32
        %parallel_loop3A_365 = vector.broadcast %parallel_loop3A_364 : i32 to vector<16xi32>
        %parallel_loop3A_366 = arith.addi %parallel_loop3A_365, %iota3A : vector<16xi32>
        %parallel_loop3A_367 = arith.constant 1024 : i32
        %parallel_loop3A_368 = arith.muli %parallel_loop3A_235, %parallel_loop3A_367 : i32
        %parallel_loop3A_369 = vector.broadcast %parallel_loop3A_368 : i32 to vector<16xi32>
        %parallel_loop3A_370 = arith.addi %parallel_loop3A_369, %parallel_loop3A_366 : vector<16xi32>
        %parallel_loop3A_371 = arith.constant 2 : i32
        %parallel_loop3A_372 = vector.broadcast %parallel_loop3A_371 : i32 to vector<16xi32>
        %parallel_loop3A_373 = arith.muli %parallel_loop3A_366, %parallel_loop3A_372 : vector<16xi32>
        %parallel_loop3A_374 = tpu.vector_load_idx %arg9[%parallel_loop3A_257, %parallel_loop3A_373] : memref<8x2048xf32, #tpu.memory_space<vmem>>[vector<16xi32>, vector<16xi32>], vector<16xf32>,
        %parallel_loop3A_375 = arith.constant 1 : i32
        %parallel_loop3A_376 = vector.broadcast %parallel_loop3A_375 : i32 to vector<16xi32>
        %parallel_loop3A_377 = arith.addi %parallel_loop3A_373, %parallel_loop3A_376 : vector<16xi32>
        %parallel_loop3A_378 = tpu.vector_load_idx %arg9[%parallel_loop3A_257, %parallel_loop3A_377] : memref<8x2048xf32, #tpu.memory_space<vmem>>[vector<16xi32>, vector<16xi32>], vector<16xf32>,
        %parallel_loop3A_379 = arith.constant 2 : i32
        %parallel_loop3A_380 = vector.broadcast %parallel_loop3A_379 : i32 to vector<16xi32>
        %parallel_loop3A_381 = arith.muli %parallel_loop3A_362#0, %parallel_loop3A_380 : vector<16xi32>
        tpu.vector_store_idx %arg14[%parallel_loop3A_381], %parallel_loop3A_374 {add = true} : memref<1056xf32, #tpu.memory_space<vmem>>[vector<16xi32>], vector<16xf32>,
        %parallel_loop3A_382 = arith.constant 1 : i32
        %parallel_loop3A_383 = vector.broadcast %parallel_loop3A_382 : i32 to vector<16xi32>
        %parallel_loop3A_384 = arith.addi %parallel_loop3A_381, %parallel_loop3A_383 : vector<16xi32>
        tpu.vector_store_idx %arg14[%parallel_loop3A_384], %parallel_loop3A_378 {add = true} : memref<1056xf32, #tpu.memory_space<vmem>>[vector<16xi32>], vector<16xf32>,
        %parallel_loop3A_385 = arith.cmpf olt, %parallel_loop3A_262, %parallel_loop3A_204 : vector<16xf32>
        %parallel_loop3A_386 = arith.sitofp %parallel_loop3A_370 : vector<16xi32> to vector<16xf32>
        %parallel_loop3A_387 = vector.broadcast %convert_element_type3A_157 : f32 to vector<16xf32>
        %parallel_loop3A_388 = arith.addf %parallel_loop3A_387, %parallel_loop3A_386 : vector<16xf32>
        %parallel_loop3A_389 = arith.select %parallel_loop3A_385, %parallel_loop3A_262, %parallel_loop3A_204 : vector<16xi1>, vector<16xf32>
        %parallel_loop3A_390 = arith.select %parallel_loop3A_385, %parallel_loop3A_388, %parallel_loop3A_208 : vector<16xi1>, vector<16xf32>
        %parallel_loop3A_391 = arith.constant 16 : i32
        %parallel_loop3A_392 = arith.addi %parallel_loop3A_253, %parallel_loop3A_391 : i32
        %parallel_loop3A_393 = vector.broadcast %parallel_loop3A_392 : i32 to vector<16xi32>
        %parallel_loop3A_394 = arith.addi %parallel_loop3A_393, %iota3A : vector<16xi32>
        %parallel_loop3A_395 = arith.constant 1024 : i32
        %parallel_loop3A_396 = arith.muli %parallel_loop3A_235, %parallel_loop3A_395 : i32
        %parallel_loop3A_397 = vector.broadcast %parallel_loop3A_396 : i32 to vector<16xi32>
        %parallel_loop3A_398 = arith.addi %parallel_loop3A_397, %parallel_loop3A_394 : vector<16xi32>
        %parallel_loop3A_399 = arith.constant 2 : i32
        %parallel_loop3A_400 = vector.broadcast %parallel_loop3A_399 : i32 to vector<16xi32>
        %parallel_loop3A_401 = arith.muli %parallel_loop3A_394, %parallel_loop3A_400 : vector<16xi32>
        %parallel_loop3A_402 = tpu.vector_load_idx %arg9[%parallel_loop3A_257, %parallel_loop3A_401] : memref<8x2048xf32, #tpu.memory_space<vmem>>[vector<16xi32>, vector<16xi32>], vector<16xf32>,
        %parallel_loop3A_403 = arith.constant 1 : i32
        %parallel_loop3A_404 = vector.broadcast %parallel_loop3A_403 : i32 to vector<16xi32>
        %parallel_loop3A_405 = arith.addi %parallel_loop3A_401, %parallel_loop3A_404 : vector<16xi32>
        %parallel_loop3A_406 = tpu.vector_load_idx %arg9[%parallel_loop3A_257, %parallel_loop3A_405] : memref<8x2048xf32, #tpu.memory_space<vmem>>[vector<16xi32>, vector<16xi32>], vector<16xf32>,
        %parallel_loop3A_407 = arith.constant 2 : i32
        %parallel_loop3A_408 = vector.broadcast %parallel_loop3A_407 : i32 to vector<16xi32>
        %parallel_loop3A_409 = arith.muli %parallel_loop3A_362#1, %parallel_loop3A_408 : vector<16xi32>
        tpu.vector_store_idx %arg14[%parallel_loop3A_409], %parallel_loop3A_402 {add = true} : memref<1056xf32, #tpu.memory_space<vmem>>[vector<16xi32>], vector<16xf32>,
        %parallel_loop3A_410 = arith.constant 1 : i32
        %parallel_loop3A_411 = vector.broadcast %parallel_loop3A_410 : i32 to vector<16xi32>
        %parallel_loop3A_412 = arith.addi %parallel_loop3A_409, %parallel_loop3A_411 : vector<16xi32>
        tpu.vector_store_idx %arg14[%parallel_loop3A_412], %parallel_loop3A_406 {add = true} : memref<1056xf32, #tpu.memory_space<vmem>>[vector<16xi32>], vector<16xf32>,
        %parallel_loop3A_413 = arith.cmpf olt, %parallel_loop3A_283, %parallel_loop3A_205 : vector<16xf32>
        %parallel_loop3A_414 = arith.sitofp %parallel_loop3A_398 : vector<16xi32> to vector<16xf32>
        %parallel_loop3A_415 = vector.broadcast %convert_element_type3A_157 : f32 to vector<16xf32>
        %parallel_loop3A_416 = arith.addf %parallel_loop3A_415, %parallel_loop3A_414 : vector<16xf32>
        %parallel_loop3A_417 = arith.select %parallel_loop3A_413, %parallel_loop3A_283, %parallel_loop3A_205 : vector<16xi1>, vector<16xf32>
        %parallel_loop3A_418 = arith.select %parallel_loop3A_413, %parallel_loop3A_416, %parallel_loop3A_209 : vector<16xi1>, vector<16xf32>
        %parallel_loop3A_419 = arith.constant 32 : i32
        %parallel_loop3A_420 = arith.addi %parallel_loop3A_253, %parallel_loop3A_419 : i32
        %parallel_loop3A_421 = vector.broadcast %parallel_loop3A_420 : i32 to vector<16xi32>
        %parallel_loop3A_422 = arith.addi %parallel_loop3A_421, %iota3A : vector<16xi32>
        %parallel_loop3A_423 = arith.constant 1024 : i32
        %parallel_loop3A_424 = arith.muli %parallel_loop3A_235, %parallel_loop3A_423 : i32
        %parallel_loop3A_425 = vector.broadcast %parallel_loop3A_424 : i32 to vector<16xi32>
        %parallel_loop3A_426 = arith.addi %parallel_loop3A_425, %parallel_loop3A_422 : vector<16xi32>
        %parallel_loop3A_427 = arith.constant 2 : i32
        %parallel_loop3A_428 = vector.broadcast %parallel_loop3A_427 : i32 to vector<16xi32>
        %parallel_loop3A_429 = arith.muli %parallel_loop3A_422, %parallel_loop3A_428 : vector<16xi32>
        %parallel_loop3A_430 = tpu.vector_load_idx %arg9[%parallel_loop3A_257, %parallel_loop3A_429] : memref<8x2048xf32, #tpu.memory_space<vmem>>[vector<16xi32>, vector<16xi32>], vector<16xf32>,
        %parallel_loop3A_431 = arith.constant 1 : i32
        %parallel_loop3A_432 = vector.broadcast %parallel_loop3A_431 : i32 to vector<16xi32>
        %parallel_loop3A_433 = arith.addi %parallel_loop3A_429, %parallel_loop3A_432 : vector<16xi32>
        %parallel_loop3A_434 = tpu.vector_load_idx %arg9[%parallel_loop3A_257, %parallel_loop3A_433] : memref<8x2048xf32, #tpu.memory_space<vmem>>[vector<16xi32>, vector<16xi32>], vector<16xf32>,
        %parallel_loop3A_435 = arith.constant 2 : i32
        %parallel_loop3A_436 = vector.broadcast %parallel_loop3A_435 : i32 to vector<16xi32>
        %parallel_loop3A_437 = arith.muli %parallel_loop3A_362#2, %parallel_loop3A_436 : vector<16xi32>
        tpu.vector_store_idx %arg14[%parallel_loop3A_437], %parallel_loop3A_430 {add = true} : memref<1056xf32, #tpu.memory_space<vmem>>[vector<16xi32>], vector<16xf32>,
        %parallel_loop3A_438 = arith.constant 1 : i32
        %parallel_loop3A_439 = vector.broadcast %parallel_loop3A_438 : i32 to vector<16xi32>
        %parallel_loop3A_440 = arith.addi %parallel_loop3A_437, %parallel_loop3A_439 : vector<16xi32>
        tpu.vector_store_idx %arg14[%parallel_loop3A_440], %parallel_loop3A_434 {add = true} : memref<1056xf32, #tpu.memory_space<vmem>>[vector<16xi32>], vector<16xf32>,
        %parallel_loop3A_441 = arith.cmpf olt, %parallel_loop3A_305, %parallel_loop3A_206 : vector<16xf32>
        %parallel_loop3A_442 = arith.sitofp %parallel_loop3A_426 : vector<16xi32> to vector<16xf32>
        %parallel_loop3A_443 = vector.broadcast %convert_element_type3A_157 : f32 to vector<16xf32>
        %parallel_loop3A_444 = arith.addf %parallel_loop3A_443, %parallel_loop3A_442 : vector<16xf32>
        %parallel_loop3A_445 = arith.select %parallel_loop3A_441, %parallel_loop3A_305, %parallel_loop3A_206 : vector<16xi1>, vector<16xf32>
        %parallel_loop3A_446 = arith.select %parallel_loop3A_441, %parallel_loop3A_444, %parallel_loop3A_210 : vector<16xi1>, vector<16xf32>
        %parallel_loop3A_447 = arith.constant 48 : i32
        %parallel_loop3A_448 = arith.addi %parallel_loop3A_253, %parallel_loop3A_447 : i32
        %parallel_loop3A_449 = vector.broadcast %parallel_loop3A_448 : i32 to vector<16xi32>
        %parallel_loop3A_450 = arith.addi %parallel_loop3A_449, %iota3A : vector<16xi32>
        %parallel_loop3A_451 = arith.constant 1024 : i32
        %parallel_loop3A_452 = arith.muli %parallel_loop3A_235, %parallel_loop3A_451 : i32
        %parallel_loop3A_453 = vector.broadcast %parallel_loop3A_452 : i32 to vector<16xi32>
        %parallel_loop3A_454 = arith.addi %parallel_loop3A_453, %parallel_loop3A_450 : vector<16xi32>
        %parallel_loop3A_455 = arith.constant 2 : i32
        %parallel_loop3A_456 = vector.broadcast %parallel_loop3A_455 : i32 to vector<16xi32>
        %parallel_loop3A_457 = arith.muli %parallel_loop3A_450, %parallel_loop3A_456 : vector<16xi32>
        %parallel_loop3A_458 = tpu.vector_load_idx %arg9[%parallel_loop3A_257, %parallel_loop3A_457] : memref<8x2048xf32, #tpu.memory_space<vmem>>[vector<16xi32>, vector<16xi32>], vector<16xf32>,
        %parallel_loop3A_459 = arith.constant 1 : i32
        %parallel_loop3A_460 = vector.broadcast %parallel_loop3A_459 : i32 to vector<16xi32>
        %parallel_loop3A_461 = arith.addi %parallel_loop3A_457, %parallel_loop3A_460 : vector<16xi32>
        %parallel_loop3A_462 = tpu.vector_load_idx %arg9[%parallel_loop3A_257, %parallel_loop3A_461] : memref<8x2048xf32, #tpu.memory_space<vmem>>[vector<16xi32>, vector<16xi32>], vector<16xf32>,
        %parallel_loop3A_463 = arith.constant 2 : i32
        %parallel_loop3A_464 = vector.broadcast %parallel_loop3A_463 : i32 to vector<16xi32>
        %parallel_loop3A_465 = arith.muli %parallel_loop3A_362#3, %parallel_loop3A_464 : vector<16xi32>
        tpu.vector_store_idx %arg14[%parallel_loop3A_465], %parallel_loop3A_458 {add = true} : memref<1056xf32, #tpu.memory_space<vmem>>[vector<16xi32>], vector<16xf32>,
        %parallel_loop3A_466 = arith.constant 1 : i32
        %parallel_loop3A_467 = vector.broadcast %parallel_loop3A_466 : i32 to vector<16xi32>
        %parallel_loop3A_468 = arith.addi %parallel_loop3A_465, %parallel_loop3A_467 : vector<16xi32>
        tpu.vector_store_idx %arg14[%parallel_loop3A_468], %parallel_loop3A_462 {add = true} : memref<1056xf32, #tpu.memory_space<vmem>>[vector<16xi32>], vector<16xf32>,
        %parallel_loop3A_469 = arith.cmpf olt, %parallel_loop3A_327, %parallel_loop3A_207 : vector<16xf32>
        %parallel_loop3A_470 = arith.sitofp %parallel_loop3A_454 : vector<16xi32> to vector<16xf32>
        %parallel_loop3A_471 = vector.broadcast %convert_element_type3A_157 : f32 to vector<16xf32>
        %parallel_loop3A_472 = arith.addf %parallel_loop3A_471, %parallel_loop3A_470 : vector<16xf32>
        %parallel_loop3A_473 = arith.select %parallel_loop3A_469, %parallel_loop3A_327, %parallel_loop3A_207 : vector<16xi1>, vector<16xf32>
        %parallel_loop3A_474 = arith.select %parallel_loop3A_469, %parallel_loop3A_472, %parallel_loop3A_211 : vector<16xi1>, vector<16xf32>
        scf.yield %parallel_loop3A_389, %parallel_loop3A_417, %parallel_loop3A_445, %parallel_loop3A_473, %parallel_loop3A_390, %parallel_loop3A_418, %parallel_loop3A_446, %parallel_loop3A_474 : vector<16xf32>, vector<16xf32>, vector<16xf32>, vector<16xf32>, vector<16xf32>, vector<16xf32>, vector<16xf32>, vector<16xf32>
      } {sc.loop_unroll_factor = 4 : i64, sc.parallel_access}
      %dma_wait3A_162 = arith.constant 0 : i32
      %dma_wait3A_163 = tpu.memref_slice %arg2[%scan3A_18, %add3A_129, %dma_wait3A_162] : memref<8x1024x1024xf32, #tpu.memory_space<hbm>> -> memref<1x8x1024xf32, #tpu.memory_space<hbm>>
      %dma_wait3A_164 = tpu.memref_squeeze %dma_wait3A_163 : memref<1x8x1024xf32, #tpu.memory_space<hbm>> -> memref<8x1024xf32, #tpu.memory_space<hbm>>
      %dma_wait3A_165 = arith.constant 0 : i32
      %dma_wait3A_166 = tpu.memref_slice %arg2[%scan3A_18, %add3A_129, %dma_wait3A_165] : memref<8x1024x1024xf32, #tpu.memory_space<hbm>> -> memref<1x8x1024xf32, #tpu.memory_space<hbm>>
      %dma_wait3A_167 = tpu.memref_squeeze %dma_wait3A_166 : memref<1x8x1024xf32, #tpu.memory_space<hbm>> -> memref<8x1024xf32, #tpu.memory_space<hbm>>
      tpu.wait_dma2 semaphore(%arg18 : memref<!tpu.dma_semaphore, #tpu.memory_space<semaphore_mem>>) src(%dma_wait3A_167 : memref<8x1024xf32, #tpu.memory_space<hbm>>) dst(%arg8 : memref<8x1024xf32, #tpu.memory_space<vmem>>)
      %dma_wait3A_168 = arith.constant 0 : i32
      %dma_wait3A_169 = tpu.memref_slice %arg4[%add3A_138, %dma_wait3A_168] : memref<8192x2048xf32, #tpu.memory_space<hbm>> -> memref<8x2048xf32, #tpu.memory_space<hbm>>
      %dma_wait3A_170 = arith.constant 0 : i32
      %dma_wait3A_171 = tpu.memref_slice %arg4[%add3A_138, %dma_wait3A_170] : memref<8192x2048xf32, #tpu.memory_space<hbm>> -> memref<8x2048xf32, #tpu.memory_space<hbm>>
      tpu.wait_dma2 semaphore(%arg20 : memref<!tpu.dma_semaphore, #tpu.memory_space<semaphore_mem>>) src(%dma_wait3A_171 : memref<8x2048xf32, #tpu.memory_space<hbm>>) dst(%arg10 : memref<8x2048xf32, #tpu.memory_space<vmem>>)
      %add3A_172 = arith.constant 24 : i32
      %add3A_173 = arith.addi %mul3A_31, %add3A_172 : i32
      %mul3A_174 = arith.constant 1024 : i32
      %mul3A_175 = arith.muli %add3A_173, %mul3A_174 : i32
      %convert_element_type3A_176 = arith.sitofp %mul3A_175 : i32 to f32
      %parallel_loop3A_177 = arith.constant 0 : i32
      %parallel_loop3A_178 = arith.constant 128 : i32
      %parallel_loop3A_179 = arith.constant 1 : i32
      %parallel_loop3A_180:8 = scf.for %parallel_loop3A_203 = %parallel_loop3A_177 to %parallel_loop3A_178 step %parallel_loop3A_179 iter_args(%parallel_loop3A_204 = %parallel_loop3A_161#0, %parallel_loop3A_205 = %parallel_loop3A_161#1, %parallel_loop3A_206 = %parallel_loop3A_161#2, %parallel_loop3A_207 = %parallel_loop3A_161#3, %parallel_loop3A_208 = %parallel_loop3A_161#4, %parallel_loop3A_209 = %parallel_loop3A_161#5, %parallel_loop3A_210 = %parallel_loop3A_161#6, %parallel_loop3A_211 = %parallel_loop3A_161#7) -> (vector<16xf32>, vector<16xf32>, vector<16xf32>, vector<16xf32>, vector<16xf32>, vector<16xf32>, vector<16xf32>, vector<16xf32>)  : i32 {
        %parallel_loop3A_212 = arith.constant 16 : i32
        %parallel_loop3A_213 = arith.divsi %parallel_loop3A_203, %parallel_loop3A_212 : i32
        %parallel_loop3A_214 = arith.constant 0 : i32
        %parallel_loop3A_215 = arith.cmpi sgt, %parallel_loop3A_203, %parallel_loop3A_214 : i32
        %parallel_loop3A_216 = arith.extui %parallel_loop3A_215 : i1 to i32
        %parallel_loop3A_217 = arith.constant 0 : i32
        %parallel_loop3A_218 = arith.cmpi slt, %parallel_loop3A_203, %parallel_loop3A_217 : i32
        %parallel_loop3A_219 = arith.extui %parallel_loop3A_218 : i1 to i32
        %parallel_loop3A_220 = arith.subi %parallel_loop3A_216, %parallel_loop3A_219 : i32
        %parallel_loop3A_221 = arith.constant 0 : i32
        %parallel_loop3A_222 = arith.cmpi sgt, %parallel_loop3A_212, %parallel_loop3A_221 : i32
        %parallel_loop3A_223 = arith.extui %parallel_loop3A_222 : i1 to i32
        %parallel_loop3A_224 = arith.constant 0 : i32
        %parallel_loop3A_225 = arith.cmpi slt, %parallel_loop3A_212, %parallel_loop3A_224 : i32
        %parallel_loop3A_226 = arith.extui %parallel_loop3A_225 : i1 to i32
        %parallel_loop3A_227 = arith.subi %parallel_loop3A_223, %parallel_loop3A_226 : i32
        %parallel_loop3A_228 = arith.cmpi ne, %parallel_loop3A_220, %parallel_loop3A_227 : i32
        %parallel_loop3A_229 = arith.remsi %parallel_loop3A_203, %parallel_loop3A_212 : i32
        %parallel_loop3A_230 = arith.constant 0 : i32
        %parallel_loop3A_231 = arith.cmpi ne, %parallel_loop3A_229, %parallel_loop3A_230 : i32
        %parallel_loop3A_232 = arith.andi %parallel_loop3A_228, %parallel_loop3A_231 : i1
        %parallel_loop3A_233 = arith.constant 1 : i32
        %parallel_loop3A_234 = arith.subi %parallel_loop3A_213, %parallel_loop3A_233 : i32
        %parallel_loop3A_235 = arith.select %parallel_loop3A_232, %parallel_loop3A_234, %parallel_loop3A_213 : i32
        %parallel_loop3A_236 = arith.constant 16 : i32
        %parallel_loop3A_237 = arith.constant 0 : i32
        %parallel_loop3A_238 = arith.cmpi eq, %parallel_loop3A_236, %parallel_loop3A_237 : i32
        %parallel_loop3A_239 = arith.constant 1 : i32
        %parallel_loop3A_240 = arith.select %parallel_loop3A_238, %parallel_loop3A_239, %parallel_loop3A_236 : i32
        %parallel_loop3A_241 = arith.remsi %parallel_loop3A_203, %parallel_loop3A_240 : i32
        %parallel_loop3A_242 = arith.constant 0 : i32
        %parallel_loop3A_243 = arith.cmpi ne, %parallel_loop3A_241, %parallel_loop3A_242 : i32
        %parallel_loop3A_244 = arith.constant 0 : i32
        %parallel_loop3A_245 = arith.cmpi slt, %parallel_loop3A_241, %parallel_loop3A_244 : i32
        %parallel_loop3A_246 = arith.constant 0 : i32
        %parallel_loop3A_247 = arith.cmpi slt, %parallel_loop3A_240, %parallel_loop3A_246 : i32
        %parallel_loop3A_248 = arith.xori %parallel_loop3A_245, %parallel_loop3A_247 : i1
        %parallel_loop3A_249 = arith.andi %parallel_loop3A_248, %parallel_loop3A_243 : i1
        %parallel_loop3A_250 = arith.addi %parallel_loop3A_241, %parallel_loop3A_240 : i32
        %parallel_loop3A_251 = arith.select %parallel_loop3A_249, %parallel_loop3A_250, %parallel_loop3A_241 : i32
        %parallel_loop3A_252 = arith.constant 64 : i32
        %parallel_loop3A_253 = arith.muli %parallel_loop3A_251, %parallel_loop3A_252 : i32
        %parallel_loop3A_254 = arith.constant 0 : i32
        %parallel_loop3A_255 = vector.broadcast %parallel_loop3A_254 : i32 to vector<16xi32>
        %parallel_loop3A_256 = vector.broadcast %parallel_loop3A_235 : i32 to vector<16xi32>
        %parallel_loop3A_257 = arith.addi %parallel_loop3A_255, %parallel_loop3A_256 : vector<16xi32>
        %parallel_loop3A_258 = arith.constant 0 : i32
        %parallel_loop3A_259 = arith.addi %parallel_loop3A_253, %parallel_loop3A_258 : i32
        %parallel_loop3A_260 = arith.index_cast %parallel_loop3A_235 : i32 to index
        %parallel_loop3A_261 = arith.index_cast %parallel_loop3A_259 : i32 to index
        %parallel_loop3A_262 = tpu.vector_load %arg8[%parallel_loop3A_260, %parallel_loop3A_261] {strides = array<i32>} : memref<8x1024xf32, #tpu.memory_space<vmem>>, vector<16xf32>,
        %parallel_loop3A_263 = arith.constant 8.192000e+03 : f32
        %parallel_loop3A_264 = vector.broadcast %parallel_loop3A_263 : f32 to vector<16xf32>
        %parallel_loop3A_265 = arith.mulf %parallel_loop3A_262, %parallel_loop3A_264 : vector<16xf32>
        %parallel_loop3A_266 = arith.fptosi %parallel_loop3A_265 : vector<16xf32> to vector<16xi32>
        %parallel_loop3A_267 = arith.constant 8191 : i32
        %parallel_loop3A_268 = vector.broadcast %parallel_loop3A_267 : i32 to vector<16xi32>
        %parallel_loop3A_269 = arith.minsi %parallel_loop3A_266, %parallel_loop3A_268 : vector<16xi32>
        %parallel_loop3A_270 = tpu.vector_load_idx %arg13[%parallel_loop3A_269] : memref<8192xi32, #tpu.memory_space<vmem>>[vector<16xi32>], vector<16xi32>,
        %parallel_loop3A_271 = arith.constant 1 : i32
        %parallel_loop3A_272 = vector.broadcast %parallel_loop3A_271 : i32 to vector<16xi32>
        %parallel_loop3A_273 = arith.shrui %parallel_loop3A_270, %parallel_loop3A_272 : vector<16xi32>
        %parallel_loop3A_274 = arith.andi %parallel_loop3A_270, %broadcast_in_dim3A_7 : vector<16xi32>
        %parallel_loop3A_275 = tpu.vector_load_idx %arg11[%parallel_loop3A_273] : memref<528xf32, #tpu.memory_space<vmem>>[vector<16xi32>], vector<16xf32>,
        %parallel_loop3A_276 = arith.cmpf ole, %parallel_loop3A_275, %parallel_loop3A_262 : vector<16xf32>
        %parallel_loop3A_277 = arith.select %parallel_loop3A_276, %broadcast_in_dim3A_7, %broadcast_in_dim3A_9 : vector<16xi1>, vector<16xi32>
        %parallel_loop3A_278 = arith.addi %parallel_loop3A_273, %parallel_loop3A_277 : vector<16xi32>
        %parallel_loop3A_279 = arith.constant 16 : i32
        %parallel_loop3A_280 = arith.addi %parallel_loop3A_253, %parallel_loop3A_279 : i32
        %parallel_loop3A_281 = arith.index_cast %parallel_loop3A_235 : i32 to index
        %parallel_loop3A_282 = arith.index_cast %parallel_loop3A_280 : i32 to index
        %parallel_loop3A_283 = tpu.vector_load %arg8[%parallel_loop3A_281, %parallel_loop3A_282] {strides = array<i32>} : memref<8x1024xf32, #tpu.memory_space<vmem>>, vector<16xf32>,
        %parallel_loop3A_284 = arith.constant 8.192000e+03 : f32
        %parallel_loop3A_285 = vector.broadcast %parallel_loop3A_284 : f32 to vector<16xf32>
        %parallel_loop3A_286 = arith.mulf %parallel_loop3A_283, %parallel_loop3A_285 : vector<16xf32>
        %parallel_loop3A_287 = arith.fptosi %parallel_loop3A_286 : vector<16xf32> to vector<16xi32>
        %parallel_loop3A_288 = arith.constant 8191 : i32
        %parallel_loop3A_289 = vector.broadcast %parallel_loop3A_288 : i32 to vector<16xi32>
        %parallel_loop3A_290 = arith.minsi %parallel_loop3A_287, %parallel_loop3A_289 : vector<16xi32>
        %parallel_loop3A_291 = tpu.vector_load_idx %arg13[%parallel_loop3A_290] : memref<8192xi32, #tpu.memory_space<vmem>>[vector<16xi32>], vector<16xi32>,
        %parallel_loop3A_292 = arith.constant 1 : i32
        %parallel_loop3A_293 = vector.broadcast %parallel_loop3A_292 : i32 to vector<16xi32>
        %parallel_loop3A_294 = arith.shrui %parallel_loop3A_291, %parallel_loop3A_293 : vector<16xi32>
        %parallel_loop3A_295 = arith.andi %parallel_loop3A_291, %broadcast_in_dim3A_7 : vector<16xi32>
        %parallel_loop3A_296 = tpu.vector_load_idx %arg11[%parallel_loop3A_294] : memref<528xf32, #tpu.memory_space<vmem>>[vector<16xi32>], vector<16xf32>,
        %parallel_loop3A_297 = arith.cmpf ole, %parallel_loop3A_296, %parallel_loop3A_283 : vector<16xf32>
        %parallel_loop3A_298 = arith.select %parallel_loop3A_297, %broadcast_in_dim3A_7, %broadcast_in_dim3A_9 : vector<16xi1>, vector<16xi32>
        %parallel_loop3A_299 = arith.addi %parallel_loop3A_294, %parallel_loop3A_298 : vector<16xi32>
        %parallel_loop3A_300 = arith.ori %parallel_loop3A_274, %parallel_loop3A_295 : vector<16xi32>
        %parallel_loop3A_301 = arith.constant 32 : i32
        %parallel_loop3A_302 = arith.addi %parallel_loop3A_253, %parallel_loop3A_301 : i32
        %parallel_loop3A_303 = arith.index_cast %parallel_loop3A_235 : i32 to index
        %parallel_loop3A_304 = arith.index_cast %parallel_loop3A_302 : i32 to index
        %parallel_loop3A_305 = tpu.vector_load %arg8[%parallel_loop3A_303, %parallel_loop3A_304] {strides = array<i32>} : memref<8x1024xf32, #tpu.memory_space<vmem>>, vector<16xf32>,
        %parallel_loop3A_306 = arith.constant 8.192000e+03 : f32
        %parallel_loop3A_307 = vector.broadcast %parallel_loop3A_306 : f32 to vector<16xf32>
        %parallel_loop3A_308 = arith.mulf %parallel_loop3A_305, %parallel_loop3A_307 : vector<16xf32>
        %parallel_loop3A_309 = arith.fptosi %parallel_loop3A_308 : vector<16xf32> to vector<16xi32>
        %parallel_loop3A_310 = arith.constant 8191 : i32
        %parallel_loop3A_311 = vector.broadcast %parallel_loop3A_310 : i32 to vector<16xi32>
        %parallel_loop3A_312 = arith.minsi %parallel_loop3A_309, %parallel_loop3A_311 : vector<16xi32>
        %parallel_loop3A_313 = tpu.vector_load_idx %arg13[%parallel_loop3A_312] : memref<8192xi32, #tpu.memory_space<vmem>>[vector<16xi32>], vector<16xi32>,
        %parallel_loop3A_314 = arith.constant 1 : i32
        %parallel_loop3A_315 = vector.broadcast %parallel_loop3A_314 : i32 to vector<16xi32>
        %parallel_loop3A_316 = arith.shrui %parallel_loop3A_313, %parallel_loop3A_315 : vector<16xi32>
        %parallel_loop3A_317 = arith.andi %parallel_loop3A_313, %broadcast_in_dim3A_7 : vector<16xi32>
        %parallel_loop3A_318 = tpu.vector_load_idx %arg11[%parallel_loop3A_316] : memref<528xf32, #tpu.memory_space<vmem>>[vector<16xi32>], vector<16xf32>,
        %parallel_loop3A_319 = arith.cmpf ole, %parallel_loop3A_318, %parallel_loop3A_305 : vector<16xf32>
        %parallel_loop3A_320 = arith.select %parallel_loop3A_319, %broadcast_in_dim3A_7, %broadcast_in_dim3A_9 : vector<16xi1>, vector<16xi32>
        %parallel_loop3A_321 = arith.addi %parallel_loop3A_316, %parallel_loop3A_320 : vector<16xi32>
        %parallel_loop3A_322 = arith.ori %parallel_loop3A_300, %parallel_loop3A_317 : vector<16xi32>
        %parallel_loop3A_323 = arith.constant 48 : i32
        %parallel_loop3A_324 = arith.addi %parallel_loop3A_253, %parallel_loop3A_323 : i32
        %parallel_loop3A_325 = arith.index_cast %parallel_loop3A_235 : i32 to index
        %parallel_loop3A_326 = arith.index_cast %parallel_loop3A_324 : i32 to index
        %parallel_loop3A_327 = tpu.vector_load %arg8[%parallel_loop3A_325, %parallel_loop3A_326] {strides = array<i32>} : memref<8x1024xf32, #tpu.memory_space<vmem>>, vector<16xf32>,
        %parallel_loop3A_328 = arith.constant 8.192000e+03 : f32
        %parallel_loop3A_329 = vector.broadcast %parallel_loop3A_328 : f32 to vector<16xf32>
        %parallel_loop3A_330 = arith.mulf %parallel_loop3A_327, %parallel_loop3A_329 : vector<16xf32>
        %parallel_loop3A_331 = arith.fptosi %parallel_loop3A_330 : vector<16xf32> to vector<16xi32>
        %parallel_loop3A_332 = arith.constant 8191 : i32
        %parallel_loop3A_333 = vector.broadcast %parallel_loop3A_332 : i32 to vector<16xi32>
        %parallel_loop3A_334 = arith.minsi %parallel_loop3A_331, %parallel_loop3A_333 : vector<16xi32>
        %parallel_loop3A_335 = tpu.vector_load_idx %arg13[%parallel_loop3A_334] : memref<8192xi32, #tpu.memory_space<vmem>>[vector<16xi32>], vector<16xi32>,
        %parallel_loop3A_336 = arith.constant 1 : i32
        %parallel_loop3A_337 = vector.broadcast %parallel_loop3A_336 : i32 to vector<16xi32>
        %parallel_loop3A_338 = arith.shrui %parallel_loop3A_335, %parallel_loop3A_337 : vector<16xi32>
        %parallel_loop3A_339 = arith.andi %parallel_loop3A_335, %broadcast_in_dim3A_7 : vector<16xi32>
        %parallel_loop3A_340 = tpu.vector_load_idx %arg11[%parallel_loop3A_338] : memref<528xf32, #tpu.memory_space<vmem>>[vector<16xi32>], vector<16xf32>,
        %parallel_loop3A_341 = arith.cmpf ole, %parallel_loop3A_340, %parallel_loop3A_327 : vector<16xf32>
        %parallel_loop3A_342 = arith.select %parallel_loop3A_341, %broadcast_in_dim3A_7, %broadcast_in_dim3A_9 : vector<16xi1>, vector<16xi32>
        %parallel_loop3A_343 = arith.addi %parallel_loop3A_338, %parallel_loop3A_342 : vector<16xi32>
        %parallel_loop3A_344 = arith.ori %parallel_loop3A_322, %parallel_loop3A_339 : vector<16xi32>
        %parallel_loop3A_345 = arith.constant 0 : i32
        %parallel_loop3A_346 = vector.broadcast %parallel_loop3A_345 : i32 to vector<16xi32>
        %parallel_loop3A_347 = arith.cmpi sgt, %parallel_loop3A_344, %parallel_loop3A_346 : vector<16xi32>
        %parallel_loop3A_348 = arith.constant 1.000000e+00 : f32
        %parallel_loop3A_349 = arith.constant 0.000000e+00 : f32
        %parallel_loop3A_350 = vector.broadcast %parallel_loop3A_348 : f32 to vector<16xf32>
        %parallel_loop3A_351 = vector.broadcast %parallel_loop3A_349 : f32 to vector<16xf32>
        %parallel_loop3A_352 = arith.select %parallel_loop3A_347, %parallel_loop3A_350, %parallel_loop3A_351 : vector<16xi1>, vector<16xf32>
        %parallel_loop3A_353 = arith.constant true
        %parallel_loop3A_354 = vector.broadcast %parallel_loop3A_353 : i1 to vector<16xi1>
        %parallel_loop3A_355 = tpu.scan <max>, %parallel_loop3A_352 masked %parallel_loop3A_354 : vector<16xf32>, vector<16xi1> -> vector<16xf32>
        %parallel_loop3A_356 = vector.extract %parallel_loop3A_355[15] : f32 from vector<16xf32>
        %parallel_loop3A_357 = arith.constant 0.000000e+00 : f32
        %parallel_loop3A_358 = arith.cmpf ogt, %parallel_loop3A_356, %parallel_loop3A_357 : f32
        %parallel_loop3A_359 = arith.extui %parallel_loop3A_358 : i1 to i32
        %parallel_loop3A_360 = arith.constant 0 : i32
        %parallel_loop3A_361 = arith.cmpi ne, %parallel_loop3A_359, %parallel_loop3A_360 : i32
        %parallel_loop3A_362:4 = scf.if %parallel_loop3A_361 -> (vector<16xi32>, vector<16xi32>, vector<16xi32>, vector<16xi32>) {
          %parallel_loop3A_475:4 = scf.while (%while3A = %parallel_loop3A_278, %while3A_476 = %parallel_loop3A_299, %while3A_477 = %parallel_loop3A_321, %while3A_478 = %parallel_loop3A_343) : (vector<16xi32>, vector<16xi32>, vector<16xi32>, vector<16xi32>) -> (vector<16xi32>, vector<16xi32>, vector<16xi32>, vector<16xi32>) {
            %parallel_loop3A_479 = tpu.vector_load_idx %arg11[%while3A] : memref<528xf32, #tpu.memory_space<vmem>>[vector<16xi32>], vector<16xf32>,
            %parallel_loop3A_480 = arith.cmpf ole, %parallel_loop3A_479, %parallel_loop3A_262 : vector<16xf32>
            %parallel_loop3A_481 = tpu.vector_load_idx %arg11[%while3A_476] : memref<528xf32, #tpu.memory_space<vmem>>[vector<16xi32>], vector<16xf32>,
            %parallel_loop3A_482 = arith.cmpf ole, %parallel_loop3A_481, %parallel_loop3A_283 : vector<16xf32>
            %parallel_loop3A_483 = arith.ori %parallel_loop3A_480, %parallel_loop3A_482 : vector<16xi1>
            %parallel_loop3A_484 = tpu.vector_load_idx %arg11[%while3A_477] : memref<528xf32, #tpu.memory_space<vmem>>[vector<16xi32>], vector<16xf32>,
            %parallel_loop3A_485 = arith.cmpf ole, %parallel_loop3A_484, %parallel_loop3A_305 : vector<16xf32>
            %parallel_loop3A_486 = arith.ori %parallel_loop3A_483, %parallel_loop3A_485 : vector<16xi1>
            %parallel_loop3A_487 = tpu.vector_load_idx %arg11[%while3A_478] : memref<528xf32, #tpu.memory_space<vmem>>[vector<16xi32>], vector<16xf32>,
            %parallel_loop3A_488 = arith.cmpf ole, %parallel_loop3A_487, %parallel_loop3A_327 : vector<16xf32>
            %parallel_loop3A_489 = arith.ori %parallel_loop3A_486, %parallel_loop3A_488 : vector<16xi1>
            %parallel_loop3A_490 = arith.constant 1.000000e+00 : f32
            %parallel_loop3A_491 = arith.constant 0.000000e+00 : f32
            %parallel_loop3A_492 = vector.broadcast %parallel_loop3A_490 : f32 to vector<16xf32>
            %parallel_loop3A_493 = vector.broadcast %parallel_loop3A_491 : f32 to vector<16xf32>
            %parallel_loop3A_494 = arith.select %parallel_loop3A_489, %parallel_loop3A_492, %parallel_loop3A_493 : vector<16xi1>, vector<16xf32>
            %parallel_loop3A_495 = arith.constant true
            %parallel_loop3A_496 = vector.broadcast %parallel_loop3A_495 : i1 to vector<16xi1>
            %parallel_loop3A_497 = tpu.scan <max>, %parallel_loop3A_494 masked %parallel_loop3A_496 : vector<16xf32>, vector<16xi1> -> vector<16xf32>
            %parallel_loop3A_498 = vector.extract %parallel_loop3A_497[15] : f32 from vector<16xf32>
            %parallel_loop3A_499 = arith.constant 0.000000e+00 : f32
            %parallel_loop3A_500 = arith.cmpf ogt, %parallel_loop3A_498, %parallel_loop3A_499 : f32
            scf.condition(%parallel_loop3A_500) %while3A, %while3A_476, %while3A_477, %while3A_478 : vector<16xi32>, vector<16xi32>, vector<16xi32>, vector<16xi32>
          } do {
          ^bb0(%while3A: vector<16xi32>, %while3A_476: vector<16xi32>, %while3A_477: vector<16xi32>, %while3A_478: vector<16xi32>):
            %parallel_loop3A_479 = tpu.vector_load_idx %arg11[%while3A] : memref<528xf32, #tpu.memory_space<vmem>>[vector<16xi32>], vector<16xf32>,
            %parallel_loop3A_480 = arith.cmpf ole, %parallel_loop3A_479, %parallel_loop3A_262 : vector<16xf32>
            %parallel_loop3A_481 = arith.select %parallel_loop3A_480, %broadcast_in_dim3A_7, %broadcast_in_dim3A_9 : vector<16xi1>, vector<16xi32>
            %parallel_loop3A_482 = arith.addi %while3A, %parallel_loop3A_481 : vector<16xi32>
            %parallel_loop3A_483 = tpu.vector_load_idx %arg11[%while3A_476] : memref<528xf32, #tpu.memory_space<vmem>>[vector<16xi32>], vector<16xf32>,
            %parallel_loop3A_484 = arith.cmpf ole, %parallel_loop3A_483, %parallel_loop3A_283 : vector<16xf32>
            %parallel_loop3A_485 = arith.select %parallel_loop3A_484, %broadcast_in_dim3A_7, %broadcast_in_dim3A_9 : vector<16xi1>, vector<16xi32>
            %parallel_loop3A_486 = arith.addi %while3A_476, %parallel_loop3A_485 : vector<16xi32>
            %parallel_loop3A_487 = tpu.vector_load_idx %arg11[%while3A_477] : memref<528xf32, #tpu.memory_space<vmem>>[vector<16xi32>], vector<16xf32>,
            %parallel_loop3A_488 = arith.cmpf ole, %parallel_loop3A_487, %parallel_loop3A_305 : vector<16xf32>
            %parallel_loop3A_489 = arith.select %parallel_loop3A_488, %broadcast_in_dim3A_7, %broadcast_in_dim3A_9 : vector<16xi1>, vector<16xi32>
            %parallel_loop3A_490 = arith.addi %while3A_477, %parallel_loop3A_489 : vector<16xi32>
            %parallel_loop3A_491 = tpu.vector_load_idx %arg11[%while3A_478] : memref<528xf32, #tpu.memory_space<vmem>>[vector<16xi32>], vector<16xf32>,
            %parallel_loop3A_492 = arith.cmpf ole, %parallel_loop3A_491, %parallel_loop3A_327 : vector<16xf32>
            %parallel_loop3A_493 = arith.select %parallel_loop3A_492, %broadcast_in_dim3A_7, %broadcast_in_dim3A_9 : vector<16xi1>, vector<16xi32>
            %parallel_loop3A_494 = arith.addi %while3A_478, %parallel_loop3A_493 : vector<16xi32>
            scf.yield %parallel_loop3A_482, %parallel_loop3A_486, %parallel_loop3A_490, %parallel_loop3A_494 : vector<16xi32>, vector<16xi32>, vector<16xi32>, vector<16xi32>
          }
          scf.yield %parallel_loop3A_475#0, %parallel_loop3A_475#1, %parallel_loop3A_475#2, %parallel_loop3A_475#3 : vector<16xi32>, vector<16xi32>, vector<16xi32>, vector<16xi32>
        } else {
          scf.yield %parallel_loop3A_278, %parallel_loop3A_299, %parallel_loop3A_321, %parallel_loop3A_343 : vector<16xi32>, vector<16xi32>, vector<16xi32>, vector<16xi32>
        }
        %parallel_loop3A_363 = arith.constant 0 : i32
        %parallel_loop3A_364 = arith.addi %parallel_loop3A_253, %parallel_loop3A_363 : i32
        %parallel_loop3A_365 = vector.broadcast %parallel_loop3A_364 : i32 to vector<16xi32>
        %parallel_loop3A_366 = arith.addi %parallel_loop3A_365, %iota3A : vector<16xi32>
        %parallel_loop3A_367 = arith.constant 1024 : i32
        %parallel_loop3A_368 = arith.muli %parallel_loop3A_235, %parallel_loop3A_367 : i32
        %parallel_loop3A_369 = vector.broadcast %parallel_loop3A_368 : i32 to vector<16xi32>
        %parallel_loop3A_370 = arith.addi %parallel_loop3A_369, %parallel_loop3A_366 : vector<16xi32>
        %parallel_loop3A_371 = arith.constant 2 : i32
        %parallel_loop3A_372 = vector.broadcast %parallel_loop3A_371 : i32 to vector<16xi32>
        %parallel_loop3A_373 = arith.muli %parallel_loop3A_366, %parallel_loop3A_372 : vector<16xi32>
        %parallel_loop3A_374 = tpu.vector_load_idx %arg10[%parallel_loop3A_257, %parallel_loop3A_373] : memref<8x2048xf32, #tpu.memory_space<vmem>>[vector<16xi32>, vector<16xi32>], vector<16xf32>,
        %parallel_loop3A_375 = arith.constant 1 : i32
        %parallel_loop3A_376 = vector.broadcast %parallel_loop3A_375 : i32 to vector<16xi32>
        %parallel_loop3A_377 = arith.addi %parallel_loop3A_373, %parallel_loop3A_376 : vector<16xi32>
        %parallel_loop3A_378 = tpu.vector_load_idx %arg10[%parallel_loop3A_257, %parallel_loop3A_377] : memref<8x2048xf32, #tpu.memory_space<vmem>>[vector<16xi32>, vector<16xi32>], vector<16xf32>,
        %parallel_loop3A_379 = arith.constant 2 : i32
        %parallel_loop3A_380 = vector.broadcast %parallel_loop3A_379 : i32 to vector<16xi32>
        %parallel_loop3A_381 = arith.muli %parallel_loop3A_362#0, %parallel_loop3A_380 : vector<16xi32>
        tpu.vector_store_idx %arg14[%parallel_loop3A_381], %parallel_loop3A_374 {add = true} : memref<1056xf32, #tpu.memory_space<vmem>>[vector<16xi32>], vector<16xf32>,
        %parallel_loop3A_382 = arith.constant 1 : i32
        %parallel_loop3A_383 = vector.broadcast %parallel_loop3A_382 : i32 to vector<16xi32>
        %parallel_loop3A_384 = arith.addi %parallel_loop3A_381, %parallel_loop3A_383 : vector<16xi32>
        tpu.vector_store_idx %arg14[%parallel_loop3A_384], %parallel_loop3A_378 {add = true} : memref<1056xf32, #tpu.memory_space<vmem>>[vector<16xi32>], vector<16xf32>,
        %parallel_loop3A_385 = arith.cmpf olt, %parallel_loop3A_262, %parallel_loop3A_204 : vector<16xf32>
        %parallel_loop3A_386 = arith.sitofp %parallel_loop3A_370 : vector<16xi32> to vector<16xf32>
        %parallel_loop3A_387 = vector.broadcast %convert_element_type3A_176 : f32 to vector<16xf32>
        %parallel_loop3A_388 = arith.addf %parallel_loop3A_387, %parallel_loop3A_386 : vector<16xf32>
        %parallel_loop3A_389 = arith.select %parallel_loop3A_385, %parallel_loop3A_262, %parallel_loop3A_204 : vector<16xi1>, vector<16xf32>
        %parallel_loop3A_390 = arith.select %parallel_loop3A_385, %parallel_loop3A_388, %parallel_loop3A_208 : vector<16xi1>, vector<16xf32>
        %parallel_loop3A_391 = arith.constant 16 : i32
        %parallel_loop3A_392 = arith.addi %parallel_loop3A_253, %parallel_loop3A_391 : i32
        %parallel_loop3A_393 = vector.broadcast %parallel_loop3A_392 : i32 to vector<16xi32>
        %parallel_loop3A_394 = arith.addi %parallel_loop3A_393, %iota3A : vector<16xi32>
        %parallel_loop3A_395 = arith.constant 1024 : i32
        %parallel_loop3A_396 = arith.muli %parallel_loop3A_235, %parallel_loop3A_395 : i32
        %parallel_loop3A_397 = vector.broadcast %parallel_loop3A_396 : i32 to vector<16xi32>
        %parallel_loop3A_398 = arith.addi %parallel_loop3A_397, %parallel_loop3A_394 : vector<16xi32>
        %parallel_loop3A_399 = arith.constant 2 : i32
        %parallel_loop3A_400 = vector.broadcast %parallel_loop3A_399 : i32 to vector<16xi32>
        %parallel_loop3A_401 = arith.muli %parallel_loop3A_394, %parallel_loop3A_400 : vector<16xi32>
        %parallel_loop3A_402 = tpu.vector_load_idx %arg10[%parallel_loop3A_257, %parallel_loop3A_401] : memref<8x2048xf32, #tpu.memory_space<vmem>>[vector<16xi32>, vector<16xi32>], vector<16xf32>,
        %parallel_loop3A_403 = arith.constant 1 : i32
        %parallel_loop3A_404 = vector.broadcast %parallel_loop3A_403 : i32 to vector<16xi32>
        %parallel_loop3A_405 = arith.addi %parallel_loop3A_401, %parallel_loop3A_404 : vector<16xi32>
        %parallel_loop3A_406 = tpu.vector_load_idx %arg10[%parallel_loop3A_257, %parallel_loop3A_405] : memref<8x2048xf32, #tpu.memory_space<vmem>>[vector<16xi32>, vector<16xi32>], vector<16xf32>,
        %parallel_loop3A_407 = arith.constant 2 : i32
        %parallel_loop3A_408 = vector.broadcast %parallel_loop3A_407 : i32 to vector<16xi32>
        %parallel_loop3A_409 = arith.muli %parallel_loop3A_362#1, %parallel_loop3A_408 : vector<16xi32>
        tpu.vector_store_idx %arg14[%parallel_loop3A_409], %parallel_loop3A_402 {add = true} : memref<1056xf32, #tpu.memory_space<vmem>>[vector<16xi32>], vector<16xf32>,
        %parallel_loop3A_410 = arith.constant 1 : i32
        %parallel_loop3A_411 = vector.broadcast %parallel_loop3A_410 : i32 to vector<16xi32>
        %parallel_loop3A_412 = arith.addi %parallel_loop3A_409, %parallel_loop3A_411 : vector<16xi32>
        tpu.vector_store_idx %arg14[%parallel_loop3A_412], %parallel_loop3A_406 {add = true} : memref<1056xf32, #tpu.memory_space<vmem>>[vector<16xi32>], vector<16xf32>,
        %parallel_loop3A_413 = arith.cmpf olt, %parallel_loop3A_283, %parallel_loop3A_205 : vector<16xf32>
        %parallel_loop3A_414 = arith.sitofp %parallel_loop3A_398 : vector<16xi32> to vector<16xf32>
        %parallel_loop3A_415 = vector.broadcast %convert_element_type3A_176 : f32 to vector<16xf32>
        %parallel_loop3A_416 = arith.addf %parallel_loop3A_415, %parallel_loop3A_414 : vector<16xf32>
        %parallel_loop3A_417 = arith.select %parallel_loop3A_413, %parallel_loop3A_283, %parallel_loop3A_205 : vector<16xi1>, vector<16xf32>
        %parallel_loop3A_418 = arith.select %parallel_loop3A_413, %parallel_loop3A_416, %parallel_loop3A_209 : vector<16xi1>, vector<16xf32>
        %parallel_loop3A_419 = arith.constant 32 : i32
        %parallel_loop3A_420 = arith.addi %parallel_loop3A_253, %parallel_loop3A_419 : i32
        %parallel_loop3A_421 = vector.broadcast %parallel_loop3A_420 : i32 to vector<16xi32>
        %parallel_loop3A_422 = arith.addi %parallel_loop3A_421, %iota3A : vector<16xi32>
        %parallel_loop3A_423 = arith.constant 1024 : i32
        %parallel_loop3A_424 = arith.muli %parallel_loop3A_235, %parallel_loop3A_423 : i32
        %parallel_loop3A_425 = vector.broadcast %parallel_loop3A_424 : i32 to vector<16xi32>
        %parallel_loop3A_426 = arith.addi %parallel_loop3A_425, %parallel_loop3A_422 : vector<16xi32>
        %parallel_loop3A_427 = arith.constant 2 : i32
        %parallel_loop3A_428 = vector.broadcast %parallel_loop3A_427 : i32 to vector<16xi32>
        %parallel_loop3A_429 = arith.muli %parallel_loop3A_422, %parallel_loop3A_428 : vector<16xi32>
        %parallel_loop3A_430 = tpu.vector_load_idx %arg10[%parallel_loop3A_257, %parallel_loop3A_429] : memref<8x2048xf32, #tpu.memory_space<vmem>>[vector<16xi32>, vector<16xi32>], vector<16xf32>,
        %parallel_loop3A_431 = arith.constant 1 : i32
        %parallel_loop3A_432 = vector.broadcast %parallel_loop3A_431 : i32 to vector<16xi32>
        %parallel_loop3A_433 = arith.addi %parallel_loop3A_429, %parallel_loop3A_432 : vector<16xi32>
        %parallel_loop3A_434 = tpu.vector_load_idx %arg10[%parallel_loop3A_257, %parallel_loop3A_433] : memref<8x2048xf32, #tpu.memory_space<vmem>>[vector<16xi32>, vector<16xi32>], vector<16xf32>,
        %parallel_loop3A_435 = arith.constant 2 : i32
        %parallel_loop3A_436 = vector.broadcast %parallel_loop3A_435 : i32 to vector<16xi32>
        %parallel_loop3A_437 = arith.muli %parallel_loop3A_362#2, %parallel_loop3A_436 : vector<16xi32>
        tpu.vector_store_idx %arg14[%parallel_loop3A_437], %parallel_loop3A_430 {add = true} : memref<1056xf32, #tpu.memory_space<vmem>>[vector<16xi32>], vector<16xf32>,
        %parallel_loop3A_438 = arith.constant 1 : i32
        %parallel_loop3A_439 = vector.broadcast %parallel_loop3A_438 : i32 to vector<16xi32>
        %parallel_loop3A_440 = arith.addi %parallel_loop3A_437, %parallel_loop3A_439 : vector<16xi32>
        tpu.vector_store_idx %arg14[%parallel_loop3A_440], %parallel_loop3A_434 {add = true} : memref<1056xf32, #tpu.memory_space<vmem>>[vector<16xi32>], vector<16xf32>,
        %parallel_loop3A_441 = arith.cmpf olt, %parallel_loop3A_305, %parallel_loop3A_206 : vector<16xf32>
        %parallel_loop3A_442 = arith.sitofp %parallel_loop3A_426 : vector<16xi32> to vector<16xf32>
        %parallel_loop3A_443 = vector.broadcast %convert_element_type3A_176 : f32 to vector<16xf32>
        %parallel_loop3A_444 = arith.addf %parallel_loop3A_443, %parallel_loop3A_442 : vector<16xf32>
        %parallel_loop3A_445 = arith.select %parallel_loop3A_441, %parallel_loop3A_305, %parallel_loop3A_206 : vector<16xi1>, vector<16xf32>
        %parallel_loop3A_446 = arith.select %parallel_loop3A_441, %parallel_loop3A_444, %parallel_loop3A_210 : vector<16xi1>, vector<16xf32>
        %parallel_loop3A_447 = arith.constant 48 : i32
        %parallel_loop3A_448 = arith.addi %parallel_loop3A_253, %parallel_loop3A_447 : i32
        %parallel_loop3A_449 = vector.broadcast %parallel_loop3A_448 : i32 to vector<16xi32>
        %parallel_loop3A_450 = arith.addi %parallel_loop3A_449, %iota3A : vector<16xi32>
        %parallel_loop3A_451 = arith.constant 1024 : i32
        %parallel_loop3A_452 = arith.muli %parallel_loop3A_235, %parallel_loop3A_451 : i32
        %parallel_loop3A_453 = vector.broadcast %parallel_loop3A_452 : i32 to vector<16xi32>
        %parallel_loop3A_454 = arith.addi %parallel_loop3A_453, %parallel_loop3A_450 : vector<16xi32>
        %parallel_loop3A_455 = arith.constant 2 : i32
        %parallel_loop3A_456 = vector.broadcast %parallel_loop3A_455 : i32 to vector<16xi32>
        %parallel_loop3A_457 = arith.muli %parallel_loop3A_450, %parallel_loop3A_456 : vector<16xi32>
        %parallel_loop3A_458 = tpu.vector_load_idx %arg10[%parallel_loop3A_257, %parallel_loop3A_457] : memref<8x2048xf32, #tpu.memory_space<vmem>>[vector<16xi32>, vector<16xi32>], vector<16xf32>,
        %parallel_loop3A_459 = arith.constant 1 : i32
        %parallel_loop3A_460 = vector.broadcast %parallel_loop3A_459 : i32 to vector<16xi32>
        %parallel_loop3A_461 = arith.addi %parallel_loop3A_457, %parallel_loop3A_460 : vector<16xi32>
        %parallel_loop3A_462 = tpu.vector_load_idx %arg10[%parallel_loop3A_257, %parallel_loop3A_461] : memref<8x2048xf32, #tpu.memory_space<vmem>>[vector<16xi32>, vector<16xi32>], vector<16xf32>,
        %parallel_loop3A_463 = arith.constant 2 : i32
        %parallel_loop3A_464 = vector.broadcast %parallel_loop3A_463 : i32 to vector<16xi32>
        %parallel_loop3A_465 = arith.muli %parallel_loop3A_362#3, %parallel_loop3A_464 : vector<16xi32>
        tpu.vector_store_idx %arg14[%parallel_loop3A_465], %parallel_loop3A_458 {add = true} : memref<1056xf32, #tpu.memory_space<vmem>>[vector<16xi32>], vector<16xf32>,
        %parallel_loop3A_466 = arith.constant 1 : i32
        %parallel_loop3A_467 = vector.broadcast %parallel_loop3A_466 : i32 to vector<16xi32>
        %parallel_loop3A_468 = arith.addi %parallel_loop3A_465, %parallel_loop3A_467 : vector<16xi32>
        tpu.vector_store_idx %arg14[%parallel_loop3A_468], %parallel_loop3A_462 {add = true} : memref<1056xf32, #tpu.memory_space<vmem>>[vector<16xi32>], vector<16xf32>,
        %parallel_loop3A_469 = arith.cmpf olt, %parallel_loop3A_327, %parallel_loop3A_207 : vector<16xf32>
        %parallel_loop3A_470 = arith.sitofp %parallel_loop3A_454 : vector<16xi32> to vector<16xf32>
        %parallel_loop3A_471 = vector.broadcast %convert_element_type3A_176 : f32 to vector<16xf32>
        %parallel_loop3A_472 = arith.addf %parallel_loop3A_471, %parallel_loop3A_470 : vector<16xf32>
        %parallel_loop3A_473 = arith.select %parallel_loop3A_469, %parallel_loop3A_327, %parallel_loop3A_207 : vector<16xi1>, vector<16xf32>
        %parallel_loop3A_474 = arith.select %parallel_loop3A_469, %parallel_loop3A_472, %parallel_loop3A_211 : vector<16xi1>, vector<16xf32>
        scf.yield %parallel_loop3A_389, %parallel_loop3A_417, %parallel_loop3A_445, %parallel_loop3A_473, %parallel_loop3A_390, %parallel_loop3A_418, %parallel_loop3A_446, %parallel_loop3A_474 : vector<16xf32>, vector<16xf32>, vector<16xf32>, vector<16xf32>, vector<16xf32>, vector<16xf32>, vector<16xf32>, vector<16xf32>
      } {sc.loop_unroll_factor = 4 : i64, sc.parallel_access}
      %lt3A_181 = arith.cmpf olt, %parallel_loop3A_180#1, %parallel_loop3A_180#0 : vector<16xf32>
      %eq3A = arith.cmpf oeq, %parallel_loop3A_180#1, %parallel_loop3A_180#0 : vector<16xf32>
      %lt3A_182 = arith.cmpf olt, %parallel_loop3A_180#5, %parallel_loop3A_180#4 : vector<16xf32>
      %and3A = arith.andi %eq3A, %lt3A_182 : vector<16xi1>
      %or3A = arith.ori %lt3A_181, %and3A : vector<16xi1>
      %select_n3A = arith.select %or3A, %parallel_loop3A_180#1, %parallel_loop3A_180#0 : vector<16xi1>, vector<16xf32>
      %select_n3A_183 = arith.select %or3A, %parallel_loop3A_180#5, %parallel_loop3A_180#4 : vector<16xi1>, vector<16xf32>
      %lt3A_184 = arith.cmpf olt, %parallel_loop3A_180#2, %select_n3A : vector<16xf32>
      %eq3A_185 = arith.cmpf oeq, %parallel_loop3A_180#2, %select_n3A : vector<16xf32>
      %lt3A_186 = arith.cmpf olt, %parallel_loop3A_180#6, %select_n3A_183 : vector<16xf32>
      %and3A_187 = arith.andi %eq3A_185, %lt3A_186 : vector<16xi1>
      %or3A_188 = arith.ori %lt3A_184, %and3A_187 : vector<16xi1>
      %select_n3A_189 = arith.select %or3A_188, %parallel_loop3A_180#2, %select_n3A : vector<16xi1>, vector<16xf32>
      %select_n3A_190 = arith.select %or3A_188, %parallel_loop3A_180#6, %select_n3A_183 : vector<16xi1>, vector<16xf32>
      %lt3A_191 = arith.cmpf olt, %parallel_loop3A_180#3, %select_n3A_189 : vector<16xf32>
      %eq3A_192 = arith.cmpf oeq, %parallel_loop3A_180#3, %select_n3A_189 : vector<16xf32>
      %lt3A_193 = arith.cmpf olt, %parallel_loop3A_180#7, %select_n3A_190 : vector<16xf32>
      %and3A_194 = arith.andi %eq3A_192, %lt3A_193 : vector<16xi1>
      %or3A_195 = arith.ori %lt3A_191, %and3A_194 : vector<16xi1>
      %select_n3A_196 = arith.select %or3A_195, %parallel_loop3A_180#3, %select_n3A_189 : vector<16xi1>, vector<16xf32>
      %select_n3A_197 = arith.select %or3A_195, %parallel_loop3A_180#7, %select_n3A_190 : vector<16xi1>, vector<16xf32>
      %swap3A_198 = arith.constant 0 : index
      %swap3A_199 = tpu.vector_load %arg15[%swap3A_198] {strides = array<i32>} : memref<32xf32, #tpu.memory_space<vmem>>, vector<16xf32>,
      tpu.vector_store %arg15[%swap3A_198], %select_n3A_196 {strides = array<i32>} : memref<32xf32, #tpu.memory_space<vmem>>, vector<16xf32>,
      %swap3A_200 = arith.constant 16 : index
      %swap3A_201 = tpu.vector_load %arg15[%swap3A_200] {strides = array<i32>} : memref<32xf32, #tpu.memory_space<vmem>>, vector<16xf32>,
      tpu.vector_store %arg15[%swap3A_200], %select_n3A_197 {strides = array<i32>} : memref<32xf32, #tpu.memory_space<vmem>>, vector<16xf32>,
      "tpu.region"() ({
        %run_scoped3A = tpu.sem_alloc : memref<!tpu.dma_semaphore, #tpu.memory_space<semaphore_mem>>
        %dma_start3A_203 = arith.constant 0 : i32
        %dma_start3A_204 = tpu.memref_slice %arg5[%add3A, %scan3A_18, %dma_start3A_203] : memref<32x8x1056xf32, #tpu.memory_space<hbm>> -> memref<1x1x1056xf32, #tpu.memory_space<hbm>>
        %dma_start3A_205 = tpu.memref_squeeze %dma_start3A_204 : memref<1x1x1056xf32, #tpu.memory_space<hbm>> -> memref<1056xf32, #tpu.memory_space<hbm>>
        %dma_start3A_206 = arith.constant 0 : i32
        %dma_start3A_207 = tpu.memref_slice %arg5[%add3A, %scan3A_18, %dma_start3A_206] : memref<32x8x1056xf32, #tpu.memory_space<hbm>> -> memref<1x1x1056xf32, #tpu.memory_space<hbm>>
        %dma_start3A_208 = tpu.memref_squeeze %dma_start3A_207 : memref<1x1x1056xf32, #tpu.memory_space<hbm>> -> memref<1056xf32, #tpu.memory_space<hbm>>
        tpu.enqueue_dma source(%arg14 : memref<1056xf32, #tpu.memory_space<vmem>>) target(%dma_start3A_208 : memref<1056xf32, #tpu.memory_space<hbm>>) target_semaphore(%run_scoped3A : memref<!tpu.dma_semaphore, #tpu.memory_space<semaphore_mem>>)
        %dma_wait3A_209 = arith.constant 0 : i32
        %dma_wait3A_210 = tpu.memref_slice %arg5[%add3A, %scan3A_18, %dma_wait3A_209] : memref<32x8x1056xf32, #tpu.memory_space<hbm>> -> memref<1x1x1056xf32, #tpu.memory_space<hbm>>
        %dma_wait3A_211 = tpu.memref_squeeze %dma_wait3A_210 : memref<1x1x1056xf32, #tpu.memory_space<hbm>> -> memref<1056xf32, #tpu.memory_space<hbm>>
        %dma_wait3A_212 = arith.constant 0 : i32
        %dma_wait3A_213 = tpu.memref_slice %arg5[%add3A, %scan3A_18, %dma_wait3A_212] : memref<32x8x1056xf32, #tpu.memory_space<hbm>> -> memref<1x1x1056xf32, #tpu.memory_space<hbm>>
        %dma_wait3A_214 = tpu.memref_squeeze %dma_wait3A_213 : memref<1x1x1056xf32, #tpu.memory_space<hbm>> -> memref<1056xf32, #tpu.memory_space<hbm>>
        tpu.wait_dma2 semaphore(%run_scoped3A : memref<!tpu.dma_semaphore, #tpu.memory_space<semaphore_mem>>) src(%arg14 : memref<1056xf32, #tpu.memory_space<vmem>>) dst(%dma_wait3A_214 : memref<1056xf32, #tpu.memory_space<hbm>>)
        tpu.yield
      }) : () -> ()
      "tpu.region"() ({
        %run_scoped3A = tpu.sem_alloc : memref<!tpu.dma_semaphore, #tpu.memory_space<semaphore_mem>>
        %dma_start3A_203 = arith.constant 0 : i32
        %dma_start3A_204 = tpu.memref_slice %arg6[%add3A, %scan3A_18, %dma_start3A_203] : memref<32x8x32xf32, #tpu.memory_space<hbm>> -> memref<1x1x32xf32, #tpu.memory_space<hbm>>
        %dma_start3A_205 = tpu.memref_squeeze %dma_start3A_204 : memref<1x1x32xf32, #tpu.memory_space<hbm>> -> memref<32xf32, #tpu.memory_space<hbm>>
        %dma_start3A_206 = arith.constant 0 : i32
        %dma_start3A_207 = tpu.memref_slice %arg6[%add3A, %scan3A_18, %dma_start3A_206] : memref<32x8x32xf32, #tpu.memory_space<hbm>> -> memref<1x1x32xf32, #tpu.memory_space<hbm>>
        %dma_start3A_208 = tpu.memref_squeeze %dma_start3A_207 : memref<1x1x32xf32, #tpu.memory_space<hbm>> -> memref<32xf32, #tpu.memory_space<hbm>>
        tpu.enqueue_dma source(%arg15 : memref<32xf32, #tpu.memory_space<vmem>>) target(%dma_start3A_208 : memref<32xf32, #tpu.memory_space<hbm>>) target_semaphore(%run_scoped3A : memref<!tpu.dma_semaphore, #tpu.memory_space<semaphore_mem>>)
        %dma_wait3A_209 = arith.constant 0 : i32
        %dma_wait3A_210 = tpu.memref_slice %arg6[%add3A, %scan3A_18, %dma_wait3A_209] : memref<32x8x32xf32, #tpu.memory_space<hbm>> -> memref<1x1x32xf32, #tpu.memory_space<hbm>>
        %dma_wait3A_211 = tpu.memref_squeeze %dma_wait3A_210 : memref<1x1x32xf32, #tpu.memory_space<hbm>> -> memref<32xf32, #tpu.memory_space<hbm>>
        %dma_wait3A_212 = arith.constant 0 : i32
        %dma_wait3A_213 = tpu.memref_slice %arg6[%add3A, %scan3A_18, %dma_wait3A_212] : memref<32x8x32xf32, #tpu.memory_space<hbm>> -> memref<1x1x32xf32, #tpu.memory_space<hbm>>
        %dma_wait3A_214 = tpu.memref_squeeze %dma_wait3A_213 : memref<1x1x32xf32, #tpu.memory_space<hbm>> -> memref<32xf32, #tpu.memory_space<hbm>>
        tpu.wait_dma2 semaphore(%run_scoped3A : memref<!tpu.dma_semaphore, #tpu.memory_space<semaphore_mem>>) src(%arg15 : memref<32xf32, #tpu.memory_space<vmem>>) dst(%dma_wait3A_214 : memref<32xf32, #tpu.memory_space<hbm>>)
        tpu.yield
      }) : () -> ()
      %scan3A_202 = arith.constant 0 : i32
      scf.yield %scan3A_202 : i32
    }
    %scan3A_17 = arith.constant 8 : i32
    return
  }
}

</mosaic_0001>

<sc_bundles>
// kernel: kernel.3.cloned.1.call-start
scs
__scs_entry_jumppad:
0x0: {  	(pc) =	sbr.rel $0x88, $3  }
0x1: {  	(tag) =	ssettag $0x0;
	lr =	simm.s32 $0x1  }
0x2: {  	[smem:$0x3F9E] =	sst lr;
	_ =	strace $0xD0000000  }
0x3: {  	_ = 	snop  }
0x4: {  	_ = 	snop  }
0x5: {  	_ = 	snop  }
0x6: {  	_ = 	snop  }
0x7: {  	_ = 	snop  }
__scs_overlays_trampoline_lowered:
0x8: {  	[smem:$0x3FAD] =	sst s0  }
0x9: {  	[smem:$0x3FAE] =	sst s1  }
0xa: {  	[smem:$0x3FAF] =	sst s2  }
0xb: {  	[smem:$0x3FB0] =	sst s3  }
0xc: {  	[smem:$0x3FB1] =	sst s4  }
0xd: {  	[smem:$0x3FB2] =	sst s5  }
0xe: {  	[smem:$0x3FB3] =	sst s6  }
0xf: {  	[smem:$0x3FB4] =	sst s7  }
0x10: {  	[smem:$0x3FB5] =	sst s8  }
0x11: {  	[smem:$0x3FB6] =	sst s9;
	s0 =	simm.s32 @!p0 $0x0  }
0x12: {  	s1 =	sld [smem:$0x3F9C];
	s0 =	simm.s32 @p0 $0x1  }
0x13: {  	[smem:$0x3FB7] =	sst s0;
	s0 =	simm.s32 @!p1 $0x0  }
0x14: {  	s2 =	sld [smem:$0x3F9B];
	s0 =	simm.s32 @p1 $0x1  }
0x15: {  	[smem:$0x3FB8] =	sst s0;
	s0 =	simm.s32 @!p2 $0x0  }
0x16: {  	s3 =	sld [smem:$0x3FDB];
	s0 =	simm.s32 @p2 $0x1  }
0x17: {  	s4 =	simm.s32 $0x1BF5;
	[smem:$0x3FBA] =	sst s0  }
0x18: {  	s0 =	sld [smem:$0x3F9D];
	_ =	swait.ge [sflag:s4], $0x0  }
0x19: {  	s7 =	sld [smem:$0x3F9E]  }
0x1a: {  	s8 =	sadd.s32 $0xFFFFE003, lr  }
0x1b: {  	s9 =	sadd.s32 $0xFFFFFEF7, lr;
	s5 =	simm.s32 $0xFFFFFFFF;
	p2 =	slt.u32 s8, $0xFFFFF086  }
0x1c: {  	p1 =	slt.u32 s9, $0xF7A;
	s5 =	simm.s32 @!p2 $0x0  }
0x1d: {  	s5 =	simm.s32 @p1 $0x1;
	p0 =	seq.s32 s7, s2  }
0x1e: {  	s7 =	smul.u32 @!p0 $0xF7A, s2;
	p2 =	seq.s32 @!p0 s5, $0x0  }
0x1f: {  	s9 =	smul.u32 $0xF7A, s1;
	s8 =	simm.s32 @!p0 $0x1BF5;
	p2 =	por !p2, p0  }
0x20: {  	[sflag:s8] =	ssyncset.s32 @!p0 $0xFFFFF086;
	s6 =	sadd.s32 @!p0 s3, s7;
	s7 =	simm.s32 @!p0 $0x108  }
0x21: {  	s3 =	sadd.s32 s3, s9;
	s6 =	sadd.s32 @!p0 $0x88, s6;
	s7 =	simm.s32 @p2 $0x1082  }
0x22: {  	[simem:s7], [sflag:s8] =	dma.local @!p0 [hbm:s6], $0xF7A  }
0x23: {  	s9 =	sor.u32 $0xD0000000, s2;
	s6 =	simm.s32 $0x108;
	_ =	swait.ge @!p0 [sflag:s8], $0x0  }
0x24: {  	s3 =	sadd.s32 $0x88, s3;
	s6 =	simm.s32 @!p1 $0x1082;
	[sflag:s4] =	ssyncset.s32 $0xFFFFF086  }
0x25: {  	[simem:s6], [sflag:s4] =	dma.local [hbm:s3], $0xF7A  }
0x26: {  	[smem:$0x3F9E] =	sst s1;
	(tag) =	ssettag s2;
	_ =	strace s9  }
0x27: {  	s1 =	sld [smem:$0x3FAE]  }
0x28: {  	s2 =	sld [smem:$0x3FAF]  }
0x29: {  	s4 =	sld [smem:$0x3FB1]  }
0x2a: {  	p0 =	seq.s32 s5, $0x0;
	s5 =	sld [smem:$0x3FB2]  }
0x2b: {  	s6 =	sld [smem:$0x3FB3]  }
0x2c: {  	s7 =	sld [smem:$0x3FB4]  }
0x2d: {  	s3 =	simm.s32 $0x108;
	s8 =	sld [smem:$0x3FB5]  }
0x2e: {  	s3 =	simm.s32 @!p0 $0x1082;
	s9 =	sld [smem:$0x3FB6]  }
0x2f: {  	lr =	sadd.s32 s0, s3;
	s0 =	sld [smem:$0x3FAD]  }
0x30: {  	s3 =	sld [smem:$0x3FB0]  }
0x31: {  	[smem:$0x3FB9] =	sst s10  }
0x32: {  	s10 =	sld [smem:$0x3FB7];
	_ =	sdelay $0x3  }
0x33: {  	p0 =	seq.s32 s10, $0x1;
	s10 =	sld [smem:$0x3FB9];
	_ =	sdelay $0x3  }
0x34: {  	[smem:$0x3FB9] =	sst s10  }
0x35: {  	s10 =	sld [smem:$0x3FB8];
	_ =	sdelay $0x3  }
0x36: {  	p1 =	seq.s32 s10, $0x1;
	s10 =	sld [smem:$0x3FB9];
	_ =	sdelay $0x3  }
0x37: {  	[smem:$0x3FB9] =	sst s10  }
0x38: {  	s10 =	sld [smem:$0x3FBA]  }
0x39: {  	_ = 	snop;
	(pc) =	sbr.ind lr, $3  }
0x3a: {  	_ = 	snop  }
0x3b: {  	_ = 	snop  }
0x3c: {  	p2 =	seq.s32 s10, $0x1;
	s10 =	sld [smem:$0x3FB9]  }
0x3d: {  	_ =	shalt  }
0x3e: {  	_ =	shalt  }
0x3f: {  	_ =	shalt  }
0x40: {  	_ =	shalt  }
0x41: {  	_ =	shalt  }
0x42: {  	_ =	shalt  }
0x43: {  	_ =	shalt  }
0x44: {  	_ =	shalt  }
0x45: {  	_ =	shalt  }
0x46: {  	_ =	shalt  }
0x47: {  	_ =	shalt  }
0x48: {  	_ =	shalt  }
0x49: {  	_ =	shalt  }
0x4a: {  	_ =	shalt  }
0x4b: {  	_ =	shalt  }
0x4c: {  	_ =	shalt  }
0x4d: {  	_ =	shalt  }
0x4e: {  	_ =	shalt  }
0x4f: {  	_ =	shalt  }
0x50: {  	_ =	shalt  }
0x51: {  	_ =	shalt  }
0x52: {  	_ =	shalt  }
0x53: {  	_ =	shalt  }
0x54: {  	_ =	shalt  }
0x55: {  	_ =	shalt  }
0x56: {  	_ =	shalt  }
0x57: {  	_ =	shalt  }
0x58: {  	_ =	shalt  }
0x59: {  	_ =	shalt  }
0x5a: {  	_ =	shalt  }
0x5b: {  	_ =	shalt  }
0x5c: {  	_ =	shalt  }
0x5d: {  	_ =	shalt  }
0x5e: {  	_ =	shalt  }
0x5f: {  	_ =	shalt  }
0x60: {  	_ =	shalt  }
0x61: {  	_ =	shalt  }
0x62: {  	_ =	shalt  }
0x63: {  	_ =	shalt  }
0x64: {  	_ =	shalt  }
0x65: {  	_ =	shalt  }
0x66: {  	_ =	shalt  }
0x67: {  	_ =	shalt  }
0x68: {  	_ =	shalt  }
0x69: {  	_ =	shalt  }
0x6a: {  	_ =	shalt  }
0x6b: {  	_ =	shalt  }
0x6c: {  	_ =	shalt  }
0x6d: {  	_ =	shalt  }
0x6e: {  	_ =	shalt  }
0x6f: {  	_ =	shalt  }
0x70: {  	_ =	shalt  }
0x71: {  	_ =	shalt  }
0x72: {  	_ =	shalt  }
0x73: {  	_ =	shalt  }
0x74: {  	_ =	shalt  }
0x75: {  	_ =	shalt  }
0x76: {  	_ =	shalt  }
0x77: {  	_ =	shalt  }
0x78: {  	_ =	shalt  }
0x79: {  	_ =	shalt  }
0x7a: {  	_ =	shalt  }
0x7b: {  	_ =	shalt  }
0x7c: {  	_ =	shalt  }
0x7d: {  	_ =	shalt  }
0x7e: {  	_ =	shalt  }
0x7f: {  	_ =	shalt  }
0x80: {  	_ =	shalt  }
0x81: {  	_ =	shalt  }
0x82: {  	_ =	shalt  }
0x83: {  	_ =	shalt  }
0x84: {  	_ =	shalt  }
0x85: {  	_ =	shalt  }
0x86: {  	_ =	shalt  }
0x87: {  	_ =	shalt  }
.Lfunc_end0:
.L_simem_size_0:
called_computation.1_lowered:
.L_overlay_start_0:
0x88: {  	s2 =	sld [smem:$0x3FD9]  }
0x89: {  	s3 =	sld [smem:$0x3FFE];
	_ =	sdelay $0x1  }
0x8a: {  	s1 =	srdreg.scid  }
0x8b: {  	s0 =	sand.u32 $0x1, s1  }
0x8c: {  	s17 =	sshll.u32 s0, $0xA;
	s2 =	sadd.s32 s3, s2  }
0x8d: {  	s2 =	sadd.s32 s2, s17  }
0x8e: {  	[smem:$0x3FC5] =	sst s2  }
0x8f: {  	_ = 	snop  }
0x90: {  	s2 =	sld [smem:$0x3FC9]  }
0x91: {  	s18 =	sld [smem:$0x3FC8];
	(tm) =	ssettm $0x1  }
0x92: {  	s4 =	sld [smem:$0x3FFB];
	_ =	sdelay $0x3  }
0x93: {  	_ =	strace s4  }
0x94: {  	s4 =	sld [smem:$0x3FFC];
	_ =	sdelay $0x3  }
0x95: {  	_ =	strace s4  }
0x96: {  	s4 =	sld [smem:$0x3FFD];
	_ =	sdelay $0x3  }
0x97: {  	_ =	strace s4  }
0x98: {  	_ =	strace $0x8FFFFFFF  }
0x99: {  	s19 =	sld [smem:$0x3FDB];
	_ =	sdelay $0x1  }
0x9a: {  	s5 =	simm.s32 $_scs_section_size  }
0x9b: {  	s6 =	simm.s32 $_size__tile_overlayer_lowered;
	s7 =	simm.s32 $_tile_overlayer_lowered  }
0x9c: {  	s22 =	simm.s32 $0x1BFF;
	s21 =	sshll.u32 s7, $0x1;
	s4 =	sadd.s32 s5, s19  }
0x9d: {  	s8 =	simm.s32 $0x0;
	s20 =	sshll.u32 s6, $0x1;
	s6 =	sadd.s32 s21, s4  }
0x9e: {  	[timem:s8], [sflag:s22] =	dma.local [hbm:s6], s20  }
0x9f: {  	_ =	swait.ge [sflag:s22], s20  }
0xa0: {  	s5 =	ssub.s32 $0x0, s20;
	[sflag:s22] =	ssyncset.done $0x0  }
0xa1: {  	[sflag:s22] =	ssyncadd.s32 s5;
	_ =	sdelay $0x1  }
0xa2: {  	s23 =	simm.s32 $0x1B8B  }
0xa3: {  	_ =	swait.ge [sflag:s23], $0x1  }
0xa4: {  	[sflag:s23] =	ssyncset.done $0x0  }
0xa5: {  	s25 =	simm.s32 $0x1B8E;
	s24 =	sld [smem:$0x3FFE];
	[sflag:s23] =	ssyncadd.s32 $0xFFFFFFFF  }
0xa6: {  	s26 =	simm.s32 $execute0_lowered;
	[smem:$0x3FD2] =	sst s25  }
0xa7: {  	s6 =	sshll.u32 s26, $0x1;
	_ =	strace $0x80000049;
	[dreg:$0x1] =	wrdreg $0xFFFFFFFF  }
0xa8: {  	s28 =	simm.s32 $_size_execute0_lowered;
	s4 =	sadd.s32 s4, s6;
	[dreg:$0x0] =	wrdreg $0x0  }
0xa9: {  	s6 =	sshll.u32 s28, $0x1;
	[dreg:$0x2] =	wrdreg s4  }
0xaa: {  	[dreg:$0x3] =	wrdreg s6  }
0xab: {  	[dreg:$0x4] =	wrdreg $0xC0  }
0xac: {  	_ =	task [dreg:s8], $0x5FFFF  }
0xad: {  	[dreg:$0x1] =	wrdreg $0xFFFFFFFF  }
0xae: {  	[dreg:$0x0] =	wrdreg $0x60  }
0xaf: {  	[dreg:$0x2] =	wrdreg s2  }
0xb0: {  	[dreg:$0x3] =	wrdreg s18  }
0xb1: {  	[dreg:$0x4] =	wrdreg s24  }
0xb2: {  	[dreg:$0x5] =	wrdreg $0x107800  }
0xb3: {  	[dreg:$0x6] =	wrdreg $0x9  }
0xb4: {  	_ =	task.clear_ibuf [dreg:s8], $0x7FFFF;
	_ =	strace $0x90000049  }
0xb5: {  	s29 =	simm.s32 $0x9;
	_ =	strace $0x8000004B  }
0xb6: {  	_ =	swait.ge [sflag:s29], $0x1  }
0xb7: {  	[sflag:s29] =	ssyncadd.s32 $0xFFFFFFFF  }
0xb8: {  	_ =	strace $0x9000004B  }
0xb9: {  	_ =	sfence  }
0xba: {  	s30 =	sld [smem:$0x0];
	_ =	sdelay $0x2  }
0xbb: {  	s31 =	sshll.u32 s1, $0xD;
	s1 =	sshrl.u32 s1, $0x2  }
0xbc: {  	s3 =	sand.u32 $0x4000, s31;
	s1 =	sadd.s32 s1, s30  }
0xbd: {  	s0 =	sor.u32 s3, s0;
	s1 =	sshll.u32 s1, $0x11  }
0xbe: {  	s0 =	sor.u32 s1, s0  }
0xbf: {  	s0 =	sadd.s32 $0x8F2B, s0  }
0xc0: {  	[sflag:s0] =	ssyncadd.remote.s32 $0x1  }
0xc1: {  	_ =	sfence.sel $0xFFFF  }
0xc2: {  	[dreg:$0x0] =	wrdreg $0xFFFFFFFF;
	(pc) =	sbr.abs _section_cstart, $3  }
0xc3: {  	[dreg:$0x1] =	wrdreg $0xFFFFFFFF  }
0xc4: {  	_ =	task.clear_ibuf [dreg:s8], $0x2FFFF;
	_ =	strace $0x9FFFFFFF  }
0xc5: {  	(tm) =	ssettm $0x7FFFFFFF  }
tec
execute0_lowered:
.L_overlay_start_1:
0x0: {  	(tag) =	ssettag $0x1  }
0x1: {  	s1 =	rddreg [dreg:$0x0]  }
0x2: {  	s6 =	rddreg [dreg:$0x1]  }
0x3: {  	s3 =	rddreg [dreg:$0x2]  }
0x4: {  	s7 =	rddreg [dreg:$0x3];
	s2 =	simm.s32 $0x0;
	s0 =	srdreg.scid  }
0x5: {  	s8 =	stileid.u32;
	s28 =	simm.s32 $0xE280;
	s29 =	simm.s32 $0x4000  }
0x6: {  	s31 =	simm.s32 $0x8000;
	[smem:$0x7FF] =	sst s2;
	s0 =	sand.u32 $0x1, s0  }
0x7: {  	s4 =	sadd.s32 $0x201000, s3;
	s5 =	sshll.u32 s8, $0x1;
	s9 =	sadd.s32 $0x200000, s3  }
0x8: {  	s24 =	sshll.u32 s8, $0x4;
	s25 =	sshll.u32 s8, $0x7;
	p0 =	sgt.u32 s8, $0x7  }
0x9: {  	_ =	strace $0x8000004A;
	s22 =	ssub.s32 $0x2, s0;
	[dreg:$0x5] =	wrdreg s4  }
0xa: {  	[dreg:$0x6] =	wrdreg s9;
	s0 =	sor.u32 s0, s5;
	s4 =	sadd.s32 s6, s24  }
0xb: {  	s7 =	sadd.s32 s25, s7;
	s24 =	simm.s32 $0xC000;
	s6 =	simm.s32 $0x3  }
0xc: {  	s23 =	sshrl.u32 s22, $0x1;
	s26 =	sshll.u32 s0, $0x5;
	[dreg:$0x7] =	wrdreg s4  }
0xd: {  	[dreg:$0x8] =	wrdreg s7;
	s11 =	sshll.u32 s0, $0xF;
	s25 =	smul.u32 $0x2400, s0  }
0xe: {  	s0 =	sshll.u32 s0, $0xA;
	s4 =	simm.s32 $0x0;
	s2 =	ssub.s32 s22, s23  }
0xf: {  	s10 =	sor.u32 $0x8, s26;
	s13 =	sor.u32 $0x10, s26;
	[dreg:$0xa] =	wrdreg s11  }
0x10: {  	s14 =	scvt.s32.f32 s11;
	s17 =	smov.u32 s26;
	s9 =	sor.u32 $0x18, s26  }
0x11: {  	[dreg:$0xd] =	wrdreg s0;
	s22 =	simm.s32 $0x80;
	s23 =	simm.s32 $0x400  }
0x12: {  	s0 =	simm.s32 $0x1;
	s11 =	simm.s32 $0x2;
	[dreg:$0x9] =	wrdreg s10  }
0x13: {  	s12 =	sshll.u32 s10, $0xA;
	[dreg:$0xb] =	wrdreg s13;
	s7 =	sshll.u32 s13, $0xA  }
.Ltmp0:
0x14: {  	v1 =	vlaneseq.u32;
	s18 =	smov.u32 s9;
	s9 =	sshll.u32 s9, $0xA;
	(pc) =	sbr.rel .LBB2_1-.Ltmp0, $4  }
0x15: {  	v4 =	vmul.u32 $0x2, v1;
	[dreg:$0xc] =	wrdreg s25;
	s26 =	smax.u32 s2, $0x1;
	s15 =	scvt.s32.f32 s12  }
0x16: {  	v6 =	vimm.f32 $0.0e+00;
	v7 =	vimm.f32 $2.000000000e+00;
	v8 =	vimm.f32 $1.000000000e+00;
	s25 =	simm.s32 $0x5;
	s16 =	scvt.s32.f32 s7;
	s21 =	scvt.s32.f32 s9  }
0x17: {  	v9 =	vimm.s32 $0x0;
	v10 =	vor.u32 $0x1, v4;
	s10 =	simm.s32 $0x10280;
	s20 =	smov.u32 s12;
	s19 =	smov.u32 s7;
	v0 =	vmov s14  }
0x18: {  	s30 =	smov.u32 s9;
	[dreg:$0xe] =	wrdreg s26;
	v2 =	vmov s15;
	v3 =	vmov s16;
	v5 =	vmov s21;
	s21 =	simm.s32 $0x4  }
.LBB2_69:
0x19: {  	s4 =	rddreg [dreg:$0xf]  }
0x1a: {  	s2 =	rddreg [dreg:$0xe];
	s4 =	sadd.s32 $0x1, s4  }
0x1b: {  	p1 =	sne.s32 s4, s2  }
.Ltmp1:
0x1c: {  	_ = 	snop;
	(pc) =	sbr.rel @!p1 .LBB2_70-.Ltmp1, $1  }
0x1d: {  	_ =	sdelay $0x3  }
.LBB2_1:
.Ltmp2:
0x1e: {  	(pc) =	sbr.rel @p0 .LBB2_9-.Ltmp2, $2  }
0x1f: {  	_ =	sdelay $0x2  }
0x20: {  	[dreg:$0xf] =	wrdreg s4  }
0x21: {  	s2 =	simm.s32 $0x40;
	s4 =	simm.s32 $0x0  }
.LBB2_3:
0x22: {  	p1 =	sne.s32 s2, $0x7FC0;
	[tilespmem:s4+$0xC280] =	vst v6;
	s4 =	smov.u32 s2;
	s2 =	sadd.s32 $0x40, s2  }
.Ltmp3:
0x23: {  	(pc) =	sbr.rel @p1 .LBB2_3-.Ltmp3, $2  }
0x24: {  	_ =	sdelay $0x2  }
0x25: {  	s4 =	sshra.s32 s4, $0x2  }
0x26: {  	[tilespmem:s4+$0xC280] =	vst v6;
	s2 =	rddreg [dreg:$0x7]  }
0x27: {  	[tilespmem:s24], [sflag:$0x5] =	stream.strided.gather [hbm4b:s2+s22], $0x200, s23, s22, $0x38;
	[tilespmem:$0x11780] =	vst v63  }
0x28: {  	_ =	swait.ge [sflag:s25], $0x200  }
0x29: {  	[sflag:s25] =	ssyncset.done $0x0  }
0x2a: {  	[sflag:s25] =	ssyncadd.s32 $0xFFFFFE00  }
0x2b: {  	s5 =	simm.s32 $0xC280;
	s2 =	simm.s32 $0x0;
	[tilespmem:$0xC200] =	vst v7  }
.LBB2_5:
0x2c: {  	s4 =	sshra.s32 s2, $0x2  }
0x2d: {  	v11 =	vld [tilespmem:s4+$0xC000];
	_ =	sdelay $0x4  }
0x2e: {  	v11 =	vmul.f32 $8.192000000e+03, v11;
	_ =	sdelay $0x1  }
0x2f: {  	v11 =	vtrunc.f32 v11  }
0x30: {  	v11 =	vcvt.f32.s32 v11;
	_ =	sdelay $0x1  }
0x31: {  	vm0 =	vlt.s32 v11, $0x1FFF  }
0x32: {  	p1 =	sne.s32 s2, $0x7C0;
	v11 =	vnsel vm0, $0x1FFF, v11  }
.Ltmp4:
0x33: {  	_ = 	snop;
	(pc) =	sbr.rel @p1 .LBB2_5-.Ltmp4, $2  }
0x34: {  	_ =	sdelay $0x2  }
0x35: {  	s2 =	sadd.s32 $0x40, s2;
	[tilespmem:v11+s5+$0x0] =	vst.idx.add.f32.msk $0xffff, v8  }
0x36: {  	s8 =	simm.s32 $0x0  }
0x37: {  	v11 =	vld [tilespmem:s8+$0xC280];
	_ =	sdelay $0x4  }
0x38: {  	(xrf2) =	vadd.scan.msk.f32 $0xffff, v11;
	_ =	sdelay $0x5  }
0x39: {  	s4 =	simm.s32 $0x10  }
0x3a: {  	v12 =	vld [tilespmem:s4+$0xC280]  }
0x3b: {  	s5 =	simm.s32 $0x20  }
0x3c: {  	s2 =	simm.s32 $0x30;
	v13 =	vld [tilespmem:s5+$0xC280]  }
0x3d: {  	v20 =	vld [tilespmem:s2+$0xC280];
	v14, _, _ =	vpop (xrf2)  }
0x3e: {  	(v2sf) =	vpush v14, $0xF  }
0x3f: {  	(xrf2) =	vadd.scan.msk.f32 $0xffff, v12;
	_ =	sdelay $0x1  }
0x40: {  	(xrf2) =	vadd.scan.msk.f32 $0xffff, v13  }
0x41: {  	(xrf2) =	vadd.scan.msk.f32 $0xffff, v20;
	_ =	sdelay $0x5  }
0x42: {  	vm0 =	vge.f32 v11, $2.000000000e+00;
	v11 =	vsub.f32 v14, v11  }
0x43: {  	s12 =	simm.f32 $0.0e+00;
	v16, _, _ =	vpop (xrf2)  }
0x44: {  	v18 =	vadd.f32 s12, v11;
	(v2sf) =	vpush v16, $0xF  }
0x45: {  	s7 =	simm.s32 $0x40;
	v19 =	vsub.f32 v16, v12;
	v21, _, _ =	vpop (xrf2)  }
0x46: {  	v17 =	vld [tilespmem:s7+$0xC280];
	v16 =	vtrunc.f32 v18;
	v18 =	vsub.f32 v21, v13;
	(v2sf) =	vpush v21, $0xF;
	v21, _, _ =	vpop (xrf2)  }
0x47: {  	s14 =	spop (v2sf);
	(v2sf) =	vpush v21, $0xF;
	_ =	sdelay $0x3  }
0x48: {  	s9 =	simm.s32 $0x50;
	(xrf2) =	vadd.scan.msk.f32 $0xffff, v17  }
0x49: {  	v22 =	vcvt.f32.s32 v16;
	v16 =	vld [tilespmem:s9+$0xC280]  }
0x4a: {  	vm13 =	vge.f32 v12, $2.000000000e+00;
	vm1 =	vge.f32 v13, $2.000000000e+00  }
0x4b: {  	vm14 =	vge.f32 v20, $2.000000000e+00;
	vm15 =	vge.f32 v17, $2.000000000e+00;
	v15 =	vsel vm0, $0x1, v9  }
0x4c: {  	v14 =	vsel vm13, $0x1, v9;
	v11 =	vsel vm1, $0x1, v9;
	v12 =	vsel vm14, $0x1, v9;
	s12 =	sadd.f32 s14, s12  }
0x4d: {  	s13 =	simm.s32 $0x180;
	v13 =	vsel vm15, $0x1, v9;
	v20 =	vsub.f32 v21, v20;
	v21 =	vshll.u32 v22, $0x1  }
.LBB2_7:
0x4e: {  	s14 =	sshra.s32 s13, $0x2;
	p1 =	sne.s32 s13, $0x7FC0;
	s13 =	sadd.s32 $0x40, s13;
	vm0 =	vge.f32 v16, $2.000000000e+00;
	(xrf2) =	vadd.scan.msk.f32 $0xffff, v16;
	v23 =	vadd.f32 s12, v19;
	v21 =	vor.u32 v15, v21;
	v22 =	vmovc v16  }
.Ltmp5:
0x4f: {  	v15 =	vmovc v14;
	v14 =	vmovc v11;
	v11 =	vmov v12;
	v12 =	vmov v13;
	v16 =	vld [tilespmem:s14+$0xC280];
	[tilespmem:s8+$0xE280] =	vst v21;
	v13 =	vsel vm0, $0x1, v9;
	s8 =	smov.u32 s4;
	s4 =	smov.u32 s5;
	(pc) =	sbr.rel @p1 .LBB2_7-.Ltmp5, $4  }
0x50: {  	v19 =	vmov v18;
	v18 =	vmov v20;
	s5 =	smov.u32 s2;
	s2 =	smov.u32 s7;
	v21 =	vtrunc.f32 v23;
	s15 =	spop (v2sf)  }
0x51: {  	s7 =	smov.u32 s9;
	s9 =	smov.u32 s14;
	v21 =	vcvt.f32.s32 v21;
	s12 =	sadd.f32 s15, s12  }
0x52: {  	v23, _, _ =	vpop (xrf2)  }
0x53: {  	v20 =	vsub.f32 v23, v17;
	(v2sf) =	vpush v23, $0xF;
	v21 =	vshll.u32 v21, $0x1;
	v17 =	vmovc v22  }
0x54: {  	_ =	sdelay $0x3  }
0x55: {  	(xrf2) =	vadd.scan.msk.f32 $0xffff, v16;
	v22, _, _ =	vpop (xrf2)  }
0x56: {  	(v2sf) =	vpush v22, $0xF;
	_ =	sdelay $0x8  }
0x57: {  	s13 =	spop (v2sf);
	v23, _, _ =	vpop (xrf2)  }
0x58: {  	s13 =	sadd.f32 s13, s12;
	(v2sf) =	vpush v23, $0xF  }
0x59: {  	s14 =	spop (v2sf)  }
0x5a: {  	v19 =	vadd.f32 s12, v19;
	s26 =	sadd.f32 s14, s13  }
0x5b: {  	s15 =	spop (v2sf)  }
0x5c: {  	v19 =	vtrunc.f32 v19;
	s14 =	sadd.f32 s15, s26  }
0x5d: {  	v18 =	vadd.f32 s13, v18;
	v19 =	vcvt.f32.s32 v19;
	v17 =	vsub.f32 v22, v17;
	s16 =	spop (v2sf)  }
0x5e: {  	v15 =	vor.u32 v15, v21;
	v20 =	vadd.f32 s26, v20;
	v54 =	vsub.f32 v23, v16;
	s12 =	sadd.f32 s16, s14  }
0x5f: {  	v19 =	vshll.u32 v19, $0x1;
	v18 =	vtrunc.f32 v18;
	v17 =	vadd.f32 s14, v17  }
0x60: {  	v18 =	vcvt.f32.s32 v18;
	v20 =	vtrunc.f32 v20;
	v55 =	vadd.f32 s12, v54  }
0x61: {  	v14 =	vor.u32 v14, v19;
	v56 =	vcvt.f32.s32 v20;
	v17 =	vtrunc.f32 v17  }
0x62: {  	[tilespmem:s8+$0xE280] =	vst v15;
	v57 =	vshll.u32 v18, $0x1;
	v17 =	vcvt.f32.s32 v17;
	v58 =	vtrunc.f32 v55  }
0x63: {  	[tilespmem:s4+$0xE280] =	vst v14;
	v11 =	vor.u32 v11, v57;
	v59 =	vshll.u32 v56, $0x1;
	v60 =	vcvt.f32.s32 v58  }
0x64: {  	vm0 =	vge.f32 v16, $2.000000000e+00;
	[tilespmem:s5+$0xE280] =	vst v11;
	v11 =	vor.u32 v12, v59;
	v61 =	vshll.u32 v17, $0x1  }
0x65: {  	v62 =	vsel vm0, $0x1, v9;
	[tilespmem:s2+$0xE280] =	vst v11;
	v11 =	vor.u32 v13, v61;
	v63 =	vshll.u32 v60, $0x1  }
0x66: {  	[tilespmem:s7+$0xE280] =	vst v11;
	v11 =	vor.u32 v62, v63  }
0x67: {  	s2 =	rddreg [dreg:$0x8];
	s26 =	spop (v2sf);
	[tilespmem:s9+$0xE280] =	vst v11  }
0x68: {  	[spmem:s2] =	stream.strided.scatter [tilespmem:s28], [sflag:$0x5], $0x2000, s23, s22, $0x38;
	[tilespmem:$0x11780] =	vst v63  }
0x69: {  	_ =	swait.ge [sflag:s25], $0x2000  }
0x6a: {  	[sflag:s25] =	ssyncset.done $0x0  }
0x6b: {  	[sflag:s25] =	ssyncadd.s32 $0xFFFFE000  }
.LBB2_9:
.Ltmp6:
0x6c: {  	(pc) =	sbr.rel .LBB2_10-.Ltmp6, $3  }
0x6d: {  	_ =	sdelay $0x1  }
0x6e: {  	[bflag:$0x0] =	sbarrier.arrive $0xFFFF  }
0x6f: {  	s2 =	simm.s32 $0x0  }
.LBB2_68:
0x70: {  	vm0 =	veq.f32 v18, v13;
	vm1 =	vlt.f32 v17, v11  }
0x71: {  	vm2 =	vlt.f32 v18, v13;
	vm0 =	vmand vm0, vm1  }
0x72: {  	vm0 =	vmor vm2, vm0  }
0x73: {  	v62 =	vsel vm0, v18, v13;
	v11 =	vsel vm0, v17, v11  }
0x74: {  	vm10 =	veq.f32 v16, v62;
	vm11 =	vlt.f32 v12, v11  }
0x75: {  	vm12 =	vlt.f32 v16, v62;
	vm0 =	vmand vm10, vm11  }
0x76: {  	vm0 =	vmor vm12, vm0  }
0x77: {  	v13 =	vsel vm0, v16, v62;
	v11 =	vsel vm0, v12, v11  }
0x78: {  	vm13 =	veq.f32 v15, v13;
	vm14 =	vlt.f32 v14, v11  }
0x79: {  	vm15 =	vlt.f32 v15, v13;
	vm0 =	vmand vm13, vm14  }
0x7a: {  	s5 =	rddreg [dreg:$0xc];
	vm0 =	vmor vm15, vm0  }
0x7b: {  	s5 =	sadd.s32 s5, s4;
	v63 =	vsel vm0, v15, v13  }
0x7c: {  	s7 =	rddreg [dreg:$0x5];
	s5 =	sshrl.u32 s5, $0x3;
	v11 =	vsel vm0, v14, v11;
	[tilespmem:$0x10700] =	vst v63  }
0x7d: {  	s5 =	sadd.s32 s7, s5;
	[tilespmem:$0x10710] =	vst v11  }
0x7e: {  	[hbm4b:s5+s22] =	stream.strided.scatter [tilespmem:s10], [sflag:$0x5], $0x480, s23, s22, $0x38;
	[tilespmem:$0x11780] =	vst v63  }
0x7f: {  	_ =	swait.ge [sflag:s25], $0x480  }
0x80: {  	s16 =	simm.s32 $0x0;
	s2 =	sadd.s32 $0x1, s2;
	s13 =	rddreg [dreg:$0xd]  }
0x81: {  	s26 =	simm.s32 $0x10700;
	p1 =	sne.s32 s2, $0x8;
	s14 =	sadd.s32 s13, s4  }
0x82: {  	[sflag:s25] =	ssyncset.done $0x0;
	s15 =	rddreg [dreg:$0x6];
	s4 =	sshrl.u32 s14, $0x3  }
.Ltmp7:
0x83: {  	[sflag:s25] =	ssyncadd.s32 $0xFFFFFB80;
	s4 =	sadd.s32 s15, s4;
	(pc) =	sbr.rel @!p1 .LBB2_69-.Ltmp7, $4  }
0x84: {  	[hbm4b:s4+s16] =	stream.linear.scatter [tilespmem:s26], [sflag:$0x5], $0x80, $0x38;
	[tilespmem:$0x11780] =	vst v63  }
0x85: {  	_ =	swait.ge [sflag:s25], $0x80  }
0x86: {  	[sflag:s25] =	ssyncset.done $0x0  }
0x87: {  	[sflag:s25] =	ssyncadd.s32 $0xFFFFFF80  }
.LBB2_10:
0x88: {  	s4 =	sshll.u32 s2, $0x7;
	s5 =	rddreg [dreg:$0x3]  }
0x89: {  	s5 =	sadd.s32 s4, s5  }
0x8a: {  	[tilespmem:s28], [sflag:$0x5] =	stream.strided.gather [spmem:s5], $0x2000, s23, s22, $0x38;
	[tilespmem:$0x11780] =	vst v63  }
0x8b: {  	_ =	swait.ge [sflag:s25], $0x2000  }
0x8c: {  	[sflag:s25] =	ssyncset.done $0x0  }
0x8d: {  	[sflag:s25] =	ssyncadd.s32 $0xFFFFE000  }
0x8e: {  	s26 =	sshll.u32 s2, $0x4;
	s7 =	rddreg [dreg:$0x1]  }
0x8f: {  	s5 =	sadd.s32 s7, s26  }
0x90: {  	[tilespmem:s24], [sflag:$0x5] =	stream.strided.gather [hbm4b:s5+s22], $0x200, s23, s22, $0x38;
	[tilespmem:$0x11780] =	vst v63  }
0x91: {  	_ =	swait.ge [sflag:s25], $0x200  }
0x92: {  	[sflag:s25] =	ssyncset.done $0x0  }
0x93: {  	[sflag:s25] =	ssyncadd.s32 $0xFFFFFE00  }
0x94: {  	s7 =	simm.s32 $0x0;
	s5 =	simm.s32 $0x40;
	[tilespmem:$0xC200] =	vst v7  }
.LBB2_11:
0x95: {  	p1 =	sne.s32 s5, $0x1040;
	[tilespmem:s7+$0x10280] =	vst v6;
	s7 =	smov.u32 s5;
	s5 =	sadd.s32 $0x40, s5  }
.Ltmp8:
0x96: {  	(pc) =	sbr.rel @p1 .LBB2_11-.Ltmp8, $2  }
0x97: {  	_ =	sdelay $0x2  }
0x98: {  	s7 =	sshra.s32 s7, $0x2  }
0x99: {  	s5 =	sshll.u32 s2, $0x14;
	s8 =	rddreg [dreg:$0xa]  }
0x9a: {  	s8 =	sor.u32 s8, s5  }
0x9b: {  	s26 =	sshll.u32 s2, $0xA;
	s8 =	sshrl.u32 s8, $0x3  }
0x9c: {  	[tilespmem:s7+$0x10280] =	vst v6;
	s7 =	simm.s32 $0x0;
	s14 =	sor.u32 s17, s26;
	s8 =	sadd.s32 s1, s8  }
0x9d: {  	[tilespmem:s7], [sflag:$0x1] =	stream.linear.gather [hbm4b:s8+s7], $0x2000, $0x38;
	[tilespmem:$0x11780] =	vst v63  }
0x9e: {  	s8 =	sshll.u32 s14, $0x8  }
0x9f: {  	s15 =	sor.u32 s20, s5;
	s8 =	sadd.s32 s3, s8  }
0xa0: {  	[tilespmem:s29], [sflag:$0x3] =	stream.linear.gather [hbm4b:s8+s7], $0x4000, $0x38;
	[tilespmem:$0x11780] =	vst v63  }
0xa1: {  	s8 =	sshrl.u32 s15, $0x3  }
0xa2: {  	s9 =	simm.s32 $0x2000;
	s16 =	rddreg [dreg:$0x9];
	s8 =	sadd.s32 s1, s8  }
0xa3: {  	[tilespmem:s9], [sflag:$0x2] =	stream.linear.gather [hbm4b:s8+s7], $0x2000, $0x38;
	[tilespmem:$0x11780] =	vst v63  }
0xa4: {  	s8 =	sor.u32 s16, s26  }
0xa5: {  	s8 =	sshll.u32 s8, $0x8  }
0xa6: {  	s8 =	sadd.s32 s3, s8  }
0xa7: {  	[tilespmem:s31], [sflag:$0x4] =	stream.linear.gather [hbm4b:s8+s7], $0x4000, $0x38;
	[tilespmem:$0x11780] =	vst v63  }
0xa8: {  	_ =	swait.ge [sflag:s0], $0x2000  }
.Ltmp9:
0xa9: {  	[sflag:s0] =	ssyncset.done $0x0;
	(pc) =	sbr.rel .LBB2_13-.Ltmp9, $4  }
0xaa: {  	[sflag:s0] =	ssyncadd.s32 $0xFFFFE000  }
0xab: {  	v15 =	vimm.f32 $2.000000000e+00;
	v14 =	vimm.f32 $0.0e+00;
	_ =	swait.ge [sflag:s6], $0x4000  }
0xac: {  	v12 =	vimm.f32 $0.0e+00;
	v17 =	vimm.f32 $0.0e+00;
	v11 =	vimm.f32 $0.0e+00;
	[sflag:s6] =	ssyncset.done $0x0  }
0xad: {  	v16 =	vimm.f32 $2.000000000e+00;
	v18 =	vimm.f32 $2.000000000e+00;
	v13 =	vimm.f32 $2.000000000e+00;
	[sflag:s6] =	ssyncadd.s32 $0xFFFFC000  }
.LBB2_23:
0xae: {  	v52 =	vpsel p1, v52, v52  }
0xaf: {  	v50 =	vpsel p1, v50, v50;
	v48 =	vpsel p1, v48, v48;
	v45 =	vpsel p1, v45, v45  }
.LBB2_25:
0xb0: {  	vm0 =	vlt.f32 v22, v13;
	vm1 =	vlt.f32 v21, v18  }
0xb1: {  	s12 =	sshll.u32 s12, $0xA;
	vm14 =	vlt.f32 v20, v16;
	vm15 =	vlt.f32 v19, v15;
	v58 =	vmov s9  }
0xb2: {  	v61 =	vshll.u32 v52, $0x1;
	v50 =	vshll.u32 v50, $0x1;
	v46 =	vor.u32 s12, v1  }
0xb3: {  	v32 =	vor.u32 s12, v32;
	v13 =	vsel vm0, v22, v13;
	v35 =	vor.u32 s12, v35  }
0xb4: {  	v18 =	vsel vm1, v21, v18;
	v55 =	vor.u32 s12, v36;
	v16 =	vsel vm14, v20, v16  }
0xb5: {  	v15 =	vsel vm15, v19, v15;
	v52 =	vor.u32 $0x1, v50;
	v47 =	vor.u32 s8, v46  }
0xb6: {  	v54 =	vcvt.s32.f32 v32;
	v32 =	vmov s12;
	v22 =	vcvt.s32.f32 v55  }
0xb7: {  	v56 =	vor.u32 s15, v46;
	vm4 =	vlt.f32 v27, v13;
	vm5 =	vlt.f32 v26, v18  }
0xb8: {  	vm6 =	vlt.f32 v25, v16;
	v20 =	vcvt.s32.f32 v56;
	v57 =	vor.u32 v32, v42  }
0xb9: {  	v63 =	vadd.f32 v54, v0;
	v54 =	vcvt.s32.f32 v35;
	v35 =	vcvt.s32.f32 v57  }
0xba: {  	v60 =	vor.u32 s14, v46;
	vm7 =	vlt.f32 v24, v15;
	v47 =	vcvt.s32.f32 v47  }
0xbb: {  	v13 =	vsel vm4, v27, v13;
	v19 =	vadd.f32 v20, v0;
	v20 =	vadd.f32 v35, v0  }
0xbc: {  	v18 =	vsel vm5, v26, v18;
	v17 =	vsel vm1, v63, v17;
	v21 =	vadd.f32 v54, v0  }
0xbd: {  	v16 =	vsel vm6, v25, v16;
	v17 =	vsel vm5, v20, v17;
	v20 =	vor.u32 v32, v44  }
0xbe: {  	v12 =	vsel vm14, v21, v12;
	v21 =	vshll.u32 v58, $0x4;
	v20 =	vcvt.s32.f32 v20  }
0xbf: {  	s13 =	sor.u32 $0xD0, s8;
	v15 =	vsel vm7, v24, v15;
	v22 =	vadd.f32 v22, v0;
	v59 =	vor.u32 v21, v30  }
0xc0: {  	s14 =	sor.u32 $0xE0, s8;
	v24 =	vor.u32 s13, v1;
	v21 =	vor.u32 v21, v29;
	v20 =	vadd.f32 v20, v0  }
0xc1: {  	s15 =	sor.u32 $0xF0, s8;
	v36 =	vor.u32 v32, v51;
	v42 =	vmov s14;
	v14 =	vsel vm15, v22, v14  }
0xc2: {  	v55 =	vmov s15;
	v14 =	vsel vm7, v20, v14;
	v20 =	vmov s13  }
0xc3: {  	v62 =	vshll.u32 v24, $0x1;
	vm8 =	vlt.f32 v37, v13;
	v20 =	vshll.u32 v20, $0x4  }
0xc4: {  	vm9 =	vlt.f32 v34, v18;
	v47 =	vadd.f32 v47, v0;
	v22 =	vld.idx.msk [tilespmem:v59+s29+$0x0], $0xffff;
	v20 =	vand.u32 $0x3C00, v20  }
0xc5: {  	v26 =	vand.u32 $0x3E, v62;
	v63 =	vor.u32 $0x1, v61;
	v21 =	vld.idx.msk [tilespmem:v21+s29+$0x0], $0xffff;
	v35 =	vor.u32 v23, v20  }
0xc6: {  	v11 =	vsel vm0, v47, v11;
	v20 =	vor.u32 v20, v28;
	v29 =	vor.u32 v26, v35  }
0xc7: {  	v11 =	vsel vm4, v19, v11;
	v19 =	vor.u32 v32, v43;
	v20 =	vor.u32 v26, v20  }
0xc8: {  	v13 =	vsel vm8, v37, v13;
	v37 =	vor.u32 v32, v53;
	v19 =	vcvt.s32.f32 v19  }
0xc9: {  	vm10 =	vlt.f32 v33, v16;
	v57 =	vshll.u32 v48, $0x1;
	v43 =	vcvt.s32.f32 v37;
	[tilespmem:v61+s10+$0x0] =	vst.idx.add.f32.msk $0xffff, v22  }
0xca: {  	v44 =	vor.u32 s14, v1;
	v19 =	vadd.f32 v19, v0;
	v22 =	vshll.u32 v42, $0x4;
	[tilespmem:v63+s10+$0x0] =	vst.idx.add.f32.msk $0xffff, v21  }
0xcb: {  	v51 =	vshll.u32 v44, $0x1;
	v25 =	vadd.f32 v43, v0;
	v22 =	vand.u32 $0x3C00, v22;
	v47 =	vld.idx.msk [tilespmem:v29+s29+$0x0], $0xffff  }
0xcc: {  	v12 =	vsel vm6, v19, v12;
	v53 =	vor.u32 v23, v22;
	v20 =	vld.idx.msk [tilespmem:v20+s29+$0x0], $0xffff;
	v29 =	vand.u32 $0x5E, v51  }
0xcd: {  	v19 =	vcvt.s32.f32 v60;
	v22 =	vor.u32 v22, v28;
	v54 =	vor.u32 v29, v53  }
0xce: {  	vm11 =	vlt.f32 v31, v15;
	v30 =	vcvt.s32.f32 v36;
	v22 =	vor.u32 v29, v22  }
0xcf: {  	v12 =	vsel vm10, v25, v12;
	v25 =	vshll.u32 v55, $0x4;
	v19 =	vadd.f32 v19, v0  }
0xd0: {  	v18 =	vsel vm9, v34, v18;
	v16 =	vsel vm10, v33, v16;
	v25 =	vand.u32 $0x3C00, v25;
	[tilespmem:v50+s10+$0x0] =	vst.idx.add.f32.msk $0xffff, v47  }
0xd1: {  	v11 =	vsel vm8, v19, v11;
	v19 =	vadd.f32 v30, v0;
	[tilespmem:v52+s10+$0x0] =	vst.idx.add.f32.msk $0xffff, v20;
	v20 =	vor.u32 s15, v1  }
0xd2: {  	v59 =	vor.u32 $0x1, v57;
	v60 =	vor.u32 v23, v25;
	v27 =	vld.idx.msk [tilespmem:v54+s29+$0x0], $0xffff;
	v58 =	vshll.u32 v20, $0x1  }
0xd3: {  	v17 =	vsel vm9, v19, v17;
	v19 =	vor.u32 v32, v49;
	v22 =	vld.idx.msk [tilespmem:v22+s29+$0x0], $0xffff;
	v30 =	vand.u32 $0x7E, v58  }
0xd4: {  	v25 =	vor.u32 v25, v28;
	v19 =	vcvt.s32.f32 v19;
	v23 =	vor.u32 v30, v60  }
0xd5: {  	v15 =	vsel vm11, v31, v15;
	vm12 =	vlt.f32 v41, v13;
	v25 =	vor.u32 v30, v25  }
0xd6: {  	vm13 =	vlt.f32 v40, v18;
	vm15 =	vlt.f32 v38, v15;
	v19 =	vadd.f32 v19, v0  }
0xd7: {  	v13 =	vsel vm12, v41, v13;
	v18 =	vsel vm13, v40, v18;
	[tilespmem:v57+s10+$0x0] =	vst.idx.add.f32.msk $0xffff, v27  }
0xd8: {  	v56 =	vor.u32 s9, v46;
	v14 =	vsel vm11, v19, v14;
	v19 =	vor.u32 v32, v24;
	[tilespmem:v59+s10+$0x0] =	vst.idx.add.f32.msk $0xffff, v22  }
0xd9: {  	v26 =	vcvt.s32.f32 v56;
	v61 =	vshll.u32 v45, $0x1;
	v19 =	vcvt.s32.f32 v19;
	v22 =	vld.idx.msk [tilespmem:v23+s29+$0x0], $0xffff  }
0xda: {  	p1 =	slt.u32 s7, $0x7C;
	v21 =	vor.u32 v32, v44;
	v63 =	vor.u32 $0x1, v61;
	v20 =	vor.u32 v32, v20;
	v62 =	vld.idx.msk [tilespmem:v25+s29+$0x0], $0xffff  }
.Ltmp10:
0xdb: {  	v21 =	vcvt.s32.f32 v21;
	v19 =	vadd.f32 v19, v0;
	v20 =	vcvt.s32.f32 v20;
	(pc) =	sbr.rel @!p1 .LBB2_26-.Ltmp10, $4  }
0xdc: {  	v15 =	vsel vm15, v38, v15;
	vm14 =	vlt.f32 v39, v16;
	v26 =	vadd.f32 v26, v0  }
0xdd: {  	v21 =	vadd.f32 v21, v0;
	v17 =	vsel vm13, v19, v17;
	v19 =	vadd.f32 v20, v0  }
0xde: {  	s16 =	sadd.s32 $0x4, s7;
	v16 =	vsel vm14, v39, v16;
	v11 =	vsel vm12, v26, v11;
	[tilespmem:v61+s10+$0x0] =	vst.idx.add.f32.msk $0xffff, v22  }
0xdf: {  	s7 =	smov.u32 s16;
	v12 =	vsel vm14, v21, v12;
	v14 =	vsel vm15, v19, v14;
	[tilespmem:v63+s10+$0x0] =	vst.idx.add.f32.msk $0xffff, v62  }
.LBB2_13:
0xe0: {  	s8 =	sshll.u32 s7, $0x6  }
0xe1: {  	s12 =	sshrl.u32 s7, $0x4;
	s8 =	sand.u32 $0x300, s8  }
0xe2: {  	s13 =	sshll.u32 s12, $0x7;
	s9 =	sshll.u32 s8, $0x3  }
0xe3: {  	s9 =	sadd.s32 s13, s9  }
0xe4: {  	v22 =	vld [tilespmem:s9+$0x0]  }
0xe5: {  	v21 =	vld [tilespmem:s9+$0x10]  }
0xe6: {  	v20 =	vld [tilespmem:s9+$0x20]  }
0xe7: {  	v19 =	vld [tilespmem:s9+$0x30];
	_ =	sdelay $0x2  }
0xe8: {  	v23 =	vmul.f32 $8.192000000e+03, v22  }
0xe9: {  	v24 =	vmul.f32 $8.192000000e+03, v21;
	v25 =	vmul.f32 $8.192000000e+03, v20  }
0xea: {  	v26 =	vmul.f32 $8.192000000e+03, v19;
	v23 =	vtrunc.f32 v23  }
0xeb: {  	v24 =	vtrunc.f32 v24;
	v23 =	vcvt.f32.s32 v23  }
0xec: {  	v25 =	vtrunc.f32 v25;
	v24 =	vcvt.f32.s32 v24  }
0xed: {  	v26 =	vtrunc.f32 v26;
	v25 =	vcvt.f32.s32 v25;
	vm0 =	vlt.s32 v23, $0x1FFF  }
0xee: {  	v26 =	vcvt.f32.s32 v26;
	v23 =	vnsel vm0, $0x1FFF, v23;
	vm0 =	vlt.s32 v24, $0x1FFF  }
0xef: {  	v24 =	vnsel vm0, $0x1FFF, v24;
	vm0 =	vlt.s32 v25, $0x1FFF  }
0xf0: {  	v25 =	vnsel vm0, $0x1FFF, v25;
	vm0 =	vlt.s32 v26, $0x1FFF  }
0xf1: {  	v26 =	vnsel vm0, $0x1FFF, v26;
	_ =	sdelay $0x1  }
0xf2: {  	v23 =	vld.idx.msk [tilespmem:v23+s28+$0x0], $0xffff  }
0xf3: {  	v24 =	vld.idx.msk [tilespmem:v24+s28+$0x0], $0xffff  }
0xf4: {  	v25 =	vld.idx.msk [tilespmem:v25+s28+$0x0], $0xffff  }
0xf5: {  	v26 =	vld.idx.msk [tilespmem:v26+s28+$0x0], $0xffff;
	_ =	sdelay $0x2  }
0xf6: {  	v27 =	vor.u32 v23, v24  }
0xf7: {  	v27 =	vor.u32 v25, v27  }
0xf8: {  	v27 =	vor.u32 v26, v27  }
0xf9: {  	v27 =	vand.u32 $0x1, v27  }
0xfa: {  	vm0 =	veq.s32 v27, $0x0  }
0xfb: {  	v27 =	vsel vm0, $0x0, v8  }
0xfc: {  	(xrf0) =	vmax.scan.msk.f32 $0xffff, v27;
	_ =	sdelay $0x5  }
0xfd: {  	v27, _, _ =	vpop (xrf0)  }
0xfe: {  	(v2sf) =	vpush v27, $0xF;
	_ =	sdelay $0x1  }
0xff: {  	v23 =	vshrl.u32 v23, $0x1  }
0x100: {  	v24 =	vshrl.u32 v24, $0x1  }
0x101: {  	v25 =	vshrl.u32 v25, $0x1  }
0x102: {  	v26 =	vshrl.u32 v26, $0x1;
	_ =	sdelay $0x1  }
0x103: {  	v27 =	vld.idx.msk [tilespmem:v23+s24+$0x0], $0xffff  }
0x104: {  	v28 =	vld.idx.msk [tilespmem:v24+s24+$0x0], $0xffff  }
0x105: {  	v29 =	vld.idx.msk [tilespmem:v25+s24+$0x0], $0xffff  }
0x106: {  	v30 =	vld.idx.msk [tilespmem:v26+s24+$0x0], $0xffff;
	_ =	sdelay $0x1  }
0x107: {  	vm0 =	vle.f32 v27, v22  }
0x108: {  	v27 =	vsel vm0, $0x1, v9;
	vm0 =	vle.f32 v28, v21  }
0x109: {  	v28 =	vadd.s32 v27, v23;
	v23 =	vsel vm0, $0x1, v9;
	vm0 =	vle.f32 v29, v20  }
0x10a: {  	v34 =	vadd.s32 v23, v24;
	v23 =	vsel vm0, $0x1, v9;
	vm0 =	vle.f32 v30, v19;
	s16 =	spop (v2sf)  }
0x10b: {  	v33 =	vadd.s32 v23, v25;
	v23 =	vsel vm0, $0x1, v9;
	p1 =	sgt.f32 s16, $0.0e+00  }
0x10c: {  	v31 =	vadd.s32 v23, v26  }
0x10d: {  	s9 =	simm.s32 @p1 $0xC000  }
0x10e: {  	v23 =	vld.idx.msk @p1 [tilespmem:v28+s9+$0x0], $0xffff  }
0x10f: {  	v24 =	vld.idx.msk @p1 [tilespmem:v34+s9+$0x0], $0xffff  }
0x110: {  	v25 =	vld.idx.msk @p1 [tilespmem:v33+s9+$0x0], $0xffff  }
0x111: {  	v26 =	vld.idx.msk @p1 [tilespmem:v31+s9+$0x0], $0xffff;
	_ =	sdelay $0x2  }
0x112: {  	vm1 =	vle.f32 @p1 v23, v22;
	vm0 =	vle.f32 @p1 v24, v21  }
0x113: {  	vm2 =	vle.f32 @p1 v25, v20;
	vm3 =	vmor @p1 vm1, vm0  }
0x114: {  	vm4 =	vmor @p1 vm3, vm2;
	vm3 =	vle.f32 @p1 v26, v19  }
0x115: {  	v23 =	vimm.f32 @p1 $0.0e+00;
	vm4 =	vmor @p1 vm4, vm3  }
0x116: {  	v23 =	vsel @p1 vm4, $0x3F800000, v23  }
0x117: {  	(xrf0) =	vmax.scan.msk.f32 @p1 $0xffff, v23;
	_ =	sdelay $0x5  }
0x118: {  	v23, _, _ =	vpop @p1 (xrf0)  }
0x119: {  	(v2sf) =	vpush @p1 v23, $0xF;
	_ =	sdelay $0xe  }
0x11a: {  	s9 =	spop @p1 (v2sf)  }
0x11b: {  	p2 =	sgt.f32 @p1 s9, $0.0e+00;
	_ =	sdelay $0x1  }
0x11c: {  	p2 =	por !p1, !p2  }
.Ltmp11:
0x11d: {  	_ = 	snop;
	(pc) =	sbr.rel @p2 .LBB2_14-.Ltmp11, $1  }
0x11e: {  	_ =	sdelay $0x3  }
.LBB2_15:
0x11f: {  	v23 =	vsel vm1, $0x1, v9  }
0x120: {  	v28 =	vadd.s32 v23, v28;
	v23 =	vsel vm0, $0x1, v9  }
0x121: {  	v34 =	vadd.s32 v23, v34;
	v23 =	vsel vm2, $0x1, v9  }
0x122: {  	v33 =	vadd.s32 v23, v33;
	v23 =	vsel vm3, $0x1, v9  }
0x123: {  	v31 =	vadd.s32 v23, v31;
	_ =	sdelay $0x1  }
0x124: {  	v23 =	vld.idx.msk [tilespmem:v28+s24+$0x0], $0xffff  }
0x125: {  	v24 =	vld.idx.msk [tilespmem:v34+s24+$0x0], $0xffff  }
0x126: {  	v25 =	vld.idx.msk [tilespmem:v33+s24+$0x0], $0xffff  }
0x127: {  	v26 =	vld.idx.msk [tilespmem:v31+s24+$0x0], $0xffff;
	_ =	sdelay $0x2  }
0x128: {  	vm1 =	vle.f32 v23, v22;
	vm0 =	vle.f32 v24, v21  }
0x129: {  	vm2 =	vle.f32 v25, v20;
	vm3 =	vmor vm1, vm0  }
0x12a: {  	vm4 =	vmor vm3, vm2;
	vm3 =	vle.f32 v26, v19  }
0x12b: {  	vm4 =	vmor vm4, vm3  }
0x12c: {  	v23 =	vsel vm4, $0x3F800000, v6  }
0x12d: {  	(xrf0) =	vmax.scan.msk.f32 $0xffff, v23;
	_ =	sdelay $0x5  }
0x12e: {  	v23, _, _ =	vpop (xrf0)  }
0x12f: {  	(v2sf) =	vpush v23, $0xF;
	_ =	sdelay $0xe  }
0x130: {  	s9 =	spop (v2sf)  }
0x131: {  	p1 =	sgt.f32 s9, $0.0e+00  }
.Ltmp12:
0x132: {  	_ = 	snop;
	(pc) =	sbr.rel @p1 .LBB2_15-.Ltmp12, $1  }
0x133: {  	_ =	sdelay $0x3  }
.Ltmp13:
0x134: {  	_ = 	snop;
	(pc) =	sbr.rel .LBB2_16-.Ltmp13, $1  }
0x135: {  	_ =	sdelay $0x3  }
.LBB2_14:
0x136: {  	v28 =	vpsel p1, v28, v28  }
0x137: {  	v34 =	vpsel p1, v34, v34;
	v33 =	vpsel p1, v33, v33;
	v31 =	vpsel p1, v31, v31  }
.LBB2_16:
0x138: {  	s9 =	sshll.u32 s7, $0x9  }
0x139: {  	s9 =	sand.u32 $0x1800, s9  }
0x13a: {  	s9 =	sadd.s32 s13, s9  }
0x13b: {  	v27 =	vld [tilespmem:s9+$0x40]  }
0x13c: {  	v26 =	vld [tilespmem:s9+$0x50]  }
0x13d: {  	v25 =	vld [tilespmem:s9+$0x60]  }
0x13e: {  	v24 =	vld [tilespmem:s9+$0x70];
	_ =	sdelay $0x2  }
0x13f: {  	v23 =	vmul.f32 $8.192000000e+03, v27  }
0x140: {  	v29 =	vmul.f32 $8.192000000e+03, v26;
	v30 =	vmul.f32 $8.192000000e+03, v25  }
0x141: {  	v32 =	vmul.f32 $8.192000000e+03, v24;
	v23 =	vtrunc.f32 v23  }
0x142: {  	v29 =	vtrunc.f32 v29;
	v23 =	vcvt.f32.s32 v23  }
0x143: {  	v30 =	vtrunc.f32 v30;
	v29 =	vcvt.f32.s32 v29  }
0x144: {  	v32 =	vtrunc.f32 v32;
	v30 =	vcvt.f32.s32 v30;
	vm0 =	vlt.s32 v23, $0x1FFF  }
0x145: {  	v32 =	vcvt.f32.s32 v32;
	v23 =	vnsel vm0, $0x1FFF, v23;
	vm0 =	vlt.s32 v29, $0x1FFF  }
0x146: {  	v29 =	vnsel vm0, $0x1FFF, v29;
	vm0 =	vlt.s32 v30, $0x1FFF  }
0x147: {  	v30 =	vnsel vm0, $0x1FFF, v30;
	vm0 =	vlt.s32 v32, $0x1FFF  }
0x148: {  	v32 =	vnsel vm0, $0x1FFF, v32;
	_ =	sdelay $0x1  }
0x149: {  	v23 =	vld.idx.msk [tilespmem:v23+s28+$0x0], $0xffff  }
0x14a: {  	v29 =	vld.idx.msk [tilespmem:v29+s28+$0x0], $0xffff  }
0x14b: {  	v30 =	vld.idx.msk [tilespmem:v30+s28+$0x0], $0xffff  }
0x14c: {  	v32 =	vld.idx.msk [tilespmem:v32+s28+$0x0], $0xffff;
	_ =	sdelay $0x2  }
0x14d: {  	v35 =	vor.u32 v23, v29  }
0x14e: {  	v35 =	vor.u32 v30, v35  }
0x14f: {  	v35 =	vor.u32 v32, v35  }
0x150: {  	v35 =	vand.u32 $0x1, v35  }
0x151: {  	vm0 =	veq.s32 v35, $0x0  }
0x152: {  	v35 =	vsel vm0, $0x0, v8  }
0x153: {  	(xrf0) =	vmax.scan.msk.f32 $0xffff, v35;
	_ =	sdelay $0x5  }
0x154: {  	v35, _, _ =	vpop (xrf0)  }
0x155: {  	(v2sf) =	vpush v35, $0xF;
	_ =	sdelay $0x1  }
0x156: {  	v23 =	vshrl.u32 v23, $0x1  }
0x157: {  	v29 =	vshrl.u32 v29, $0x1  }
0x158: {  	v30 =	vshrl.u32 v30, $0x1  }
0x159: {  	v32 =	vshrl.u32 v32, $0x1;
	_ =	sdelay $0x1  }
0x15a: {  	v49 =	vld.idx.msk [tilespmem:v23+s24+$0x0], $0xffff  }
0x15b: {  	v36 =	vld.idx.msk [tilespmem:v29+s24+$0x0], $0xffff  }
0x15c: {  	v37 =	vld.idx.msk [tilespmem:v30+s24+$0x0], $0xffff  }
0x15d: {  	v38 =	vld.idx.msk [tilespmem:v32+s24+$0x0], $0xffff;
	_ =	sdelay $0x1  }
0x15e: {  	vm0 =	vle.f32 v49, v27  }
0x15f: {  	v35 =	vsel vm0, $0x1, v9;
	vm0 =	vle.f32 v36, v26  }
0x160: {  	v41 =	vadd.s32 v35, v23;
	v23 =	vsel vm0, $0x1, v9;
	vm0 =	vle.f32 v37, v25  }
0x161: {  	v40 =	vadd.s32 v23, v29;
	v23 =	vsel vm0, $0x1, v9;
	vm0 =	vle.f32 v38, v24;
	s16 =	spop (v2sf)  }
0x162: {  	v39 =	vadd.s32 v23, v30;
	v23 =	vsel vm0, $0x1, v9;
	p1 =	sgt.f32 s16, $0.0e+00  }
0x163: {  	v38 =	vadd.s32 v23, v32  }
0x164: {  	s9 =	simm.s32 @p1 $0xC000  }
0x165: {  	v23 =	vmov s12;
	v32 =	vld.idx.msk @p1 [tilespmem:v41+s9+$0x0], $0xffff  }
0x166: {  	v23 =	vshll.u32 v23, $0x7;
	v35 =	vld.idx.msk @p1 [tilespmem:v40+s9+$0x0], $0xffff  }
0x167: {  	v23 =	vand.u32 $0x380, v23;
	v36 =	vld.idx.msk @p1 [tilespmem:v39+s9+$0x0], $0xffff  }
0x168: {  	v23 =	vbroadcast v23, $0x0;
	v37 =	vld.idx.msk @p1 [tilespmem:v38+s9+$0x0], $0xffff  }
0x169: {  	v44 =	vshll.u32 v28, $0x1;
	v29 =	vmov s8  }
0x16a: {  	v42 =	vshll.u32 v29, $0x4;
	v30 =	vor.u32 v4, v23;
	v29 =	vor.u32 v10, v23  }
0x16b: {  	v43 =	vor.u32 v42, v30;
	vm1 =	vle.f32 @p1 v32, v27;
	vm0 =	vle.f32 @p1 v35, v26  }
0x16c: {  	s14 =	sor.u32 $0x10, s8;
	v42 =	vor.u32 v42, v29;
	vm2 =	vle.f32 @p1 v36, v25;
	vm3 =	vmor @p1 vm1, vm0  }
0x16d: {  	v28 =	vmov s14;
	vm4 =	vmor @p1 vm3, vm2;
	vm3 =	vle.f32 @p1 v37, v24  }
0x16e: {  	v28 =	vshll.u32 v28, $0x4;
	v35 =	vimm.f32 @p1 $0.0e+00;
	vm4 =	vmor @p1 vm4, vm3  }
0x16f: {  	v52 =	vand.u32 $0x3000, v28;
	v28 =	vsel @p1 vm4, $0x3F800000, v35  }
0x170: {  	v50 =	vld.idx.msk [tilespmem:v43+s29+$0x0], $0xffff;
	(xrf0) =	vmax.scan.msk.f32 @p1 $0xffff, v28  }
0x171: {  	v45 =	vor.u32 $0x1, v44;
	v53 =	vld.idx.msk [tilespmem:v42+s29+$0x0], $0xffff  }
0x172: {  	v32 =	vor.u32 s14, v1  }
0x173: {  	v51 =	vshll.u32 v32, $0x1  }
0x174: {  	v54 =	vor.u32 v23, v52;
	v37 =	vand.u32 $0x3E, v51;
	v28 =	vor.u32 $0x1, v23  }
0x175: {  	[tilespmem:v44+s10+$0x0] =	vst.idx.add.f32.msk $0xffff, v50;
	v42 =	vor.u32 v37, v54;
	v43 =	vor.u32 v52, v28  }
0x176: {  	[tilespmem:v45+s10+$0x0] =	vst.idx.add.f32.msk $0xffff, v53;
	v37 =	vor.u32 v37, v43;
	v45, _, _ =	vpop @p1 (xrf0)  }
0x177: {  	s15 =	sor.u32 $0x20, s8;
	(v2sf) =	vpush @p1 v45, $0xF  }
0x178: {  	v55 =	vmov s15  }
0x179: {  	v36 =	vshll.u32 v55, $0x4;
	v35 =	vor.u32 s15, v1  }
0x17a: {  	v34 =	vshll.u32 v34, $0x1;
	v36 =	vand.u32 $0x3000, v36;
	v57 =	vshll.u32 v35, $0x1;
	v42 =	vld.idx.msk [tilespmem:v42+s29+$0x0], $0xffff  }
0x17b: {  	v56 =	vor.u32 $0x1, v34;
	v58 =	vor.u32 v23, v36;
	v44 =	vand.u32 $0x5E, v57;
	v37 =	vld.idx.msk [tilespmem:v37+s29+$0x0], $0xffff  }
0x17c: {  	v36 =	vor.u32 v36, v28;
	v45 =	vor.u32 v44, v58  }
0x17d: {  	v44 =	vor.u32 v44, v36  }
0x17e: {  	s16 =	sor.u32 $0x30, s8  }
0x17f: {  	v59 =	vmov s16;
	[tilespmem:v34+s10+$0x0] =	vst.idx.add.f32.msk $0xffff, v42  }
0x180: {  	v36 =	vor.u32 s16, v1;
	v34 =	vshll.u32 v59, $0x4;
	[tilespmem:v56+s10+$0x0] =	vst.idx.add.f32.msk $0xffff, v37  }
0x181: {  	v33 =	vshll.u32 v33, $0x1;
	v60 =	vshll.u32 v36, $0x1;
	v34 =	vand.u32 $0x3000, v34;
	v37 =	vld.idx.msk [tilespmem:v45+s29+$0x0], $0xffff  }
0x182: {  	v61 =	vor.u32 $0x1, v33;
	v42 =	vand.u32 $0x7E, v60;
	v62 =	vor.u32 v23, v34;
	v43 =	vld.idx.msk [tilespmem:v44+s29+$0x0], $0xffff  }
0x183: {  	v34 =	vor.u32 v34, v28;
	v45 =	vor.u32 v42, v62  }
0x184: {  	v34 =	vor.u32 v42, v34;
	_ =	sdelay $0x1  }
0x185: {  	[tilespmem:v33+s10+$0x0] =	vst.idx.add.f32.msk $0xffff, v37;
	s9 =	spop @p1 (v2sf)  }
0x186: {  	[tilespmem:v61+s10+$0x0] =	vst.idx.add.f32.msk $0xffff, v43;
	p2 =	sgt.f32 @p1 s9, $0.0e+00  }
0x187: {  	v31 =	vshll.u32 v31, $0x1;
	v33 =	vld.idx.msk [tilespmem:v45+s29+$0x0], $0xffff  }
0x188: {  	v63 =	vor.u32 $0x1, v31;
	v34 =	vld.idx.msk [tilespmem:v34+s29+$0x0], $0xffff;
	p2 =	por !p1, !p2  }
.Ltmp14:
0x189: {  	_ = 	snop;
	(pc) =	sbr.rel @p2 .LBB2_17-.Ltmp14, $3  }
0x18a: {  	_ =	sdelay $0x1  }
0x18b: {  	[tilespmem:v31+s10+$0x0] =	vst.idx.add.f32.msk $0xffff, v33  }
0x18c: {  	[tilespmem:v63+s10+$0x0] =	vst.idx.add.f32.msk $0xffff, v34  }
.LBB2_18:
0x18d: {  	v31 =	vsel vm1, $0x1, v9  }
0x18e: {  	v41 =	vadd.s32 v31, v41;
	v31 =	vsel vm0, $0x1, v9  }
0x18f: {  	v40 =	vadd.s32 v31, v40;
	v31 =	vsel vm2, $0x1, v9  }
0x190: {  	v39 =	vadd.s32 v31, v39;
	v31 =	vsel vm3, $0x1, v9  }
0x191: {  	v38 =	vadd.s32 v31, v38;
	_ =	sdelay $0x1  }
0x192: {  	v31 =	vld.idx.msk [tilespmem:v41+s24+$0x0], $0xffff  }
0x193: {  	v33 =	vld.idx.msk [tilespmem:v40+s24+$0x0], $0xffff  }
0x194: {  	v34 =	vld.idx.msk [tilespmem:v39+s24+$0x0], $0xffff  }
0x195: {  	v37 =	vld.idx.msk [tilespmem:v38+s24+$0x0], $0xffff;
	_ =	sdelay $0x2  }
0x196: {  	vm1 =	vle.f32 v31, v27;
	vm0 =	vle.f32 v33, v26  }
0x197: {  	vm2 =	vle.f32 v34, v25;
	vm3 =	vmor vm1, vm0  }
0x198: {  	vm4 =	vmor vm3, vm2;
	vm3 =	vle.f32 v37, v24  }
0x199: {  	vm4 =	vmor vm4, vm3  }
0x19a: {  	v31 =	vsel vm4, $0x3F800000, v6  }
0x19b: {  	(xrf0) =	vmax.scan.msk.f32 $0xffff, v31;
	_ =	sdelay $0x5  }
0x19c: {  	v31, _, _ =	vpop (xrf0)  }
0x19d: {  	(v2sf) =	vpush v31, $0xF;
	_ =	sdelay $0xe  }
0x19e: {  	s9 =	spop (v2sf)  }
0x19f: {  	p1 =	sgt.f32 s9, $0.0e+00  }
.Ltmp15:
0x1a0: {  	_ = 	snop;
	(pc) =	sbr.rel @p1 .LBB2_18-.Ltmp15, $1  }
0x1a1: {  	_ =	sdelay $0x3  }
.Ltmp16:
0x1a2: {  	_ = 	snop;
	(pc) =	sbr.rel .LBB2_19-.Ltmp16, $1  }
0x1a3: {  	_ =	sdelay $0x3  }
.LBB2_17:
0x1a4: {  	v41 =	vpsel p1, v41, v41  }
0x1a5: {  	v40 =	vpsel p1, v40, v40;
	v39 =	vpsel p1, v39, v39;
	v38 =	vpsel p1, v38, v38  }
.LBB2_19:
0x1a6: {  	s14 =	sor.u32 $0x80, s8  }
0x1a7: {  	s9 =	sshll.u32 s14, $0x3  }
0x1a8: {  	s9 =	sadd.s32 s13, s9  }
0x1a9: {  	v37 =	vld [tilespmem:s9+$0x0]  }
0x1aa: {  	v34 =	vld [tilespmem:s9+$0x10]  }
0x1ab: {  	v33 =	vld [tilespmem:s9+$0x20]  }
0x1ac: {  	v31 =	vld [tilespmem:s9+$0x30];
	_ =	sdelay $0x2  }
0x1ad: {  	v42 =	vmul.f32 $8.192000000e+03, v37  }
0x1ae: {  	v43 =	vmul.f32 $8.192000000e+03, v34;
	v44 =	vmul.f32 $8.192000000e+03, v33  }
0x1af: {  	v45 =	vmul.f32 $8.192000000e+03, v31;
	v42 =	vtrunc.f32 v42  }
0x1b0: {  	v43 =	vtrunc.f32 v43;
	v42 =	vcvt.f32.s32 v42  }
0x1b1: {  	v44 =	vtrunc.f32 v44;
	v43 =	vcvt.f32.s32 v43  }
0x1b2: {  	v45 =	vtrunc.f32 v45;
	v44 =	vcvt.f32.s32 v44;
	vm0 =	vlt.s32 v42, $0x1FFF  }
0x1b3: {  	v45 =	vcvt.f32.s32 v45;
	v42 =	vnsel vm0, $0x1FFF, v42;
	vm0 =	vlt.s32 v43, $0x1FFF  }
0x1b4: {  	v43 =	vnsel vm0, $0x1FFF, v43;
	vm0 =	vlt.s32 v44, $0x1FFF  }
0x1b5: {  	v44 =	vnsel vm0, $0x1FFF, v44;
	vm0 =	vlt.s32 v45, $0x1FFF  }
0x1b6: {  	v45 =	vnsel vm0, $0x1FFF, v45;
	_ =	sdelay $0x1  }
0x1b7: {  	v42 =	vld.idx.msk [tilespmem:v42+s28+$0x0], $0xffff  }
0x1b8: {  	v43 =	vld.idx.msk [tilespmem:v43+s28+$0x0], $0xffff  }
0x1b9: {  	v44 =	vld.idx.msk [tilespmem:v44+s28+$0x0], $0xffff  }
0x1ba: {  	v45 =	vld.idx.msk [tilespmem:v45+s28+$0x0], $0xffff;
	_ =	sdelay $0x2  }
0x1bb: {  	v46 =	vor.u32 v42, v43  }
0x1bc: {  	v46 =	vor.u32 v44, v46  }
0x1bd: {  	v46 =	vor.u32 v45, v46  }
0x1be: {  	v46 =	vand.u32 $0x1, v46  }
0x1bf: {  	vm0 =	veq.s32 v46, $0x0  }
0x1c0: {  	v46 =	vsel vm0, $0x0, v8  }
0x1c1: {  	(xrf0) =	vmax.scan.msk.f32 $0xffff, v46;
	_ =	sdelay $0x5  }
0x1c2: {  	v46, _, _ =	vpop (xrf0)  }
0x1c3: {  	(v2sf) =	vpush v46, $0xF;
	_ =	sdelay $0x1  }
0x1c4: {  	v42 =	vshrl.u32 v42, $0x1  }
0x1c5: {  	v43 =	vshrl.u32 v43, $0x1  }
0x1c6: {  	v44 =	vshrl.u32 v44, $0x1  }
0x1c7: {  	v45 =	vshrl.u32 v45, $0x1;
	_ =	sdelay $0x1  }
0x1c8: {  	v55 =	vld.idx.msk [tilespmem:v42+s24+$0x0], $0xffff  }
0x1c9: {  	v47 =	vld.idx.msk [tilespmem:v43+s24+$0x0], $0xffff  }
0x1ca: {  	v48 =	vld.idx.msk [tilespmem:v44+s24+$0x0], $0xffff  }
0x1cb: {  	v50 =	vld.idx.msk [tilespmem:v45+s24+$0x0], $0xffff;
	_ =	sdelay $0x1  }
0x1cc: {  	vm0 =	vle.f32 v55, v37  }
0x1cd: {  	v46 =	vsel vm0, $0x1, v9;
	vm0 =	vle.f32 v47, v34  }
0x1ce: {  	v51 =	vadd.s32 v46, v42;
	v56 =	vsel vm0, $0x1, v9;
	vm0 =	vle.f32 v48, v33  }
0x1cf: {  	v49 =	vadd.s32 v56, v43;
	v57 =	vsel vm0, $0x1, v9;
	vm0 =	vle.f32 v50, v31;
	s15 =	spop (v2sf)  }
0x1d0: {  	v47 =	vadd.s32 v57, v44;
	v58 =	vsel vm0, $0x1, v9;
	p1 =	sgt.f32 s15, $0.0e+00  }
0x1d1: {  	v46 =	vadd.s32 v58, v45  }
0x1d2: {  	s9 =	simm.s32 @p1 $0xC000  }
0x1d3: {  	v42 =	vld.idx.msk @p1 [tilespmem:v51+s9+$0x0], $0xffff  }
0x1d4: {  	v43 =	vld.idx.msk @p1 [tilespmem:v49+s9+$0x0], $0xffff  }
0x1d5: {  	v44 =	vld.idx.msk @p1 [tilespmem:v47+s9+$0x0], $0xffff  }
0x1d6: {  	s15 =	sor.u32 $0x40, s8;
	v48 =	vld.idx.msk @p1 [tilespmem:v46+s9+$0x0], $0xffff  }
0x1d7: {  	v59 =	vmov s15  }
0x1d8: {  	v45 =	vshll.u32 v59, $0x4  }
0x1d9: {  	v60 =	vor.u32 v45, v30;
	vm1 =	vle.f32 @p1 v42, v37;
	vm0 =	vle.f32 @p1 v43, v34  }
0x1da: {  	v45 =	vor.u32 v45, v29;
	vm2 =	vle.f32 @p1 v44, v33;
	vm3 =	vmor @p1 vm1, vm0  }
0x1db: {  	vm4 =	vmor @p1 vm3, vm2;
	vm3 =	vle.f32 @p1 v48, v31  }
0x1dc: {  	v44 =	vimm.f32 @p1 $0.0e+00;
	vm4 =	vmor @p1 vm4, vm3  }
0x1dd: {  	v44 =	vsel @p1 vm4, $0x3F800000, v44  }
0x1de: {  	s16 =	sor.u32 $0x50, s8;
	v41 =	vshll.u32 v41, $0x1;
	v62 =	vld.idx.msk [tilespmem:v60+s29+$0x0], $0xffff;
	(xrf0) =	vmax.scan.msk.f32 @p1 $0xffff, v44  }
0x1df: {  	v61 =	vmov s16;
	v52 =	vor.u32 $0x1, v41;
	v45 =	vld.idx.msk [tilespmem:v45+s29+$0x0], $0xffff  }
0x1e0: {  	v42 =	vor.u32 s16, v1;
	v43 =	vshll.u32 v61, $0x4  }
0x1e1: {  	v63 =	vshll.u32 v42, $0x1;
	v43 =	vand.u32 $0x3400, v43  }
0x1e2: {  	v50 =	vand.u32 $0x3E, v63;
	v54 =	vor.u32 v23, v43  }
0x1e3: {  	v43 =	vor.u32 v43, v28;
	v44 =	vor.u32 v50, v54;
	[tilespmem:v41+s10+$0x0] =	vst.idx.add.f32.msk $0xffff, v62  }
0x1e4: {  	v50 =	vor.u32 v50, v43;
	[tilespmem:v52+s10+$0x0] =	vst.idx.add.f32.msk $0xffff, v45;
	v52, _, _ =	vpop @p1 (xrf0)  }
0x1e5: {  	s16 =	sor.u32 $0x60, s8;
	(v2sf) =	vpush @p1 v52, $0xF  }
0x1e6: {  	v55 =	vmov s16  }
0x1e7: {  	v43 =	vor.u32 s16, v1;
	v41 =	vshll.u32 v55, $0x4  }
0x1e8: {  	v40 =	vshll.u32 v40, $0x1;
	v57 =	vshll.u32 v43, $0x1;
	v41 =	vand.u32 $0x3400, v41;
	v44 =	vld.idx.msk [tilespmem:v44+s29+$0x0], $0xffff  }
0x1e9: {  	v56 =	vor.u32 $0x1, v40;
	v48 =	vand.u32 $0x5E, v57;
	v58 =	vor.u32 v23, v41;
	v50 =	vld.idx.msk [tilespmem:v50+s29+$0x0], $0xffff  }
0x1ea: {  	v41 =	vor.u32 v41, v28;
	v52 =	vor.u32 v48, v58  }
0x1eb: {  	v41 =	vor.u32 v48, v41  }
0x1ec: {  	s16 =	sor.u32 $0x70, s8  }
0x1ed: {  	v59 =	vmov s16;
	[tilespmem:v40+s10+$0x0] =	vst.idx.add.f32.msk $0xffff, v44  }
0x1ee: {  	v44 =	vor.u32 s16, v1;
	v40 =	vshll.u32 v59, $0x4;
	[tilespmem:v56+s10+$0x0] =	vst.idx.add.f32.msk $0xffff, v50  }
0x1ef: {  	v39 =	vshll.u32 v39, $0x1;
	v60 =	vshll.u32 v44, $0x1;
	v40 =	vand.u32 $0x3400, v40;
	v45 =	vld.idx.msk [tilespmem:v52+s29+$0x0], $0xffff  }
0x1f0: {  	v61 =	vor.u32 $0x1, v39;
	v41 =	vld.idx.msk [tilespmem:v41+s29+$0x0], $0xffff;
	v48 =	vand.u32 $0x7E, v60;
	v62 =	vor.u32 v23, v40  }
0x1f1: {  	v40 =	vor.u32 v40, v28;
	v52 =	vor.u32 v48, v62  }
0x1f2: {  	v40 =	vor.u32 v48, v40;
	_ =	sdelay $0x1  }
0x1f3: {  	[tilespmem:v39+s10+$0x0] =	vst.idx.add.f32.msk $0xffff, v45;
	s9 =	spop @p1 (v2sf)  }
0x1f4: {  	[tilespmem:v61+s10+$0x0] =	vst.idx.add.f32.msk $0xffff, v41;
	p2 =	sgt.f32 @p1 s9, $0.0e+00  }
0x1f5: {  	v38 =	vshll.u32 v38, $0x1;
	v39 =	vld.idx.msk [tilespmem:v52+s29+$0x0], $0xffff  }
0x1f6: {  	v63 =	vor.u32 $0x1, v38;
	v40 =	vld.idx.msk [tilespmem:v40+s29+$0x0], $0xffff;
	p2 =	por !p1, !p2  }
.Ltmp17:
0x1f7: {  	_ = 	snop;
	(pc) =	sbr.rel @p2 .LBB2_20-.Ltmp17, $3  }
0x1f8: {  	_ =	sdelay $0x1  }
0x1f9: {  	[tilespmem:v38+s10+$0x0] =	vst.idx.add.f32.msk $0xffff, v39  }
0x1fa: {  	[tilespmem:v63+s10+$0x0] =	vst.idx.add.f32.msk $0xffff, v40  }
.LBB2_21:
0x1fb: {  	v38 =	vsel vm1, $0x1, v9  }
0x1fc: {  	v59 =	vsel vm0, $0x1, v9;
	v51 =	vadd.s32 v38, v51  }
0x1fd: {  	v60 =	vsel vm2, $0x1, v9;
	v49 =	vadd.s32 v59, v49  }
0x1fe: {  	v61 =	vsel vm3, $0x1, v9;
	v47 =	vadd.s32 v60, v47  }
0x1ff: {  	v46 =	vadd.s32 v61, v46;
	_ =	sdelay $0x1  }
0x200: {  	v62 =	vld.idx.msk [tilespmem:v51+s24+$0x0], $0xffff  }
0x201: {  	v39 =	vld.idx.msk [tilespmem:v49+s24+$0x0], $0xffff  }
0x202: {  	v40 =	vld.idx.msk [tilespmem:v47+s24+$0x0], $0xffff  }
0x203: {  	v41 =	vld.idx.msk [tilespmem:v46+s24+$0x0], $0xffff;
	_ =	sdelay $0x2  }
0x204: {  	vm1 =	vle.f32 v62, v37;
	vm0 =	vle.f32 v39, v34  }
0x205: {  	vm2 =	vle.f32 v40, v33;
	vm3 =	vmor vm1, vm0  }
0x206: {  	vm4 =	vmor vm3, vm2;
	vm3 =	vle.f32 v41, v31  }
0x207: {  	vm4 =	vmor vm4, vm3  }
0x208: {  	v63 =	vsel vm4, $0x3F800000, v6  }
0x209: {  	(xrf0) =	vmax.scan.msk.f32 $0xffff, v63;
	_ =	sdelay $0x5  }
0x20a: {  	v38, _, _ =	vpop (xrf0)  }
0x20b: {  	(v2sf) =	vpush v38, $0xF;
	_ =	sdelay $0xe  }
0x20c: {  	s9 =	spop (v2sf)  }
0x20d: {  	p1 =	sgt.f32 s9, $0.0e+00  }
.Ltmp18:
0x20e: {  	_ = 	snop;
	(pc) =	sbr.rel @p1 .LBB2_21-.Ltmp18, $1  }
0x20f: {  	_ =	sdelay $0x3  }
.Ltmp19:
0x210: {  	_ = 	snop;
	(pc) =	sbr.rel .LBB2_22-.Ltmp19, $1  }
0x211: {  	_ =	sdelay $0x3  }
.LBB2_20:
0x212: {  	v51 =	vpsel p1, v51, v51  }
0x213: {  	v49 =	vpsel p1, v49, v49;
	v47 =	vpsel p1, v47, v47;
	v46 =	vpsel p1, v46, v46  }
.LBB2_22:
0x214: {  	s9 =	sor.u32 $0xC0, s8  }
0x215: {  	s16 =	sshll.u32 s9, $0x3  }
0x216: {  	s16 =	sand.u32 $0x1C00, s16  }
0x217: {  	s13 =	sadd.s32 s13, s16  }
0x218: {  	v41 =	vld [tilespmem:s13+$0x40]  }
0x219: {  	v40 =	vld [tilespmem:s13+$0x50]  }
0x21a: {  	v39 =	vld [tilespmem:s13+$0x60]  }
0x21b: {  	v38 =	vld [tilespmem:s13+$0x70];
	_ =	sdelay $0x2  }
0x21c: {  	v45 =	vmul.f32 $8.192000000e+03, v41  }
0x21d: {  	v48 =	vmul.f32 $8.192000000e+03, v40;
	v50 =	vmul.f32 $8.192000000e+03, v39  }
0x21e: {  	v52 =	vmul.f32 $8.192000000e+03, v38;
	v45 =	vtrunc.f32 v45  }
0x21f: {  	v48 =	vtrunc.f32 v48;
	v45 =	vcvt.f32.s32 v45  }
0x220: {  	v50 =	vtrunc.f32 v50;
	v48 =	vcvt.f32.s32 v48  }
0x221: {  	v52 =	vtrunc.f32 v52;
	v50 =	vcvt.f32.s32 v50;
	vm0 =	vlt.s32 v45, $0x1FFF  }
0x222: {  	v52 =	vcvt.f32.s32 v52;
	v45 =	vnsel vm0, $0x1FFF, v45;
	vm0 =	vlt.s32 v48, $0x1FFF  }
0x223: {  	v48 =	vnsel vm0, $0x1FFF, v48;
	vm0 =	vlt.s32 v50, $0x1FFF  }
0x224: {  	v50 =	vnsel vm0, $0x1FFF, v50;
	vm0 =	vlt.s32 v52, $0x1FFF  }
0x225: {  	v52 =	vnsel vm0, $0x1FFF, v52;
	_ =	sdelay $0x1  }
0x226: {  	v45 =	vld.idx.msk [tilespmem:v45+s28+$0x0], $0xffff  }
0x227: {  	v48 =	vld.idx.msk [tilespmem:v48+s28+$0x0], $0xffff  }
0x228: {  	v50 =	vld.idx.msk [tilespmem:v50+s28+$0x0], $0xffff  }
0x229: {  	v52 =	vld.idx.msk [tilespmem:v52+s28+$0x0], $0xffff;
	_ =	sdelay $0x2  }
0x22a: {  	v53 =	vor.u32 v45, v48  }
0x22b: {  	v53 =	vor.u32 v50, v53  }
0x22c: {  	v53 =	vor.u32 v52, v53  }
0x22d: {  	v53 =	vand.u32 $0x1, v53  }
0x22e: {  	vm0 =	veq.s32 v53, $0x0  }
0x22f: {  	v53 =	vsel vm0, $0x0, v8  }
0x230: {  	(xrf0) =	vmax.scan.msk.f32 $0xffff, v53;
	_ =	sdelay $0x5  }
0x231: {  	v53, _, _ =	vpop (xrf0)  }
0x232: {  	(v2sf) =	vpush v53, $0xF;
	_ =	sdelay $0x1  }
0x233: {  	v45 =	vshrl.u32 v45, $0x1  }
0x234: {  	v48 =	vshrl.u32 v48, $0x1  }
0x235: {  	v61 =	vshrl.u32 v50, $0x1  }
0x236: {  	v54 =	vshrl.u32 v52, $0x1;
	_ =	sdelay $0x1  }
0x237: {  	v62 =	vld.idx.msk [tilespmem:v45+s24+$0x0], $0xffff  }
0x238: {  	v63 =	vld.idx.msk [tilespmem:v48+s24+$0x0], $0xffff  }
0x239: {  	v55 =	vld.idx.msk [tilespmem:v61+s24+$0x0], $0xffff  }
0x23a: {  	v56 =	vld.idx.msk [tilespmem:v54+s24+$0x0], $0xffff;
	_ =	sdelay $0x1  }
0x23b: {  	vm0 =	vle.f32 v62, v41  }
0x23c: {  	v50 =	vsel vm0, $0x1, v9;
	vm0 =	vle.f32 v63, v40  }
0x23d: {  	v52 =	vadd.s32 v50, v45;
	v59 =	vsel vm0, $0x1, v9;
	vm0 =	vle.f32 v55, v39  }
0x23e: {  	v50 =	vadd.s32 v59, v48;
	v60 =	vsel vm0, $0x1, v9;
	vm0 =	vle.f32 v56, v38;
	s16 =	spop (v2sf)  }
0x23f: {  	v48 =	vadd.s32 v60, v61;
	v61 =	vsel vm0, $0x1, v9;
	p1 =	sgt.f32 s16, $0.0e+00  }
0x240: {  	v45 =	vadd.s32 v61, v54  }
0x241: {  	s13 =	simm.s32 @p1 $0xC000  }
0x242: {  	v53 =	vld.idx.msk @p1 [tilespmem:v52+s13+$0x0], $0xffff  }
0x243: {  	v54 =	vld.idx.msk @p1 [tilespmem:v50+s13+$0x0], $0xffff  }
0x244: {  	v55 =	vld.idx.msk @p1 [tilespmem:v48+s13+$0x0], $0xffff  }
0x245: {  	v57 =	vld.idx.msk @p1 [tilespmem:v45+s13+$0x0], $0xffff;
	_ =	sdelay $0x1  }
0x246: {  	v62 =	vmov s14  }
0x247: {  	v56 =	vshll.u32 v62, $0x4;
	vm1 =	vle.f32 @p1 v53, v41;
	vm0 =	vle.f32 @p1 v54, v40  }
0x248: {  	v58 =	vor.u32 v56, v30;
	vm2 =	vle.f32 @p1 v55, v39;
	vm3 =	vmor @p1 vm1, vm0  }
0x249: {  	vm4 =	vmor @p1 vm3, vm2;
	vm3 =	vle.f32 @p1 v57, v38  }
0x24a: {  	v54 =	vimm.f32 @p1 $0.0e+00;
	vm4 =	vmor @p1 vm4, vm3  }
0x24b: {  	v56 =	vor.u32 v56, v29;
	v54 =	vsel @p1 vm4, $0x3F800000, v54  }
0x24c: {  	s16 =	sor.u32 $0x90, s8;
	(xrf0) =	vmax.scan.msk.f32 @p1 $0xffff, v54  }
0x24d: {  	v59 =	vshll.u32 v51, $0x1;
	v60 =	vld.idx.msk [tilespmem:v58+s29+$0x0], $0xffff;
	v63 =	vmov s16  }
0x24e: {  	v51 =	vor.u32 s16, v1;
	v53 =	vshll.u32 v63, $0x4  }
0x24f: {  	v61 =	vshll.u32 v51, $0x1;
	v53 =	vand.u32 $0x3800, v53  }
0x250: {  	v62 =	vor.u32 $0x1, v59;
	v56 =	vld.idx.msk [tilespmem:v56+s29+$0x0], $0xffff;
	v57 =	vand.u32 $0x3E, v61;
	v63 =	vor.u32 v23, v53  }
0x251: {  	v53 =	vor.u32 v53, v28;
	v54 =	vor.u32 v57, v63  }
0x252: {  	[tilespmem:v59+s10+$0x0] =	vst.idx.add.f32.msk $0xffff, v60;
	v57 =	vor.u32 v57, v53;
	v59, _, _ =	vpop @p1 (xrf0)  }
0x253: {  	s16 =	sor.u32 $0xA0, s8;
	(v2sf) =	vpush @p1 v59, $0xF  }
0x254: {  	v60 =	vmov s16  }
0x255: {  	[tilespmem:v62+s10+$0x0] =	vst.idx.add.f32.msk $0xffff, v56;
	v55 =	vshll.u32 v60, $0x4;
	v53 =	vor.u32 s16, v1  }
0x256: {  	v49 =	vshll.u32 v49, $0x1;
	v55 =	vand.u32 $0x3800, v55;
	v62 =	vshll.u32 v53, $0x1;
	v54 =	vld.idx.msk [tilespmem:v54+s29+$0x0], $0xffff  }
0x257: {  	v61 =	vor.u32 $0x1, v49;
	v63 =	vor.u32 v23, v55;
	v58 =	vand.u32 $0x5E, v62;
	v57 =	vld.idx.msk [tilespmem:v57+s29+$0x0], $0xffff  }
0x258: {  	v55 =	vor.u32 v55, v28;
	v59 =	vor.u32 v58, v63  }
0x259: {  	v55 =	vor.u32 v58, v55  }
0x25a: {  	s16 =	sor.u32 $0xB0, s8  }
0x25b: {  	v58 =	vmov s16;
	[tilespmem:v49+s10+$0x0] =	vst.idx.add.f32.msk $0xffff, v54  }
0x25c: {  	v49 =	vor.u32 s16, v1;
	v54 =	vshll.u32 v58, $0x4;
	[tilespmem:v61+s10+$0x0] =	vst.idx.add.f32.msk $0xffff, v57  }
0x25d: {  	v47 =	vshll.u32 v47, $0x1;
	v60 =	vshll.u32 v49, $0x1;
	v54 =	vand.u32 $0x3800, v54;
	v56 =	vld.idx.msk [tilespmem:v59+s29+$0x0], $0xffff  }
0x25e: {  	v61 =	vor.u32 $0x1, v47;
	v55 =	vld.idx.msk [tilespmem:v55+s29+$0x0], $0xffff;
	v57 =	vand.u32 $0x7E, v60;
	v62 =	vor.u32 v23, v54  }
0x25f: {  	v54 =	vor.u32 v54, v28;
	v59 =	vor.u32 v57, v62  }
0x260: {  	v54 =	vor.u32 v57, v54;
	_ =	sdelay $0x1  }
0x261: {  	[tilespmem:v47+s10+$0x0] =	vst.idx.add.f32.msk $0xffff, v56;
	s13 =	spop @p1 (v2sf)  }
0x262: {  	[tilespmem:v61+s10+$0x0] =	vst.idx.add.f32.msk $0xffff, v55;
	p2 =	sgt.f32 @p1 s13, $0.0e+00  }
0x263: {  	v46 =	vshll.u32 v46, $0x1;
	v47 =	vld.idx.msk [tilespmem:v59+s29+$0x0], $0xffff  }
0x264: {  	v63 =	vor.u32 $0x1, v46;
	v54 =	vld.idx.msk [tilespmem:v54+s29+$0x0], $0xffff;
	p2 =	por !p1, !p2  }
.Ltmp20:
0x265: {  	_ = 	snop;
	(pc) =	sbr.rel @p2 .LBB2_23-.Ltmp20, $3  }
0x266: {  	_ =	sdelay $0x1  }
0x267: {  	[tilespmem:v46+s10+$0x0] =	vst.idx.add.f32.msk $0xffff, v47  }
0x268: {  	[tilespmem:v63+s10+$0x0] =	vst.idx.add.f32.msk $0xffff, v54  }
.LBB2_24:
0x269: {  	v46 =	vsel vm1, $0x1, v9  }
0x26a: {  	v59 =	vsel vm0, $0x1, v9;
	v52 =	vadd.s32 v46, v52  }
0x26b: {  	v60 =	vsel vm2, $0x1, v9;
	v50 =	vadd.s32 v59, v50  }
0x26c: {  	v61 =	vsel vm3, $0x1, v9;
	v48 =	vadd.s32 v60, v48  }
0x26d: {  	v45 =	vadd.s32 v61, v45;
	_ =	sdelay $0x1  }
0x26e: {  	v62 =	vld.idx.msk [tilespmem:v52+s24+$0x0], $0xffff  }
0x26f: {  	v47 =	vld.idx.msk [tilespmem:v50+s24+$0x0], $0xffff  }
0x270: {  	v54 =	vld.idx.msk [tilespmem:v48+s24+$0x0], $0xffff  }
0x271: {  	v55 =	vld.idx.msk [tilespmem:v45+s24+$0x0], $0xffff;
	_ =	sdelay $0x2  }
0x272: {  	vm1 =	vle.f32 v62, v41;
	vm0 =	vle.f32 v47, v40  }
0x273: {  	vm2 =	vle.f32 v54, v39;
	vm3 =	vmor vm1, vm0  }
0x274: {  	vm4 =	vmor vm3, vm2;
	vm3 =	vle.f32 v55, v38  }
0x275: {  	vm4 =	vmor vm4, vm3  }
0x276: {  	v63 =	vsel vm4, $0x3F800000, v6  }
0x277: {  	(xrf0) =	vmax.scan.msk.f32 $0xffff, v63;
	_ =	sdelay $0x5  }
0x278: {  	v46, _, _ =	vpop (xrf0)  }
0x279: {  	(v2sf) =	vpush v46, $0xF;
	_ =	sdelay $0xe  }
0x27a: {  	s13 =	spop (v2sf)  }
0x27b: {  	p1 =	sgt.f32 s13, $0.0e+00  }
.Ltmp21:
0x27c: {  	_ = 	snop;
	(pc) =	sbr.rel @p1 .LBB2_24-.Ltmp21, $1  }
0x27d: {  	_ =	sdelay $0x3  }
.Ltmp22:
0x27e: {  	_ = 	snop;
	(pc) =	sbr.rel .LBB2_25-.Ltmp22, $1  }
0x27f: {  	_ =	sdelay $0x3  }
.LBB2_26:
0x280: {  	s7 =	sor.u32 s19, s5  }
0x281: {  	s7 =	sshrl.u32 s7, $0x3  }
0x282: {  	s16 =	rddreg [dreg:$0xb];
	s8 =	sadd.s32 s1, s7;
	s7 =	simm.s32 $0x0  }
0x283: {  	[tilespmem:s7], [sflag:$0x1] =	stream.linear.gather [hbm4b:s8+s7], $0x2000, $0x38;
	[tilespmem:$0x11780] =	vst v63  }
0x284: {  	s8 =	sor.u32 s16, s26  }
0x285: {  	s8 =	sshll.u32 s8, $0x8  }
0x286: {  	s8 =	sadd.s32 s3, s8  }
0x287: {  	[tilespmem:s29], [sflag:$0x3] =	stream.linear.gather [hbm4b:s8+s7], $0x4000, $0x38;
	[tilespmem:$0x11780] =	vst v63  }
0x288: {  	_ =	swait.ge [sflag:s11], $0x2000  }
.Ltmp23:
0x289: {  	[sflag:s11] =	ssyncset.done $0x0;
	(pc) =	sbr.rel .LBB2_27-.Ltmp23, $4  }
0x28a: {  	[sflag:s11] =	ssyncadd.s32 $0xFFFFE000  }
0x28b: {  	_ =	swait.ge [sflag:s21], $0x4000  }
0x28c: {  	[sflag:s21] =	ssyncset.done $0x0  }
0x28d: {  	[sflag:s21] =	ssyncadd.s32 $0xFFFFC000  }
.LBB2_37:
0x28e: {  	v52 =	vpsel p1, v52, v52  }
0x28f: {  	v50 =	vpsel p1, v50, v50;
	v48 =	vpsel p1, v48, v48;
	v45 =	vpsel p1, v45, v45  }
.LBB2_39:
0x290: {  	vm0 =	vlt.f32 v22, v13;
	vm1 =	vlt.f32 v21, v18  }
0x291: {  	s12 =	sshll.u32 s12, $0xA;
	vm14 =	vlt.f32 v20, v16;
	vm15 =	vlt.f32 v19, v15;
	v58 =	vmov s9  }
0x292: {  	v61 =	vshll.u32 v52, $0x1;
	v50 =	vshll.u32 v50, $0x1;
	v46 =	vor.u32 s12, v1  }
0x293: {  	v32 =	vor.u32 s12, v32;
	v13 =	vsel vm0, v22, v13;
	v35 =	vor.u32 s12, v35  }
0x294: {  	v18 =	vsel vm1, v21, v18;
	v55 =	vor.u32 s12, v36;
	v16 =	vsel vm14, v20, v16  }
0x295: {  	v15 =	vsel vm15, v19, v15;
	v52 =	vor.u32 $0x1, v50;
	v47 =	vor.u32 s8, v46  }
0x296: {  	v54 =	vcvt.s32.f32 v32;
	v32 =	vmov s12;
	v22 =	vcvt.s32.f32 v55  }
0x297: {  	v56 =	vor.u32 s15, v46;
	vm4 =	vlt.f32 v27, v13;
	vm5 =	vlt.f32 v26, v18  }
0x298: {  	vm6 =	vlt.f32 v25, v16;
	v20 =	vcvt.s32.f32 v56;
	v57 =	vor.u32 v32, v42  }
0x299: {  	v63 =	vadd.f32 v54, v2;
	v54 =	vcvt.s32.f32 v35;
	v35 =	vcvt.s32.f32 v57  }
0x29a: {  	v60 =	vor.u32 s14, v46;
	vm7 =	vlt.f32 v24, v15;
	v47 =	vcvt.s32.f32 v47  }
0x29b: {  	v13 =	vsel vm4, v27, v13;
	v19 =	vadd.f32 v20, v2;
	v20 =	vadd.f32 v35, v2  }
0x29c: {  	v18 =	vsel vm5, v26, v18;
	v17 =	vsel vm1, v63, v17;
	v21 =	vadd.f32 v54, v2  }
0x29d: {  	v16 =	vsel vm6, v25, v16;
	v17 =	vsel vm5, v20, v17;
	v20 =	vor.u32 v32, v44  }
0x29e: {  	v12 =	vsel vm14, v21, v12;
	v21 =	vshll.u32 v58, $0x4;
	v20 =	vcvt.s32.f32 v20  }
0x29f: {  	s13 =	sor.u32 $0xD0, s8;
	v15 =	vsel vm7, v24, v15;
	v22 =	vadd.f32 v22, v2;
	v59 =	vor.u32 v21, v30  }
0x2a0: {  	s14 =	sor.u32 $0xE0, s8;
	v24 =	vor.u32 s13, v1;
	v21 =	vor.u32 v21, v29;
	v20 =	vadd.f32 v20, v2  }
0x2a1: {  	s15 =	sor.u32 $0xF0, s8;
	v36 =	vor.u32 v32, v51;
	v42 =	vmov s14;
	v14 =	vsel vm15, v22, v14  }
0x2a2: {  	v55 =	vmov s15;
	v14 =	vsel vm7, v20, v14;
	v20 =	vmov s13  }
0x2a3: {  	v62 =	vshll.u32 v24, $0x1;
	vm8 =	vlt.f32 v37, v13;
	v20 =	vshll.u32 v20, $0x4  }
0x2a4: {  	vm9 =	vlt.f32 v34, v18;
	v47 =	vadd.f32 v47, v2;
	v22 =	vld.idx.msk [tilespmem:v59+s31+$0x0], $0xffff;
	v20 =	vand.u32 $0x3C00, v20  }
0x2a5: {  	v26 =	vand.u32 $0x3E, v62;
	v63 =	vor.u32 $0x1, v61;
	v21 =	vld.idx.msk [tilespmem:v21+s31+$0x0], $0xffff;
	v35 =	vor.u32 v23, v20  }
0x2a6: {  	v11 =	vsel vm0, v47, v11;
	v20 =	vor.u32 v20, v28;
	v29 =	vor.u32 v26, v35  }
0x2a7: {  	v11 =	vsel vm4, v19, v11;
	v19 =	vor.u32 v32, v43;
	v20 =	vor.u32 v26, v20  }
0x2a8: {  	v13 =	vsel vm8, v37, v13;
	v37 =	vor.u32 v32, v53;
	v19 =	vcvt.s32.f32 v19  }
0x2a9: {  	vm10 =	vlt.f32 v33, v16;
	v57 =	vshll.u32 v48, $0x1;
	v43 =	vcvt.s32.f32 v37;
	[tilespmem:v61+s10+$0x0] =	vst.idx.add.f32.msk $0xffff, v22  }
0x2aa: {  	v44 =	vor.u32 s14, v1;
	v19 =	vadd.f32 v19, v2;
	v22 =	vshll.u32 v42, $0x4;
	[tilespmem:v63+s10+$0x0] =	vst.idx.add.f32.msk $0xffff, v21  }
0x2ab: {  	v51 =	vshll.u32 v44, $0x1;
	v25 =	vadd.f32 v43, v2;
	v22 =	vand.u32 $0x3C00, v22;
	v47 =	vld.idx.msk [tilespmem:v29+s31+$0x0], $0xffff  }
0x2ac: {  	v12 =	vsel vm6, v19, v12;
	v53 =	vor.u32 v23, v22;
	v20 =	vld.idx.msk [tilespmem:v20+s31+$0x0], $0xffff;
	v29 =	vand.u32 $0x5E, v51  }
0x2ad: {  	v19 =	vcvt.s32.f32 v60;
	v22 =	vor.u32 v22, v28;
	v54 =	vor.u32 v29, v53  }
0x2ae: {  	vm11 =	vlt.f32 v31, v15;
	v30 =	vcvt.s32.f32 v36;
	v22 =	vor.u32 v29, v22  }
0x2af: {  	v12 =	vsel vm10, v25, v12;
	v25 =	vshll.u32 v55, $0x4;
	v19 =	vadd.f32 v19, v2  }
0x2b0: {  	v18 =	vsel vm9, v34, v18;
	v16 =	vsel vm10, v33, v16;
	v25 =	vand.u32 $0x3C00, v25;
	[tilespmem:v50+s10+$0x0] =	vst.idx.add.f32.msk $0xffff, v47  }
0x2b1: {  	v11 =	vsel vm8, v19, v11;
	v19 =	vadd.f32 v30, v2;
	[tilespmem:v52+s10+$0x0] =	vst.idx.add.f32.msk $0xffff, v20;
	v20 =	vor.u32 s15, v1  }
0x2b2: {  	v59 =	vor.u32 $0x1, v57;
	v60 =	vor.u32 v23, v25;
	v27 =	vld.idx.msk [tilespmem:v54+s31+$0x0], $0xffff;
	v58 =	vshll.u32 v20, $0x1  }
0x2b3: {  	v17 =	vsel vm9, v19, v17;
	v19 =	vor.u32 v32, v49;
	v22 =	vld.idx.msk [tilespmem:v22+s31+$0x0], $0xffff;
	v30 =	vand.u32 $0x7E, v58  }
0x2b4: {  	v25 =	vor.u32 v25, v28;
	v19 =	vcvt.s32.f32 v19;
	v23 =	vor.u32 v30, v60  }
0x2b5: {  	v15 =	vsel vm11, v31, v15;
	vm12 =	vlt.f32 v41, v13;
	v25 =	vor.u32 v30, v25  }
0x2b6: {  	vm13 =	vlt.f32 v40, v18;
	vm15 =	vlt.f32 v38, v15;
	v19 =	vadd.f32 v19, v2  }
0x2b7: {  	v13 =	vsel vm12, v41, v13;
	v18 =	vsel vm13, v40, v18;
	[tilespmem:v57+s10+$0x0] =	vst.idx.add.f32.msk $0xffff, v27  }
0x2b8: {  	v56 =	vor.u32 s9, v46;
	v14 =	vsel vm11, v19, v14;
	v19 =	vor.u32 v32, v24;
	[tilespmem:v59+s10+$0x0] =	vst.idx.add.f32.msk $0xffff, v22  }
0x2b9: {  	v26 =	vcvt.s32.f32 v56;
	v61 =	vshll.u32 v45, $0x1;
	v19 =	vcvt.s32.f32 v19;
	v22 =	vld.idx.msk [tilespmem:v23+s31+$0x0], $0xffff  }
0x2ba: {  	p1 =	slt.u32 s7, $0x7C;
	v21 =	vor.u32 v32, v44;
	v63 =	vor.u32 $0x1, v61;
	v20 =	vor.u32 v32, v20;
	v62 =	vld.idx.msk [tilespmem:v25+s31+$0x0], $0xffff  }
.Ltmp24:
0x2bb: {  	v21 =	vcvt.s32.f32 v21;
	v19 =	vadd.f32 v19, v2;
	v20 =	vcvt.s32.f32 v20;
	(pc) =	sbr.rel @!p1 .LBB2_40-.Ltmp24, $4  }
0x2bc: {  	v15 =	vsel vm15, v38, v15;
	vm14 =	vlt.f32 v39, v16;
	v26 =	vadd.f32 v26, v2  }
0x2bd: {  	v21 =	vadd.f32 v21, v2;
	v17 =	vsel vm13, v19, v17;
	v19 =	vadd.f32 v20, v2  }
0x2be: {  	s16 =	sadd.s32 $0x4, s7;
	v16 =	vsel vm14, v39, v16;
	v11 =	vsel vm12, v26, v11;
	[tilespmem:v61+s10+$0x0] =	vst.idx.add.f32.msk $0xffff, v22  }
0x2bf: {  	s7 =	smov.u32 s16;
	v12 =	vsel vm14, v21, v12;
	v14 =	vsel vm15, v19, v14;
	[tilespmem:v63+s10+$0x0] =	vst.idx.add.f32.msk $0xffff, v62  }
.LBB2_27:
0x2c0: {  	s8 =	sshll.u32 s7, $0x6  }
0x2c1: {  	s12 =	sshrl.u32 s7, $0x4;
	s8 =	sand.u32 $0x300, s8  }
0x2c2: {  	s13 =	sshll.u32 s12, $0x7;
	s9 =	sshll.u32 s8, $0x3  }
0x2c3: {  	s9 =	sadd.s32 s13, s9  }
0x2c4: {  	v22 =	vld [tilespmem:s9+$0x2000]  }
0x2c5: {  	v21 =	vld [tilespmem:s9+$0x2010]  }
0x2c6: {  	v20 =	vld [tilespmem:s9+$0x2020]  }
0x2c7: {  	v19 =	vld [tilespmem:s9+$0x2030];
	_ =	sdelay $0x2  }
0x2c8: {  	v23 =	vmul.f32 $8.192000000e+03, v22  }
0x2c9: {  	v24 =	vmul.f32 $8.192000000e+03, v21;
	v25 =	vmul.f32 $8.192000000e+03, v20  }
0x2ca: {  	v26 =	vmul.f32 $8.192000000e+03, v19;
	v23 =	vtrunc.f32 v23  }
0x2cb: {  	v24 =	vtrunc.f32 v24;
	v23 =	vcvt.f32.s32 v23  }
0x2cc: {  	v25 =	vtrunc.f32 v25;
	v24 =	vcvt.f32.s32 v24  }
0x2cd: {  	v26 =	vtrunc.f32 v26;
	v25 =	vcvt.f32.s32 v25;
	vm0 =	vlt.s32 v23, $0x1FFF  }
0x2ce: {  	v26 =	vcvt.f32.s32 v26;
	v23 =	vnsel vm0, $0x1FFF, v23;
	vm0 =	vlt.s32 v24, $0x1FFF  }
0x2cf: {  	v24 =	vnsel vm0, $0x1FFF, v24;
	vm0 =	vlt.s32 v25, $0x1FFF  }
0x2d0: {  	v25 =	vnsel vm0, $0x1FFF, v25;
	vm0 =	vlt.s32 v26, $0x1FFF  }
0x2d1: {  	v26 =	vnsel vm0, $0x1FFF, v26;
	_ =	sdelay $0x1  }
0x2d2: {  	v23 =	vld.idx.msk [tilespmem:v23+s28+$0x0], $0xffff  }
0x2d3: {  	v24 =	vld.idx.msk [tilespmem:v24+s28+$0x0], $0xffff  }
0x2d4: {  	v25 =	vld.idx.msk [tilespmem:v25+s28+$0x0], $0xffff  }
0x2d5: {  	v26 =	vld.idx.msk [tilespmem:v26+s28+$0x0], $0xffff;
	_ =	sdelay $0x2  }
0x2d6: {  	v27 =	vor.u32 v23, v24  }
0x2d7: {  	v27 =	vor.u32 v25, v27  }
0x2d8: {  	v27 =	vor.u32 v26, v27  }
0x2d9: {  	v27 =	vand.u32 $0x1, v27  }
0x2da: {  	vm0 =	veq.s32 v27, $0x0  }
0x2db: {  	v27 =	vsel vm0, $0x0, v8  }
0x2dc: {  	(xrf0) =	vmax.scan.msk.f32 $0xffff, v27;
	_ =	sdelay $0x5  }
0x2dd: {  	v27, _, _ =	vpop (xrf0)  }
0x2de: {  	(v2sf) =	vpush v27, $0xF;
	_ =	sdelay $0x1  }
0x2df: {  	v23 =	vshrl.u32 v23, $0x1  }
0x2e0: {  	v24 =	vshrl.u32 v24, $0x1  }
0x2e1: {  	v25 =	vshrl.u32 v25, $0x1  }
0x2e2: {  	v26 =	vshrl.u32 v26, $0x1;
	_ =	sdelay $0x1  }
0x2e3: {  	v27 =	vld.idx.msk [tilespmem:v23+s24+$0x0], $0xffff  }
0x2e4: {  	v28 =	vld.idx.msk [tilespmem:v24+s24+$0x0], $0xffff  }
0x2e5: {  	v29 =	vld.idx.msk [tilespmem:v25+s24+$0x0], $0xffff  }
0x2e6: {  	v30 =	vld.idx.msk [tilespmem:v26+s24+$0x0], $0xffff;
	_ =	sdelay $0x1  }
0x2e7: {  	vm0 =	vle.f32 v27, v22  }
0x2e8: {  	v27 =	vsel vm0, $0x1, v9;
	vm0 =	vle.f32 v28, v21  }
0x2e9: {  	v28 =	vadd.s32 v27, v23;
	v23 =	vsel vm0, $0x1, v9;
	vm0 =	vle.f32 v29, v20  }
0x2ea: {  	v34 =	vadd.s32 v23, v24;
	v23 =	vsel vm0, $0x1, v9;
	vm0 =	vle.f32 v30, v19;
	s16 =	spop (v2sf)  }
0x2eb: {  	v33 =	vadd.s32 v23, v25;
	v23 =	vsel vm0, $0x1, v9;
	p1 =	sgt.f32 s16, $0.0e+00  }
0x2ec: {  	v31 =	vadd.s32 v23, v26  }
0x2ed: {  	s9 =	simm.s32 @p1 $0xC000  }
0x2ee: {  	v23 =	vld.idx.msk @p1 [tilespmem:v28+s9+$0x0], $0xffff  }
0x2ef: {  	v24 =	vld.idx.msk @p1 [tilespmem:v34+s9+$0x0], $0xffff  }
0x2f0: {  	v25 =	vld.idx.msk @p1 [tilespmem:v33+s9+$0x0], $0xffff  }
0x2f1: {  	v26 =	vld.idx.msk @p1 [tilespmem:v31+s9+$0x0], $0xffff;
	_ =	sdelay $0x2  }
0x2f2: {  	vm1 =	vle.f32 @p1 v23, v22;
	vm0 =	vle.f32 @p1 v24, v21  }
0x2f3: {  	vm2 =	vle.f32 @p1 v25, v20;
	vm3 =	vmor @p1 vm1, vm0  }
0x2f4: {  	vm4 =	vmor @p1 vm3, vm2;
	vm3 =	vle.f32 @p1 v26, v19  }
0x2f5: {  	v23 =	vimm.f32 @p1 $0.0e+00;
	vm4 =	vmor @p1 vm4, vm3  }
0x2f6: {  	v23 =	vsel @p1 vm4, $0x3F800000, v23  }
0x2f7: {  	(xrf0) =	vmax.scan.msk.f32 @p1 $0xffff, v23;
	_ =	sdelay $0x5  }
0x2f8: {  	v23, _, _ =	vpop @p1 (xrf0)  }
0x2f9: {  	(v2sf) =	vpush @p1 v23, $0xF;
	_ =	sdelay $0xe  }
0x2fa: {  	s9 =	spop @p1 (v2sf)  }
0x2fb: {  	p2 =	sgt.f32 @p1 s9, $0.0e+00;
	_ =	sdelay $0x1  }
0x2fc: {  	p2 =	por !p1, !p2  }
.Ltmp25:
0x2fd: {  	_ = 	snop;
	(pc) =	sbr.rel @p2 .LBB2_28-.Ltmp25, $1  }
0x2fe: {  	_ =	sdelay $0x3  }
.LBB2_29:
0x2ff: {  	v23 =	vsel vm1, $0x1, v9  }
0x300: {  	v28 =	vadd.s32 v23, v28;
	v23 =	vsel vm0, $0x1, v9  }
0x301: {  	v34 =	vadd.s32 v23, v34;
	v23 =	vsel vm2, $0x1, v9  }
0x302: {  	v33 =	vadd.s32 v23, v33;
	v23 =	vsel vm3, $0x1, v9  }
0x303: {  	v31 =	vadd.s32 v23, v31;
	_ =	sdelay $0x1  }
0x304: {  	v23 =	vld.idx.msk [tilespmem:v28+s24+$0x0], $0xffff  }
0x305: {  	v24 =	vld.idx.msk [tilespmem:v34+s24+$0x0], $0xffff  }
0x306: {  	v25 =	vld.idx.msk [tilespmem:v33+s24+$0x0], $0xffff  }
0x307: {  	v26 =	vld.idx.msk [tilespmem:v31+s24+$0x0], $0xffff;
	_ =	sdelay $0x2  }
0x308: {  	vm1 =	vle.f32 v23, v22;
	vm0 =	vle.f32 v24, v21  }
0x309: {  	vm2 =	vle.f32 v25, v20;
	vm3 =	vmor vm1, vm0  }
0x30a: {  	vm4 =	vmor vm3, vm2;
	vm3 =	vle.f32 v26, v19  }
0x30b: {  	vm4 =	vmor vm4, vm3  }
0x30c: {  	v23 =	vsel vm4, $0x3F800000, v6  }
0x30d: {  	(xrf0) =	vmax.scan.msk.f32 $0xffff, v23;
	_ =	sdelay $0x5  }
0x30e: {  	v23, _, _ =	vpop (xrf0)  }
0x30f: {  	(v2sf) =	vpush v23, $0xF;
	_ =	sdelay $0xe  }
0x310: {  	s9 =	spop (v2sf)  }
0x311: {  	p1 =	sgt.f32 s9, $0.0e+00  }
.Ltmp26:
0x312: {  	_ = 	snop;
	(pc) =	sbr.rel @p1 .LBB2_29-.Ltmp26, $1  }
0x313: {  	_ =	sdelay $0x3  }
.Ltmp27:
0x314: {  	_ = 	snop;
	(pc) =	sbr.rel .LBB2_30-.Ltmp27, $1  }
0x315: {  	_ =	sdelay $0x3  }
.LBB2_28:
0x316: {  	v28 =	vpsel p1, v28, v28  }
0x317: {  	v34 =	vpsel p1, v34, v34;
	v33 =	vpsel p1, v33, v33;
	v31 =	vpsel p1, v31, v31  }
.LBB2_30:
0x318: {  	s9 =	sshll.u32 s7, $0x9  }
0x319: {  	s9 =	sand.u32 $0x1800, s9  }
0x31a: {  	s9 =	sadd.s32 s13, s9  }
0x31b: {  	v27 =	vld [tilespmem:s9+$0x2040]  }
0x31c: {  	v26 =	vld [tilespmem:s9+$0x2050]  }
0x31d: {  	v25 =	vld [tilespmem:s9+$0x2060]  }
0x31e: {  	v24 =	vld [tilespmem:s9+$0x2070];
	_ =	sdelay $0x2  }
0x31f: {  	v23 =	vmul.f32 $8.192000000e+03, v27  }
0x320: {  	v29 =	vmul.f32 $8.192000000e+03, v26;
	v30 =	vmul.f32 $8.192000000e+03, v25  }
0x321: {  	v32 =	vmul.f32 $8.192000000e+03, v24;
	v23 =	vtrunc.f32 v23  }
0x322: {  	v29 =	vtrunc.f32 v29;
	v23 =	vcvt.f32.s32 v23  }
0x323: {  	v30 =	vtrunc.f32 v30;
	v29 =	vcvt.f32.s32 v29  }
0x324: {  	v32 =	vtrunc.f32 v32;
	v30 =	vcvt.f32.s32 v30;
	vm0 =	vlt.s32 v23, $0x1FFF  }
0x325: {  	v32 =	vcvt.f32.s32 v32;
	v23 =	vnsel vm0, $0x1FFF, v23;
	vm0 =	vlt.s32 v29, $0x1FFF  }
0x326: {  	v29 =	vnsel vm0, $0x1FFF, v29;
	vm0 =	vlt.s32 v30, $0x1FFF  }
0x327: {  	v30 =	vnsel vm0, $0x1FFF, v30;
	vm0 =	vlt.s32 v32, $0x1FFF  }
0x328: {  	v32 =	vnsel vm0, $0x1FFF, v32;
	_ =	sdelay $0x1  }
0x329: {  	v23 =	vld.idx.msk [tilespmem:v23+s28+$0x0], $0xffff  }
0x32a: {  	v29 =	vld.idx.msk [tilespmem:v29+s28+$0x0], $0xffff  }
0x32b: {  	v30 =	vld.idx.msk [tilespmem:v30+s28+$0x0], $0xffff  }
0x32c: {  	v32 =	vld.idx.msk [tilespmem:v32+s28+$0x0], $0xffff;
	_ =	sdelay $0x2  }
0x32d: {  	v35 =	vor.u32 v23, v29  }
0x32e: {  	v35 =	vor.u32 v30, v35  }
0x32f: {  	v35 =	vor.u32 v32, v35  }
0x330: {  	v35 =	vand.u32 $0x1, v35  }
0x331: {  	vm0 =	veq.s32 v35, $0x0  }
0x332: {  	v35 =	vsel vm0, $0x0, v8  }
0x333: {  	(xrf0) =	vmax.scan.msk.f32 $0xffff, v35;
	_ =	sdelay $0x5  }
0x334: {  	v35, _, _ =	vpop (xrf0)  }
0x335: {  	(v2sf) =	vpush v35, $0xF;
	_ =	sdelay $0x1  }
0x336: {  	v23 =	vshrl.u32 v23, $0x1  }
0x337: {  	v29 =	vshrl.u32 v29, $0x1  }
0x338: {  	v30 =	vshrl.u32 v30, $0x1  }
0x339: {  	v32 =	vshrl.u32 v32, $0x1;
	_ =	sdelay $0x1  }
0x33a: {  	v49 =	vld.idx.msk [tilespmem:v23+s24+$0x0], $0xffff  }
0x33b: {  	v36 =	vld.idx.msk [tilespmem:v29+s24+$0x0], $0xffff  }
0x33c: {  	v37 =	vld.idx.msk [tilespmem:v30+s24+$0x0], $0xffff  }
0x33d: {  	v38 =	vld.idx.msk [tilespmem:v32+s24+$0x0], $0xffff;
	_ =	sdelay $0x1  }
0x33e: {  	vm0 =	vle.f32 v49, v27  }
0x33f: {  	v35 =	vsel vm0, $0x1, v9;
	vm0 =	vle.f32 v36, v26  }
0x340: {  	v41 =	vadd.s32 v35, v23;
	v23 =	vsel vm0, $0x1, v9;
	vm0 =	vle.f32 v37, v25  }
0x341: {  	v40 =	vadd.s32 v23, v29;
	v23 =	vsel vm0, $0x1, v9;
	vm0 =	vle.f32 v38, v24;
	s16 =	spop (v2sf)  }
0x342: {  	v39 =	vadd.s32 v23, v30;
	v23 =	vsel vm0, $0x1, v9;
	p1 =	sgt.f32 s16, $0.0e+00  }
0x343: {  	v38 =	vadd.s32 v23, v32  }
0x344: {  	s9 =	simm.s32 @p1 $0xC000  }
0x345: {  	v23 =	vmov s12;
	v32 =	vld.idx.msk @p1 [tilespmem:v41+s9+$0x0], $0xffff  }
0x346: {  	v23 =	vshll.u32 v23, $0x7;
	v35 =	vld.idx.msk @p1 [tilespmem:v40+s9+$0x0], $0xffff  }
0x347: {  	v23 =	vand.u32 $0x380, v23;
	v36 =	vld.idx.msk @p1 [tilespmem:v39+s9+$0x0], $0xffff  }
0x348: {  	v23 =	vbroadcast v23, $0x0;
	v37 =	vld.idx.msk @p1 [tilespmem:v38+s9+$0x0], $0xffff  }
0x349: {  	v44 =	vshll.u32 v28, $0x1;
	v29 =	vmov s8  }
0x34a: {  	v42 =	vshll.u32 v29, $0x4;
	v30 =	vor.u32 v4, v23;
	v29 =	vor.u32 v10, v23  }
0x34b: {  	v43 =	vor.u32 v42, v30;
	vm1 =	vle.f32 @p1 v32, v27;
	vm0 =	vle.f32 @p1 v35, v26  }
0x34c: {  	s14 =	sor.u32 $0x10, s8;
	v42 =	vor.u32 v42, v29;
	vm2 =	vle.f32 @p1 v36, v25;
	vm3 =	vmor @p1 vm1, vm0  }
0x34d: {  	v28 =	vmov s14;
	vm4 =	vmor @p1 vm3, vm2;
	vm3 =	vle.f32 @p1 v37, v24  }
0x34e: {  	v28 =	vshll.u32 v28, $0x4;
	v35 =	vimm.f32 @p1 $0.0e+00;
	vm4 =	vmor @p1 vm4, vm3  }
0x34f: {  	v52 =	vand.u32 $0x3000, v28;
	v28 =	vsel @p1 vm4, $0x3F800000, v35  }
0x350: {  	v50 =	vld.idx.msk [tilespmem:v43+s31+$0x0], $0xffff;
	(xrf0) =	vmax.scan.msk.f32 @p1 $0xffff, v28  }
0x351: {  	v45 =	vor.u32 $0x1, v44;
	v53 =	vld.idx.msk [tilespmem:v42+s31+$0x0], $0xffff  }
0x352: {  	v32 =	vor.u32 s14, v1  }
0x353: {  	v51 =	vshll.u32 v32, $0x1  }
0x354: {  	v54 =	vor.u32 v23, v52;
	v37 =	vand.u32 $0x3E, v51;
	v28 =	vor.u32 $0x1, v23  }
0x355: {  	[tilespmem:v44+s10+$0x0] =	vst.idx.add.f32.msk $0xffff, v50;
	v42 =	vor.u32 v37, v54;
	v43 =	vor.u32 v52, v28  }
0x356: {  	[tilespmem:v45+s10+$0x0] =	vst.idx.add.f32.msk $0xffff, v53;
	v37 =	vor.u32 v37, v43;
	v45, _, _ =	vpop @p1 (xrf0)  }
0x357: {  	s15 =	sor.u32 $0x20, s8;
	(v2sf) =	vpush @p1 v45, $0xF  }
0x358: {  	v55 =	vmov s15  }
0x359: {  	v36 =	vshll.u32 v55, $0x4;
	v35 =	vor.u32 s15, v1  }
0x35a: {  	v34 =	vshll.u32 v34, $0x1;
	v36 =	vand.u32 $0x3000, v36;
	v57 =	vshll.u32 v35, $0x1;
	v42 =	vld.idx.msk [tilespmem:v42+s31+$0x0], $0xffff  }
0x35b: {  	v56 =	vor.u32 $0x1, v34;
	v58 =	vor.u32 v23, v36;
	v44 =	vand.u32 $0x5E, v57;
	v37 =	vld.idx.msk [tilespmem:v37+s31+$0x0], $0xffff  }
0x35c: {  	v36 =	vor.u32 v36, v28;
	v45 =	vor.u32 v44, v58  }
0x35d: {  	v44 =	vor.u32 v44, v36  }
0x35e: {  	s16 =	sor.u32 $0x30, s8  }
0x35f: {  	v59 =	vmov s16;
	[tilespmem:v34+s10+$0x0] =	vst.idx.add.f32.msk $0xffff, v42  }
0x360: {  	v36 =	vor.u32 s16, v1;
	v34 =	vshll.u32 v59, $0x4;
	[tilespmem:v56+s10+$0x0] =	vst.idx.add.f32.msk $0xffff, v37  }
0x361: {  	v33 =	vshll.u32 v33, $0x1;
	v60 =	vshll.u32 v36, $0x1;
	v34 =	vand.u32 $0x3000, v34;
	v37 =	vld.idx.msk [tilespmem:v45+s31+$0x0], $0xffff  }
0x362: {  	v61 =	vor.u32 $0x1, v33;
	v42 =	vand.u32 $0x7E, v60;
	v62 =	vor.u32 v23, v34;
	v43 =	vld.idx.msk [tilespmem:v44+s31+$0x0], $0xffff  }
0x363: {  	v34 =	vor.u32 v34, v28;
	v45 =	vor.u32 v42, v62  }
0x364: {  	v34 =	vor.u32 v42, v34;
	_ =	sdelay $0x1  }
0x365: {  	[tilespmem:v33+s10+$0x0] =	vst.idx.add.f32.msk $0xffff, v37;
	s9 =	spop @p1 (v2sf)  }
0x366: {  	[tilespmem:v61+s10+$0x0] =	vst.idx.add.f32.msk $0xffff, v43;
	p2 =	sgt.f32 @p1 s9, $0.0e+00  }
0x367: {  	v31 =	vshll.u32 v31, $0x1;
	v33 =	vld.idx.msk [tilespmem:v45+s31+$0x0], $0xffff  }
0x368: {  	v63 =	vor.u32 $0x1, v31;
	v34 =	vld.idx.msk [tilespmem:v34+s31+$0x0], $0xffff;
	p2 =	por !p1, !p2  }
.Ltmp28:
0x369: {  	_ = 	snop;
	(pc) =	sbr.rel @p2 .LBB2_31-.Ltmp28, $3  }
0x36a: {  	_ =	sdelay $0x1  }
0x36b: {  	[tilespmem:v31+s10+$0x0] =	vst.idx.add.f32.msk $0xffff, v33  }
0x36c: {  	[tilespmem:v63+s10+$0x0] =	vst.idx.add.f32.msk $0xffff, v34  }
.LBB2_32:
0x36d: {  	v31 =	vsel vm1, $0x1, v9  }
0x36e: {  	v41 =	vadd.s32 v31, v41;
	v31 =	vsel vm0, $0x1, v9  }
0x36f: {  	v40 =	vadd.s32 v31, v40;
	v31 =	vsel vm2, $0x1, v9  }
0x370: {  	v39 =	vadd.s32 v31, v39;
	v31 =	vsel vm3, $0x1, v9  }
0x371: {  	v38 =	vadd.s32 v31, v38;
	_ =	sdelay $0x1  }
0x372: {  	v31 =	vld.idx.msk [tilespmem:v41+s24+$0x0], $0xffff  }
0x373: {  	v33 =	vld.idx.msk [tilespmem:v40+s24+$0x0], $0xffff  }
0x374: {  	v34 =	vld.idx.msk [tilespmem:v39+s24+$0x0], $0xffff  }
0x375: {  	v37 =	vld.idx.msk [tilespmem:v38+s24+$0x0], $0xffff;
	_ =	sdelay $0x2  }
0x376: {  	vm1 =	vle.f32 v31, v27;
	vm0 =	vle.f32 v33, v26  }
0x377: {  	vm2 =	vle.f32 v34, v25;
	vm3 =	vmor vm1, vm0  }
0x378: {  	vm4 =	vmor vm3, vm2;
	vm3 =	vle.f32 v37, v24  }
0x379: {  	vm4 =	vmor vm4, vm3  }
0x37a: {  	v31 =	vsel vm4, $0x3F800000, v6  }
0x37b: {  	(xrf0) =	vmax.scan.msk.f32 $0xffff, v31;
	_ =	sdelay $0x5  }
0x37c: {  	v31, _, _ =	vpop (xrf0)  }
0x37d: {  	(v2sf) =	vpush v31, $0xF;
	_ =	sdelay $0xe  }
0x37e: {  	s9 =	spop (v2sf)  }
0x37f: {  	p1 =	sgt.f32 s9, $0.0e+00  }
.Ltmp29:
0x380: {  	_ = 	snop;
	(pc) =	sbr.rel @p1 .LBB2_32-.Ltmp29, $1  }
0x381: {  	_ =	sdelay $0x3  }
.Ltmp30:
0x382: {  	_ = 	snop;
	(pc) =	sbr.rel .LBB2_33-.Ltmp30, $1  }
0x383: {  	_ =	sdelay $0x3  }
.LBB2_31:
0x384: {  	v41 =	vpsel p1, v41, v41  }
0x385: {  	v40 =	vpsel p1, v40, v40;
	v39 =	vpsel p1, v39, v39;
	v38 =	vpsel p1, v38, v38  }
.LBB2_33:
0x386: {  	s14 =	sor.u32 $0x80, s8  }
0x387: {  	s9 =	sshll.u32 s14, $0x3  }
0x388: {  	s9 =	sadd.s32 s13, s9  }
0x389: {  	v37 =	vld [tilespmem:s9+$0x2000]  }
0x38a: {  	v34 =	vld [tilespmem:s9+$0x2010]  }
0x38b: {  	v33 =	vld [tilespmem:s9+$0x2020]  }
0x38c: {  	v31 =	vld [tilespmem:s9+$0x2030];
	_ =	sdelay $0x2  }
0x38d: {  	v42 =	vmul.f32 $8.192000000e+03, v37  }
0x38e: {  	v43 =	vmul.f32 $8.192000000e+03, v34;
	v44 =	vmul.f32 $8.192000000e+03, v33  }
0x38f: {  	v45 =	vmul.f32 $8.192000000e+03, v31;
	v42 =	vtrunc.f32 v42  }
0x390: {  	v43 =	vtrunc.f32 v43;
	v42 =	vcvt.f32.s32 v42  }
0x391: {  	v44 =	vtrunc.f32 v44;
	v43 =	vcvt.f32.s32 v43  }
0x392: {  	v45 =	vtrunc.f32 v45;
	v44 =	vcvt.f32.s32 v44;
	vm0 =	vlt.s32 v42, $0x1FFF  }
0x393: {  	v45 =	vcvt.f32.s32 v45;
	v42 =	vnsel vm0, $0x1FFF, v42;
	vm0 =	vlt.s32 v43, $0x1FFF  }
0x394: {  	v43 =	vnsel vm0, $0x1FFF, v43;
	vm0 =	vlt.s32 v44, $0x1FFF  }
0x395: {  	v44 =	vnsel vm0, $0x1FFF, v44;
	vm0 =	vlt.s32 v45, $0x1FFF  }
0x396: {  	v45 =	vnsel vm0, $0x1FFF, v45;
	_ =	sdelay $0x1  }
0x397: {  	v42 =	vld.idx.msk [tilespmem:v42+s28+$0x0], $0xffff  }
0x398: {  	v43 =	vld.idx.msk [tilespmem:v43+s28+$0x0], $0xffff  }
0x399: {  	v44 =	vld.idx.msk [tilespmem:v44+s28+$0x0], $0xffff  }
0x39a: {  	v45 =	vld.idx.msk [tilespmem:v45+s28+$0x0], $0xffff;
	_ =	sdelay $0x2  }
0x39b: {  	v46 =	vor.u32 v42, v43  }
0x39c: {  	v46 =	vor.u32 v44, v46  }
0x39d: {  	v46 =	vor.u32 v45, v46  }
0x39e: {  	v46 =	vand.u32 $0x1, v46  }
0x39f: {  	vm0 =	veq.s32 v46, $0x0  }
0x3a0: {  	v46 =	vsel vm0, $0x0, v8  }
0x3a1: {  	(xrf0) =	vmax.scan.msk.f32 $0xffff, v46;
	_ =	sdelay $0x5  }
0x3a2: {  	v46, _, _ =	vpop (xrf0)  }
0x3a3: {  	(v2sf) =	vpush v46, $0xF;
	_ =	sdelay $0x1  }
0x3a4: {  	v42 =	vshrl.u32 v42, $0x1  }
0x3a5: {  	v43 =	vshrl.u32 v43, $0x1  }
0x3a6: {  	v44 =	vshrl.u32 v44, $0x1  }
0x3a7: {  	v45 =	vshrl.u32 v45, $0x1;
	_ =	sdelay $0x1  }
0x3a8: {  	v55 =	vld.idx.msk [tilespmem:v42+s24+$0x0], $0xffff  }
0x3a9: {  	v47 =	vld.idx.msk [tilespmem:v43+s24+$0x0], $0xffff  }
0x3aa: {  	v48 =	vld.idx.msk [tilespmem:v44+s24+$0x0], $0xffff  }
0x3ab: {  	v50 =	vld.idx.msk [tilespmem:v45+s24+$0x0], $0xffff;
	_ =	sdelay $0x1  }
0x3ac: {  	vm0 =	vle.f32 v55, v37  }
0x3ad: {  	v46 =	vsel vm0, $0x1, v9;
	vm0 =	vle.f32 v47, v34  }
0x3ae: {  	v51 =	vadd.s32 v46, v42;
	v56 =	vsel vm0, $0x1, v9;
	vm0 =	vle.f32 v48, v33  }
0x3af: {  	v49 =	vadd.s32 v56, v43;
	v57 =	vsel vm0, $0x1, v9;
	vm0 =	vle.f32 v50, v31;
	s15 =	spop (v2sf)  }
0x3b0: {  	v47 =	vadd.s32 v57, v44;
	v58 =	vsel vm0, $0x1, v9;
	p1 =	sgt.f32 s15, $0.0e+00  }
0x3b1: {  	v46 =	vadd.s32 v58, v45  }
0x3b2: {  	s9 =	simm.s32 @p1 $0xC000  }
0x3b3: {  	v42 =	vld.idx.msk @p1 [tilespmem:v51+s9+$0x0], $0xffff  }
0x3b4: {  	v43 =	vld.idx.msk @p1 [tilespmem:v49+s9+$0x0], $0xffff  }
0x3b5: {  	v44 =	vld.idx.msk @p1 [tilespmem:v47+s9+$0x0], $0xffff  }
0x3b6: {  	s15 =	sor.u32 $0x40, s8;
	v48 =	vld.idx.msk @p1 [tilespmem:v46+s9+$0x0], $0xffff  }
0x3b7: {  	v59 =	vmov s15  }
0x3b8: {  	v45 =	vshll.u32 v59, $0x4  }
0x3b9: {  	v60 =	vor.u32 v45, v30;
	vm1 =	vle.f32 @p1 v42, v37;
	vm0 =	vle.f32 @p1 v43, v34  }
0x3ba: {  	v45 =	vor.u32 v45, v29;
	vm2 =	vle.f32 @p1 v44, v33;
	vm3 =	vmor @p1 vm1, vm0  }
0x3bb: {  	vm4 =	vmor @p1 vm3, vm2;
	vm3 =	vle.f32 @p1 v48, v31  }
0x3bc: {  	v44 =	vimm.f32 @p1 $0.0e+00;
	vm4 =	vmor @p1 vm4, vm3  }
0x3bd: {  	v44 =	vsel @p1 vm4, $0x3F800000, v44  }
0x3be: {  	s16 =	sor.u32 $0x50, s8;
	v41 =	vshll.u32 v41, $0x1;
	v62 =	vld.idx.msk [tilespmem:v60+s31+$0x0], $0xffff;
	(xrf0) =	vmax.scan.msk.f32 @p1 $0xffff, v44  }
0x3bf: {  	v61 =	vmov s16;
	v52 =	vor.u32 $0x1, v41;
	v45 =	vld.idx.msk [tilespmem:v45+s31+$0x0], $0xffff  }
0x3c0: {  	v42 =	vor.u32 s16, v1;
	v43 =	vshll.u32 v61, $0x4  }
0x3c1: {  	v63 =	vshll.u32 v42, $0x1;
	v43 =	vand.u32 $0x3400, v43  }
0x3c2: {  	v50 =	vand.u32 $0x3E, v63;
	v54 =	vor.u32 v23, v43  }
0x3c3: {  	v43 =	vor.u32 v43, v28;
	v44 =	vor.u32 v50, v54;
	[tilespmem:v41+s10+$0x0] =	vst.idx.add.f32.msk $0xffff, v62  }
0x3c4: {  	v50 =	vor.u32 v50, v43;
	[tilespmem:v52+s10+$0x0] =	vst.idx.add.f32.msk $0xffff, v45;
	v52, _, _ =	vpop @p1 (xrf0)  }
0x3c5: {  	s16 =	sor.u32 $0x60, s8;
	(v2sf) =	vpush @p1 v52, $0xF  }
0x3c6: {  	v55 =	vmov s16  }
0x3c7: {  	v43 =	vor.u32 s16, v1;
	v41 =	vshll.u32 v55, $0x4  }
0x3c8: {  	v40 =	vshll.u32 v40, $0x1;
	v57 =	vshll.u32 v43, $0x1;
	v41 =	vand.u32 $0x3400, v41;
	v44 =	vld.idx.msk [tilespmem:v44+s31+$0x0], $0xffff  }
0x3c9: {  	v56 =	vor.u32 $0x1, v40;
	v48 =	vand.u32 $0x5E, v57;
	v58 =	vor.u32 v23, v41;
	v50 =	vld.idx.msk [tilespmem:v50+s31+$0x0], $0xffff  }
0x3ca: {  	v41 =	vor.u32 v41, v28;
	v52 =	vor.u32 v48, v58  }
0x3cb: {  	v41 =	vor.u32 v48, v41  }
0x3cc: {  	s16 =	sor.u32 $0x70, s8  }
0x3cd: {  	v59 =	vmov s16;
	[tilespmem:v40+s10+$0x0] =	vst.idx.add.f32.msk $0xffff, v44  }
0x3ce: {  	v44 =	vor.u32 s16, v1;
	v40 =	vshll.u32 v59, $0x4;
	[tilespmem:v56+s10+$0x0] =	vst.idx.add.f32.msk $0xffff, v50  }
0x3cf: {  	v39 =	vshll.u32 v39, $0x1;
	v60 =	vshll.u32 v44, $0x1;
	v40 =	vand.u32 $0x3400, v40;
	v45 =	vld.idx.msk [tilespmem:v52+s31+$0x0], $0xffff  }
0x3d0: {  	v61 =	vor.u32 $0x1, v39;
	v41 =	vld.idx.msk [tilespmem:v41+s31+$0x0], $0xffff;
	v48 =	vand.u32 $0x7E, v60;
	v62 =	vor.u32 v23, v40  }
0x3d1: {  	v40 =	vor.u32 v40, v28;
	v52 =	vor.u32 v48, v62  }
0x3d2: {  	v40 =	vor.u32 v48, v40;
	_ =	sdelay $0x1  }
0x3d3: {  	[tilespmem:v39+s10+$0x0] =	vst.idx.add.f32.msk $0xffff, v45;
	s9 =	spop @p1 (v2sf)  }
0x3d4: {  	[tilespmem:v61+s10+$0x0] =	vst.idx.add.f32.msk $0xffff, v41;
	p2 =	sgt.f32 @p1 s9, $0.0e+00  }
0x3d5: {  	v38 =	vshll.u32 v38, $0x1;
	v39 =	vld.idx.msk [tilespmem:v52+s31+$0x0], $0xffff  }
0x3d6: {  	v63 =	vor.u32 $0x1, v38;
	v40 =	vld.idx.msk [tilespmem:v40+s31+$0x0], $0xffff;
	p2 =	por !p1, !p2  }
.Ltmp31:
0x3d7: {  	_ = 	snop;
	(pc) =	sbr.rel @p2 .LBB2_34-.Ltmp31, $3  }
0x3d8: {  	_ =	sdelay $0x1  }
0x3d9: {  	[tilespmem:v38+s10+$0x0] =	vst.idx.add.f32.msk $0xffff, v39  }
0x3da: {  	[tilespmem:v63+s10+$0x0] =	vst.idx.add.f32.msk $0xffff, v40  }
.LBB2_35:
0x3db: {  	v38 =	vsel vm1, $0x1, v9  }
0x3dc: {  	v59 =	vsel vm0, $0x1, v9;
	v51 =	vadd.s32 v38, v51  }
0x3dd: {  	v60 =	vsel vm2, $0x1, v9;
	v49 =	vadd.s32 v59, v49  }
0x3de: {  	v61 =	vsel vm3, $0x1, v9;
	v47 =	vadd.s32 v60, v47  }
0x3df: {  	v46 =	vadd.s32 v61, v46;
	_ =	sdelay $0x1  }
0x3e0: {  	v62 =	vld.idx.msk [tilespmem:v51+s24+$0x0], $0xffff  }
0x3e1: {  	v39 =	vld.idx.msk [tilespmem:v49+s24+$0x0], $0xffff  }
0x3e2: {  	v40 =	vld.idx.msk [tilespmem:v47+s24+$0x0], $0xffff  }
0x3e3: {  	v41 =	vld.idx.msk [tilespmem:v46+s24+$0x0], $0xffff;
	_ =	sdelay $0x2  }
0x3e4: {  	vm1 =	vle.f32 v62, v37;
	vm0 =	vle.f32 v39, v34  }
0x3e5: {  	vm2 =	vle.f32 v40, v33;
	vm3 =	vmor vm1, vm0  }
0x3e6: {  	vm4 =	vmor vm3, vm2;
	vm3 =	vle.f32 v41, v31  }
0x3e7: {  	vm4 =	vmor vm4, vm3  }
0x3e8: {  	v63 =	vsel vm4, $0x3F800000, v6  }
0x3e9: {  	(xrf0) =	vmax.scan.msk.f32 $0xffff, v63;
	_ =	sdelay $0x5  }
0x3ea: {  	v38, _, _ =	vpop (xrf0)  }
0x3eb: {  	(v2sf) =	vpush v38, $0xF;
	_ =	sdelay $0xe  }
0x3ec: {  	s9 =	spop (v2sf)  }
0x3ed: {  	p1 =	sgt.f32 s9, $0.0e+00  }
.Ltmp32:
0x3ee: {  	_ = 	snop;
	(pc) =	sbr.rel @p1 .LBB2_35-.Ltmp32, $1  }
0x3ef: {  	_ =	sdelay $0x3  }
.Ltmp33:
0x3f0: {  	_ = 	snop;
	(pc) =	sbr.rel .LBB2_36-.Ltmp33, $1  }
0x3f1: {  	_ =	sdelay $0x3  }
.LBB2_34:
0x3f2: {  	v51 =	vpsel p1, v51, v51  }
0x3f3: {  	v49 =	vpsel p1, v49, v49;
	v47 =	vpsel p1, v47, v47;
	v46 =	vpsel p1, v46, v46  }
.LBB2_36:
0x3f4: {  	s9 =	sor.u32 $0xC0, s8  }
0x3f5: {  	s16 =	sshll.u32 s9, $0x3  }
0x3f6: {  	s16 =	sand.u32 $0x1C00, s16  }
0x3f7: {  	s13 =	sadd.s32 s13, s16  }
0x3f8: {  	v41 =	vld [tilespmem:s13+$0x2040]  }
0x3f9: {  	v40 =	vld [tilespmem:s13+$0x2050]  }
0x3fa: {  	v39 =	vld [tilespmem:s13+$0x2060]  }
0x3fb: {  	v38 =	vld [tilespmem:s13+$0x2070];
	_ =	sdelay $0x2  }
0x3fc: {  	v45 =	vmul.f32 $8.192000000e+03, v41  }
0x3fd: {  	v48 =	vmul.f32 $8.192000000e+03, v40;
	v50 =	vmul.f32 $8.192000000e+03, v39  }
0x3fe: {  	v52 =	vmul.f32 $8.192000000e+03, v38;
	v45 =	vtrunc.f32 v45  }
0x3ff: {  	v48 =	vtrunc.f32 v48;
	v45 =	vcvt.f32.s32 v45  }
0x400: {  	v50 =	vtrunc.f32 v50;
	v48 =	vcvt.f32.s32 v48  }
0x401: {  	v52 =	vtrunc.f32 v52;
	v50 =	vcvt.f32.s32 v50;
	vm0 =	vlt.s32 v45, $0x1FFF  }
0x402: {  	v52 =	vcvt.f32.s32 v52;
	v45 =	vnsel vm0, $0x1FFF, v45;
	vm0 =	vlt.s32 v48, $0x1FFF  }
0x403: {  	v48 =	vnsel vm0, $0x1FFF, v48;
	vm0 =	vlt.s32 v50, $0x1FFF  }
0x404: {  	v50 =	vnsel vm0, $0x1FFF, v50;
	vm0 =	vlt.s32 v52, $0x1FFF  }
0x405: {  	v52 =	vnsel vm0, $0x1FFF, v52;
	_ =	sdelay $0x1  }
0x406: {  	v45 =	vld.idx.msk [tilespmem:v45+s28+$0x0], $0xffff  }
0x407: {  	v48 =	vld.idx.msk [tilespmem:v48+s28+$0x0], $0xffff  }
0x408: {  	v50 =	vld.idx.msk [tilespmem:v50+s28+$0x0], $0xffff  }
0x409: {  	v52 =	vld.idx.msk [tilespmem:v52+s28+$0x0], $0xffff;
	_ =	sdelay $0x2  }
0x40a: {  	v53 =	vor.u32 v45, v48  }
0x40b: {  	v53 =	vor.u32 v50, v53  }
0x40c: {  	v53 =	vor.u32 v52, v53  }
0x40d: {  	v53 =	vand.u32 $0x1, v53  }
0x40e: {  	vm0 =	veq.s32 v53, $0x0  }
0x40f: {  	v53 =	vsel vm0, $0x0, v8  }
0x410: {  	(xrf0) =	vmax.scan.msk.f32 $0xffff, v53;
	_ =	sdelay $0x5  }
0x411: {  	v53, _, _ =	vpop (xrf0)  }
0x412: {  	(v2sf) =	vpush v53, $0xF;
	_ =	sdelay $0x1  }
0x413: {  	v45 =	vshrl.u32 v45, $0x1  }
0x414: {  	v48 =	vshrl.u32 v48, $0x1  }
0x415: {  	v61 =	vshrl.u32 v50, $0x1  }
0x416: {  	v54 =	vshrl.u32 v52, $0x1;
	_ =	sdelay $0x1  }
0x417: {  	v62 =	vld.idx.msk [tilespmem:v45+s24+$0x0], $0xffff  }
0x418: {  	v63 =	vld.idx.msk [tilespmem:v48+s24+$0x0], $0xffff  }
0x419: {  	v55 =	vld.idx.msk [tilespmem:v61+s24+$0x0], $0xffff  }
0x41a: {  	v56 =	vld.idx.msk [tilespmem:v54+s24+$0x0], $0xffff;
	_ =	sdelay $0x1  }
0x41b: {  	vm0 =	vle.f32 v62, v41  }
0x41c: {  	v50 =	vsel vm0, $0x1, v9;
	vm0 =	vle.f32 v63, v40  }
0x41d: {  	v52 =	vadd.s32 v50, v45;
	v59 =	vsel vm0, $0x1, v9;
	vm0 =	vle.f32 v55, v39  }
0x41e: {  	v50 =	vadd.s32 v59, v48;
	v60 =	vsel vm0, $0x1, v9;
	vm0 =	vle.f32 v56, v38;
	s16 =	spop (v2sf)  }
0x41f: {  	v48 =	vadd.s32 v60, v61;
	v61 =	vsel vm0, $0x1, v9;
	p1 =	sgt.f32 s16, $0.0e+00  }
0x420: {  	v45 =	vadd.s32 v61, v54  }
0x421: {  	s13 =	simm.s32 @p1 $0xC000  }
0x422: {  	v53 =	vld.idx.msk @p1 [tilespmem:v52+s13+$0x0], $0xffff  }
0x423: {  	v54 =	vld.idx.msk @p1 [tilespmem:v50+s13+$0x0], $0xffff  }
0x424: {  	v55 =	vld.idx.msk @p1 [tilespmem:v48+s13+$0x0], $0xffff  }
0x425: {  	v57 =	vld.idx.msk @p1 [tilespmem:v45+s13+$0x0], $0xffff;
	_ =	sdelay $0x1  }
0x426: {  	v62 =	vmov s14  }
0x427: {  	v56 =	vshll.u32 v62, $0x4;
	vm1 =	vle.f32 @p1 v53, v41;
	vm0 =	vle.f32 @p1 v54, v40  }
0x428: {  	v58 =	vor.u32 v56, v30;
	vm2 =	vle.f32 @p1 v55, v39;
	vm3 =	vmor @p1 vm1, vm0  }
0x429: {  	vm4 =	vmor @p1 vm3, vm2;
	vm3 =	vle.f32 @p1 v57, v38  }
0x42a: {  	v54 =	vimm.f32 @p1 $0.0e+00;
	vm4 =	vmor @p1 vm4, vm3  }
0x42b: {  	v56 =	vor.u32 v56, v29;
	v54 =	vsel @p1 vm4, $0x3F800000, v54  }
0x42c: {  	s16 =	sor.u32 $0x90, s8;
	(xrf0) =	vmax.scan.msk.f32 @p1 $0xffff, v54  }
0x42d: {  	v59 =	vshll.u32 v51, $0x1;
	v60 =	vld.idx.msk [tilespmem:v58+s31+$0x0], $0xffff;
	v63 =	vmov s16  }
0x42e: {  	v51 =	vor.u32 s16, v1;
	v53 =	vshll.u32 v63, $0x4  }
0x42f: {  	v61 =	vshll.u32 v51, $0x1;
	v53 =	vand.u32 $0x3800, v53  }
0x430: {  	v62 =	vor.u32 $0x1, v59;
	v56 =	vld.idx.msk [tilespmem:v56+s31+$0x0], $0xffff;
	v57 =	vand.u32 $0x3E, v61;
	v63 =	vor.u32 v23, v53  }
0x431: {  	v53 =	vor.u32 v53, v28;
	v54 =	vor.u32 v57, v63  }
0x432: {  	[tilespmem:v59+s10+$0x0] =	vst.idx.add.f32.msk $0xffff, v60;
	v57 =	vor.u32 v57, v53;
	v59, _, _ =	vpop @p1 (xrf0)  }
0x433: {  	s16 =	sor.u32 $0xA0, s8;
	(v2sf) =	vpush @p1 v59, $0xF  }
0x434: {  	v60 =	vmov s16  }
0x435: {  	[tilespmem:v62+s10+$0x0] =	vst.idx.add.f32.msk $0xffff, v56;
	v55 =	vshll.u32 v60, $0x4;
	v53 =	vor.u32 s16, v1  }
0x436: {  	v49 =	vshll.u32 v49, $0x1;
	v55 =	vand.u32 $0x3800, v55;
	v62 =	vshll.u32 v53, $0x1;
	v54 =	vld.idx.msk [tilespmem:v54+s31+$0x0], $0xffff  }
0x437: {  	v61 =	vor.u32 $0x1, v49;
	v63 =	vor.u32 v23, v55;
	v58 =	vand.u32 $0x5E, v62;
	v57 =	vld.idx.msk [tilespmem:v57+s31+$0x0], $0xffff  }
0x438: {  	v55 =	vor.u32 v55, v28;
	v59 =	vor.u32 v58, v63  }
0x439: {  	v55 =	vor.u32 v58, v55  }
0x43a: {  	s16 =	sor.u32 $0xB0, s8  }
0x43b: {  	v58 =	vmov s16;
	[tilespmem:v49+s10+$0x0] =	vst.idx.add.f32.msk $0xffff, v54  }
0x43c: {  	v49 =	vor.u32 s16, v1;
	v54 =	vshll.u32 v58, $0x4;
	[tilespmem:v61+s10+$0x0] =	vst.idx.add.f32.msk $0xffff, v57  }
0x43d: {  	v47 =	vshll.u32 v47, $0x1;
	v60 =	vshll.u32 v49, $0x1;
	v54 =	vand.u32 $0x3800, v54;
	v56 =	vld.idx.msk [tilespmem:v59+s31+$0x0], $0xffff  }
0x43e: {  	v61 =	vor.u32 $0x1, v47;
	v55 =	vld.idx.msk [tilespmem:v55+s31+$0x0], $0xffff;
	v57 =	vand.u32 $0x7E, v60;
	v62 =	vor.u32 v23, v54  }
0x43f: {  	v54 =	vor.u32 v54, v28;
	v59 =	vor.u32 v57, v62  }
0x440: {  	v54 =	vor.u32 v57, v54;
	_ =	sdelay $0x1  }
0x441: {  	[tilespmem:v47+s10+$0x0] =	vst.idx.add.f32.msk $0xffff, v56;
	s13 =	spop @p1 (v2sf)  }
0x442: {  	[tilespmem:v61+s10+$0x0] =	vst.idx.add.f32.msk $0xffff, v55;
	p2 =	sgt.f32 @p1 s13, $0.0e+00  }
0x443: {  	v46 =	vshll.u32 v46, $0x1;
	v47 =	vld.idx.msk [tilespmem:v59+s31+$0x0], $0xffff  }
0x444: {  	v63 =	vor.u32 $0x1, v46;
	v54 =	vld.idx.msk [tilespmem:v54+s31+$0x0], $0xffff;
	p2 =	por !p1, !p2  }
.Ltmp34:
0x445: {  	_ = 	snop;
	(pc) =	sbr.rel @p2 .LBB2_37-.Ltmp34, $3  }
0x446: {  	_ =	sdelay $0x1  }
0x447: {  	[tilespmem:v46+s10+$0x0] =	vst.idx.add.f32.msk $0xffff, v47  }
0x448: {  	[tilespmem:v63+s10+$0x0] =	vst.idx.add.f32.msk $0xffff, v54  }
.LBB2_38:
0x449: {  	v46 =	vsel vm1, $0x1, v9  }
0x44a: {  	v59 =	vsel vm0, $0x1, v9;
	v52 =	vadd.s32 v46, v52  }
0x44b: {  	v60 =	vsel vm2, $0x1, v9;
	v50 =	vadd.s32 v59, v50  }
0x44c: {  	v61 =	vsel vm3, $0x1, v9;
	v48 =	vadd.s32 v60, v48  }
0x44d: {  	v45 =	vadd.s32 v61, v45;
	_ =	sdelay $0x1  }
0x44e: {  	v62 =	vld.idx.msk [tilespmem:v52+s24+$0x0], $0xffff  }
0x44f: {  	v47 =	vld.idx.msk [tilespmem:v50+s24+$0x0], $0xffff  }
0x450: {  	v54 =	vld.idx.msk [tilespmem:v48+s24+$0x0], $0xffff  }
0x451: {  	v55 =	vld.idx.msk [tilespmem:v45+s24+$0x0], $0xffff;
	_ =	sdelay $0x2  }
0x452: {  	vm1 =	vle.f32 v62, v41;
	vm0 =	vle.f32 v47, v40  }
0x453: {  	vm2 =	vle.f32 v54, v39;
	vm3 =	vmor vm1, vm0  }
0x454: {  	vm4 =	vmor vm3, vm2;
	vm3 =	vle.f32 v55, v38  }
0x455: {  	vm4 =	vmor vm4, vm3  }
0x456: {  	v63 =	vsel vm4, $0x3F800000, v6  }
0x457: {  	(xrf0) =	vmax.scan.msk.f32 $0xffff, v63;
	_ =	sdelay $0x5  }
0x458: {  	v46, _, _ =	vpop (xrf0)  }
0x459: {  	(v2sf) =	vpush v46, $0xF;
	_ =	sdelay $0xe  }
0x45a: {  	s13 =	spop (v2sf)  }
0x45b: {  	p1 =	sgt.f32 s13, $0.0e+00  }
.Ltmp35:
0x45c: {  	_ = 	snop;
	(pc) =	sbr.rel @p1 .LBB2_38-.Ltmp35, $1  }
0x45d: {  	_ =	sdelay $0x3  }
.Ltmp36:
0x45e: {  	_ = 	snop;
	(pc) =	sbr.rel .LBB2_39-.Ltmp36, $1  }
0x45f: {  	_ =	sdelay $0x3  }
.LBB2_40:
0x460: {  	s5 =	sor.u32 s30, s5  }
0x461: {  	s8 =	simm.s32 $0x2000;
	s5 =	sshrl.u32 s5, $0x3  }
0x462: {  	s26 =	sor.u32 s18, s26;
	s7 =	sadd.s32 s1, s5;
	s5 =	simm.s32 $0x0  }
0x463: {  	[tilespmem:s8], [sflag:$0x2] =	stream.linear.gather [hbm4b:s7+s5], $0x2000, $0x38;
	[tilespmem:$0x11780] =	vst v63  }
0x464: {  	s7 =	sshll.u32 s26, $0x8  }
0x465: {  	s7 =	sadd.s32 s3, s7  }
0x466: {  	[tilespmem:s31], [sflag:$0x4] =	stream.linear.gather [hbm4b:s7+s5], $0x4000, $0x38;
	[tilespmem:$0x11780] =	vst v63  }
0x467: {  	_ =	swait.ge [sflag:s0], $0x2000  }
.Ltmp37:
0x468: {  	[sflag:s0] =	ssyncset.done $0x0;
	(pc) =	sbr.rel .LBB2_41-.Ltmp37, $4  }
0x469: {  	[sflag:s0] =	ssyncadd.s32 $0xFFFFE000  }
0x46a: {  	_ =	swait.ge [sflag:s6], $0x4000  }
0x46b: {  	[sflag:s6] =	ssyncset.done $0x0  }
0x46c: {  	[sflag:s6] =	ssyncadd.s32 $0xFFFFC000  }
.LBB2_51:
0x46d: {  	v52 =	vpsel p1, v52, v52  }
0x46e: {  	v50 =	vpsel p1, v50, v50;
	v48 =	vpsel p1, v48, v48;
	v45 =	vpsel p1, v45, v45  }
.LBB2_53:
0x46f: {  	vm0 =	vlt.f32 v22, v13;
	vm1 =	vlt.f32 v21, v18  }
0x470: {  	s8 =	sshll.u32 s8, $0xA;
	vm14 =	vlt.f32 v20, v16;
	vm15 =	vlt.f32 v19, v15;
	v58 =	vmov s9  }
0x471: {  	v61 =	vshll.u32 v52, $0x1;
	v50 =	vshll.u32 v50, $0x1;
	v46 =	vor.u32 s8, v1  }
0x472: {  	v32 =	vor.u32 s8, v32;
	v13 =	vsel vm0, v22, v13;
	v35 =	vor.u32 s8, v35  }
0x473: {  	v18 =	vsel vm1, v21, v18;
	v55 =	vor.u32 s8, v36;
	v16 =	vsel vm14, v20, v16  }
0x474: {  	v15 =	vsel vm15, v19, v15;
	v52 =	vor.u32 $0x1, v50;
	v47 =	vor.u32 s7, v46  }
0x475: {  	v54 =	vcvt.s32.f32 v32;
	v32 =	vmov s8;
	v22 =	vcvt.s32.f32 v55  }
0x476: {  	v56 =	vor.u32 s14, v46;
	vm4 =	vlt.f32 v27, v13;
	vm5 =	vlt.f32 v26, v18  }
0x477: {  	vm6 =	vlt.f32 v25, v16;
	v20 =	vcvt.s32.f32 v56;
	v57 =	vor.u32 v32, v42  }
0x478: {  	s16 =	sor.u32 $0xF0, s7;
	v63 =	vadd.f32 v54, v3;
	v54 =	vcvt.s32.f32 v35;
	v35 =	vcvt.s32.f32 v57  }
0x479: {  	v60 =	vor.u32 s13, v46;
	vm7 =	vlt.f32 v24, v15;
	v55 =	vmov s16  }
0x47a: {  	v47 =	vcvt.s32.f32 v47;
	v19 =	vadd.f32 v20, v3;
	v20 =	vadd.f32 v35, v3  }
0x47b: {  	v13 =	vsel vm4, v27, v13;
	v17 =	vsel vm1, v63, v17;
	v21 =	vadd.f32 v54, v3  }
0x47c: {  	v18 =	vsel vm5, v26, v18;
	v17 =	vsel vm5, v20, v17;
	v20 =	vor.u32 v32, v44  }
0x47d: {  	v12 =	vsel vm14, v21, v12;
	v21 =	vshll.u32 v58, $0x4;
	v20 =	vcvt.s32.f32 v20  }
0x47e: {  	v16 =	vsel vm6, v25, v16;
	v22 =	vadd.f32 v22, v3;
	v59 =	vor.u32 v21, v30  }
0x47f: {  	s14 =	sor.u32 $0xD0, s7;
	v15 =	vsel vm7, v24, v15;
	v21 =	vor.u32 v21, v29;
	v20 =	vadd.f32 v20, v3  }
0x480: {  	s15 =	sor.u32 $0xE0, s7;
	v24 =	vor.u32 s14, v1;
	v36 =	vor.u32 v32, v51;
	v14 =	vsel vm15, v22, v14  }
0x481: {  	v42 =	vmov s15;
	v14 =	vsel vm7, v20, v14;
	v20 =	vmov s14  }
0x482: {  	v62 =	vshll.u32 v24, $0x1;
	vm8 =	vlt.f32 v37, v13;
	v20 =	vshll.u32 v20, $0x4  }
0x483: {  	vm9 =	vlt.f32 v34, v18;
	v47 =	vadd.f32 v47, v3;
	v22 =	vld.idx.msk [tilespmem:v59+s29+$0x0], $0xffff;
	v20 =	vand.u32 $0x3C00, v20  }
0x484: {  	v26 =	vand.u32 $0x3E, v62;
	v63 =	vor.u32 $0x1, v61;
	v21 =	vld.idx.msk [tilespmem:v21+s29+$0x0], $0xffff;
	v35 =	vor.u32 v23, v20  }
0x485: {  	v11 =	vsel vm0, v47, v11;
	v20 =	vor.u32 v20, v28;
	v29 =	vor.u32 v26, v35  }
0x486: {  	v11 =	vsel vm4, v19, v11;
	v19 =	vor.u32 v32, v43;
	v20 =	vor.u32 v26, v20  }
0x487: {  	v13 =	vsel vm8, v37, v13;
	v37 =	vor.u32 v32, v53;
	v19 =	vcvt.s32.f32 v19  }
0x488: {  	vm10 =	vlt.f32 v33, v16;
	v57 =	vshll.u32 v48, $0x1;
	v43 =	vcvt.s32.f32 v37;
	[tilespmem:v61+s10+$0x0] =	vst.idx.add.f32.msk $0xffff, v22  }
0x489: {  	v44 =	vor.u32 s15, v1;
	v19 =	vadd.f32 v19, v3;
	v22 =	vshll.u32 v42, $0x4;
	[tilespmem:v63+s10+$0x0] =	vst.idx.add.f32.msk $0xffff, v21  }
0x48a: {  	v51 =	vshll.u32 v44, $0x1;
	v25 =	vadd.f32 v43, v3;
	v22 =	vand.u32 $0x3C00, v22;
	v47 =	vld.idx.msk [tilespmem:v29+s29+$0x0], $0xffff  }
0x48b: {  	v12 =	vsel vm6, v19, v12;
	v53 =	vor.u32 v23, v22;
	v20 =	vld.idx.msk [tilespmem:v20+s29+$0x0], $0xffff;
	v29 =	vand.u32 $0x5E, v51  }
0x48c: {  	v19 =	vcvt.s32.f32 v60;
	v22 =	vor.u32 v22, v28;
	v54 =	vor.u32 v29, v53  }
0x48d: {  	vm11 =	vlt.f32 v31, v15;
	v30 =	vcvt.s32.f32 v36;
	v22 =	vor.u32 v29, v22  }
0x48e: {  	v12 =	vsel vm10, v25, v12;
	v25 =	vshll.u32 v55, $0x4;
	v19 =	vadd.f32 v19, v3  }
0x48f: {  	v18 =	vsel vm9, v34, v18;
	v16 =	vsel vm10, v33, v16;
	v25 =	vand.u32 $0x3C00, v25;
	[tilespmem:v50+s10+$0x0] =	vst.idx.add.f32.msk $0xffff, v47  }
0x490: {  	v11 =	vsel vm8, v19, v11;
	v19 =	vadd.f32 v30, v3;
	[tilespmem:v52+s10+$0x0] =	vst.idx.add.f32.msk $0xffff, v20;
	v20 =	vor.u32 s16, v1  }
0x491: {  	v59 =	vor.u32 $0x1, v57;
	v60 =	vor.u32 v23, v25;
	v27 =	vld.idx.msk [tilespmem:v54+s29+$0x0], $0xffff;
	v58 =	vshll.u32 v20, $0x1  }
0x492: {  	v17 =	vsel vm9, v19, v17;
	v19 =	vor.u32 v32, v49;
	v22 =	vld.idx.msk [tilespmem:v22+s29+$0x0], $0xffff;
	v30 =	vand.u32 $0x7E, v58  }
0x493: {  	v25 =	vor.u32 v25, v28;
	v19 =	vcvt.s32.f32 v19;
	v23 =	vor.u32 v30, v60  }
0x494: {  	v15 =	vsel vm11, v31, v15;
	vm12 =	vlt.f32 v41, v13;
	v25 =	vor.u32 v30, v25  }
0x495: {  	vm13 =	vlt.f32 v40, v18;
	vm15 =	vlt.f32 v38, v15;
	v19 =	vadd.f32 v19, v3  }
0x496: {  	v13 =	vsel vm12, v41, v13;
	v18 =	vsel vm13, v40, v18;
	[tilespmem:v57+s10+$0x0] =	vst.idx.add.f32.msk $0xffff, v27  }
0x497: {  	v56 =	vor.u32 s9, v46;
	v14 =	vsel vm11, v19, v14;
	v19 =	vor.u32 v32, v24;
	[tilespmem:v59+s10+$0x0] =	vst.idx.add.f32.msk $0xffff, v22  }
0x498: {  	v26 =	vcvt.s32.f32 v56;
	v61 =	vshll.u32 v45, $0x1;
	v19 =	vcvt.s32.f32 v19;
	v22 =	vld.idx.msk [tilespmem:v23+s29+$0x0], $0xffff  }
0x499: {  	p1 =	slt.u32 s5, $0x7C;
	v21 =	vor.u32 v32, v44;
	v63 =	vor.u32 $0x1, v61;
	v20 =	vor.u32 v32, v20;
	v62 =	vld.idx.msk [tilespmem:v25+s29+$0x0], $0xffff  }
.Ltmp38:
0x49a: {  	v21 =	vcvt.s32.f32 v21;
	v19 =	vadd.f32 v19, v3;
	v20 =	vcvt.s32.f32 v20;
	(pc) =	sbr.rel @!p1 .LBB2_54-.Ltmp38, $4  }
0x49b: {  	v15 =	vsel vm15, v38, v15;
	vm14 =	vlt.f32 v39, v16;
	v26 =	vadd.f32 v26, v3  }
0x49c: {  	v21 =	vadd.f32 v21, v3;
	v17 =	vsel vm13, v19, v17;
	v19 =	vadd.f32 v20, v3  }
0x49d: {  	s26 =	sadd.s32 $0x4, s5;
	v16 =	vsel vm14, v39, v16;
	v11 =	vsel vm12, v26, v11;
	[tilespmem:v61+s10+$0x0] =	vst.idx.add.f32.msk $0xffff, v22  }
0x49e: {  	s5 =	smov.u32 s26;
	v12 =	vsel vm14, v21, v12;
	v14 =	vsel vm15, v19, v14;
	[tilespmem:v63+s10+$0x0] =	vst.idx.add.f32.msk $0xffff, v62  }
.LBB2_41:
0x49f: {  	s7 =	sshll.u32 s5, $0x6  }
0x4a0: {  	s8 =	sshrl.u32 s5, $0x4;
	s7 =	sand.u32 $0x300, s7  }
0x4a1: {  	s12 =	sshll.u32 s8, $0x7;
	s9 =	sshll.u32 s7, $0x3  }
0x4a2: {  	s9 =	sadd.s32 s12, s9  }
0x4a3: {  	v22 =	vld [tilespmem:s9+$0x0]  }
0x4a4: {  	v21 =	vld [tilespmem:s9+$0x10]  }
0x4a5: {  	v20 =	vld [tilespmem:s9+$0x20]  }
0x4a6: {  	v19 =	vld [tilespmem:s9+$0x30];
	_ =	sdelay $0x2  }
0x4a7: {  	v23 =	vmul.f32 $8.192000000e+03, v22  }
0x4a8: {  	v24 =	vmul.f32 $8.192000000e+03, v21;
	v25 =	vmul.f32 $8.192000000e+03, v20  }
0x4a9: {  	v26 =	vmul.f32 $8.192000000e+03, v19;
	v23 =	vtrunc.f32 v23  }
0x4aa: {  	v24 =	vtrunc.f32 v24;
	v23 =	vcvt.f32.s32 v23  }
0x4ab: {  	v25 =	vtrunc.f32 v25;
	v24 =	vcvt.f32.s32 v24  }
0x4ac: {  	v26 =	vtrunc.f32 v26;
	v25 =	vcvt.f32.s32 v25;
	vm0 =	vlt.s32 v23, $0x1FFF  }
0x4ad: {  	v26 =	vcvt.f32.s32 v26;
	v23 =	vnsel vm0, $0x1FFF, v23;
	vm0 =	vlt.s32 v24, $0x1FFF  }
0x4ae: {  	v24 =	vnsel vm0, $0x1FFF, v24;
	vm0 =	vlt.s32 v25, $0x1FFF  }
0x4af: {  	v25 =	vnsel vm0, $0x1FFF, v25;
	vm0 =	vlt.s32 v26, $0x1FFF  }
0x4b0: {  	v26 =	vnsel vm0, $0x1FFF, v26;
	_ =	sdelay $0x1  }
0x4b1: {  	v23 =	vld.idx.msk [tilespmem:v23+s28+$0x0], $0xffff  }
0x4b2: {  	v24 =	vld.idx.msk [tilespmem:v24+s28+$0x0], $0xffff  }
0x4b3: {  	v25 =	vld.idx.msk [tilespmem:v25+s28+$0x0], $0xffff  }
0x4b4: {  	v26 =	vld.idx.msk [tilespmem:v26+s28+$0x0], $0xffff;
	_ =	sdelay $0x2  }
0x4b5: {  	v27 =	vor.u32 v23, v24  }
0x4b6: {  	v27 =	vor.u32 v25, v27  }
0x4b7: {  	v27 =	vor.u32 v26, v27  }
0x4b8: {  	v27 =	vand.u32 $0x1, v27  }
0x4b9: {  	vm0 =	veq.s32 v27, $0x0  }
0x4ba: {  	v27 =	vsel vm0, $0x0, v8  }
0x4bb: {  	(xrf0) =	vmax.scan.msk.f32 $0xffff, v27;
	_ =	sdelay $0x5  }
0x4bc: {  	v27, _, _ =	vpop (xrf0)  }
0x4bd: {  	(v2sf) =	vpush v27, $0xF;
	_ =	sdelay $0x1  }
0x4be: {  	v23 =	vshrl.u32 v23, $0x1  }
0x4bf: {  	v24 =	vshrl.u32 v24, $0x1  }
0x4c0: {  	v25 =	vshrl.u32 v25, $0x1  }
0x4c1: {  	v26 =	vshrl.u32 v26, $0x1;
	_ =	sdelay $0x1  }
0x4c2: {  	v27 =	vld.idx.msk [tilespmem:v23+s24+$0x0], $0xffff  }
0x4c3: {  	v28 =	vld.idx.msk [tilespmem:v24+s24+$0x0], $0xffff  }
0x4c4: {  	v29 =	vld.idx.msk [tilespmem:v25+s24+$0x0], $0xffff  }
0x4c5: {  	v30 =	vld.idx.msk [tilespmem:v26+s24+$0x0], $0xffff;
	_ =	sdelay $0x1  }
0x4c6: {  	vm0 =	vle.f32 v27, v22  }
0x4c7: {  	v27 =	vsel vm0, $0x1, v9;
	vm0 =	vle.f32 v28, v21  }
0x4c8: {  	v28 =	vadd.s32 v27, v23;
	v23 =	vsel vm0, $0x1, v9;
	vm0 =	vle.f32 v29, v20  }
0x4c9: {  	v34 =	vadd.s32 v23, v24;
	v23 =	vsel vm0, $0x1, v9;
	vm0 =	vle.f32 v30, v19;
	s26 =	spop (v2sf)  }
0x4ca: {  	v33 =	vadd.s32 v23, v25;
	v23 =	vsel vm0, $0x1, v9;
	p1 =	sgt.f32 s26, $0.0e+00  }
0x4cb: {  	v31 =	vadd.s32 v23, v26  }
0x4cc: {  	s9 =	simm.s32 @p1 $0xC000  }
0x4cd: {  	v23 =	vld.idx.msk @p1 [tilespmem:v28+s9+$0x0], $0xffff  }
0x4ce: {  	v24 =	vld.idx.msk @p1 [tilespmem:v34+s9+$0x0], $0xffff  }
0x4cf: {  	v25 =	vld.idx.msk @p1 [tilespmem:v33+s9+$0x0], $0xffff  }
0x4d0: {  	v26 =	vld.idx.msk @p1 [tilespmem:v31+s9+$0x0], $0xffff;
	_ =	sdelay $0x2  }
0x4d1: {  	vm1 =	vle.f32 @p1 v23, v22;
	vm0 =	vle.f32 @p1 v24, v21  }
0x4d2: {  	vm2 =	vle.f32 @p1 v25, v20;
	vm3 =	vmor @p1 vm1, vm0  }
0x4d3: {  	vm4 =	vmor @p1 vm3, vm2;
	vm3 =	vle.f32 @p1 v26, v19  }
0x4d4: {  	v23 =	vimm.f32 @p1 $0.0e+00;
	vm4 =	vmor @p1 vm4, vm3  }
0x4d5: {  	v23 =	vsel @p1 vm4, $0x3F800000, v23  }
0x4d6: {  	(xrf0) =	vmax.scan.msk.f32 @p1 $0xffff, v23;
	_ =	sdelay $0x5  }
0x4d7: {  	v23, _, _ =	vpop @p1 (xrf0)  }
0x4d8: {  	(v2sf) =	vpush @p1 v23, $0xF;
	_ =	sdelay $0xe  }
0x4d9: {  	s9 =	spop @p1 (v2sf)  }
0x4da: {  	p2 =	sgt.f32 @p1 s9, $0.0e+00;
	_ =	sdelay $0x1  }
0x4db: {  	p2 =	por !p1, !p2  }
.Ltmp39:
0x4dc: {  	_ = 	snop;
	(pc) =	sbr.rel @p2 .LBB2_42-.Ltmp39, $1  }
0x4dd: {  	_ =	sdelay $0x3  }
.LBB2_43:
0x4de: {  	v23 =	vsel vm1, $0x1, v9  }
0x4df: {  	v28 =	vadd.s32 v23, v28;
	v23 =	vsel vm0, $0x1, v9  }
0x4e0: {  	v34 =	vadd.s32 v23, v34;
	v23 =	vsel vm2, $0x1, v9  }
0x4e1: {  	v33 =	vadd.s32 v23, v33;
	v23 =	vsel vm3, $0x1, v9  }
0x4e2: {  	v31 =	vadd.s32 v23, v31;
	_ =	sdelay $0x1  }
0x4e3: {  	v23 =	vld.idx.msk [tilespmem:v28+s24+$0x0], $0xffff  }
0x4e4: {  	v24 =	vld.idx.msk [tilespmem:v34+s24+$0x0], $0xffff  }
0x4e5: {  	v25 =	vld.idx.msk [tilespmem:v33+s24+$0x0], $0xffff  }
0x4e6: {  	v26 =	vld.idx.msk [tilespmem:v31+s24+$0x0], $0xffff;
	_ =	sdelay $0x2  }
0x4e7: {  	vm1 =	vle.f32 v23, v22;
	vm0 =	vle.f32 v24, v21  }
0x4e8: {  	vm2 =	vle.f32 v25, v20;
	vm3 =	vmor vm1, vm0  }
0x4e9: {  	vm4 =	vmor vm3, vm2;
	vm3 =	vle.f32 v26, v19  }
0x4ea: {  	vm4 =	vmor vm4, vm3  }
0x4eb: {  	v23 =	vsel vm4, $0x3F800000, v6  }
0x4ec: {  	(xrf0) =	vmax.scan.msk.f32 $0xffff, v23;
	_ =	sdelay $0x5  }
0x4ed: {  	v23, _, _ =	vpop (xrf0)  }
0x4ee: {  	(v2sf) =	vpush v23, $0xF;
	_ =	sdelay $0xe  }
0x4ef: {  	s9 =	spop (v2sf)  }
0x4f0: {  	p1 =	sgt.f32 s9, $0.0e+00  }
.Ltmp40:
0x4f1: {  	_ = 	snop;
	(pc) =	sbr.rel @p1 .LBB2_43-.Ltmp40, $1  }
0x4f2: {  	_ =	sdelay $0x3  }
.Ltmp41:
0x4f3: {  	_ = 	snop;
	(pc) =	sbr.rel .LBB2_44-.Ltmp41, $1  }
0x4f4: {  	_ =	sdelay $0x3  }
.LBB2_42:
0x4f5: {  	v28 =	vpsel p1, v28, v28  }
0x4f6: {  	v34 =	vpsel p1, v34, v34;
	v33 =	vpsel p1, v33, v33;
	v31 =	vpsel p1, v31, v31  }
.LBB2_44:
0x4f7: {  	s9 =	sshll.u32 s5, $0x9  }
0x4f8: {  	s9 =	sand.u32 $0x1800, s9  }
0x4f9: {  	s9 =	sadd.s32 s12, s9  }
0x4fa: {  	v27 =	vld [tilespmem:s9+$0x40]  }
0x4fb: {  	v26 =	vld [tilespmem:s9+$0x50]  }
0x4fc: {  	v25 =	vld [tilespmem:s9+$0x60]  }
0x4fd: {  	v24 =	vld [tilespmem:s9+$0x70];
	_ =	sdelay $0x2  }
0x4fe: {  	v23 =	vmul.f32 $8.192000000e+03, v27  }
0x4ff: {  	v29 =	vmul.f32 $8.192000000e+03, v26;
	v30 =	vmul.f32 $8.192000000e+03, v25  }
0x500: {  	v32 =	vmul.f32 $8.192000000e+03, v24;
	v23 =	vtrunc.f32 v23  }
0x501: {  	v29 =	vtrunc.f32 v29;
	v23 =	vcvt.f32.s32 v23  }
0x502: {  	v30 =	vtrunc.f32 v30;
	v29 =	vcvt.f32.s32 v29  }
0x503: {  	v32 =	vtrunc.f32 v32;
	v30 =	vcvt.f32.s32 v30;
	vm0 =	vlt.s32 v23, $0x1FFF  }
0x504: {  	v32 =	vcvt.f32.s32 v32;
	v23 =	vnsel vm0, $0x1FFF, v23;
	vm0 =	vlt.s32 v29, $0x1FFF  }
0x505: {  	v29 =	vnsel vm0, $0x1FFF, v29;
	vm0 =	vlt.s32 v30, $0x1FFF  }
0x506: {  	v30 =	vnsel vm0, $0x1FFF, v30;
	vm0 =	vlt.s32 v32, $0x1FFF  }
0x507: {  	v32 =	vnsel vm0, $0x1FFF, v32;
	_ =	sdelay $0x1  }
0x508: {  	v23 =	vld.idx.msk [tilespmem:v23+s28+$0x0], $0xffff  }
0x509: {  	v29 =	vld.idx.msk [tilespmem:v29+s28+$0x0], $0xffff  }
0x50a: {  	v30 =	vld.idx.msk [tilespmem:v30+s28+$0x0], $0xffff  }
0x50b: {  	v32 =	vld.idx.msk [tilespmem:v32+s28+$0x0], $0xffff;
	_ =	sdelay $0x2  }
0x50c: {  	v35 =	vor.u32 v23, v29  }
0x50d: {  	v35 =	vor.u32 v30, v35  }
0x50e: {  	v35 =	vor.u32 v32, v35  }
0x50f: {  	v35 =	vand.u32 $0x1, v35  }
0x510: {  	vm0 =	veq.s32 v35, $0x0  }
0x511: {  	v35 =	vsel vm0, $0x0, v8  }
0x512: {  	(xrf0) =	vmax.scan.msk.f32 $0xffff, v35;
	_ =	sdelay $0x5  }
0x513: {  	v35, _, _ =	vpop (xrf0)  }
0x514: {  	(v2sf) =	vpush v35, $0xF;
	_ =	sdelay $0x1  }
0x515: {  	v23 =	vshrl.u32 v23, $0x1  }
0x516: {  	v29 =	vshrl.u32 v29, $0x1  }
0x517: {  	v30 =	vshrl.u32 v30, $0x1  }
0x518: {  	v32 =	vshrl.u32 v32, $0x1;
	_ =	sdelay $0x1  }
0x519: {  	v49 =	vld.idx.msk [tilespmem:v23+s24+$0x0], $0xffff  }
0x51a: {  	v36 =	vld.idx.msk [tilespmem:v29+s24+$0x0], $0xffff  }
0x51b: {  	v37 =	vld.idx.msk [tilespmem:v30+s24+$0x0], $0xffff  }
0x51c: {  	v38 =	vld.idx.msk [tilespmem:v32+s24+$0x0], $0xffff;
	_ =	sdelay $0x1  }
0x51d: {  	vm0 =	vle.f32 v49, v27  }
0x51e: {  	v35 =	vsel vm0, $0x1, v9;
	vm0 =	vle.f32 v36, v26  }
0x51f: {  	v41 =	vadd.s32 v35, v23;
	v23 =	vsel vm0, $0x1, v9;
	vm0 =	vle.f32 v37, v25  }
0x520: {  	v40 =	vadd.s32 v23, v29;
	v23 =	vsel vm0, $0x1, v9;
	vm0 =	vle.f32 v38, v24;
	s14 =	spop (v2sf)  }
0x521: {  	v39 =	vadd.s32 v23, v30;
	v23 =	vsel vm0, $0x1, v9;
	p1 =	sgt.f32 s14, $0.0e+00  }
0x522: {  	v38 =	vadd.s32 v23, v32  }
0x523: {  	s9 =	simm.s32 @p1 $0xC000  }
0x524: {  	v23 =	vmov s8;
	v32 =	vld.idx.msk @p1 [tilespmem:v41+s9+$0x0], $0xffff  }
0x525: {  	v23 =	vshll.u32 v23, $0x7;
	v35 =	vld.idx.msk @p1 [tilespmem:v40+s9+$0x0], $0xffff  }
0x526: {  	v23 =	vand.u32 $0x380, v23;
	v36 =	vld.idx.msk @p1 [tilespmem:v39+s9+$0x0], $0xffff  }
0x527: {  	v23 =	vbroadcast v23, $0x0;
	v37 =	vld.idx.msk @p1 [tilespmem:v38+s9+$0x0], $0xffff  }
0x528: {  	v44 =	vshll.u32 v28, $0x1;
	v29 =	vmov s7  }
0x529: {  	v42 =	vshll.u32 v29, $0x4;
	v30 =	vor.u32 v4, v23;
	v29 =	vor.u32 v10, v23  }
0x52a: {  	v43 =	vor.u32 v42, v30;
	vm1 =	vle.f32 @p1 v32, v27;
	vm0 =	vle.f32 @p1 v35, v26  }
0x52b: {  	s15 =	sor.u32 $0x10, s7;
	v42 =	vor.u32 v42, v29;
	vm2 =	vle.f32 @p1 v36, v25;
	vm3 =	vmor @p1 vm1, vm0  }
0x52c: {  	v28 =	vmov s15;
	vm4 =	vmor @p1 vm3, vm2;
	vm3 =	vle.f32 @p1 v37, v24  }
0x52d: {  	v28 =	vshll.u32 v28, $0x4;
	v35 =	vimm.f32 @p1 $0.0e+00;
	vm4 =	vmor @p1 vm4, vm3  }
0x52e: {  	v52 =	vand.u32 $0x3000, v28;
	v28 =	vsel @p1 vm4, $0x3F800000, v35  }
0x52f: {  	v50 =	vld.idx.msk [tilespmem:v43+s29+$0x0], $0xffff;
	(xrf0) =	vmax.scan.msk.f32 @p1 $0xffff, v28  }
0x530: {  	v45 =	vor.u32 $0x1, v44;
	v53 =	vld.idx.msk [tilespmem:v42+s29+$0x0], $0xffff  }
0x531: {  	v32 =	vor.u32 s15, v1  }
0x532: {  	v51 =	vshll.u32 v32, $0x1  }
0x533: {  	v54 =	vor.u32 v23, v52;
	v37 =	vand.u32 $0x3E, v51;
	v28 =	vor.u32 $0x1, v23  }
0x534: {  	[tilespmem:v44+s10+$0x0] =	vst.idx.add.f32.msk $0xffff, v50;
	v42 =	vor.u32 v37, v54;
	v43 =	vor.u32 v52, v28  }
0x535: {  	[tilespmem:v45+s10+$0x0] =	vst.idx.add.f32.msk $0xffff, v53;
	v37 =	vor.u32 v37, v43;
	v45, _, _ =	vpop @p1 (xrf0)  }
0x536: {  	s16 =	sor.u32 $0x20, s7;
	(v2sf) =	vpush @p1 v45, $0xF  }
0x537: {  	v55 =	vmov s16  }
0x538: {  	v36 =	vshll.u32 v55, $0x4;
	v35 =	vor.u32 s16, v1  }
0x539: {  	v34 =	vshll.u32 v34, $0x1;
	v36 =	vand.u32 $0x3000, v36;
	v57 =	vshll.u32 v35, $0x1;
	v42 =	vld.idx.msk [tilespmem:v42+s29+$0x0], $0xffff  }
0x53a: {  	v56 =	vor.u32 $0x1, v34;
	v58 =	vor.u32 v23, v36;
	v44 =	vand.u32 $0x5E, v57;
	v37 =	vld.idx.msk [tilespmem:v37+s29+$0x0], $0xffff  }
0x53b: {  	v36 =	vor.u32 v36, v28;
	v45 =	vor.u32 v44, v58  }
0x53c: {  	v44 =	vor.u32 v44, v36  }
0x53d: {  	s26 =	sor.u32 $0x30, s7  }
0x53e: {  	v59 =	vmov s26;
	[tilespmem:v34+s10+$0x0] =	vst.idx.add.f32.msk $0xffff, v42  }
0x53f: {  	v36 =	vor.u32 s26, v1;
	v34 =	vshll.u32 v59, $0x4;
	[tilespmem:v56+s10+$0x0] =	vst.idx.add.f32.msk $0xffff, v37  }
0x540: {  	v33 =	vshll.u32 v33, $0x1;
	v60 =	vshll.u32 v36, $0x1;
	v34 =	vand.u32 $0x3000, v34;
	v37 =	vld.idx.msk [tilespmem:v45+s29+$0x0], $0xffff  }
0x541: {  	v61 =	vor.u32 $0x1, v33;
	v42 =	vand.u32 $0x7E, v60;
	v62 =	vor.u32 v23, v34;
	v43 =	vld.idx.msk [tilespmem:v44+s29+$0x0], $0xffff  }
0x542: {  	v34 =	vor.u32 v34, v28;
	v45 =	vor.u32 v42, v62  }
0x543: {  	v34 =	vor.u32 v42, v34;
	_ =	sdelay $0x1  }
0x544: {  	[tilespmem:v33+s10+$0x0] =	vst.idx.add.f32.msk $0xffff, v37;
	s9 =	spop @p1 (v2sf)  }
0x545: {  	[tilespmem:v61+s10+$0x0] =	vst.idx.add.f32.msk $0xffff, v43;
	p2 =	sgt.f32 @p1 s9, $0.0e+00  }
0x546: {  	v31 =	vshll.u32 v31, $0x1;
	v33 =	vld.idx.msk [tilespmem:v45+s29+$0x0], $0xffff  }
0x547: {  	v63 =	vor.u32 $0x1, v31;
	v34 =	vld.idx.msk [tilespmem:v34+s29+$0x0], $0xffff;
	p2 =	por !p1, !p2  }
.Ltmp42:
0x548: {  	_ = 	snop;
	(pc) =	sbr.rel @p2 .LBB2_45-.Ltmp42, $3  }
0x549: {  	_ =	sdelay $0x1  }
0x54a: {  	[tilespmem:v31+s10+$0x0] =	vst.idx.add.f32.msk $0xffff, v33  }
0x54b: {  	[tilespmem:v63+s10+$0x0] =	vst.idx.add.f32.msk $0xffff, v34  }
.LBB2_46:
0x54c: {  	v31 =	vsel vm1, $0x1, v9  }
0x54d: {  	v41 =	vadd.s32 v31, v41;
	v31 =	vsel vm0, $0x1, v9  }
0x54e: {  	v40 =	vadd.s32 v31, v40;
	v31 =	vsel vm2, $0x1, v9  }
0x54f: {  	v39 =	vadd.s32 v31, v39;
	v31 =	vsel vm3, $0x1, v9  }
0x550: {  	v38 =	vadd.s32 v31, v38;
	_ =	sdelay $0x1  }
0x551: {  	v31 =	vld.idx.msk [tilespmem:v41+s24+$0x0], $0xffff  }
0x552: {  	v33 =	vld.idx.msk [tilespmem:v40+s24+$0x0], $0xffff  }
0x553: {  	v34 =	vld.idx.msk [tilespmem:v39+s24+$0x0], $0xffff  }
0x554: {  	v37 =	vld.idx.msk [tilespmem:v38+s24+$0x0], $0xffff;
	_ =	sdelay $0x2  }
0x555: {  	vm1 =	vle.f32 v31, v27;
	vm0 =	vle.f32 v33, v26  }
0x556: {  	vm2 =	vle.f32 v34, v25;
	vm3 =	vmor vm1, vm0  }
0x557: {  	vm4 =	vmor vm3, vm2;
	vm3 =	vle.f32 v37, v24  }
0x558: {  	vm4 =	vmor vm4, vm3  }
0x559: {  	v31 =	vsel vm4, $0x3F800000, v6  }
0x55a: {  	(xrf0) =	vmax.scan.msk.f32 $0xffff, v31;
	_ =	sdelay $0x5  }
0x55b: {  	v31, _, _ =	vpop (xrf0)  }
0x55c: {  	(v2sf) =	vpush v31, $0xF;
	_ =	sdelay $0xe  }
0x55d: {  	s9 =	spop (v2sf)  }
0x55e: {  	p1 =	sgt.f32 s9, $0.0e+00  }
.Ltmp43:
0x55f: {  	_ = 	snop;
	(pc) =	sbr.rel @p1 .LBB2_46-.Ltmp43, $1  }
0x560: {  	_ =	sdelay $0x3  }
.Ltmp44:
0x561: {  	_ = 	snop;
	(pc) =	sbr.rel .LBB2_47-.Ltmp44, $1  }
0x562: {  	_ =	sdelay $0x3  }
.LBB2_45:
0x563: {  	v41 =	vpsel p1, v41, v41  }
0x564: {  	v40 =	vpsel p1, v40, v40;
	v39 =	vpsel p1, v39, v39;
	v38 =	vpsel p1, v38, v38  }
.LBB2_47:
0x565: {  	s13 =	sor.u32 $0x80, s7  }
0x566: {  	s9 =	sshll.u32 s13, $0x3  }
0x567: {  	s9 =	sadd.s32 s12, s9  }
0x568: {  	v37 =	vld [tilespmem:s9+$0x0]  }
0x569: {  	v34 =	vld [tilespmem:s9+$0x10]  }
0x56a: {  	v33 =	vld [tilespmem:s9+$0x20]  }
0x56b: {  	v31 =	vld [tilespmem:s9+$0x30];
	_ =	sdelay $0x2  }
0x56c: {  	v42 =	vmul.f32 $8.192000000e+03, v37  }
0x56d: {  	v43 =	vmul.f32 $8.192000000e+03, v34;
	v44 =	vmul.f32 $8.192000000e+03, v33  }
0x56e: {  	v45 =	vmul.f32 $8.192000000e+03, v31;
	v42 =	vtrunc.f32 v42  }
0x56f: {  	v43 =	vtrunc.f32 v43;
	v42 =	vcvt.f32.s32 v42  }
0x570: {  	v44 =	vtrunc.f32 v44;
	v43 =	vcvt.f32.s32 v43  }
0x571: {  	v45 =	vtrunc.f32 v45;
	v44 =	vcvt.f32.s32 v44;
	vm0 =	vlt.s32 v42, $0x1FFF  }
0x572: {  	v45 =	vcvt.f32.s32 v45;
	v42 =	vnsel vm0, $0x1FFF, v42;
	vm0 =	vlt.s32 v43, $0x1FFF  }
0x573: {  	v43 =	vnsel vm0, $0x1FFF, v43;
	vm0 =	vlt.s32 v44, $0x1FFF  }
0x574: {  	v44 =	vnsel vm0, $0x1FFF, v44;
	vm0 =	vlt.s32 v45, $0x1FFF  }
0x575: {  	v45 =	vnsel vm0, $0x1FFF, v45;
	_ =	sdelay $0x1  }
0x576: {  	v42 =	vld.idx.msk [tilespmem:v42+s28+$0x0], $0xffff  }
0x577: {  	v43 =	vld.idx.msk [tilespmem:v43+s28+$0x0], $0xffff  }
0x578: {  	v44 =	vld.idx.msk [tilespmem:v44+s28+$0x0], $0xffff  }
0x579: {  	v45 =	vld.idx.msk [tilespmem:v45+s28+$0x0], $0xffff;
	_ =	sdelay $0x2  }
0x57a: {  	v46 =	vor.u32 v42, v43  }
0x57b: {  	v46 =	vor.u32 v44, v46  }
0x57c: {  	v46 =	vor.u32 v45, v46  }
0x57d: {  	v46 =	vand.u32 $0x1, v46  }
0x57e: {  	vm0 =	veq.s32 v46, $0x0  }
0x57f: {  	v46 =	vsel vm0, $0x0, v8  }
0x580: {  	(xrf0) =	vmax.scan.msk.f32 $0xffff, v46;
	_ =	sdelay $0x5  }
0x581: {  	v46, _, _ =	vpop (xrf0)  }
0x582: {  	(v2sf) =	vpush v46, $0xF;
	_ =	sdelay $0x1  }
0x583: {  	v42 =	vshrl.u32 v42, $0x1  }
0x584: {  	v43 =	vshrl.u32 v43, $0x1  }
0x585: {  	v44 =	vshrl.u32 v44, $0x1  }
0x586: {  	v45 =	vshrl.u32 v45, $0x1;
	_ =	sdelay $0x1  }
0x587: {  	v55 =	vld.idx.msk [tilespmem:v42+s24+$0x0], $0xffff  }
0x588: {  	v47 =	vld.idx.msk [tilespmem:v43+s24+$0x0], $0xffff  }
0x589: {  	v48 =	vld.idx.msk [tilespmem:v44+s24+$0x0], $0xffff  }
0x58a: {  	v50 =	vld.idx.msk [tilespmem:v45+s24+$0x0], $0xffff;
	_ =	sdelay $0x1  }
0x58b: {  	vm0 =	vle.f32 v55, v37  }
0x58c: {  	v46 =	vsel vm0, $0x1, v9;
	vm0 =	vle.f32 v47, v34  }
0x58d: {  	v51 =	vadd.s32 v46, v42;
	v56 =	vsel vm0, $0x1, v9;
	vm0 =	vle.f32 v48, v33  }
0x58e: {  	v49 =	vadd.s32 v56, v43;
	v57 =	vsel vm0, $0x1, v9;
	vm0 =	vle.f32 v50, v31;
	s14 =	spop (v2sf)  }
0x58f: {  	v47 =	vadd.s32 v57, v44;
	v58 =	vsel vm0, $0x1, v9;
	p1 =	sgt.f32 s14, $0.0e+00  }
0x590: {  	v46 =	vadd.s32 v58, v45  }
0x591: {  	s9 =	simm.s32 @p1 $0xC000  }
0x592: {  	v42 =	vld.idx.msk @p1 [tilespmem:v51+s9+$0x0], $0xffff  }
0x593: {  	v43 =	vld.idx.msk @p1 [tilespmem:v49+s9+$0x0], $0xffff  }
0x594: {  	v44 =	vld.idx.msk @p1 [tilespmem:v47+s9+$0x0], $0xffff  }
0x595: {  	s14 =	sor.u32 $0x40, s7;
	v48 =	vld.idx.msk @p1 [tilespmem:v46+s9+$0x0], $0xffff  }
0x596: {  	v59 =	vmov s14  }
0x597: {  	v45 =	vshll.u32 v59, $0x4  }
0x598: {  	v60 =	vor.u32 v45, v30;
	vm1 =	vle.f32 @p1 v42, v37;
	vm0 =	vle.f32 @p1 v43, v34  }
0x599: {  	v45 =	vor.u32 v45, v29;
	vm2 =	vle.f32 @p1 v44, v33;
	vm3 =	vmor @p1 vm1, vm0  }
0x59a: {  	vm4 =	vmor @p1 vm3, vm2;
	vm3 =	vle.f32 @p1 v48, v31  }
0x59b: {  	v44 =	vimm.f32 @p1 $0.0e+00;
	vm4 =	vmor @p1 vm4, vm3  }
0x59c: {  	v44 =	vsel @p1 vm4, $0x3F800000, v44  }
0x59d: {  	s15 =	sor.u32 $0x50, s7;
	v41 =	vshll.u32 v41, $0x1;
	v62 =	vld.idx.msk [tilespmem:v60+s29+$0x0], $0xffff;
	(xrf0) =	vmax.scan.msk.f32 @p1 $0xffff, v44  }
0x59e: {  	v61 =	vmov s15;
	v52 =	vor.u32 $0x1, v41;
	v45 =	vld.idx.msk [tilespmem:v45+s29+$0x0], $0xffff  }
0x59f: {  	v42 =	vor.u32 s15, v1;
	v43 =	vshll.u32 v61, $0x4  }
0x5a0: {  	v63 =	vshll.u32 v42, $0x1;
	v43 =	vand.u32 $0x3400, v43  }
0x5a1: {  	v50 =	vand.u32 $0x3E, v63;
	v54 =	vor.u32 v23, v43  }
0x5a2: {  	v43 =	vor.u32 v43, v28;
	v44 =	vor.u32 v50, v54;
	[tilespmem:v41+s10+$0x0] =	vst.idx.add.f32.msk $0xffff, v62  }
0x5a3: {  	v50 =	vor.u32 v50, v43;
	[tilespmem:v52+s10+$0x0] =	vst.idx.add.f32.msk $0xffff, v45;
	v52, _, _ =	vpop @p1 (xrf0)  }
0x5a4: {  	s16 =	sor.u32 $0x60, s7;
	(v2sf) =	vpush @p1 v52, $0xF  }
0x5a5: {  	v55 =	vmov s16  }
0x5a6: {  	v43 =	vor.u32 s16, v1;
	v41 =	vshll.u32 v55, $0x4  }
0x5a7: {  	v40 =	vshll.u32 v40, $0x1;
	v57 =	vshll.u32 v43, $0x1;
	v41 =	vand.u32 $0x3400, v41;
	v44 =	vld.idx.msk [tilespmem:v44+s29+$0x0], $0xffff  }
0x5a8: {  	v56 =	vor.u32 $0x1, v40;
	v48 =	vand.u32 $0x5E, v57;
	v58 =	vor.u32 v23, v41;
	v50 =	vld.idx.msk [tilespmem:v50+s29+$0x0], $0xffff  }
0x5a9: {  	v41 =	vor.u32 v41, v28;
	v52 =	vor.u32 v48, v58  }
0x5aa: {  	v41 =	vor.u32 v48, v41  }
0x5ab: {  	s26 =	sor.u32 $0x70, s7  }
0x5ac: {  	v59 =	vmov s26;
	[tilespmem:v40+s10+$0x0] =	vst.idx.add.f32.msk $0xffff, v44  }
0x5ad: {  	v44 =	vor.u32 s26, v1;
	v40 =	vshll.u32 v59, $0x4;
	[tilespmem:v56+s10+$0x0] =	vst.idx.add.f32.msk $0xffff, v50  }
0x5ae: {  	v39 =	vshll.u32 v39, $0x1;
	v60 =	vshll.u32 v44, $0x1;
	v40 =	vand.u32 $0x3400, v40;
	v45 =	vld.idx.msk [tilespmem:v52+s29+$0x0], $0xffff  }
0x5af: {  	v61 =	vor.u32 $0x1, v39;
	v41 =	vld.idx.msk [tilespmem:v41+s29+$0x0], $0xffff;
	v48 =	vand.u32 $0x7E, v60;
	v62 =	vor.u32 v23, v40  }
0x5b0: {  	v40 =	vor.u32 v40, v28;
	v52 =	vor.u32 v48, v62  }
0x5b1: {  	v40 =	vor.u32 v48, v40;
	_ =	sdelay $0x1  }
0x5b2: {  	[tilespmem:v39+s10+$0x0] =	vst.idx.add.f32.msk $0xffff, v45;
	s9 =	spop @p1 (v2sf)  }
0x5b3: {  	[tilespmem:v61+s10+$0x0] =	vst.idx.add.f32.msk $0xffff, v41;
	p2 =	sgt.f32 @p1 s9, $0.0e+00  }
0x5b4: {  	v38 =	vshll.u32 v38, $0x1;
	v39 =	vld.idx.msk [tilespmem:v52+s29+$0x0], $0xffff  }
0x5b5: {  	v63 =	vor.u32 $0x1, v38;
	v40 =	vld.idx.msk [tilespmem:v40+s29+$0x0], $0xffff;
	p2 =	por !p1, !p2  }
.Ltmp45:
0x5b6: {  	_ = 	snop;
	(pc) =	sbr.rel @p2 .LBB2_48-.Ltmp45, $3  }
0x5b7: {  	_ =	sdelay $0x1  }
0x5b8: {  	[tilespmem:v38+s10+$0x0] =	vst.idx.add.f32.msk $0xffff, v39  }
0x5b9: {  	[tilespmem:v63+s10+$0x0] =	vst.idx.add.f32.msk $0xffff, v40  }
.LBB2_49:
0x5ba: {  	v38 =	vsel vm1, $0x1, v9  }
0x5bb: {  	v59 =	vsel vm0, $0x1, v9;
	v51 =	vadd.s32 v38, v51  }
0x5bc: {  	v60 =	vsel vm2, $0x1, v9;
	v49 =	vadd.s32 v59, v49  }
0x5bd: {  	v61 =	vsel vm3, $0x1, v9;
	v47 =	vadd.s32 v60, v47  }
0x5be: {  	v46 =	vadd.s32 v61, v46;
	_ =	sdelay $0x1  }
0x5bf: {  	v62 =	vld.idx.msk [tilespmem:v51+s24+$0x0], $0xffff  }
0x5c0: {  	v39 =	vld.idx.msk [tilespmem:v49+s24+$0x0], $0xffff  }
0x5c1: {  	v40 =	vld.idx.msk [tilespmem:v47+s24+$0x0], $0xffff  }
0x5c2: {  	v41 =	vld.idx.msk [tilespmem:v46+s24+$0x0], $0xffff;
	_ =	sdelay $0x2  }
0x5c3: {  	vm1 =	vle.f32 v62, v37;
	vm0 =	vle.f32 v39, v34  }
0x5c4: {  	vm2 =	vle.f32 v40, v33;
	vm3 =	vmor vm1, vm0  }
0x5c5: {  	vm4 =	vmor vm3, vm2;
	vm3 =	vle.f32 v41, v31  }
0x5c6: {  	vm4 =	vmor vm4, vm3  }
0x5c7: {  	v63 =	vsel vm4, $0x3F800000, v6  }
0x5c8: {  	(xrf0) =	vmax.scan.msk.f32 $0xffff, v63;
	_ =	sdelay $0x5  }
0x5c9: {  	v38, _, _ =	vpop (xrf0)  }
0x5ca: {  	(v2sf) =	vpush v38, $0xF;
	_ =	sdelay $0xe  }
0x5cb: {  	s9 =	spop (v2sf)  }
0x5cc: {  	p1 =	sgt.f32 s9, $0.0e+00  }
.Ltmp46:
0x5cd: {  	_ = 	snop;
	(pc) =	sbr.rel @p1 .LBB2_49-.Ltmp46, $1  }
0x5ce: {  	_ =	sdelay $0x3  }
.Ltmp47:
0x5cf: {  	_ = 	snop;
	(pc) =	sbr.rel .LBB2_50-.Ltmp47, $1  }
0x5d0: {  	_ =	sdelay $0x3  }
.LBB2_48:
0x5d1: {  	v51 =	vpsel p1, v51, v51  }
0x5d2: {  	v49 =	vpsel p1, v49, v49;
	v47 =	vpsel p1, v47, v47;
	v46 =	vpsel p1, v46, v46  }
.LBB2_50:
0x5d3: {  	s9 =	sor.u32 $0xC0, s7  }
0x5d4: {  	s15 =	sshll.u32 s9, $0x3  }
0x5d5: {  	s15 =	sand.u32 $0x1C00, s15  }
0x5d6: {  	s12 =	sadd.s32 s12, s15  }
0x5d7: {  	v41 =	vld [tilespmem:s12+$0x40]  }
0x5d8: {  	v40 =	vld [tilespmem:s12+$0x50]  }
0x5d9: {  	v39 =	vld [tilespmem:s12+$0x60]  }
0x5da: {  	v38 =	vld [tilespmem:s12+$0x70];
	_ =	sdelay $0x2  }
0x5db: {  	v45 =	vmul.f32 $8.192000000e+03, v41  }
0x5dc: {  	v48 =	vmul.f32 $8.192000000e+03, v40;
	v50 =	vmul.f32 $8.192000000e+03, v39  }
0x5dd: {  	v52 =	vmul.f32 $8.192000000e+03, v38;
	v45 =	vtrunc.f32 v45  }
0x5de: {  	v48 =	vtrunc.f32 v48;
	v45 =	vcvt.f32.s32 v45  }
0x5df: {  	v50 =	vtrunc.f32 v50;
	v48 =	vcvt.f32.s32 v48  }
0x5e0: {  	v52 =	vtrunc.f32 v52;
	v50 =	vcvt.f32.s32 v50;
	vm0 =	vlt.s32 v45, $0x1FFF  }
0x5e1: {  	v52 =	vcvt.f32.s32 v52;
	v45 =	vnsel vm0, $0x1FFF, v45;
	vm0 =	vlt.s32 v48, $0x1FFF  }
0x5e2: {  	v48 =	vnsel vm0, $0x1FFF, v48;
	vm0 =	vlt.s32 v50, $0x1FFF  }
0x5e3: {  	v50 =	vnsel vm0, $0x1FFF, v50;
	vm0 =	vlt.s32 v52, $0x1FFF  }
0x5e4: {  	v52 =	vnsel vm0, $0x1FFF, v52;
	_ =	sdelay $0x1  }
0x5e5: {  	v45 =	vld.idx.msk [tilespmem:v45+s28+$0x0], $0xffff  }
0x5e6: {  	v48 =	vld.idx.msk [tilespmem:v48+s28+$0x0], $0xffff  }
0x5e7: {  	v50 =	vld.idx.msk [tilespmem:v50+s28+$0x0], $0xffff  }
0x5e8: {  	v52 =	vld.idx.msk [tilespmem:v52+s28+$0x0], $0xffff;
	_ =	sdelay $0x2  }
0x5e9: {  	v53 =	vor.u32 v45, v48  }
0x5ea: {  	v53 =	vor.u32 v50, v53  }
0x5eb: {  	v53 =	vor.u32 v52, v53  }
0x5ec: {  	v53 =	vand.u32 $0x1, v53  }
0x5ed: {  	vm0 =	veq.s32 v53, $0x0  }
0x5ee: {  	v53 =	vsel vm0, $0x0, v8  }
0x5ef: {  	(xrf0) =	vmax.scan.msk.f32 $0xffff, v53;
	_ =	sdelay $0x5  }
0x5f0: {  	v53, _, _ =	vpop (xrf0)  }
0x5f1: {  	(v2sf) =	vpush v53, $0xF;
	_ =	sdelay $0x1  }
0x5f2: {  	v45 =	vshrl.u32 v45, $0x1  }
0x5f3: {  	v48 =	vshrl.u32 v48, $0x1  }
0x5f4: {  	v61 =	vshrl.u32 v50, $0x1  }
0x5f5: {  	v54 =	vshrl.u32 v52, $0x1;
	_ =	sdelay $0x1  }
0x5f6: {  	v62 =	vld.idx.msk [tilespmem:v45+s24+$0x0], $0xffff  }
0x5f7: {  	v63 =	vld.idx.msk [tilespmem:v48+s24+$0x0], $0xffff  }
0x5f8: {  	v55 =	vld.idx.msk [tilespmem:v61+s24+$0x0], $0xffff  }
0x5f9: {  	v56 =	vld.idx.msk [tilespmem:v54+s24+$0x0], $0xffff;
	_ =	sdelay $0x1  }
0x5fa: {  	vm0 =	vle.f32 v62, v41  }
0x5fb: {  	v50 =	vsel vm0, $0x1, v9;
	vm0 =	vle.f32 v63, v40  }
0x5fc: {  	v52 =	vadd.s32 v50, v45;
	v59 =	vsel vm0, $0x1, v9;
	vm0 =	vle.f32 v55, v39  }
0x5fd: {  	v50 =	vadd.s32 v59, v48;
	v60 =	vsel vm0, $0x1, v9;
	vm0 =	vle.f32 v56, v38;
	s26 =	spop (v2sf)  }
0x5fe: {  	v48 =	vadd.s32 v60, v61;
	v61 =	vsel vm0, $0x1, v9;
	p1 =	sgt.f32 s26, $0.0e+00  }
0x5ff: {  	v45 =	vadd.s32 v61, v54  }
0x600: {  	s12 =	simm.s32 @p1 $0xC000  }
0x601: {  	v53 =	vld.idx.msk @p1 [tilespmem:v52+s12+$0x0], $0xffff  }
0x602: {  	v54 =	vld.idx.msk @p1 [tilespmem:v50+s12+$0x0], $0xffff  }
0x603: {  	v55 =	vld.idx.msk @p1 [tilespmem:v48+s12+$0x0], $0xffff  }
0x604: {  	v57 =	vld.idx.msk @p1 [tilespmem:v45+s12+$0x0], $0xffff;
	_ =	sdelay $0x1  }
0x605: {  	v62 =	vmov s13  }
0x606: {  	v56 =	vshll.u32 v62, $0x4;
	vm1 =	vle.f32 @p1 v53, v41;
	vm0 =	vle.f32 @p1 v54, v40  }
0x607: {  	v58 =	vor.u32 v56, v30;
	vm2 =	vle.f32 @p1 v55, v39;
	vm3 =	vmor @p1 vm1, vm0  }
0x608: {  	vm4 =	vmor @p1 vm3, vm2;
	vm3 =	vle.f32 @p1 v57, v38  }
0x609: {  	v54 =	vimm.f32 @p1 $0.0e+00;
	vm4 =	vmor @p1 vm4, vm3  }
0x60a: {  	v56 =	vor.u32 v56, v29;
	v54 =	vsel @p1 vm4, $0x3F800000, v54  }
0x60b: {  	s15 =	sor.u32 $0x90, s7;
	(xrf0) =	vmax.scan.msk.f32 @p1 $0xffff, v54  }
0x60c: {  	v63 =	vmov s15;
	v59 =	vshll.u32 v51, $0x1;
	v60 =	vld.idx.msk [tilespmem:v58+s29+$0x0], $0xffff  }
0x60d: {  	v51 =	vor.u32 s15, v1;
	v53 =	vshll.u32 v63, $0x4  }
0x60e: {  	v61 =	vshll.u32 v51, $0x1;
	v53 =	vand.u32 $0x3800, v53  }
0x60f: {  	v62 =	vor.u32 $0x1, v59;
	v56 =	vld.idx.msk [tilespmem:v56+s29+$0x0], $0xffff;
	v57 =	vand.u32 $0x3E, v61;
	v63 =	vor.u32 v23, v53  }
0x610: {  	v53 =	vor.u32 v53, v28;
	v54 =	vor.u32 v57, v63  }
0x611: {  	[tilespmem:v59+s10+$0x0] =	vst.idx.add.f32.msk $0xffff, v60;
	v57 =	vor.u32 v57, v53;
	v59, _, _ =	vpop @p1 (xrf0)  }
0x612: {  	s16 =	sor.u32 $0xA0, s7;
	(v2sf) =	vpush @p1 v59, $0xF  }
0x613: {  	v60 =	vmov s16  }
0x614: {  	[tilespmem:v62+s10+$0x0] =	vst.idx.add.f32.msk $0xffff, v56;
	v55 =	vshll.u32 v60, $0x4;
	v53 =	vor.u32 s16, v1  }
0x615: {  	v49 =	vshll.u32 v49, $0x1;
	v55 =	vand.u32 $0x3800, v55;
	v62 =	vshll.u32 v53, $0x1;
	v54 =	vld.idx.msk [tilespmem:v54+s29+$0x0], $0xffff  }
0x616: {  	v61 =	vor.u32 $0x1, v49;
	v63 =	vor.u32 v23, v55;
	v58 =	vand.u32 $0x5E, v62;
	v57 =	vld.idx.msk [tilespmem:v57+s29+$0x0], $0xffff  }
0x617: {  	v55 =	vor.u32 v55, v28;
	v59 =	vor.u32 v58, v63  }
0x618: {  	v55 =	vor.u32 v58, v55  }
0x619: {  	s26 =	sor.u32 $0xB0, s7  }
0x61a: {  	v58 =	vmov s26;
	[tilespmem:v49+s10+$0x0] =	vst.idx.add.f32.msk $0xffff, v54  }
0x61b: {  	v49 =	vor.u32 s26, v1;
	v54 =	vshll.u32 v58, $0x4;
	[tilespmem:v61+s10+$0x0] =	vst.idx.add.f32.msk $0xffff, v57  }
0x61c: {  	v47 =	vshll.u32 v47, $0x1;
	v60 =	vshll.u32 v49, $0x1;
	v54 =	vand.u32 $0x3800, v54;
	v56 =	vld.idx.msk [tilespmem:v59+s29+$0x0], $0xffff  }
0x61d: {  	v61 =	vor.u32 $0x1, v47;
	v55 =	vld.idx.msk [tilespmem:v55+s29+$0x0], $0xffff;
	v57 =	vand.u32 $0x7E, v60;
	v62 =	vor.u32 v23, v54  }
0x61e: {  	v54 =	vor.u32 v54, v28;
	v59 =	vor.u32 v57, v62  }
0x61f: {  	v54 =	vor.u32 v57, v54;
	_ =	sdelay $0x1  }
0x620: {  	[tilespmem:v47+s10+$0x0] =	vst.idx.add.f32.msk $0xffff, v56;
	s12 =	spop @p1 (v2sf)  }
0x621: {  	[tilespmem:v61+s10+$0x0] =	vst.idx.add.f32.msk $0xffff, v55;
	p2 =	sgt.f32 @p1 s12, $0.0e+00  }
0x622: {  	v46 =	vshll.u32 v46, $0x1;
	v47 =	vld.idx.msk [tilespmem:v59+s29+$0x0], $0xffff  }
0x623: {  	v63 =	vor.u32 $0x1, v46;
	v54 =	vld.idx.msk [tilespmem:v54+s29+$0x0], $0xffff;
	p2 =	por !p1, !p2  }
.Ltmp48:
0x624: {  	_ = 	snop;
	(pc) =	sbr.rel @p2 .LBB2_51-.Ltmp48, $3  }
0x625: {  	_ =	sdelay $0x1  }
0x626: {  	[tilespmem:v46+s10+$0x0] =	vst.idx.add.f32.msk $0xffff, v47  }
0x627: {  	[tilespmem:v63+s10+$0x0] =	vst.idx.add.f32.msk $0xffff, v54  }
.LBB2_52:
0x628: {  	v46 =	vsel vm1, $0x1, v9  }
0x629: {  	v59 =	vsel vm0, $0x1, v9;
	v52 =	vadd.s32 v46, v52  }
0x62a: {  	v60 =	vsel vm2, $0x1, v9;
	v50 =	vadd.s32 v59, v50  }
0x62b: {  	v61 =	vsel vm3, $0x1, v9;
	v48 =	vadd.s32 v60, v48  }
0x62c: {  	v45 =	vadd.s32 v61, v45;
	_ =	sdelay $0x1  }
0x62d: {  	v62 =	vld.idx.msk [tilespmem:v52+s24+$0x0], $0xffff  }
0x62e: {  	v47 =	vld.idx.msk [tilespmem:v50+s24+$0x0], $0xffff  }
0x62f: {  	v54 =	vld.idx.msk [tilespmem:v48+s24+$0x0], $0xffff  }
0x630: {  	v55 =	vld.idx.msk [tilespmem:v45+s24+$0x0], $0xffff;
	_ =	sdelay $0x2  }
0x631: {  	vm1 =	vle.f32 v62, v41;
	vm0 =	vle.f32 v47, v40  }
0x632: {  	vm2 =	vle.f32 v54, v39;
	vm3 =	vmor vm1, vm0  }
0x633: {  	vm4 =	vmor vm3, vm2;
	vm3 =	vle.f32 v55, v38  }
0x634: {  	vm4 =	vmor vm4, vm3  }
0x635: {  	v63 =	vsel vm4, $0x3F800000, v6  }
0x636: {  	(xrf0) =	vmax.scan.msk.f32 $0xffff, v63;
	_ =	sdelay $0x5  }
0x637: {  	v46, _, _ =	vpop (xrf0)  }
0x638: {  	(v2sf) =	vpush v46, $0xF;
	_ =	sdelay $0xe  }
0x639: {  	s12 =	spop (v2sf)  }
0x63a: {  	p1 =	sgt.f32 s12, $0.0e+00  }
.Ltmp49:
0x63b: {  	_ = 	snop;
	(pc) =	sbr.rel @p1 .LBB2_52-.Ltmp49, $1  }
0x63c: {  	_ =	sdelay $0x3  }
.Ltmp50:
0x63d: {  	_ = 	snop;
	(pc) =	sbr.rel .LBB2_53-.Ltmp50, $1  }
0x63e: {  	_ =	sdelay $0x3  }
.LBB2_54:
0x63f: {  	_ =	swait.ge [sflag:s11], $0x2000  }
.Ltmp51:
0x640: {  	[sflag:s11] =	ssyncset.done $0x0;
	(pc) =	sbr.rel .LBB2_55-.Ltmp51, $4  }
0x641: {  	[sflag:s11] =	ssyncadd.s32 $0xFFFFE000  }
0x642: {  	_ =	swait.ge [sflag:s21], $0x4000  }
0x643: {  	[sflag:s21] =	ssyncset.done $0x0  }
0x644: {  	s5 =	simm.s32 $0x0;
	[sflag:s21] =	ssyncadd.s32 $0xFFFFC000  }
.LBB2_65:
0x645: {  	v52 =	vpsel p1, v52, v52  }
0x646: {  	v50 =	vpsel p1, v50, v50;
	v48 =	vpsel p1, v48, v48;
	v45 =	vpsel p1, v45, v45  }
.LBB2_67:
0x647: {  	vm0 =	vlt.f32 v22, v13;
	vm1 =	vlt.f32 v21, v18  }
0x648: {  	s8 =	sshll.u32 s8, $0xA;
	vm14 =	vlt.f32 v20, v16;
	vm15 =	vlt.f32 v19, v15;
	v58 =	vmov s9  }
0x649: {  	v61 =	vshll.u32 v52, $0x1;
	v50 =	vshll.u32 v50, $0x1;
	v46 =	vor.u32 s8, v1  }
0x64a: {  	v32 =	vor.u32 s8, v32;
	v13 =	vsel vm0, v22, v13;
	v35 =	vor.u32 s8, v35  }
0x64b: {  	v18 =	vsel vm1, v21, v18;
	v55 =	vor.u32 s8, v36;
	v16 =	vsel vm14, v20, v16  }
0x64c: {  	v15 =	vsel vm15, v19, v15;
	v52 =	vor.u32 $0x1, v50;
	v47 =	vor.u32 s7, v46  }
0x64d: {  	v54 =	vcvt.s32.f32 v32;
	v32 =	vmov s8;
	v22 =	vcvt.s32.f32 v55  }
0x64e: {  	v56 =	vor.u32 s14, v46;
	vm4 =	vlt.f32 v27, v13;
	vm5 =	vlt.f32 v26, v18  }
0x64f: {  	vm6 =	vlt.f32 v25, v16;
	v20 =	vcvt.s32.f32 v56;
	v57 =	vor.u32 v32, v42  }
0x650: {  	s16 =	sor.u32 $0xF0, s7;
	v63 =	vadd.f32 v54, v5;
	v54 =	vcvt.s32.f32 v35;
	v35 =	vcvt.s32.f32 v57  }
0x651: {  	v60 =	vor.u32 s13, v46;
	vm7 =	vlt.f32 v24, v15;
	v55 =	vmov s16  }
0x652: {  	v47 =	vcvt.s32.f32 v47;
	v19 =	vadd.f32 v20, v5;
	v20 =	vadd.f32 v35, v5  }
0x653: {  	v13 =	vsel vm4, v27, v13;
	v17 =	vsel vm1, v63, v17;
	v21 =	vadd.f32 v54, v5  }
0x654: {  	v18 =	vsel vm5, v26, v18;
	v17 =	vsel vm5, v20, v17;
	v20 =	vor.u32 v32, v44  }
0x655: {  	v12 =	vsel vm14, v21, v12;
	v21 =	vshll.u32 v58, $0x4;
	v20 =	vcvt.s32.f32 v20  }
0x656: {  	v16 =	vsel vm6, v25, v16;
	v22 =	vadd.f32 v22, v5;
	v59 =	vor.u32 v21, v30  }
0x657: {  	s14 =	sor.u32 $0xD0, s7;
	v15 =	vsel vm7, v24, v15;
	v21 =	vor.u32 v21, v29;
	v20 =	vadd.f32 v20, v5  }
0x658: {  	s15 =	sor.u32 $0xE0, s7;
	v24 =	vor.u32 s14, v1;
	v36 =	vor.u32 v32, v51;
	v14 =	vsel vm15, v22, v14  }
0x659: {  	v42 =	vmov s15;
	v14 =	vsel vm7, v20, v14;
	v20 =	vmov s14  }
0x65a: {  	v62 =	vshll.u32 v24, $0x1;
	vm8 =	vlt.f32 v37, v13;
	v20 =	vshll.u32 v20, $0x4  }
0x65b: {  	vm9 =	vlt.f32 v34, v18;
	v47 =	vadd.f32 v47, v5;
	v22 =	vld.idx.msk [tilespmem:v59+s31+$0x0], $0xffff;
	v20 =	vand.u32 $0x3C00, v20  }
0x65c: {  	v26 =	vand.u32 $0x3E, v62;
	v63 =	vor.u32 $0x1, v61;
	v21 =	vld.idx.msk [tilespmem:v21+s31+$0x0], $0xffff;
	v35 =	vor.u32 v23, v20  }
0x65d: {  	v11 =	vsel vm0, v47, v11;
	v20 =	vor.u32 v20, v28;
	v29 =	vor.u32 v26, v35  }
0x65e: {  	v11 =	vsel vm4, v19, v11;
	v19 =	vor.u32 v32, v43;
	v20 =	vor.u32 v26, v20  }
0x65f: {  	v13 =	vsel vm8, v37, v13;
	v37 =	vor.u32 v32, v53;
	v19 =	vcvt.s32.f32 v19  }
0x660: {  	vm10 =	vlt.f32 v33, v16;
	v57 =	vshll.u32 v48, $0x1;
	v43 =	vcvt.s32.f32 v37;
	[tilespmem:v61+s10+$0x0] =	vst.idx.add.f32.msk $0xffff, v22  }
0x661: {  	v44 =	vor.u32 s15, v1;
	v19 =	vadd.f32 v19, v5;
	v22 =	vshll.u32 v42, $0x4;
	[tilespmem:v63+s10+$0x0] =	vst.idx.add.f32.msk $0xffff, v21  }
0x662: {  	v51 =	vshll.u32 v44, $0x1;
	v25 =	vadd.f32 v43, v5;
	v22 =	vand.u32 $0x3C00, v22;
	v47 =	vld.idx.msk [tilespmem:v29+s31+$0x0], $0xffff  }
0x663: {  	v12 =	vsel vm6, v19, v12;
	v53 =	vor.u32 v23, v22;
	v20 =	vld.idx.msk [tilespmem:v20+s31+$0x0], $0xffff;
	v29 =	vand.u32 $0x5E, v51  }
0x664: {  	v19 =	vcvt.s32.f32 v60;
	v22 =	vor.u32 v22, v28;
	v54 =	vor.u32 v29, v53  }
0x665: {  	vm11 =	vlt.f32 v31, v15;
	v30 =	vcvt.s32.f32 v36;
	v22 =	vor.u32 v29, v22  }
0x666: {  	v12 =	vsel vm10, v25, v12;
	v25 =	vshll.u32 v55, $0x4;
	v19 =	vadd.f32 v19, v5  }
0x667: {  	v18 =	vsel vm9, v34, v18;
	v16 =	vsel vm10, v33, v16;
	v25 =	vand.u32 $0x3C00, v25;
	[tilespmem:v50+s10+$0x0] =	vst.idx.add.f32.msk $0xffff, v47  }
0x668: {  	v11 =	vsel vm8, v19, v11;
	v19 =	vadd.f32 v30, v5;
	[tilespmem:v52+s10+$0x0] =	vst.idx.add.f32.msk $0xffff, v20;
	v20 =	vor.u32 s16, v1  }
0x669: {  	v59 =	vor.u32 $0x1, v57;
	v60 =	vor.u32 v23, v25;
	v27 =	vld.idx.msk [tilespmem:v54+s31+$0x0], $0xffff;
	v58 =	vshll.u32 v20, $0x1  }
0x66a: {  	v17 =	vsel vm9, v19, v17;
	v19 =	vor.u32 v32, v49;
	v22 =	vld.idx.msk [tilespmem:v22+s31+$0x0], $0xffff;
	v30 =	vand.u32 $0x7E, v58  }
0x66b: {  	v25 =	vor.u32 v25, v28;
	v19 =	vcvt.s32.f32 v19;
	v23 =	vor.u32 v30, v60  }
0x66c: {  	v15 =	vsel vm11, v31, v15;
	vm12 =	vlt.f32 v41, v13;
	v25 =	vor.u32 v30, v25  }
0x66d: {  	vm13 =	vlt.f32 v40, v18;
	vm15 =	vlt.f32 v38, v15;
	v19 =	vadd.f32 v19, v5  }
0x66e: {  	v13 =	vsel vm12, v41, v13;
	v18 =	vsel vm13, v40, v18;
	[tilespmem:v57+s10+$0x0] =	vst.idx.add.f32.msk $0xffff, v27  }
0x66f: {  	v56 =	vor.u32 s9, v46;
	v14 =	vsel vm11, v19, v14;
	v19 =	vor.u32 v32, v24;
	[tilespmem:v59+s10+$0x0] =	vst.idx.add.f32.msk $0xffff, v22  }
0x670: {  	v26 =	vcvt.s32.f32 v56;
	v61 =	vshll.u32 v45, $0x1;
	v19 =	vcvt.s32.f32 v19;
	v22 =	vld.idx.msk [tilespmem:v23+s31+$0x0], $0xffff  }
0x671: {  	p1 =	slt.u32 s5, $0x7C;
	v21 =	vor.u32 v32, v44;
	v63 =	vor.u32 $0x1, v61;
	v20 =	vor.u32 v32, v20;
	v62 =	vld.idx.msk [tilespmem:v25+s31+$0x0], $0xffff  }
.Ltmp52:
0x672: {  	v21 =	vcvt.s32.f32 v21;
	v19 =	vadd.f32 v19, v5;
	v20 =	vcvt.s32.f32 v20;
	(pc) =	sbr.rel @!p1 .LBB2_68-.Ltmp52, $4  }
0x673: {  	v15 =	vsel vm15, v38, v15;
	vm14 =	vlt.f32 v39, v16;
	v26 =	vadd.f32 v26, v5  }
0x674: {  	v21 =	vadd.f32 v21, v5;
	v17 =	vsel vm13, v19, v17;
	v19 =	vadd.f32 v20, v5  }
0x675: {  	s26 =	sadd.s32 $0x4, s5;
	v16 =	vsel vm14, v39, v16;
	v11 =	vsel vm12, v26, v11;
	[tilespmem:v61+s10+$0x0] =	vst.idx.add.f32.msk $0xffff, v22  }
0x676: {  	s5 =	smov.u32 s26;
	v12 =	vsel vm14, v21, v12;
	v14 =	vsel vm15, v19, v14;
	[tilespmem:v63+s10+$0x0] =	vst.idx.add.f32.msk $0xffff, v62  }
.LBB2_55:
0x677: {  	s7 =	sshll.u32 s5, $0x6  }
0x678: {  	s8 =	sshrl.u32 s5, $0x4;
	s7 =	sand.u32 $0x300, s7  }
0x679: {  	s12 =	sshll.u32 s8, $0x7;
	s9 =	sshll.u32 s7, $0x3  }
0x67a: {  	s9 =	sadd.s32 s12, s9  }
0x67b: {  	v22 =	vld [tilespmem:s9+$0x2000]  }
0x67c: {  	v21 =	vld [tilespmem:s9+$0x2010]  }
0x67d: {  	v20 =	vld [tilespmem:s9+$0x2020]  }
0x67e: {  	v19 =	vld [tilespmem:s9+$0x2030];
	_ =	sdelay $0x2  }
0x67f: {  	v23 =	vmul.f32 $8.192000000e+03, v22  }
0x680: {  	v24 =	vmul.f32 $8.192000000e+03, v21;
	v25 =	vmul.f32 $8.192000000e+03, v20  }
0x681: {  	v26 =	vmul.f32 $8.192000000e+03, v19;
	v23 =	vtrunc.f32 v23  }
0x682: {  	v24 =	vtrunc.f32 v24;
	v23 =	vcvt.f32.s32 v23  }
0x683: {  	v25 =	vtrunc.f32 v25;
	v24 =	vcvt.f32.s32 v24  }
0x684: {  	v26 =	vtrunc.f32 v26;
	v25 =	vcvt.f32.s32 v25;
	vm0 =	vlt.s32 v23, $0x1FFF  }
0x685: {  	v26 =	vcvt.f32.s32 v26;
	v23 =	vnsel vm0, $0x1FFF, v23;
	vm0 =	vlt.s32 v24, $0x1FFF  }
0x686: {  	v24 =	vnsel vm0, $0x1FFF, v24;
	vm0 =	vlt.s32 v25, $0x1FFF  }
0x687: {  	v25 =	vnsel vm0, $0x1FFF, v25;
	vm0 =	vlt.s32 v26, $0x1FFF  }
0x688: {  	v26 =	vnsel vm0, $0x1FFF, v26;
	_ =	sdelay $0x1  }
0x689: {  	v23 =	vld.idx.msk [tilespmem:v23+s28+$0x0], $0xffff  }
0x68a: {  	v24 =	vld.idx.msk [tilespmem:v24+s28+$0x0], $0xffff  }
0x68b: {  	v25 =	vld.idx.msk [tilespmem:v25+s28+$0x0], $0xffff  }
0x68c: {  	v26 =	vld.idx.msk [tilespmem:v26+s28+$0x0], $0xffff;
	_ =	sdelay $0x2  }
0x68d: {  	v27 =	vor.u32 v23, v24  }
0x68e: {  	v27 =	vor.u32 v25, v27  }
0x68f: {  	v27 =	vor.u32 v26, v27  }
0x690: {  	v27 =	vand.u32 $0x1, v27  }
0x691: {  	vm0 =	veq.s32 v27, $0x0  }
0x692: {  	v27 =	vsel vm0, $0x0, v8  }
0x693: {  	(xrf0) =	vmax.scan.msk.f32 $0xffff, v27;
	_ =	sdelay $0x5  }
0x694: {  	v27, _, _ =	vpop (xrf0)  }
0x695: {  	(v2sf) =	vpush v27, $0xF;
	_ =	sdelay $0x1  }
0x696: {  	v23 =	vshrl.u32 v23, $0x1  }
0x697: {  	v24 =	vshrl.u32 v24, $0x1  }
0x698: {  	v25 =	vshrl.u32 v25, $0x1  }
0x699: {  	v26 =	vshrl.u32 v26, $0x1;
	_ =	sdelay $0x1  }
0x69a: {  	v27 =	vld.idx.msk [tilespmem:v23+s24+$0x0], $0xffff  }
0x69b: {  	v28 =	vld.idx.msk [tilespmem:v24+s24+$0x0], $0xffff  }
0x69c: {  	v29 =	vld.idx.msk [tilespmem:v25+s24+$0x0], $0xffff  }
0x69d: {  	v30 =	vld.idx.msk [tilespmem:v26+s24+$0x0], $0xffff;
	_ =	sdelay $0x1  }
0x69e: {  	vm0 =	vle.f32 v27, v22  }
0x69f: {  	v27 =	vsel vm0, $0x1, v9;
	vm0 =	vle.f32 v28, v21  }
0x6a0: {  	v28 =	vadd.s32 v27, v23;
	v23 =	vsel vm0, $0x1, v9;
	vm0 =	vle.f32 v29, v20  }
0x6a1: {  	v34 =	vadd.s32 v23, v24;
	v23 =	vsel vm0, $0x1, v9;
	vm0 =	vle.f32 v30, v19;
	s26 =	spop (v2sf)  }
0x6a2: {  	v33 =	vadd.s32 v23, v25;
	v23 =	vsel vm0, $0x1, v9;
	p1 =	sgt.f32 s26, $0.0e+00  }
0x6a3: {  	v31 =	vadd.s32 v23, v26  }
0x6a4: {  	s9 =	simm.s32 @p1 $0xC000  }
0x6a5: {  	v23 =	vld.idx.msk @p1 [tilespmem:v28+s9+$0x0], $0xffff  }
0x6a6: {  	v24 =	vld.idx.msk @p1 [tilespmem:v34+s9+$0x0], $0xffff  }
0x6a7: {  	v25 =	vld.idx.msk @p1 [tilespmem:v33+s9+$0x0], $0xffff  }
0x6a8: {  	v26 =	vld.idx.msk @p1 [tilespmem:v31+s9+$0x0], $0xffff;
	_ =	sdelay $0x2  }
0x6a9: {  	vm1 =	vle.f32 @p1 v23, v22;
	vm0 =	vle.f32 @p1 v24, v21  }
0x6aa: {  	vm2 =	vle.f32 @p1 v25, v20;
	vm3 =	vmor @p1 vm1, vm0  }
0x6ab: {  	vm4 =	vmor @p1 vm3, vm2;
	vm3 =	vle.f32 @p1 v26, v19  }
0x6ac: {  	v23 =	vimm.f32 @p1 $0.0e+00;
	vm4 =	vmor @p1 vm4, vm3  }
0x6ad: {  	v23 =	vsel @p1 vm4, $0x3F800000, v23  }
0x6ae: {  	(xrf0) =	vmax.scan.msk.f32 @p1 $0xffff, v23;
	_ =	sdelay $0x5  }
0x6af: {  	v23, _, _ =	vpop @p1 (xrf0)  }
0x6b0: {  	(v2sf) =	vpush @p1 v23, $0xF;
	_ =	sdelay $0xe  }
0x6b1: {  	s9 =	spop @p1 (v2sf)  }
0x6b2: {  	p2 =	sgt.f32 @p1 s9, $0.0e+00;
	_ =	sdelay $0x1  }
0x6b3: {  	p2 =	por !p1, !p2  }
.Ltmp53:
0x6b4: {  	_ = 	snop;
	(pc) =	sbr.rel @p2 .LBB2_56-.Ltmp53, $1  }
0x6b5: {  	_ =	sdelay $0x3  }
.LBB2_57:
0x6b6: {  	v23 =	vsel vm1, $0x1, v9  }
0x6b7: {  	v28 =	vadd.s32 v23, v28;
	v23 =	vsel vm0, $0x1, v9  }
0x6b8: {  	v34 =	vadd.s32 v23, v34;
	v23 =	vsel vm2, $0x1, v9  }
0x6b9: {  	v33 =	vadd.s32 v23, v33;
	v23 =	vsel vm3, $0x1, v9  }
0x6ba: {  	v31 =	vadd.s32 v23, v31;
	_ =	sdelay $0x1  }
0x6bb: {  	v23 =	vld.idx.msk [tilespmem:v28+s24+$0x0], $0xffff  }
0x6bc: {  	v24 =	vld.idx.msk [tilespmem:v34+s24+$0x0], $0xffff  }
0x6bd: {  	v25 =	vld.idx.msk [tilespmem:v33+s24+$0x0], $0xffff  }
0x6be: {  	v26 =	vld.idx.msk [tilespmem:v31+s24+$0x0], $0xffff;
	_ =	sdelay $0x2  }
0x6bf: {  	vm1 =	vle.f32 v23, v22;
	vm0 =	vle.f32 v24, v21  }
0x6c0: {  	vm2 =	vle.f32 v25, v20;
	vm3 =	vmor vm1, vm0  }
0x6c1: {  	vm4 =	vmor vm3, vm2;
	vm3 =	vle.f32 v26, v19  }
0x6c2: {  	vm4 =	vmor vm4, vm3  }
0x6c3: {  	v23 =	vsel vm4, $0x3F800000, v6  }
0x6c4: {  	(xrf0) =	vmax.scan.msk.f32 $0xffff, v23;
	_ =	sdelay $0x5  }
0x6c5: {  	v23, _, _ =	vpop (xrf0)  }
0x6c6: {  	(v2sf) =	vpush v23, $0xF;
	_ =	sdelay $0xe  }
0x6c7: {  	s9 =	spop (v2sf)  }
0x6c8: {  	p1 =	sgt.f32 s9, $0.0e+00  }
.Ltmp54:
0x6c9: {  	_ = 	snop;
	(pc) =	sbr.rel @p1 .LBB2_57-.Ltmp54, $1  }
0x6ca: {  	_ =	sdelay $0x3  }
.Ltmp55:
0x6cb: {  	_ = 	snop;
	(pc) =	sbr.rel .LBB2_58-.Ltmp55, $1  }
0x6cc: {  	_ =	sdelay $0x3  }
.LBB2_56:
0x6cd: {  	v28 =	vpsel p1, v28, v28  }
0x6ce: {  	v34 =	vpsel p1, v34, v34;
	v33 =	vpsel p1, v33, v33;
	v31 =	vpsel p1, v31, v31  }
.LBB2_58:
0x6cf: {  	s9 =	sshll.u32 s5, $0x9  }
0x6d0: {  	s9 =	sand.u32 $0x1800, s9  }
0x6d1: {  	s9 =	sadd.s32 s12, s9  }
0x6d2: {  	v27 =	vld [tilespmem:s9+$0x2040]  }
0x6d3: {  	v26 =	vld [tilespmem:s9+$0x2050]  }
0x6d4: {  	v25 =	vld [tilespmem:s9+$0x2060]  }
0x6d5: {  	v24 =	vld [tilespmem:s9+$0x2070];
	_ =	sdelay $0x2  }
0x6d6: {  	v23 =	vmul.f32 $8.192000000e+03, v27  }
0x6d7: {  	v29 =	vmul.f32 $8.192000000e+03, v26;
	v30 =	vmul.f32 $8.192000000e+03, v25  }
0x6d8: {  	v32 =	vmul.f32 $8.192000000e+03, v24;
	v23 =	vtrunc.f32 v23  }
0x6d9: {  	v29 =	vtrunc.f32 v29;
	v23 =	vcvt.f32.s32 v23  }
0x6da: {  	v30 =	vtrunc.f32 v30;
	v29 =	vcvt.f32.s32 v29  }
0x6db: {  	v32 =	vtrunc.f32 v32;
	v30 =	vcvt.f32.s32 v30;
	vm0 =	vlt.s32 v23, $0x1FFF  }
0x6dc: {  	v32 =	vcvt.f32.s32 v32;
	v23 =	vnsel vm0, $0x1FFF, v23;
	vm0 =	vlt.s32 v29, $0x1FFF  }
0x6dd: {  	v29 =	vnsel vm0, $0x1FFF, v29;
	vm0 =	vlt.s32 v30, $0x1FFF  }
0x6de: {  	v30 =	vnsel vm0, $0x1FFF, v30;
	vm0 =	vlt.s32 v32, $0x1FFF  }
0x6df: {  	v32 =	vnsel vm0, $0x1FFF, v32;
	_ =	sdelay $0x1  }
0x6e0: {  	v23 =	vld.idx.msk [tilespmem:v23+s28+$0x0], $0xffff  }
0x6e1: {  	v29 =	vld.idx.msk [tilespmem:v29+s28+$0x0], $0xffff  }
0x6e2: {  	v30 =	vld.idx.msk [tilespmem:v30+s28+$0x0], $0xffff  }
0x6e3: {  	v32 =	vld.idx.msk [tilespmem:v32+s28+$0x0], $0xffff;
	_ =	sdelay $0x2  }
0x6e4: {  	v35 =	vor.u32 v23, v29  }
0x6e5: {  	v35 =	vor.u32 v30, v35  }
0x6e6: {  	v35 =	vor.u32 v32, v35  }
0x6e7: {  	v35 =	vand.u32 $0x1, v35  }
0x6e8: {  	vm0 =	veq.s32 v35, $0x0  }
0x6e9: {  	v35 =	vsel vm0, $0x0, v8  }
0x6ea: {  	(xrf0) =	vmax.scan.msk.f32 $0xffff, v35;
	_ =	sdelay $0x5  }
0x6eb: {  	v35, _, _ =	vpop (xrf0)  }
0x6ec: {  	(v2sf) =	vpush v35, $0xF;
	_ =	sdelay $0x1  }
0x6ed: {  	v23 =	vshrl.u32 v23, $0x1  }
0x6ee: {  	v29 =	vshrl.u32 v29, $0x1  }
0x6ef: {  	v30 =	vshrl.u32 v30, $0x1  }
0x6f0: {  	v32 =	vshrl.u32 v32, $0x1;
	_ =	sdelay $0x1  }
0x6f1: {  	v49 =	vld.idx.msk [tilespmem:v23+s24+$0x0], $0xffff  }
0x6f2: {  	v36 =	vld.idx.msk [tilespmem:v29+s24+$0x0], $0xffff  }
0x6f3: {  	v37 =	vld.idx.msk [tilespmem:v30+s24+$0x0], $0xffff  }
0x6f4: {  	v38 =	vld.idx.msk [tilespmem:v32+s24+$0x0], $0xffff;
	_ =	sdelay $0x1  }
0x6f5: {  	vm0 =	vle.f32 v49, v27  }
0x6f6: {  	v35 =	vsel vm0, $0x1, v9;
	vm0 =	vle.f32 v36, v26  }
0x6f7: {  	v41 =	vadd.s32 v35, v23;
	v23 =	vsel vm0, $0x1, v9;
	vm0 =	vle.f32 v37, v25  }
0x6f8: {  	v40 =	vadd.s32 v23, v29;
	v23 =	vsel vm0, $0x1, v9;
	vm0 =	vle.f32 v38, v24;
	s14 =	spop (v2sf)  }
0x6f9: {  	v39 =	vadd.s32 v23, v30;
	v23 =	vsel vm0, $0x1, v9;
	p1 =	sgt.f32 s14, $0.0e+00  }
0x6fa: {  	v38 =	vadd.s32 v23, v32  }
0x6fb: {  	s9 =	simm.s32 @p1 $0xC000  }
0x6fc: {  	v23 =	vmov s8;
	v32 =	vld.idx.msk @p1 [tilespmem:v41+s9+$0x0], $0xffff  }
0x6fd: {  	v23 =	vshll.u32 v23, $0x7;
	v35 =	vld.idx.msk @p1 [tilespmem:v40+s9+$0x0], $0xffff  }
0x6fe: {  	v23 =	vand.u32 $0x380, v23;
	v36 =	vld.idx.msk @p1 [tilespmem:v39+s9+$0x0], $0xffff  }
0x6ff: {  	v23 =	vbroadcast v23, $0x0;
	v37 =	vld.idx.msk @p1 [tilespmem:v38+s9+$0x0], $0xffff  }
0x700: {  	v44 =	vshll.u32 v28, $0x1;
	v29 =	vmov s7  }
0x701: {  	v42 =	vshll.u32 v29, $0x4;
	v30 =	vor.u32 v4, v23;
	v29 =	vor.u32 v10, v23  }
0x702: {  	v43 =	vor.u32 v42, v30;
	vm1 =	vle.f32 @p1 v32, v27;
	vm0 =	vle.f32 @p1 v35, v26  }
0x703: {  	s15 =	sor.u32 $0x10, s7;
	v42 =	vor.u32 v42, v29;
	vm2 =	vle.f32 @p1 v36, v25;
	vm3 =	vmor @p1 vm1, vm0  }
0x704: {  	v28 =	vmov s15;
	vm4 =	vmor @p1 vm3, vm2;
	vm3 =	vle.f32 @p1 v37, v24  }
0x705: {  	v28 =	vshll.u32 v28, $0x4;
	v35 =	vimm.f32 @p1 $0.0e+00;
	vm4 =	vmor @p1 vm4, vm3  }
0x706: {  	v52 =	vand.u32 $0x3000, v28;
	v28 =	vsel @p1 vm4, $0x3F800000, v35  }
0x707: {  	v50 =	vld.idx.msk [tilespmem:v43+s31+$0x0], $0xffff;
	(xrf0) =	vmax.scan.msk.f32 @p1 $0xffff, v28  }
0x708: {  	v45 =	vor.u32 $0x1, v44;
	v53 =	vld.idx.msk [tilespmem:v42+s31+$0x0], $0xffff  }
0x709: {  	v32 =	vor.u32 s15, v1  }
0x70a: {  	v51 =	vshll.u32 v32, $0x1  }
0x70b: {  	v54 =	vor.u32 v23, v52;
	v37 =	vand.u32 $0x3E, v51;
	v28 =	vor.u32 $0x1, v23  }
0x70c: {  	[tilespmem:v44+s10+$0x0] =	vst.idx.add.f32.msk $0xffff, v50;
	v42 =	vor.u32 v37, v54;
	v43 =	vor.u32 v52, v28  }
0x70d: {  	[tilespmem:v45+s10+$0x0] =	vst.idx.add.f32.msk $0xffff, v53;
	v37 =	vor.u32 v37, v43;
	v45, _, _ =	vpop @p1 (xrf0)  }
0x70e: {  	s16 =	sor.u32 $0x20, s7;
	(v2sf) =	vpush @p1 v45, $0xF  }
0x70f: {  	v55 =	vmov s16  }
0x710: {  	v36 =	vshll.u32 v55, $0x4;
	v35 =	vor.u32 s16, v1  }
0x711: {  	v34 =	vshll.u32 v34, $0x1;
	v36 =	vand.u32 $0x3000, v36;
	v57 =	vshll.u32 v35, $0x1;
	v42 =	vld.idx.msk [tilespmem:v42+s31+$0x0], $0xffff  }
0x712: {  	v56 =	vor.u32 $0x1, v34;
	v58 =	vor.u32 v23, v36;
	v44 =	vand.u32 $0x5E, v57;
	v37 =	vld.idx.msk [tilespmem:v37+s31+$0x0], $0xffff  }
0x713: {  	v36 =	vor.u32 v36, v28;
	v45 =	vor.u32 v44, v58  }
0x714: {  	v44 =	vor.u32 v44, v36  }
0x715: {  	s26 =	sor.u32 $0x30, s7  }
0x716: {  	v59 =	vmov s26;
	[tilespmem:v34+s10+$0x0] =	vst.idx.add.f32.msk $0xffff, v42  }
0x717: {  	v36 =	vor.u32 s26, v1;
	v34 =	vshll.u32 v59, $0x4;
	[tilespmem:v56+s10+$0x0] =	vst.idx.add.f32.msk $0xffff, v37  }
0x718: {  	v33 =	vshll.u32 v33, $0x1;
	v60 =	vshll.u32 v36, $0x1;
	v34 =	vand.u32 $0x3000, v34;
	v37 =	vld.idx.msk [tilespmem:v45+s31+$0x0], $0xffff  }
0x719: {  	v61 =	vor.u32 $0x1, v33;
	v42 =	vand.u32 $0x7E, v60;
	v62 =	vor.u32 v23, v34;
	v43 =	vld.idx.msk [tilespmem:v44+s31+$0x0], $0xffff  }
0x71a: {  	v34 =	vor.u32 v34, v28;
	v45 =	vor.u32 v42, v62  }
0x71b: {  	v34 =	vor.u32 v42, v34;
	_ =	sdelay $0x1  }
0x71c: {  	[tilespmem:v33+s10+$0x0] =	vst.idx.add.f32.msk $0xffff, v37;
	s9 =	spop @p1 (v2sf)  }
0x71d: {  	[tilespmem:v61+s10+$0x0] =	vst.idx.add.f32.msk $0xffff, v43;
	p2 =	sgt.f32 @p1 s9, $0.0e+00  }
0x71e: {  	v31 =	vshll.u32 v31, $0x1;
	v33 =	vld.idx.msk [tilespmem:v45+s31+$0x0], $0xffff  }
0x71f: {  	v63 =	vor.u32 $0x1, v31;
	v34 =	vld.idx.msk [tilespmem:v34+s31+$0x0], $0xffff;
	p2 =	por !p1, !p2  }
.Ltmp56:
0x720: {  	_ = 	snop;
	(pc) =	sbr.rel @p2 .LBB2_59-.Ltmp56, $3  }
0x721: {  	_ =	sdelay $0x1  }
0x722: {  	[tilespmem:v31+s10+$0x0] =	vst.idx.add.f32.msk $0xffff, v33  }
0x723: {  	[tilespmem:v63+s10+$0x0] =	vst.idx.add.f32.msk $0xffff, v34  }
.LBB2_60:
0x724: {  	v31 =	vsel vm1, $0x1, v9  }
0x725: {  	v41 =	vadd.s32 v31, v41;
	v31 =	vsel vm0, $0x1, v9  }
0x726: {  	v40 =	vadd.s32 v31, v40;
	v31 =	vsel vm2, $0x1, v9  }
0x727: {  	v39 =	vadd.s32 v31, v39;
	v31 =	vsel vm3, $0x1, v9  }
0x728: {  	v38 =	vadd.s32 v31, v38;
	_ =	sdelay $0x1  }
0x729: {  	v31 =	vld.idx.msk [tilespmem:v41+s24+$0x0], $0xffff  }
0x72a: {  	v33 =	vld.idx.msk [tilespmem:v40+s24+$0x0], $0xffff  }
0x72b: {  	v34 =	vld.idx.msk [tilespmem:v39+s24+$0x0], $0xffff  }
0x72c: {  	v37 =	vld.idx.msk [tilespmem:v38+s24+$0x0], $0xffff;
	_ =	sdelay $0x2  }
0x72d: {  	vm1 =	vle.f32 v31, v27;
	vm0 =	vle.f32 v33, v26  }
0x72e: {  	vm2 =	vle.f32 v34, v25;
	vm3 =	vmor vm1, vm0  }
0x72f: {  	vm4 =	vmor vm3, vm2;
	vm3 =	vle.f32 v37, v24  }
0x730: {  	vm4 =	vmor vm4, vm3  }
0x731: {  	v31 =	vsel vm4, $0x3F800000, v6  }
0x732: {  	(xrf0) =	vmax.scan.msk.f32 $0xffff, v31;
	_ =	sdelay $0x5  }
0x733: {  	v31, _, _ =	vpop (xrf0)  }
0x734: {  	(v2sf) =	vpush v31, $0xF;
	_ =	sdelay $0xe  }
0x735: {  	s9 =	spop (v2sf)  }
0x736: {  	p1 =	sgt.f32 s9, $0.0e+00  }
.Ltmp57:
0x737: {  	_ = 	snop;
	(pc) =	sbr.rel @p1 .LBB2_60-.Ltmp57, $1  }
0x738: {  	_ =	sdelay $0x3  }
.Ltmp58:
0x739: {  	_ = 	snop;
	(pc) =	sbr.rel .LBB2_61-.Ltmp58, $1  }
0x73a: {  	_ =	sdelay $0x3  }
.LBB2_59:
0x73b: {  	v41 =	vpsel p1, v41, v41  }
0x73c: {  	v40 =	vpsel p1, v40, v40;
	v39 =	vpsel p1, v39, v39;
	v38 =	vpsel p1, v38, v38  }
.LBB2_61:
0x73d: {  	s13 =	sor.u32 $0x80, s7  }
0x73e: {  	s9 =	sshll.u32 s13, $0x3  }
0x73f: {  	s9 =	sadd.s32 s12, s9  }
0x740: {  	v37 =	vld [tilespmem:s9+$0x2000]  }
0x741: {  	v34 =	vld [tilespmem:s9+$0x2010]  }
0x742: {  	v33 =	vld [tilespmem:s9+$0x2020]  }
0x743: {  	v31 =	vld [tilespmem:s9+$0x2030];
	_ =	sdelay $0x2  }
0x744: {  	v42 =	vmul.f32 $8.192000000e+03, v37  }
0x745: {  	v43 =	vmul.f32 $8.192000000e+03, v34;
	v44 =	vmul.f32 $8.192000000e+03, v33  }
0x746: {  	v45 =	vmul.f32 $8.192000000e+03, v31;
	v42 =	vtrunc.f32 v42  }
0x747: {  	v43 =	vtrunc.f32 v43;
	v42 =	vcvt.f32.s32 v42  }
0x748: {  	v44 =	vtrunc.f32 v44;
	v43 =	vcvt.f32.s32 v43  }
0x749: {  	v45 =	vtrunc.f32 v45;
	v44 =	vcvt.f32.s32 v44;
	vm0 =	vlt.s32 v42, $0x1FFF  }
0x74a: {  	v45 =	vcvt.f32.s32 v45;
	v42 =	vnsel vm0, $0x1FFF, v42;
	vm0 =	vlt.s32 v43, $0x1FFF  }
0x74b: {  	v43 =	vnsel vm0, $0x1FFF, v43;
	vm0 =	vlt.s32 v44, $0x1FFF  }
0x74c: {  	v44 =	vnsel vm0, $0x1FFF, v44;
	vm0 =	vlt.s32 v45, $0x1FFF  }
0x74d: {  	v45 =	vnsel vm0, $0x1FFF, v45;
	_ =	sdelay $0x1  }
0x74e: {  	v42 =	vld.idx.msk [tilespmem:v42+s28+$0x0], $0xffff  }
0x74f: {  	v43 =	vld.idx.msk [tilespmem:v43+s28+$0x0], $0xffff  }
0x750: {  	v44 =	vld.idx.msk [tilespmem:v44+s28+$0x0], $0xffff  }
0x751: {  	v45 =	vld.idx.msk [tilespmem:v45+s28+$0x0], $0xffff;
	_ =	sdelay $0x2  }
0x752: {  	v46 =	vor.u32 v42, v43  }
0x753: {  	v46 =	vor.u32 v44, v46  }
0x754: {  	v46 =	vor.u32 v45, v46  }
0x755: {  	v46 =	vand.u32 $0x1, v46  }
0x756: {  	vm0 =	veq.s32 v46, $0x0  }
0x757: {  	v46 =	vsel vm0, $0x0, v8  }
0x758: {  	(xrf0) =	vmax.scan.msk.f32 $0xffff, v46;
	_ =	sdelay $0x5  }
0x759: {  	v46, _, _ =	vpop (xrf0)  }
0x75a: {  	(v2sf) =	vpush v46, $0xF;
	_ =	sdelay $0x1  }
0x75b: {  	v42 =	vshrl.u32 v42, $0x1  }
0x75c: {  	v43 =	vshrl.u32 v43, $0x1  }
0x75d: {  	v44 =	vshrl.u32 v44, $0x1  }
0x75e: {  	v45 =	vshrl.u32 v45, $0x1;
	_ =	sdelay $0x1  }
0x75f: {  	v55 =	vld.idx.msk [tilespmem:v42+s24+$0x0], $0xffff  }
0x760: {  	v47 =	vld.idx.msk [tilespmem:v43+s24+$0x0], $0xffff  }
0x761: {  	v48 =	vld.idx.msk [tilespmem:v44+s24+$0x0], $0xffff  }
0x762: {  	v50 =	vld.idx.msk [tilespmem:v45+s24+$0x0], $0xffff;
	_ =	sdelay $0x1  }
0x763: {  	vm0 =	vle.f32 v55, v37  }
0x764: {  	v46 =	vsel vm0, $0x1, v9;
	vm0 =	vle.f32 v47, v34  }
0x765: {  	v51 =	vadd.s32 v46, v42;
	v56 =	vsel vm0, $0x1, v9;
	vm0 =	vle.f32 v48, v33  }
0x766: {  	v49 =	vadd.s32 v56, v43;
	v57 =	vsel vm0, $0x1, v9;
	vm0 =	vle.f32 v50, v31;
	s14 =	spop (v2sf)  }
0x767: {  	v47 =	vadd.s32 v57, v44;
	v58 =	vsel vm0, $0x1, v9;
	p1 =	sgt.f32 s14, $0.0e+00  }
0x768: {  	v46 =	vadd.s32 v58, v45  }
0x769: {  	s9 =	simm.s32 @p1 $0xC000  }
0x76a: {  	v42 =	vld.idx.msk @p1 [tilespmem:v51+s9+$0x0], $0xffff  }
0x76b: {  	v43 =	vld.idx.msk @p1 [tilespmem:v49+s9+$0x0], $0xffff  }
0x76c: {  	v44 =	vld.idx.msk @p1 [tilespmem:v47+s9+$0x0], $0xffff  }
0x76d: {  	s14 =	sor.u32 $0x40, s7;
	v48 =	vld.idx.msk @p1 [tilespmem:v46+s9+$0x0], $0xffff  }
0x76e: {  	v59 =	vmov s14  }
0x76f: {  	v45 =	vshll.u32 v59, $0x4  }
0x770: {  	v60 =	vor.u32 v45, v30;
	vm1 =	vle.f32 @p1 v42, v37;
	vm0 =	vle.f32 @p1 v43, v34  }
0x771: {  	v45 =	vor.u32 v45, v29;
	vm2 =	vle.f32 @p1 v44, v33;
	vm3 =	vmor @p1 vm1, vm0  }
0x772: {  	vm4 =	vmor @p1 vm3, vm2;
	vm3 =	vle.f32 @p1 v48, v31  }
0x773: {  	v44 =	vimm.f32 @p1 $0.0e+00;
	vm4 =	vmor @p1 vm4, vm3  }
0x774: {  	v44 =	vsel @p1 vm4, $0x3F800000, v44  }
0x775: {  	s15 =	sor.u32 $0x50, s7;
	v41 =	vshll.u32 v41, $0x1;
	v62 =	vld.idx.msk [tilespmem:v60+s31+$0x0], $0xffff;
	(xrf0) =	vmax.scan.msk.f32 @p1 $0xffff, v44  }
0x776: {  	v61 =	vmov s15;
	v52 =	vor.u32 $0x1, v41;
	v45 =	vld.idx.msk [tilespmem:v45+s31+$0x0], $0xffff  }
0x777: {  	v42 =	vor.u32 s15, v1;
	v43 =	vshll.u32 v61, $0x4  }
0x778: {  	v63 =	vshll.u32 v42, $0x1;
	v43 =	vand.u32 $0x3400, v43  }
0x779: {  	v50 =	vand.u32 $0x3E, v63;
	v54 =	vor.u32 v23, v43  }
0x77a: {  	v43 =	vor.u32 v43, v28;
	v44 =	vor.u32 v50, v54;
	[tilespmem:v41+s10+$0x0] =	vst.idx.add.f32.msk $0xffff, v62  }
0x77b: {  	v50 =	vor.u32 v50, v43;
	[tilespmem:v52+s10+$0x0] =	vst.idx.add.f32.msk $0xffff, v45;
	v52, _, _ =	vpop @p1 (xrf0)  }
0x77c: {  	s16 =	sor.u32 $0x60, s7;
	(v2sf) =	vpush @p1 v52, $0xF  }
0x77d: {  	v55 =	vmov s16  }
0x77e: {  	v43 =	vor.u32 s16, v1;
	v41 =	vshll.u32 v55, $0x4  }
0x77f: {  	v40 =	vshll.u32 v40, $0x1;
	v57 =	vshll.u32 v43, $0x1;
	v41 =	vand.u32 $0x3400, v41;
	v44 =	vld.idx.msk [tilespmem:v44+s31+$0x0], $0xffff  }
0x780: {  	v56 =	vor.u32 $0x1, v40;
	v48 =	vand.u32 $0x5E, v57;
	v58 =	vor.u32 v23, v41;
	v50 =	vld.idx.msk [tilespmem:v50+s31+$0x0], $0xffff  }
0x781: {  	v41 =	vor.u32 v41, v28;
	v52 =	vor.u32 v48, v58  }
0x782: {  	v41 =	vor.u32 v48, v41  }
0x783: {  	s26 =	sor.u32 $0x70, s7  }
0x784: {  	v59 =	vmov s26;
	[tilespmem:v40+s10+$0x0] =	vst.idx.add.f32.msk $0xffff, v44  }
0x785: {  	v44 =	vor.u32 s26, v1;
	v40 =	vshll.u32 v59, $0x4;
	[tilespmem:v56+s10+$0x0] =	vst.idx.add.f32.msk $0xffff, v50  }
0x786: {  	v39 =	vshll.u32 v39, $0x1;
	v60 =	vshll.u32 v44, $0x1;
	v40 =	vand.u32 $0x3400, v40;
	v45 =	vld.idx.msk [tilespmem:v52+s31+$0x0], $0xffff  }
0x787: {  	v61 =	vor.u32 $0x1, v39;
	v41 =	vld.idx.msk [tilespmem:v41+s31+$0x0], $0xffff;
	v48 =	vand.u32 $0x7E, v60;
	v62 =	vor.u32 v23, v40  }
0x788: {  	v40 =	vor.u32 v40, v28;
	v52 =	vor.u32 v48, v62  }
0x789: {  	v40 =	vor.u32 v48, v40;
	_ =	sdelay $0x1  }
0x78a: {  	[tilespmem:v39+s10+$0x0] =	vst.idx.add.f32.msk $0xffff, v45;
	s9 =	spop @p1 (v2sf)  }
0x78b: {  	[tilespmem:v61+s10+$0x0] =	vst.idx.add.f32.msk $0xffff, v41;
	p2 =	sgt.f32 @p1 s9, $0.0e+00  }
0x78c: {  	v38 =	vshll.u32 v38, $0x1;
	v39 =	vld.idx.msk [tilespmem:v52+s31+$0x0], $0xffff  }
0x78d: {  	v63 =	vor.u32 $0x1, v38;
	v40 =	vld.idx.msk [tilespmem:v40+s31+$0x0], $0xffff;
	p2 =	por !p1, !p2  }
.Ltmp59:
0x78e: {  	_ = 	snop;
	(pc) =	sbr.rel @p2 .LBB2_62-.Ltmp59, $3  }
0x78f: {  	_ =	sdelay $0x1  }
0x790: {  	[tilespmem:v38+s10+$0x0] =	vst.idx.add.f32.msk $0xffff, v39  }
0x791: {  	[tilespmem:v63+s10+$0x0] =	vst.idx.add.f32.msk $0xffff, v40  }
.LBB2_63:
0x792: {  	v38 =	vsel vm1, $0x1, v9  }
0x793: {  	v59 =	vsel vm0, $0x1, v9;
	v51 =	vadd.s32 v38, v51  }
0x794: {  	v60 =	vsel vm2, $0x1, v9;
	v49 =	vadd.s32 v59, v49  }
0x795: {  	v61 =	vsel vm3, $0x1, v9;
	v47 =	vadd.s32 v60, v47  }
0x796: {  	v46 =	vadd.s32 v61, v46;
	_ =	sdelay $0x1  }
0x797: {  	v62 =	vld.idx.msk [tilespmem:v51+s24+$0x0], $0xffff  }
0x798: {  	v39 =	vld.idx.msk [tilespmem:v49+s24+$0x0], $0xffff  }
0x799: {  	v40 =	vld.idx.msk [tilespmem:v47+s24+$0x0], $0xffff  }
0x79a: {  	v41 =	vld.idx.msk [tilespmem:v46+s24+$0x0], $0xffff;
	_ =	sdelay $0x2  }
0x79b: {  	vm1 =	vle.f32 v62, v37;
	vm0 =	vle.f32 v39, v34  }
0x79c: {  	vm2 =	vle.f32 v40, v33;
	vm3 =	vmor vm1, vm0  }
0x79d: {  	vm4 =	vmor vm3, vm2;
	vm3 =	vle.f32 v41, v31  }
0x79e: {  	vm4 =	vmor vm4, vm3  }
0x79f: {  	v63 =	vsel vm4, $0x3F800000, v6  }
0x7a0: {  	(xrf0) =	vmax.scan.msk.f32 $0xffff, v63;
	_ =	sdelay $0x5  }
0x7a1: {  	v38, _, _ =	vpop (xrf0)  }
0x7a2: {  	(v2sf) =	vpush v38, $0xF;
	_ =	sdelay $0xe  }
0x7a3: {  	s9 =	spop (v2sf)  }
0x7a4: {  	p1 =	sgt.f32 s9, $0.0e+00  }
.Ltmp60:
0x7a5: {  	_ = 	snop;
	(pc) =	sbr.rel @p1 .LBB2_63-.Ltmp60, $1  }
0x7a6: {  	_ =	sdelay $0x3  }
.Ltmp61:
0x7a7: {  	_ = 	snop;
	(pc) =	sbr.rel .LBB2_64-.Ltmp61, $1  }
0x7a8: {  	_ =	sdelay $0x3  }
.LBB2_62:
0x7a9: {  	v51 =	vpsel p1, v51, v51  }
0x7aa: {  	v49 =	vpsel p1, v49, v49;
	v47 =	vpsel p1, v47, v47;
	v46 =	vpsel p1, v46, v46  }
.LBB2_64:
0x7ab: {  	s9 =	sor.u32 $0xC0, s7  }
0x7ac: {  	s15 =	sshll.u32 s9, $0x3  }
0x7ad: {  	s15 =	sand.u32 $0x1C00, s15  }
0x7ae: {  	s12 =	sadd.s32 s12, s15  }
0x7af: {  	v41 =	vld [tilespmem:s12+$0x2040]  }
0x7b0: {  	v40 =	vld [tilespmem:s12+$0x2050]  }
0x7b1: {  	v39 =	vld [tilespmem:s12+$0x2060]  }
0x7b2: {  	v38 =	vld [tilespmem:s12+$0x2070];
	_ =	sdelay $0x2  }
0x7b3: {  	v45 =	vmul.f32 $8.192000000e+03, v41  }
0x7b4: {  	v48 =	vmul.f32 $8.192000000e+03, v40;
	v50 =	vmul.f32 $8.192000000e+03, v39  }
0x7b5: {  	v52 =	vmul.f32 $8.192000000e+03, v38;
	v45 =	vtrunc.f32 v45  }
0x7b6: {  	v48 =	vtrunc.f32 v48;
	v45 =	vcvt.f32.s32 v45  }
0x7b7: {  	v50 =	vtrunc.f32 v50;
	v48 =	vcvt.f32.s32 v48  }
0x7b8: {  	v52 =	vtrunc.f32 v52;
	v50 =	vcvt.f32.s32 v50;
	vm0 =	vlt.s32 v45, $0x1FFF  }
0x7b9: {  	v52 =	vcvt.f32.s32 v52;
	v45 =	vnsel vm0, $0x1FFF, v45;
	vm0 =	vlt.s32 v48, $0x1FFF  }
0x7ba: {  	v48 =	vnsel vm0, $0x1FFF, v48;
	vm0 =	vlt.s32 v50, $0x1FFF  }
0x7bb: {  	v50 =	vnsel vm0, $0x1FFF, v50;
	vm0 =	vlt.s32 v52, $0x1FFF  }
0x7bc: {  	v52 =	vnsel vm0, $0x1FFF, v52;
	_ =	sdelay $0x1  }
0x7bd: {  	v45 =	vld.idx.msk [tilespmem:v45+s28+$0x0], $0xffff  }
0x7be: {  	v48 =	vld.idx.msk [tilespmem:v48+s28+$0x0], $0xffff  }
0x7bf: {  	v50 =	vld.idx.msk [tilespmem:v50+s28+$0x0], $0xffff  }
0x7c0: {  	v52 =	vld.idx.msk [tilespmem:v52+s28+$0x0], $0xffff;
	_ =	sdelay $0x2  }
0x7c1: {  	v53 =	vor.u32 v45, v48  }
0x7c2: {  	v53 =	vor.u32 v50, v53  }
0x7c3: {  	v53 =	vor.u32 v52, v53  }
0x7c4: {  	v53 =	vand.u32 $0x1, v53  }
0x7c5: {  	vm0 =	veq.s32 v53, $0x0  }
0x7c6: {  	v53 =	vsel vm0, $0x0, v8  }
0x7c7: {  	(xrf0) =	vmax.scan.msk.f32 $0xffff, v53;
	_ =	sdelay $0x5  }
0x7c8: {  	v53, _, _ =	vpop (xrf0)  }
0x7c9: {  	(v2sf) =	vpush v53, $0xF;
	_ =	sdelay $0x1  }
0x7ca: {  	v45 =	vshrl.u32 v45, $0x1  }
0x7cb: {  	v48 =	vshrl.u32 v48, $0x1  }
0x7cc: {  	v61 =	vshrl.u32 v50, $0x1  }
0x7cd: {  	v54 =	vshrl.u32 v52, $0x1;
	_ =	sdelay $0x1  }
0x7ce: {  	v62 =	vld.idx.msk [tilespmem:v45+s24+$0x0], $0xffff  }
0x7cf: {  	v63 =	vld.idx.msk [tilespmem:v48+s24+$0x0], $0xffff  }
0x7d0: {  	v55 =	vld.idx.msk [tilespmem:v61+s24+$0x0], $0xffff  }
0x7d1: {  	v56 =	vld.idx.msk [tilespmem:v54+s24+$0x0], $0xffff;
	_ =	sdelay $0x1  }
0x7d2: {  	vm0 =	vle.f32 v62, v41  }
0x7d3: {  	v50 =	vsel vm0, $0x1, v9;
	vm0 =	vle.f32 v63, v40  }
0x7d4: {  	v52 =	vadd.s32 v50, v45;
	v59 =	vsel vm0, $0x1, v9;
	vm0 =	vle.f32 v55, v39  }
0x7d5: {  	v50 =	vadd.s32 v59, v48;
	v60 =	vsel vm0, $0x1, v9;
	vm0 =	vle.f32 v56, v38;
	s26 =	spop (v2sf)  }
0x7d6: {  	v48 =	vadd.s32 v60, v61;
	v61 =	vsel vm0, $0x1, v9;
	p1 =	sgt.f32 s26, $0.0e+00  }
0x7d7: {  	v45 =	vadd.s32 v61, v54  }
0x7d8: {  	s12 =	simm.s32 @p1 $0xC000  }
0x7d9: {  	v53 =	vld.idx.msk @p1 [tilespmem:v52+s12+$0x0], $0xffff  }
0x7da: {  	v54 =	vld.idx.msk @p1 [tilespmem:v50+s12+$0x0], $0xffff  }
0x7db: {  	v55 =	vld.idx.msk @p1 [tilespmem:v48+s12+$0x0], $0xffff  }
0x7dc: {  	v57 =	vld.idx.msk @p1 [tilespmem:v45+s12+$0x0], $0xffff;
	_ =	sdelay $0x1  }
0x7dd: {  	v62 =	vmov s13  }
0x7de: {  	v56 =	vshll.u32 v62, $0x4;
	vm1 =	vle.f32 @p1 v53, v41;
	vm0 =	vle.f32 @p1 v54, v40  }
0x7df: {  	v58 =	vor.u32 v56, v30;
	vm2 =	vle.f32 @p1 v55, v39;
	vm3 =	vmor @p1 vm1, vm0  }
0x7e0: {  	vm4 =	vmor @p1 vm3, vm2;
	vm3 =	vle.f32 @p1 v57, v38  }
0x7e1: {  	v54 =	vimm.f32 @p1 $0.0e+00;
	vm4 =	vmor @p1 vm4, vm3  }
0x7e2: {  	v56 =	vor.u32 v56, v29;
	v54 =	vsel @p1 vm4, $0x3F800000, v54  }
0x7e3: {  	s15 =	sor.u32 $0x90, s7;
	(xrf0) =	vmax.scan.msk.f32 @p1 $0xffff, v54  }
0x7e4: {  	v63 =	vmov s15;
	v59 =	vshll.u32 v51, $0x1;
	v60 =	vld.idx.msk [tilespmem:v58+s31+$0x0], $0xffff  }
0x7e5: {  	v51 =	vor.u32 s15, v1;
	v53 =	vshll.u32 v63, $0x4  }
0x7e6: {  	v61 =	vshll.u32 v51, $0x1;
	v53 =	vand.u32 $0x3800, v53  }
0x7e7: {  	v62 =	vor.u32 $0x1, v59;
	v56 =	vld.idx.msk [tilespmem:v56+s31+$0x0], $0xffff;
	v57 =	vand.u32 $0x3E, v61;
	v63 =	vor.u32 v23, v53  }
0x7e8: {  	v53 =	vor.u32 v53, v28;
	v54 =	vor.u32 v57, v63  }
0x7e9: {  	[tilespmem:v59+s10+$0x0] =	vst.idx.add.f32.msk $0xffff, v60;
	v57 =	vor.u32 v57, v53;
	v59, _, _ =	vpop @p1 (xrf0)  }
0x7ea: {  	s16 =	sor.u32 $0xA0, s7;
	(v2sf) =	vpush @p1 v59, $0xF  }
0x7eb: {  	v60 =	vmov s16  }
0x7ec: {  	[tilespmem:v62+s10+$0x0] =	vst.idx.add.f32.msk $0xffff, v56;
	v55 =	vshll.u32 v60, $0x4;
	v53 =	vor.u32 s16, v1  }
0x7ed: {  	v49 =	vshll.u32 v49, $0x1;
	v55 =	vand.u32 $0x3800, v55;
	v62 =	vshll.u32 v53, $0x1;
	v54 =	vld.idx.msk [tilespmem:v54+s31+$0x0], $0xffff  }
0x7ee: {  	v61 =	vor.u32 $0x1, v49;
	v63 =	vor.u32 v23, v55;
	v58 =	vand.u32 $0x5E, v62;
	v57 =	vld.idx.msk [tilespmem:v57+s31+$0x0], $0xffff  }
0x7ef: {  	v55 =	vor.u32 v55, v28;
	v59 =	vor.u32 v58, v63  }
0x7f0: {  	v55 =	vor.u32 v58, v55  }
0x7f1: {  	s26 =	sor.u32 $0xB0, s7  }
0x7f2: {  	v58 =	vmov s26;
	[tilespmem:v49+s10+$0x0] =	vst.idx.add.f32.msk $0xffff, v54  }
0x7f3: {  	v49 =	vor.u32 s26, v1;
	v54 =	vshll.u32 v58, $0x4;
	[tilespmem:v61+s10+$0x0] =	vst.idx.add.f32.msk $0xffff, v57  }
0x7f4: {  	v47 =	vshll.u32 v47, $0x1;
	v60 =	vshll.u32 v49, $0x1;
	v54 =	vand.u32 $0x3800, v54;
	v56 =	vld.idx.msk [tilespmem:v59+s31+$0x0], $0xffff  }
0x7f5: {  	v61 =	vor.u32 $0x1, v47;
	v55 =	vld.idx.msk [tilespmem:v55+s31+$0x0], $0xffff;
	v57 =	vand.u32 $0x7E, v60;
	v62 =	vor.u32 v23, v54  }
0x7f6: {  	v54 =	vor.u32 v54, v28;
	v59 =	vor.u32 v57, v62  }
0x7f7: {  	v54 =	vor.u32 v57, v54;
	_ =	sdelay $0x1  }
0x7f8: {  	[tilespmem:v47+s10+$0x0] =	vst.idx.add.f32.msk $0xffff, v56;
	s12 =	spop @p1 (v2sf)  }
0x7f9: {  	[tilespmem:v61+s10+$0x0] =	vst.idx.add.f32.msk $0xffff, v55;
	p2 =	sgt.f32 @p1 s12, $0.0e+00  }
0x7fa: {  	v46 =	vshll.u32 v46, $0x1;
	v47 =	vld.idx.msk [tilespmem:v59+s31+$0x0], $0xffff  }
0x7fb: {  	v63 =	vor.u32 $0x1, v46;
	v54 =	vld.idx.msk [tilespmem:v54+s31+$0x0], $0xffff;
	p2 =	por !p1, !p2  }
.Ltmp62:
0x7fc: {  	_ = 	snop;
	(pc) =	sbr.rel @p2 .LBB2_65-.Ltmp62, $3  }
0x7fd: {  	_ =	sdelay $0x1  }
0x7fe: {  	[tilespmem:v46+s10+$0x0] =	vst.idx.add.f32.msk $0xffff, v47  }
0x7ff: {  	[tilespmem:v63+s10+$0x0] =	vst.idx.add.f32.msk $0xffff, v54  }
.LBB2_66:
0x800: {  	v46 =	vsel vm1, $0x1, v9  }
0x801: {  	v59 =	vsel vm0, $0x1, v9;
	v52 =	vadd.s32 v46, v52  }
0x802: {  	v60 =	vsel vm2, $0x1, v9;
	v50 =	vadd.s32 v59, v50  }
0x803: {  	v61 =	vsel vm3, $0x1, v9;
	v48 =	vadd.s32 v60, v48  }
0x804: {  	v45 =	vadd.s32 v61, v45;
	_ =	sdelay $0x1  }
0x805: {  	v62 =	vld.idx.msk [tilespmem:v52+s24+$0x0], $0xffff  }
0x806: {  	v47 =	vld.idx.msk [tilespmem:v50+s24+$0x0], $0xffff  }
0x807: {  	v54 =	vld.idx.msk [tilespmem:v48+s24+$0x0], $0xffff  }
0x808: {  	v55 =	vld.idx.msk [tilespmem:v45+s24+$0x0], $0xffff;
	_ =	sdelay $0x2  }
0x809: {  	vm1 =	vle.f32 v62, v41;
	vm0 =	vle.f32 v47, v40  }
0x80a: {  	vm2 =	vle.f32 v54, v39;
	vm3 =	vmor vm1, vm0  }
0x80b: {  	vm4 =	vmor vm3, vm2;
	vm3 =	vle.f32 v55, v38  }
0x80c: {  	vm4 =	vmor vm4, vm3  }
0x80d: {  	v63 =	vsel vm4, $0x3F800000, v6  }
0x80e: {  	(xrf0) =	vmax.scan.msk.f32 $0xffff, v63;
	_ =	sdelay $0x5  }
0x80f: {  	v46, _, _ =	vpop (xrf0)  }
0x810: {  	(v2sf) =	vpush v46, $0xF;
	_ =	sdelay $0xe  }
0x811: {  	s12 =	spop (v2sf)  }
0x812: {  	p1 =	sgt.f32 s12, $0.0e+00  }
.Ltmp63:
0x813: {  	_ = 	snop;
	(pc) =	sbr.rel @p1 .LBB2_66-.Ltmp63, $1  }
0x814: {  	_ =	sdelay $0x3  }
.Ltmp64:
0x815: {  	_ = 	snop;
	(pc) =	sbr.rel .LBB2_67-.Ltmp64, $1  }
0x816: {  	_ =	sdelay $0x3  }
.LBB2_70:
0x817: {  	_ =	sfence.sel $0x180000  }
0x818: {  	[bflag:$0x0] =	sbarrier.arrive $0xFFFF  }
0x819: {  	_ =	strace $0x9000004A  }
0x81a: {  	s0 =	stileid.u32;
	[bflag:$0x2] =	sbarrier.arrive $0xFFFF  }
0x81b: {  	p0 =	sne.s32 s0, $0x0;
	s0 =	rddreg [dreg:$0x4]  }
0x81c: {  	s0 =	sadd.s32 @!p0 $0x100000, s0  }
0x81d: {  	[sflag:s0] =	ssyncadd.tile.s32 @!p0 $0x1;
	_ =	shalt  }
.Lfunc_end2:
_tile_overlayer_lowered:
.L_overlay_start_2:
0x81e: {  	(tag) =	ssettag $0x2  }
0x81f: {  	s0 =	rddreg [dreg:$0x0];
	s2 =	stileid.u32  }
0x820: {  	s1 =	rddreg [dreg:$0x1];
	p0 =	sne.s32 s2, $0x0  }
0x821: {  	s3 =	rddreg [dreg:$0x2];
	[bflag:$0x3] =	sbarrier.arrive $0xFFFF;
	s2 =	simm.s32 @!p0 $0x1C05  }
0x822: {  	[timem:s3], [sflag:s2] =	dma.local @!p0 [hbm:s0], s1  }
0x823: {  	s0 =	simm.s32 @!p0 $0x5  }
0x824: {  	_ =	swait.ge @!p0 [sflag:s0], s1  }
0x825: {  	s1 =	ssub.s32 @!p0 $0x0, s1;
	[sflag:s0] =	ssyncset.done @!p0 $0x0  }
0x826: {  	[sflag:s0] =	ssyncadd.s32 @!p0 s1  }
0x827: {  	[bflag:$0x3] =	sbarrier.arrive $0xFFFF  }
0x828: {  	_ =	shalt  }

// kernel: sparse-core-data-format-call.cloned.1.call-start
scs
called_computation_lowered:
.L_overlay_start_0:
0x0: {  	s1 =	sld [smem:$0x3FD9]  }
0x1: {  	s2 =	sld [smem:$0x3FFE];
	_ =	sdelay $0x1  }
0x2: {  	s3 =	srdreg.scid  }
0x3: {  	s0 =	sand.u32 $0x1, s3  }
0x4: {  	s17 =	sshll.u32 s0, $0xA;
	s1 =	sadd.s32 s2, s1  }
0x5: {  	s1 =	sadd.s32 s1, s17  }
0x6: {  	[smem:$0x3FC5] =	sst s1  }
0x7: {  	_ = 	snop  }
0x8: {  	(tm) =	ssettm $0x1  }
0x9: {  	s18 =	sld [smem:$0x3FFB];
	_ =	sdelay $0x3  }
0xa: {  	_ =	strace s18  }
0xb: {  	s1 =	sld [smem:$0x3FFC];
	_ =	sdelay $0x3  }
0xc: {  	_ =	strace s1  }
0xd: {  	s1 =	sld [smem:$0x3FFD];
	_ =	sdelay $0x3  }
0xe: {  	_ =	strace s1  }
0xf: {  	_ =	strace $0x8FFFFFFF  }
0x10: {  	s19 =	sld [smem:$0x3FDB];
	_ =	sdelay $0x1  }
0x11: {  	s20 =	simm.s32 $_scs_section_size  }
0x12: {  	s4 =	simm.s32 $_size__tile_overlayer_lowered;
	s5 =	simm.s32 $_tile_overlayer_lowered  }
0x13: {  	s23 =	simm.s32 $0x1BFF;
	s22 =	sshll.u32 s5, $0x1;
	s1 =	sadd.s32 s20, s19  }
0x14: {  	s6 =	simm.s32 $0x0;
	s21 =	sshll.u32 s4, $0x1;
	s4 =	sadd.s32 s22, s1  }
0x15: {  	[timem:s6], [sflag:s23] =	dma.local [hbm:s4], s21  }
0x16: {  	_ =	swait.ge [sflag:s23], s21  }
0x17: {  	s2 =	ssub.s32 $0x0, s21;
	[sflag:s23] =	ssyncset.done $0x0  }
0x18: {  	[sflag:s23] =	ssyncadd.s32 s2;
	_ =	sdelay $0x1  }
0x19: {  	s24 =	simm.s32 $0x1B8B  }
0x1a: {  	_ =	swait.ge [sflag:s24], $0x1  }
0x1b: {  	[sflag:s24] =	ssyncset.done $0x0  }
0x1c: {  	s26 =	simm.s32 $0x1B8E;
	s25 =	sld [smem:$0x3FFE];
	[sflag:s24] =	ssyncadd.s32 $0xFFFFFFFF  }
0x1d: {  	s27 =	simm.s32 $execute0_lowered;
	[smem:$0x3FD2] =	sst s26  }
0x1e: {  	s4 =	sshll.u32 s27, $0x1;
	_ =	strace $0x80000046;
	[dreg:$0x1] =	wrdreg $0xFFFFFFFF  }
0x1f: {  	s28 =	simm.s32 $_size_execute0_lowered;
	s1 =	sadd.s32 s1, s4;
	[dreg:$0x0] =	wrdreg $0x0  }
0x20: {  	s4 =	sshll.u32 s28, $0x1;
	[dreg:$0x2] =	wrdreg s1  }
0x21: {  	[dreg:$0x3] =	wrdreg s4  }
0x22: {  	[dreg:$0x4] =	wrdreg $0xC0  }
0x23: {  	_ =	task [dreg:s6], $0x5FFFF  }
0x24: {  	[dreg:$0x1] =	wrdreg $0xFFFFFFFF  }
0x25: {  	[dreg:$0x0] =	wrdreg $0x60  }
0x26: {  	[dreg:$0x2] =	wrdreg s25  }
0x27: {  	[dreg:$0x3] =	wrdreg $0x9  }
0x28: {  	_ =	task.clear_ibuf [dreg:s6], $0x4FFFF;
	_ =	strace $0x90000046  }
0x29: {  	s29 =	simm.s32 $0x9;
	_ =	strace $0x80000048  }
0x2a: {  	_ =	swait.ge [sflag:s29], $0x1  }
0x2b: {  	[sflag:s29] =	ssyncadd.s32 $0xFFFFFFFF  }
0x2c: {  	_ =	strace $0x90000048  }
0x2d: {  	_ =	sfence  }
0x2e: {  	s30 =	sld [smem:$0x0];
	_ =	sdelay $0x2  }
0x2f: {  	s31 =	sshll.u32 s3, $0xD;
	s3 =	sshrl.u32 s3, $0x2  }
0x30: {  	s2 =	sand.u32 $0x4000, s31;
	s1 =	sadd.s32 s3, s30  }
0x31: {  	s0 =	sor.u32 s2, s0;
	s1 =	sshll.u32 s1, $0x11  }
0x32: {  	s0 =	sor.u32 s1, s0  }
0x33: {  	s0 =	sadd.s32 $0x8F2B, s0  }
0x34: {  	[sflag:s0] =	ssyncadd.remote.s32 $0x1  }
0x35: {  	_ =	sfence.sel $0xFFFF  }
0x36: {  	[dreg:$0x0] =	wrdreg $0xFFFFFFFF;
	(pc) =	sbr.abs _section_cstart, $3  }
0x37: {  	[dreg:$0x1] =	wrdreg $0xFFFFFFFF  }
0x38: {  	_ =	task.clear_ibuf [dreg:s6], $0x2FFFF;
	_ =	strace $0x9FFFFFFF  }
0x39: {  	(tm) =	ssettm $0x7FFFFFFF  }
tec
execute0_lowered:
.L_overlay_start_1:
0x0: {  	(tag) =	ssettag $0x1  }
0x1: {  	s2 =	rddreg [dreg:$0x0]  }
0x2: {  	s0 =	rddreg [dreg:$0x1]  }
0x3: {  	_ =	strace $0x80000047;
	s4 =	srdreg.scid;
	s1 =	stileid.u32  }
0x4: {  	s6 =	simm.s32 $0x2;
	s12 =	simm.s32 $0x0;
	p0 =	por $0x0, $0x0  }
0x5: {  	s13 =	simm.s32 $0x0;
	s15 =	simm.s32 $0x0;
	s14 =	simm.s32 $0x0  }
.Ltmp0:
0x6: {  	s8 =	simm.s32 $0x0;
	s9 =	simm.s32 $0x0;
	(pc) =	sbr.rel .LBB1_1-.Ltmp0, $4  }
0x7: {  	s10 =	simm.s32 $0x0;
	s7 =	simm.s32 $0x0;
	s5 =	sshll.u32 s4, $0x4  }
0x8: {  	s21 =	simm.s32 $0x0;
	s4 =	simm.s32 $0x1;
	s5 =	sand.u32 $0x10, s5  }
0x9: {  	s3 =	sadd.s32 $0x200000, s2;
	[sflag:s4] =	ssyncpa.u1 $0x0;
	s5 =	sor.u32 s1, s5  }
0xa: {  	[sflag:s6] =	ssyncpa.u1 $0x0;
	s6 =	simm.s32 $0x2000;
	s11 =	smov.u32 s5  }
.LBB1_7:
0xb: {  	s16 =	sadd.s32 $0x100, s8  }
0xc: {  	s12 =	sadd.s32 $0x8, s9;
	s17 =	smov.u32 s9;
	p2 =	sgt.s32 s16, $0x3FF  }
0xd: {  	s17 =	smov.u32 @p2 s12  }
0xe: {  	s18 =	smov.u32 s10;
	s12 =	sadd.s32 $0x8, s10;
	p3 =	sgt.s32 s17, $0x7  }
0xf: {  	s18 =	smov.u32 @p3 s12  }
0x10: {  	s19 =	smov.u32 s11;
	s12 =	sadd.s32 $0x20, s11;
	p4 =	sgt.s32 s18, $0x7  }
0x11: {  	p1 =	slt.u32 s7, $0x2;
	s19 =	smov.u32 @p4 s12  }
0x12: {  	s7 =	sadd.s32 $0x1, s7;
	s16 =	simm.s32 @p2 $0x0;
	p2 =	sgt.s32 s19, $0xFF  }
0x13: {  	s20 =	simm.s32 @!p1 $0x2;
	s19 =	smov.u32 @p2 s5;
	p2 =	sne.s32 s7, $0x22  }
.Ltmp1:
0x14: {  	s13 =	smov.u32 s9;
	_ =	swait.ge @!p1 [sflag:s20], $0x4000;
	(pc) =	sbr.rel @!p2 .LBB1_8-.Ltmp1, $4  }
0x15: {  	s15 =	smov.u32 s10;
	s14 =	smov.u32 s11;
	[sflag:s20] =	ssyncset.done @!p1 $0x0  }
0x16: {  	p0 =	por !p0, !p0;
	s17 =	simm.s32 @p3 $0x0;
	[sflag:s20] =	ssyncadd.s32 @!p1 $0xFFFFC000  }
0x17: {  	s9 =	smov.u32 s17;
	s18 =	simm.s32 @p4 $0x0;
	s12 =	smov.u32 s8  }
0x18: {  	s8 =	smov.u32 s16;
	s10 =	smov.u32 s18;
	s11 =	smov.u32 s19  }
.LBB1_1:
0x19: {  	p1 =	sgt.u32 s7, $0x1F  }
0x1a: {  	s16 =	sxor.u32 @!p1 $0xFFFFFFFF, s7  }
0x1b: {  	s17 =	sshll.u32 @!p1 s9, $0x7;
	s18 =	sand.u32 @!p1 $0x78, s8;
	s19 =	sshll.u32 @!p1 s11, $0xD  }
0x1c: {  	s20 =	sand.u32 @!p1 $0x380, s8;
	s16 =	sshll.u32 @!p1 s16, $0xE;
	s17 =	sand.u32 @!p1 $0x380, s17  }
0x1d: {  	s19 =	sadd.s32 @!p1 s2, s19;
	s17 =	sor.u32 @!p1 s18, s17;
	s18 =	sshll.u32 @!p1 s10, $0xA  }
0x1e: {  	s16 =	sand.u32 @!p1 $0x4000, s16;
	s18 =	sadd.s32 @!p1 s18, s19;
	s19 =	sand.u32 @!p1 $0x7, s8  }
0x1f: {  	s17 =	sshrl.u32 @!p1 s17, $0x3;
	s18 =	sadd.s32 @!p1 s20, s18;
	s19 =	sshll.u32 @!p1 s19, $0x12  }
0x20: {  	s17 =	sadd.s32 @!p1 s17, s18;
	s18 =	sor.u32 @!p1 $0x800, s19;
	s19 =	simm.s32 @!p1 $0x2000  }
0x21: {  	[tilespmem:s16], [sflag:$0x1] =	stream.strided.gather @!p1 [hbm4b:s17+s18], $0x4000, s19, s18, $0x38;
	[tilespmem:$0x10000] =	vst v63  }
0x22: {  	p1 =	seq.s32 s7, $0x0  }
0x23: {  	p2 =	seq.s32 @!p1 s7, $0x21  }
0x24: {  	p1 =	por p1, p2  }
.Ltmp2:
0x25: {  	_ = 	snop;
	(pc) =	sbr.rel @p1 .LBB1_7-.Ltmp2, $1  }
0x26: {  	_ =	sdelay $0x3  }
0x27: {  	s16 =	simm.s32 $0x1  }
0x28: {  	_ =	swait.ge [sflag:s4], $0x4000;
	s31 =	sshll.u32 s7, $0xE;
	p1 =	por $0x0, $0x0  }
0x29: {  	s22 =	simm.s32 $0x0;
	s23 =	simm.s32 $0x0;
	s16 =	simm.s32 @!p0 $0x0  }
0x2a: {  	[sflag:s4] =	ssyncset.done $0x0;
	s19 =	sand.u32 $0x4000, s31;
	s16 =	sshll.u32 s16, $0x10  }
0x2b: {  	[sflag:s4] =	ssyncadd.s32 $0xFFFFC000;
	s20 =	sshrl.u32 s16, $0x2;
	s16 =	sor.u32 $0x8000, s19  }
0x2c: {  	s17 =	sor.u32 $0x40, s20;
	s18 =	sor.u32 $0x8410, s20;
	s20 =	sadd.s32 $0x8400, s20  }
.LBB1_3:
0x2d: {  	v1 =	vld [tilespmem:s17+$0xFFFFFFD0]  }
0x2e: {  	v2 =	vld [tilespmem:s17+$0x430]  }
0x2f: {  	s24 =	sshll.u32 s23, $0xB;
	v4 =	vld [tilespmem:s17+$0xFFFFFFE0]  }
0x30: {  	v7 =	vld [tilespmem:s17+$0xFFFFFFF0];
	v0 =	vmov s24  }
0x31: {  	v8 =	vld [tilespmem:s17+$0x0]  }
0x32: {  	s30 =	sand.u32 $0x300, s21;
	v9 =	vld [tilespmem:s17+$0x10]  }
0x33: {  	s25 =	sand.u32 $0x80, s21;
	v10 =	vld [tilespmem:s17+$0x20];
	s24 =	sadd.s32 s30, s19  }
0x34: {  	v11 =	vld [tilespmem:s17+$0x30];
	s24 =	sadd.s32 s25, s24;
	s25 =	simm.s32 $0x1;
	[tilespmem:s18+$0x60] =	vst v2  }
0x35: {  	s31 =	sshll.u32 s22, $0x2;
	s25 =	simm.s32 @!p1 $0x0;
	[tilespmem:s18+$0xFFFFFC00] =	vst v1;
	v3 =	vld.idx.msk [tilespmem:v0+s24+$0x400 ss:$0x1], $0xffff  }
0x36: {  	v6 =	vld [tilespmem:s17+$0x3D0];
	s25 =	sshll.u32 s25, $0x9;
	[tilespmem:s18+$0xFFFFFC10] =	vst v4;
	s24 =	sand.u32 $0xFFFFFC00, s31  }
0x37: {  	v5 =	vld [tilespmem:s17+$0x3E0];
	[tilespmem:s18+$0xFFFFFC20] =	vst v7;
	s24 =	sor.u32 s25, s24  }
0x38: {  	[tilespmem:s18+$0xFFFFFC30] =	vst v8;
	v4 =	vld [tilespmem:s17+$0x400];
	s24 =	sshrl.u32 s24, $0x2  }
0x39: {  	[tilespmem:s18+$0xFFFFFC40] =	vst v9;
	v1 =	vld [tilespmem:s17+$0x410];
	s24 =	sadd.s32 s24, s20  }
0x3a: {  	[tilespmem:s24+$0x0] =	vst v3;
	v3 =	vld [tilespmem:s17+$0x3F0]  }
0x3b: {  	s28 =	simm.s32 $0x80;
	s27 =	simm.s32 $0x100;
	[tilespmem:s18+$0xFFFFFC50] =	vst v10;
	v2 =	vld [tilespmem:s17+$0x420]  }
0x3c: {  	s26 =	smov.u32 s18;
	s29 =	sand.u32 $0x300, s28;
	v7 =	vld [tilespmem:s17+$0xFFFFFFC0];
	[tilespmem:s18+$0xFFFFFC60] =	vst v11;
	s25 =	sadd.s32 $0x80, s17  }
.LBB1_4:
0x3d: {  	p2 =	sne.s32 s27, $0x380;
	v8 =	vld [tilespmem:s25+$0xFFFFFFD0];
	s28 =	sand.u32 $0x80, s28;
	s29 =	sadd.s32 s29, s19;
	[tilespmem:s26+$0x0] =	vst v6  }
0x3e: {  	s29 =	sadd.s32 s28, s29;
	v6 =	vld [tilespmem:s25+$0x430];
	[tilespmem:s26+$0x10] =	vst v5;
	s28 =	smov.u32 s27  }
0x3f: {  	v5 =	vld.idx.msk [tilespmem:v0+s29+$0x400 ss:$0x1], $0xffff;
	[tilespmem:s26+$0x20] =	vst v3  }
0x40: {  	v3 =	vld [tilespmem:s25+$0xFFFFFFE0];
	[tilespmem:s26+$0x30] =	vst v4  }
0x41: {  	v4 =	vld [tilespmem:s25+$0xFFFFFFF0];
	[tilespmem:s26+$0xFFFFFBF0] =	vst v7  }
0x42: {  	v7 =	vld [tilespmem:s25+$0x0];
	[tilespmem:s26+$0x40] =	vst v1  }
0x43: {  	v1 =	vld [tilespmem:s25+$0x10];
	[tilespmem:s26+$0x50] =	vst v2;
	s26 =	sadd.s32 $0x800, s26  }
0x44: {  	s24 =	sadd.s32 $0x800, s24;
	v2 =	vld [tilespmem:s25+$0x20];
	[tilespmem:s26+$0x60] =	vst v6  }
0x45: {  	v9 =	vld [tilespmem:s25+$0x30];
	[tilespmem:s24+$0x0] =	vst v5  }
0x46: {  	[tilespmem:s26+$0xFFFFFC00] =	vst v8;
	v6 =	vld [tilespmem:s25+$0x3D0]  }
0x47: {  	[tilespmem:s26+$0xFFFFFC10] =	vst v3;
	v5 =	vld [tilespmem:s25+$0x3E0]  }
.Ltmp3:
0x48: {  	[tilespmem:s26+$0xFFFFFC20] =	vst v4;
	v3 =	vld [tilespmem:s25+$0x3F0];
	(pc) =	sbr.rel @p2 .LBB1_4-.Ltmp3, $4  }
0x49: {  	[tilespmem:s26+$0xFFFFFC30] =	vst v7;
	v4 =	vld [tilespmem:s25+$0x400]  }
0x4a: {  	[tilespmem:s26+$0xFFFFFC40] =	vst v1;
	v1 =	vld [tilespmem:s25+$0x410]  }
0x4b: {  	[tilespmem:s26+$0xFFFFFC50] =	vst v2;
	v2 =	vld [tilespmem:s25+$0x420]  }
0x4c: {  	s27 =	sadd.s32 $0x80, s27;
	s29 =	sand.u32 $0x300, s28;
	v7 =	vld [tilespmem:s25+$0xFFFFFFC0];
	[tilespmem:s26+$0xFFFFFC60] =	vst v9;
	s25 =	sadd.s32 $0x80, s25  }
0x4d: {  	[tilespmem:s26+$0x0] =	vst v6  }
0x4e: {  	[tilespmem:s26+$0x10] =	vst v5  }
0x4f: {  	v49 =	vld [tilespmem:s25+$0x430];
	[tilespmem:s26+$0x20] =	vst v3  }
0x50: {  	v50 =	vld [tilespmem:s25+$0xFFFFFFD0];
	[tilespmem:s26+$0x30] =	vst v4  }
0x51: {  	v51 =	vld [tilespmem:s25+$0xFFFFFFE0];
	[tilespmem:s26+$0x40] =	vst v1  }
0x52: {  	v52 =	vld [tilespmem:s25+$0xFFFFFFF0];
	[tilespmem:s26+$0x50] =	vst v2  }
0x53: {  	s31 =	sadd.s32 $0x800, s26;
	v53 =	vld [tilespmem:s25+$0x0];
	[tilespmem:s26+$0xFFFFFBF0] =	vst v7  }
0x54: {  	v54 =	vld [tilespmem:s25+$0x10];
	[tilespmem:s31+$0x60] =	vst v49  }
0x55: {  	v55 =	vld [tilespmem:s25+$0x20];
	[tilespmem:s31+$0xFFFFFC00] =	vst v50  }
0x56: {  	v56 =	vld [tilespmem:s25+$0x30];
	[tilespmem:s31+$0xFFFFFC10] =	vst v51  }
0x57: {  	v57 =	vld [tilespmem:s25+$0x3D0];
	[tilespmem:s31+$0xFFFFFC20] =	vst v52  }
0x58: {  	v58 =	vld [tilespmem:s25+$0x3E0];
	[tilespmem:s31+$0xFFFFFC30] =	vst v53  }
0x59: {  	v59 =	vld [tilespmem:s25+$0x3F0];
	[tilespmem:s31+$0xFFFFFC40] =	vst v54  }
0x5a: {  	v60 =	vld [tilespmem:s25+$0x400];
	[tilespmem:s31+$0xFFFFFC50] =	vst v55  }
0x5b: {  	v61 =	vld [tilespmem:s25+$0xFFFFFFC0];
	[tilespmem:s31+$0xFFFFFC60] =	vst v56  }
0x5c: {  	s27 =	sand.u32 $0x80, s28;
	s30 =	sadd.s32 s29, s19;
	v62 =	vld [tilespmem:s25+$0x410];
	[tilespmem:s31+$0x0] =	vst v57  }
0x5d: {  	v63 =	vld [tilespmem:s25+$0x420];
	s23 =	sadd.s32 $0x1, s23;
	s27 =	sadd.s32 s27, s30;
	[tilespmem:s31+$0x10] =	vst v58  }
0x5e: {  	p2 =	sne.s32 s23, $0x8;
	v0 =	vld.idx.msk [tilespmem:v0+s27+$0x400 ss:$0x1], $0xffff;
	[tilespmem:s31+$0x20] =	vst v59  }
.Ltmp4:
0x5f: {  	[tilespmem:s31+$0x30] =	vst v60;
	(pc) =	sbr.rel @p2 .LBB1_3-.Ltmp4, $4  }
0x60: {  	[tilespmem:s31+$0xFFFFFBF0] =	vst v61  }
0x61: {  	[tilespmem:s31+$0x40] =	vst v62  }
0x62: {  	s24 =	sadd.s32 $0x800, s24;
	s17 =	sadd.s32 $0x800, s17;
	[tilespmem:s31+$0x50] =	vst v63  }
0x63: {  	s22 =	sadd.s32 $0x80, s22;
	p1 =	por !p1, !p1;
	s18 =	sadd.s32 $0x80, s18;
	[tilespmem:s24+$0x0] =	vst v0  }
0x64: {  	s15 =	sshll.u32 s15, $0x7;
	s17 =	sand.u32 $0x78, s12  }
0x65: {  	s14 =	sshll.u32 s14, $0xD;
	s13 =	sshll.u32 s13, $0xA;
	s29 =	sand.u32 $0x380, s12  }
.Ltmp5:
0x66: {  	s15 =	sand.u32 $0x380, s15;
	s14 =	sadd.s32 s3, s14;
	(pc) =	sbr.rel .LBB1_7-.Ltmp5, $4  }
0x67: {  	s30 =	sand.u32 $0x7, s12;
	s15 =	sor.u32 s15, s17;
	s13 =	sadd.s32 s13, s14  }
0x68: {  	s12 =	sshll.u32 s30, $0x12;
	s31 =	sshrl.u32 s15, $0x3;
	s13 =	sadd.s32 s29, s13  }
0x69: {  	s12 =	sor.u32 $0x800, s12;
	s13 =	sadd.s32 s31, s13  }
0x6a: {  	[hbm4b:s13+s12] =	stream.strided.scatter [tilespmem:s16], [sflag:$0x2], $0x4000, s6, s12, $0x38;
	[tilespmem:$0x10000] =	vst v63  }
.LBB1_8:
0x6b: {  	_ =	sfence.sel $0x180000  }
0x6c: {  	s2 =	simm.s32 $0x1;
	[bflag:$0x0] =	sbarrier.arrive $0xFFFF  }
0x6d: {  	s31 =	simm.s32 $0x2;
	[sflag:s2] =	ssyncpa.u1 $0x1  }
0x6e: {  	[sflag:s31] =	ssyncpa.u1 $0x1  }
0x6f: {  	p0 =	sne.s32 s1, $0x0;
	_ =	strace $0x90000047  }
0x70: {  	s0 =	sadd.s32 @!p0 $0x100000, s0;
	[bflag:$0x2] =	sbarrier.arrive $0xFFFF  }
0x71: {  	[sflag:s0] =	ssyncadd.tile.s32 @!p0 $0x1;
	_ =	shalt  }
.Lfunc_end1:
_tile_overlayer_lowered:
.L_overlay_start_2:
0x72: {  	(tag) =	ssettag $0x2  }
0x73: {  	s0 =	rddreg [dreg:$0x0];
	s2 =	stileid.u32  }
0x74: {  	s1 =	rddreg [dreg:$0x1];
	p0 =	sne.s32 s2, $0x0  }
0x75: {  	s3 =	rddreg [dreg:$0x2];
	[bflag:$0x3] =	sbarrier.arrive $0xFFFF;
	s2 =	simm.s32 @!p0 $0x1C01  }
0x76: {  	[timem:s3], [sflag:s2] =	dma.local @!p0 [hbm:s0], s1  }
0x77: {  	s0 =	simm.s32 @!p0 $0x1  }
0x78: {  	_ =	swait.ge @!p0 [sflag:s0], s1  }
0x79: {  	s1 =	ssub.s32 @!p0 $0x0, s1;
	[sflag:s0] =	ssyncset.done @!p0 $0x0  }
0x7a: {  	[sflag:s0] =	ssyncadd.s32 @!p0 s1  }
0x7b: {  	[bflag:$0x3] =	sbarrier.arrive $0xFFFF  }
0x7c: {  	_ =	shalt  }

</sc_bundles>
